<compile_context>
chip_gen: v7x
topology: tpu7x:2x2x1
jax: 0.10.2.dev20260603
libtpu: 0.0.44.dev20260713+nightly
codegen_flags: <defaults>
</compile_context>

<pallas_src>
import functools

import jax
import jax.numpy as jnp
from jax import lax
from jax.experimental import pallas as pl
from jax.experimental.pallas import tpu as pltpu
from jax.experimental.pallas import tpu_sc as plsc

NS_N = 10000
E_N = 160000
F32 = jnp.float32

NC = 2
NSUB = 16
NW = NC * NSUB
CH = 128
NCHUNKS = E_N // CH
NPT = 1000
NSTRIPE = NS_N // NPT


def _pad_rows(w, total=256):
    return jnp.pad(w, ((0, total - w.shape[0]), (0, 0)))


def _split_first_layer(p_logit, p_msg):
    wl, bl = p_logit[0]['w'], p_logit[0]['b']
    wm, bm = p_msg[0]['w'], p_msg[0]['b']

    def side(lo1, hi1, lo2, hi2):
        return jnp.concatenate([
            jnp.concatenate([wl[lo1:hi1], wl[lo2:hi2]], axis=0),
            jnp.concatenate([wm[lo1:hi1], wm[lo2:hi2]], axis=0),
        ], axis=1)

    w_src = side(0, 2, 5, 133)
    w_dst = side(2, 4, 133, 261)
    w_dis = jnp.concatenate([wl[4], wm[4]])
    b = jnp.concatenate([bl, bm])
    return w_src, w_dst, w_dis, b


def _k1_body(xs_ref, xa_ref, ws_ref, bs_ref, wa_ref, q_ref, r_ref, s_ref, p_ref):
    y = jnp.dot(xs_ref[...], ws_ref[...], preferred_element_type=F32) + bs_ref[...]
    q_ref[...] = y[:, 0:128]
    r_ref[...] = y[:, 128:256]
    s_ref[...] = y[:, 256:384]
    p_ref[...] = jnp.dot(xa_ref[...], wa_ref[...], preferred_element_type=F32)


def _node_proj(xs, xa, ws, bs, wa):
    bm = 1000
    grid = NS_N // bm
    out = jax.ShapeDtypeStruct((NS_N, 128), F32)
    return pl.pallas_call(
        _k1_body,
        grid=(grid,),
        in_specs=[
            pl.BlockSpec((bm, 256), lambda i: (i, 0)),
            pl.BlockSpec((bm, 256), lambda i: (i, 0)),
            pl.BlockSpec((256, 384), lambda i: (0, 0)),
            pl.BlockSpec((1, 384), lambda i: (0, 0)),
            pl.BlockSpec((256, 128), lambda i: (0, 0)),
        ],
        out_specs=[pl.BlockSpec((bm, 128), lambda i: (i, 0))] * 4,
        out_shape=[out, out, out, out],
    )(xs, xa, ws, bs, wa)


@functools.cache
def _sc_mesh():
    return plsc.VectorSubcoreMesh(core_axis_name="c", subcore_axis_name="s")


NPAIR2 = (NCHUNKS // NW) // 2
NREM2 = NCHUNKS - (NCHUNKS // NW) * NW


@functools.cache
def _make_k2():
    return pl.kernel(
        _k2_body,
        out_type=jax.ShapeDtypeStruct((E_N, 128), F32),
        mesh=_sc_mesh(),
        scratch_types=[
            pltpu.VMEM((2, CH), jnp.int32),
            pltpu.VMEM((2, CH), jnp.int32),
            pltpu.VMEM((2, CH, 128), F32),
            pltpu.VMEM((2, CH, 128), F32),
            pltpu.SemaphoreType.DMA,
            pltpu.SemaphoreType.DMA,
            pltpu.SemaphoreType.DMA,
            pltpu.SemaphoreType.DMA,
        ],
    )


def _k2_gather(src, dst, ptab, qtab):
    return _make_k2()(src, dst, ptab, qtab)


def _k2_body(src_hbm, dst_hbm, ptab, qtab, out_hbm,
             idx_s2, idx_d2, rows_s2, rows_d2,
             sem_s0, sem_d0, sem_s1, sem_d1):
    wid = lax.axis_index("s") * NC + lax.axis_index("c")
    sems = ((sem_s0, sem_d0), (sem_s1, sem_d1))

    def load_idx(ci, b):
        base = (wid + NW * ci) * CH
        pltpu.sync_copy(src_hbm.at[pl.ds(base, CH)], idx_s2.at[b])
        pltpu.sync_copy(dst_hbm.at[pl.ds(base, CH)], idx_d2.at[b])

    def fire(b):
        cs = pltpu.async_copy(ptab.at[idx_s2.at[b]], rows_s2.at[b], sems[b][0])
        cd = pltpu.async_copy(qtab.at[idx_d2.at[b]], rows_d2.at[b], sems[b][1])
        return cs, cd

    def compute_store(ci, b):
        def erow(e, _):
            for j in range(8):
                sl = pl.ds(j * 16, 16)
                rows_s2[b, e, sl] = rows_s2[b, e, sl] + rows_d2[b, e, sl]
            return 0

        lax.fori_loop(0, CH, erow, 0)
        base = (wid + NW * ci) * CH
        pltpu.sync_copy(rows_s2.at[b], out_hbm.at[pl.ds(base, CH)])

    def run_one(ci, b):
        load_idx(ci, b)
        ds_, dd_ = fire(b)
        ds_.wait()
        dd_.wait()
        compute_store(ci, b)

    def pair(j, _):
        i0 = 2 * j
        load_idx(i0, 0)
        a0, a1 = fire(0)
        load_idx(i0 + 1, 1)
        a0.wait()
        a1.wait()
        b0, b1 = fire(1)
        compute_store(i0, 0)
        b0.wait()
        b1.wait()
        compute_store(i0 + 1, 1)
        return 0

    lax.fori_loop(0, NPAIR2, pair, 0)
    run_one(2 * NPAIR2, 0)

    @pl.when(wid < NREM2)
    def _tail():
        run_one(2 * NPAIR2 + 1, 0)


def _k3_body(pre_ref, dis_ref, wd_ref, w2_ref, b2_ref, w3_ref, b3_ref,
             out_ref):
    x = jnp.tanh(pre_ref[...] + dis_ref[...] * wd_ref[...])
    t = jnp.tanh(jnp.dot(x, w2_ref[...], preferred_element_type=F32)
                 + b2_ref[...])
    lm = jnp.dot(t, w3_ref[...], preferred_element_type=F32) + b3_ref[...]
    e = jnp.exp(lm[:, 0:128])
    out_ref[0] = e
    out_ref[1] = e * lm[:, 128:256]


def _edge_mlp(pre, dis, wd, p_logit, p_msg):
    bm = 2000
    grid = E_N // bm
    z64 = jnp.zeros((64, 64), F32)
    z128 = jnp.zeros((64, 128), F32)
    w2 = jnp.block([[p_logit[1]['w'], z64], [z64, p_msg[1]['w']]])
    b2 = jnp.concatenate([p_logit[1]['b'], p_msg[1]['b']]).reshape(1, 128)
    w3 = jnp.block([[p_logit[2]['w'], z128], [z128, p_msg[2]['w']]])
    b3 = jnp.concatenate([p_logit[2]['b'], p_msg[2]['b']]).reshape(1, 256)
    full = lambda a, b: pl.BlockSpec((a, b), lambda i: (0, 0))
    return pl.pallas_call(
        _k3_body,
        grid=(grid,),
        in_specs=[
            pl.BlockSpec((bm, 128), lambda i: (i, 0)),
            pl.BlockSpec((bm, 1), lambda i: (i, 0)),
            full(1, 128),
            full(128, 128), full(1, 128), full(128, 256), full(1, 256),
        ],
        out_specs=pl.BlockSpec((2, bm, 128), lambda i: (0, i, 0)),
        out_shape=jax.ShapeDtypeStruct((2, E_N, 128), F32),
    )(pre, dis, wd, w2, b2, w3, b3)


CH4 = 128
NCH4 = E_N // CH4
NTRI4 = (NCH4 // NSUB) // 3
NREM4 = NCH4 - (NCH4 // NSUB) * NSUB


@functools.cache
def _make_k4():
    return pl.kernel(
        _k4_body,
        out_type=jax.ShapeDtypeStruct((2, NS_N, 128), F32),
        mesh=_sc_mesh(),
        scratch_types=[
            pltpu.VMEM((3, CH4), jnp.int32),
            pltpu.VMEM((3, CH4, 128), F32),
            pltpu.VMEM_SHARED((NS_N, 128), F32),
            pltpu.SemaphoreType.DMA,
            pltpu.SemaphoreType.DMA,
            pltpu.SemaphoreType.DMA,
        ],
    )


def _k4_scatter(dst, edges, zeros):
    return _make_k4()(dst, edges, zeros)


def _k4_body(dst_hbm, edges_hbm, zeros_hbm, out_hbm, idx2, rows2, acc,
             sem0, sem1, sem2):
    c = lax.axis_index("c")
    s = lax.axis_index("s")
    sems = (sem0, sem1, sem2)

    @pl.when(s < NSTRIPE)
    def _zero():
        pltpu.sync_copy(zeros_hbm, acc.at[pl.ds(s * NPT, NPT)])

    plsc.subcore_barrier()

    def load(ci, b):
        base = (s + NSUB * ci) * CH4
        pltpu.sync_copy(dst_hbm.at[pl.ds(base, CH4)], idx2.at[b])
        return pltpu.async_copy(edges_hbm.at[c, pl.ds(base, CH4)],
                                rows2.at[b], sems[b])

    def scat(b):
        pltpu.sync_copy(rows2.at[b], acc.at[idx2.at[b]], add=True)

    def tri(j, _):
        descs = [load(3 * j + b, b) for b in range(3)]
        for b in range(3):
            descs[b].wait()
            scat(b)
        return 0

    lax.fori_loop(0, NTRI4, tri, 0)

    @pl.when(s < NREM4)
    def _tail():
        rt = load(3 * NTRI4, 0)
        rt.wait()
        scat(0)

    plsc.subcore_barrier()

    @pl.when(s < NSTRIPE)
    def _flush():
        pltpu.sync_copy(acc.at[pl.ds(s * NPT, NPT)],
                        out_hbm.at[c, pl.ds(s * NPT, NPT)])


def _k5_body(xs_ref, sa_ref, ss_ref, w1_ref, wsu_ref, wsh_ref, b1_ref,
             w2_ref, b2_ref, w3_ref, b3_ref, out_ref):
    su = sa_ref[1] / (sa_ref[0] + 1e-16)
    sh = ss_ref[1] / (ss_ref[0] + 1e-16)
    t = (jnp.dot(xs_ref[...], w1_ref[...], preferred_element_type=F32)
         + jnp.dot(su, wsu_ref[...], preferred_element_type=F32)
         + jnp.dot(sh, wsh_ref[...], preferred_element_type=F32)
         + b1_ref[...])
    t = jnp.tanh(t)
    t = jnp.tanh(jnp.dot(t, w2_ref[...], preferred_element_type=F32) + b2_ref[...])
    out_ref[...] = jnp.dot(t, w3_ref[...], preferred_element_type=F32) + b3_ref[...]


def _node_update(xs, sums_a, sums_s, p_upd):
    bm = 1000
    grid = NS_N // bm
    w1 = _pad_rows(p_upd[0]['w'][0:130])
    wsu = p_upd[0]['w'][130:258]
    wsh = p_upd[0]['w'][258:386]
    b1 = p_upd[0]['b'].reshape(1, 64)
    w2, b2 = p_upd[1]['w'], p_upd[1]['b'].reshape(1, 64)
    w3, b3 = p_upd[2]['w'], p_upd[2]['b'].reshape(1, 128)
    full = lambda a, b: pl.BlockSpec((a, b), lambda i: (0, 0))
    return pl.pallas_call(
        _k5_body,
        grid=(grid,),
        in_specs=[
            pl.BlockSpec((bm, 256), lambda i: (i, 0)),
            pl.BlockSpec((2, bm, 128), lambda i: (0, i, 0)),
            pl.BlockSpec((2, bm, 128), lambda i: (0, i, 0)),
            full(256, 64), full(128, 64), full(128, 64), full(1, 64),
            full(64, 64), full(1, 64), full(64, 128), full(1, 128),
        ],
        out_specs=pl.BlockSpec((bm, 128), lambda i: (i, 0)),
        out_shape=jax.ShapeDtypeStruct((NS_N, 128), F32),
    )(xs, sums_a, sums_s, w1, wsu, wsh, b1, w2, b2, w3, b3)


def kernel(h, u, state_pos, action_pos, a2s_edge_index, s2s_edge_index,
           a2s_dis, s2s_dis, params):
    src_a = a2s_edge_index[0].astype(jnp.int32)
    dst_a = a2s_edge_index[1].astype(jnp.int32)
    src_s = s2s_edge_index[0].astype(jnp.int32)
    dst_s = s2s_edge_index[1].astype(jnp.int32)

    wsrc_a, wdst_a, wdis_a, b_a = _split_first_layer(
        params['u2h_logit'], params['u2h_u'])
    wsrc_s, wdst_s, wdis_s, b_s = _split_first_layer(
        params['h2h_logit'], params['h2h_h'])

    xs = jnp.pad(jnp.concatenate([state_pos, h], axis=1), ((0, 0), (0, 126)))
    xa = jnp.pad(jnp.concatenate([action_pos, u], axis=1), ((0, 0), (0, 126)))
    ws = jnp.concatenate(
        [_pad_rows(wdst_a), _pad_rows(wsrc_s), _pad_rows(wdst_s)], axis=1)
    bs = jnp.concatenate([b_a, jnp.zeros((128,), F32), b_s]).reshape(1, 384)
    wa = _pad_rows(wsrc_a)

    q, r, s, p = _node_proj(xs, xa, ws, bs, wa)

    pre_a = _k2_gather(src_a, dst_a, p, q)
    edges_a = _edge_mlp(pre_a, a2s_dis, wdis_a.reshape(1, 128),
                        params['u2h_logit'], params['u2h_u'])
    pre_s = _k2_gather(src_s, dst_s, r, s)
    edges_s = _edge_mlp(pre_s, s2s_dis, wdis_s.reshape(1, 128),
                        params['h2h_logit'], params['h2h_h'])

    zeros = jnp.zeros((NPT, 128), F32)
    sums_a = _k4_scatter(dst_a, edges_a, zeros)
    sums_s = _k4_scatter(dst_s, edges_s, zeros)

    return _node_update(xs, sums_a, sums_s, params['h_upd'])

# --- scband reference (transcript-rebuilt; emitter-appended) ---
"""Pipeline reference for scband-encoder-classic-gat2-3917010174727 (READ-ONLY COPY).

The authoritative reference and input builder live on the scoring server;
editing this copy changes nothing except your own understanding.
"""

import jax, jax.numpy as jnp
import numpy as np

NS = 10000
NA = 10000
EA = 160000
ES = 160000
UD = 128
HD = 128
MH = 64


def _lin_params(key, fan_in, fan_out):
    k1, k2 = jax.random.split(key)
    return {
        'w': jax.random.normal(k1, (fan_in, fan_out), jnp.float32) * 0.05,
        'b': jax.random.normal(k2, (fan_out,), jnp.float32) * 0.05,
    }


def _mlp_params(key, fan_in, hidden, fan_out):
    k1, k2, k3 = jax.random.split(key, 3)
    return [
        _lin_params(k1, fan_in, hidden),
        _lin_params(k2, hidden, hidden),
        _lin_params(k3, hidden, fan_out),
    ]


def _mlp(p, x):
    x = jnp.tanh(x @ p[0]['w'] + p[0]['b'])
    x = jnp.tanh(x @ p[1]['w'] + p[1]['b'])
    return x @ p[2]['w'] + p[2]['b']


def _edge_softmax(logit, dst, num_nodes):
    m = jax.ops.segment_max(logit, dst, num_segments=num_nodes)
    m = jnp.where(jnp.isfinite(m), m, 0.0)
    e = jnp.exp(logit - m[dst])
    denom = jax.ops.segment_sum(e, dst, num_segments=num_nodes)
    return e / (denom[dst] + 1e-16)


def setup_inputs(seed: int = 0) -> dict:
    key = jax.random.key(seed)
    ks = jax.random.split(key, 16)
    h = jax.random.normal(ks[0], (NS, HD), jnp.float32)
    u = jax.random.normal(ks[1], (NA, UD), jnp.float32)
    state_pos = jax.random.normal(ks[2], (NS, 2), jnp.float32)
    action_pos = jax.random.normal(ks[3], (NA, 2), jnp.float32)
    a2s_edge_index = jax.random.randint(ks[4], (2, EA), 0, NS, jnp.int64)
    s2s_edge_index = jax.random.randint(ks[5], (2, ES), 0, NS, jnp.int64)
    a2s_dis = jax.random.uniform(ks[6], (EA, 1), jnp.float32)
    s2s_dis = jax.random.uniform(ks[7], (ES, 1), jnp.float32)
    edge_in_u = 2 * 2 + 1 + UD + HD
    edge_in_h = 2 * 2 + 1 + HD + HD
    upd_in = 2 + HD * 3
    params = {
        'u2h_logit': _mlp_params(ks[8], edge_in_u, MH, HD),
        'u2h_u': _mlp_params(ks[9], edge_in_u, MH, HD),
        'h2h_logit': _mlp_params(ks[10], edge_in_h, MH, HD),
        'h2h_h': _mlp_params(ks[11], edge_in_h, MH, HD),
        'h_upd': _mlp_params(ks[12], upd_in, MH, HD),
    }
    return {
        'h': h, 'u': u, 'state_pos': state_pos, 'action_pos': action_pos,
        'a2s_edge_index': a2s_edge_index, 's2s_edge_index': s2s_edge_index,
        'a2s_dis': a2s_dis, 's2s_dis': s2s_dis, 'params': params,
    }


def reference(h, u, state_pos, action_pos, a2s_edge_index, s2s_edge_index, a2s_dis, s2s_dis, params):
    # a2s (action -> state) attention message passing
    src_a = a2s_edge_index[0]
    dst_a = a2s_edge_index[1]
    inp_a = jnp.concatenate(
        [action_pos[src_a], state_pos[dst_a], a2s_dis, u[src_a], h[dst_a]], axis=-1)
    logit_a = _mlp(params['u2h_logit'], inp_a)
    msg_a = _mlp(params['u2h_u'], inp_a)
    attn_a = _edge_softmax(logit_a, dst_a, NS)
    sum_u = jax.ops.segment_sum(attn_a * msg_a, dst_a, num_segments=NS)
    # s2s (state -> state) attention message passing
    src_s = s2s_edge_index[0]
    dst_s = s2s_edge_index[1]
    inp_s = jnp.concatenate(
        [state_pos[src_s], state_pos[dst_s], s2s_dis, h[src_s], h[dst_s]], axis=-1)
    logit_s = _mlp(params['h2h_logit'], inp_s)
    msg_s = _mlp(params['h2h_h'], inp_s)
    attn_s = _edge_softmax(logit_s, dst_s, NS)
    sum_h = jax.ops.segment_sum(attn_s * msg_s, dst_s, num_segments=NS)
    # node update
    inp = jnp.concatenate([state_pos, h, sum_u, sum_h], axis=-1)
    return _mlp(params['h_upd'], inp)

if __name__ == "__main__":
    import jax
    _d = setup_inputs()
    print(jax.jit(kernel)(*tuple(_d.values())))

</pallas_src>

<mosaic_0001>
#map = affine_map<(d0, d1) -> (0)>
#map1 = affine_map<(d0, d1) -> (0, 0)>
module attributes {stable_mosaic.version = 14 : i64} {
  func.func @_k2_body(%arg0: i32, %arg1: i32, %arg2: memref<160000xi32, #tpu.memory_space<hbm>>, %arg3: memref<160000xi32, #tpu.memory_space<hbm>>, %arg4: memref<10000x128xf32, #tpu.memory_space<hbm>>, %arg5: memref<10000x128xf32, #tpu.memory_space<hbm>>, %arg6: memref<160000x128xf32, #tpu.memory_space<hbm>>, %arg7: memref<2x128xi32, #tpu.memory_space<vmem>>, %arg8: memref<2x128xi32, #tpu.memory_space<vmem>>, %arg9: memref<2x128x128xf32, #tpu.memory_space<vmem>>, %arg10: memref<2x128x128xf32, #tpu.memory_space<vmem>>, %arg11: memref<!tpu.dma_semaphore, #tpu.memory_space<semaphore_mem>>, %arg12: memref<!tpu.dma_semaphore, #tpu.memory_space<semaphore_mem>>, %arg13: memref<!tpu.dma_semaphore, #tpu.memory_space<semaphore_mem>>, %arg14: memref<!tpu.dma_semaphore, #tpu.memory_space<semaphore_mem>>) attributes {dimension_semantics = [#tpu.dimension_semantics<core_parallel>, #tpu.dimension_semantics<subcore_parallel>], iteration_bounds = array<i64: 2, 16>, scalar_prefetch = 0 : i64, scratch_operands = 8 : i64, tpu.core_type = #tpu.core_type<sc_vector_subcore>, window_params = [{transform_indices = #map}, {transform_indices = #map}, {transform_indices = #map1}, {transform_indices = #map1}, {transform_indices = #map1}]} {
    %mul3A = arith.constant 2 : i32
    %mul3A_0 = arith.muli %arg1, %mul3A : i32
    %add3A = arith.addi %mul3A_0, %arg0 : i32
    %scan3A = arith.constant 0 : i32
    %scan3A_1 = arith.constant 0 : i32
    %scan3A_2 = arith.constant 19 : i32
    %scan3A_3 = arith.addi %scan3A_1, %scan3A_2 : i32
    %scan3A_4 = arith.constant 1 : i32
    %scan3A_5 = scf.for %scan3A_72 = %scan3A_1 to %scan3A_3 step %scan3A_4 iter_args(%scan3A_73 = %scan3A) -> (i32)  : i32 {
      %mul3A_74 = arith.constant 2 : i32
      %mul3A_75 = arith.muli %mul3A_74, %scan3A_72 : i32
      %mul3A_76 = arith.constant 32 : i32
      %mul3A_77 = arith.muli %mul3A_76, %mul3A_75 : i32
      %add3A_78 = arith.addi %add3A, %mul3A_77 : i32
      %mul3A_79 = arith.constant 128 : i32
      %mul3A_80 = arith.muli %add3A_78, %mul3A_79 : i32
      %run_scoped3A_81 = arith.constant 0 : i32
      "tpu.region"() ({
        %run_scoped3A_217 = tpu.sem_alloc : memref<!tpu.dma_semaphore, #tpu.memory_space<semaphore_mem>>
        %dma_start3A_218 = arith.constant 0 : i32
        %dma_start3A_219 = tpu.memref_slice %arg7[%run_scoped3A_81, %dma_start3A_218] : memref<2x128xi32, #tpu.memory_space<vmem>> -> memref<1x128xi32, #tpu.memory_space<vmem>>
        %dma_start3A_220 = tpu.memref_squeeze %dma_start3A_219 : memref<1x128xi32, #tpu.memory_space<vmem>> -> memref<128xi32, #tpu.memory_space<vmem>>
        %dma_start3A_221 = tpu.memref_slice %arg2[%mul3A_80] : memref<160000xi32, #tpu.memory_space<hbm>> -> memref<128xi32, #tpu.memory_space<hbm>>
        %dma_start3A_222 = arith.constant 0 : i32
        %dma_start3A_223 = tpu.memref_slice %arg7[%run_scoped3A_81, %dma_start3A_222] : memref<2x128xi32, #tpu.memory_space<vmem>> -> memref<1x128xi32, #tpu.memory_space<vmem>>
        %dma_start3A_224 = tpu.memref_squeeze %dma_start3A_223 : memref<1x128xi32, #tpu.memory_space<vmem>> -> memref<128xi32, #tpu.memory_space<vmem>>
        %dma_start3A_225 = tpu.memref_slice %arg2[%mul3A_80] : memref<160000xi32, #tpu.memory_space<hbm>> -> memref<128xi32, #tpu.memory_space<hbm>>
        tpu.enqueue_dma source(%dma_start3A_225 : memref<128xi32, #tpu.memory_space<hbm>>) target(%dma_start3A_224 : memref<128xi32, #tpu.memory_space<vmem>>) target_semaphore(%run_scoped3A_217 : memref<!tpu.dma_semaphore, #tpu.memory_space<semaphore_mem>>)
        %dma_wait3A_226 = arith.constant 0 : i32
        %dma_wait3A_227 = tpu.memref_slice %arg7[%run_scoped3A_81, %dma_wait3A_226] : memref<2x128xi32, #tpu.memory_space<vmem>> -> memref<1x128xi32, #tpu.memory_space<vmem>>
        %dma_wait3A_228 = tpu.memref_squeeze %dma_wait3A_227 : memref<1x128xi32, #tpu.memory_space<vmem>> -> memref<128xi32, #tpu.memory_space<vmem>>
        %dma_wait3A_229 = tpu.memref_slice %arg2[%mul3A_80] : memref<160000xi32, #tpu.memory_space<hbm>> -> memref<128xi32, #tpu.memory_space<hbm>>
        %dma_wait3A_230 = arith.constant 0 : i32
        %dma_wait3A_231 = tpu.memref_slice %arg7[%run_scoped3A_81, %dma_wait3A_230] : memref<2x128xi32, #tpu.memory_space<vmem>> -> memref<1x128xi32, #tpu.memory_space<vmem>>
        %dma_wait3A_232 = tpu.memref_squeeze %dma_wait3A_231 : memref<1x128xi32, #tpu.memory_space<vmem>> -> memref<128xi32, #tpu.memory_space<vmem>>
        %dma_wait3A_233 = tpu.memref_slice %arg2[%mul3A_80] : memref<160000xi32, #tpu.memory_space<hbm>> -> memref<128xi32, #tpu.memory_space<hbm>>
        tpu.wait_dma2 semaphore(%run_scoped3A_217 : memref<!tpu.dma_semaphore, #tpu.memory_space<semaphore_mem>>) src(%dma_wait3A_233 : memref<128xi32, #tpu.memory_space<hbm>>) dst(%dma_wait3A_232 : memref<128xi32, #tpu.memory_space<vmem>>)
        tpu.yield
      }) : () -> ()
      %run_scoped3A_82 = arith.constant 0 : i32
      "tpu.region"() ({
        %run_scoped3A_217 = tpu.sem_alloc : memref<!tpu.dma_semaphore, #tpu.memory_space<semaphore_mem>>
        %dma_start3A_218 = arith.constant 0 : i32
        %dma_start3A_219 = tpu.memref_slice %arg8[%run_scoped3A_82, %dma_start3A_218] : memref<2x128xi32, #tpu.memory_space<vmem>> -> memref<1x128xi32, #tpu.memory_space<vmem>>
        %dma_start3A_220 = tpu.memref_squeeze %dma_start3A_219 : memref<1x128xi32, #tpu.memory_space<vmem>> -> memref<128xi32, #tpu.memory_space<vmem>>
        %dma_start3A_221 = tpu.memref_slice %arg3[%mul3A_80] : memref<160000xi32, #tpu.memory_space<hbm>> -> memref<128xi32, #tpu.memory_space<hbm>>
        %dma_start3A_222 = arith.constant 0 : i32
        %dma_start3A_223 = tpu.memref_slice %arg8[%run_scoped3A_82, %dma_start3A_222] : memref<2x128xi32, #tpu.memory_space<vmem>> -> memref<1x128xi32, #tpu.memory_space<vmem>>
        %dma_start3A_224 = tpu.memref_squeeze %dma_start3A_223 : memref<1x128xi32, #tpu.memory_space<vmem>> -> memref<128xi32, #tpu.memory_space<vmem>>
        %dma_start3A_225 = tpu.memref_slice %arg3[%mul3A_80] : memref<160000xi32, #tpu.memory_space<hbm>> -> memref<128xi32, #tpu.memory_space<hbm>>
        tpu.enqueue_dma source(%dma_start3A_225 : memref<128xi32, #tpu.memory_space<hbm>>) target(%dma_start3A_224 : memref<128xi32, #tpu.memory_space<vmem>>) target_semaphore(%run_scoped3A_217 : memref<!tpu.dma_semaphore, #tpu.memory_space<semaphore_mem>>)
        %dma_wait3A_226 = arith.constant 0 : i32
        %dma_wait3A_227 = tpu.memref_slice %arg8[%run_scoped3A_82, %dma_wait3A_226] : memref<2x128xi32, #tpu.memory_space<vmem>> -> memref<1x128xi32, #tpu.memory_space<vmem>>
        %dma_wait3A_228 = tpu.memref_squeeze %dma_wait3A_227 : memref<1x128xi32, #tpu.memory_space<vmem>> -> memref<128xi32, #tpu.memory_space<vmem>>
        %dma_wait3A_229 = tpu.memref_slice %arg3[%mul3A_80] : memref<160000xi32, #tpu.memory_space<hbm>> -> memref<128xi32, #tpu.memory_space<hbm>>
        %dma_wait3A_230 = arith.constant 0 : i32
        %dma_wait3A_231 = tpu.memref_slice %arg8[%run_scoped3A_82, %dma_wait3A_230] : memref<2x128xi32, #tpu.memory_space<vmem>> -> memref<1x128xi32, #tpu.memory_space<vmem>>
        %dma_wait3A_232 = tpu.memref_squeeze %dma_wait3A_231 : memref<1x128xi32, #tpu.memory_space<vmem>> -> memref<128xi32, #tpu.memory_space<vmem>>
        %dma_wait3A_233 = tpu.memref_slice %arg3[%mul3A_80] : memref<160000xi32, #tpu.memory_space<hbm>> -> memref<128xi32, #tpu.memory_space<hbm>>
        tpu.wait_dma2 semaphore(%run_scoped3A_217 : memref<!tpu.dma_semaphore, #tpu.memory_space<semaphore_mem>>) src(%dma_wait3A_233 : memref<128xi32, #tpu.memory_space<hbm>>) dst(%dma_wait3A_232 : memref<128xi32, #tpu.memory_space<vmem>>)
        tpu.yield
      }) : () -> ()
      %dma_start3A_83 = arith.constant 0 : i32
      %dma_start3A_84 = arith.constant 0 : i32
      %dma_start3A_85 = arith.constant 0 : i32
      %dma_start3A_86 = arith.constant 0 : i32
      %dma_start3A_87 = tpu.memref_slice %arg9[%dma_start3A_84, %dma_start3A_85, %dma_start3A_86] : memref<2x128x128xf32, #tpu.memory_space<vmem>> -> memref<1x128x128xf32, #tpu.memory_space<vmem>>
      %dma_start3A_88 = tpu.memref_squeeze %dma_start3A_87 : memref<1x128x128xf32, #tpu.memory_space<vmem>> -> memref<128x128xf32, #tpu.memory_space<vmem>>
      %dma_start3A_89 = arith.constant 0 : i32
      %dma_start3A_90 = tpu.memref_slice %arg7[%dma_start3A_83, %dma_start3A_89] : memref<2x128xi32, #tpu.memory_space<vmem>> -> memref<1x128xi32, #tpu.memory_space<vmem>>
      %dma_start3A_91 = tpu.memref_squeeze %dma_start3A_90 : memref<1x128xi32, #tpu.memory_space<vmem>> -> memref<128xi32, #tpu.memory_space<vmem>>
      %dma_start3A_92 = arith.constant 0 : i32
      %dma_start3A_93 = arith.constant 0 : i32
      %dma_start3A_94 = tpu.memref_slice %arg4[%dma_start3A_92, %dma_start3A_93] : memref<10000x128xf32, #tpu.memory_space<hbm>> -> memref<10000x128xf32, #tpu.memory_space<hbm>>
      tpu.enqueue_indirect_dma source(%dma_start3A_94 : memref<10000x128xf32, #tpu.memory_space<hbm>>) target(%dma_start3A_88 : memref<128x128xf32, #tpu.memory_space<vmem>>) offsets(%dma_start3A_91 : memref<128xi32, #tpu.memory_space<vmem>>) semaphore(%arg11 : memref<!tpu.dma_semaphore, #tpu.memory_space<semaphore_mem>>)
      %dma_start3A_95 = arith.constant 0 : i32
      %dma_start3A_96 = arith.constant 0 : i32
      %dma_start3A_97 = arith.constant 0 : i32
      %dma_start3A_98 = arith.constant 0 : i32
      %dma_start3A_99 = tpu.memref_slice %arg10[%dma_start3A_96, %dma_start3A_97, %dma_start3A_98] : memref<2x128x128xf32, #tpu.memory_space<vmem>> -> memref<1x128x128xf32, #tpu.memory_space<vmem>>
      %dma_start3A_100 = tpu.memref_squeeze %dma_start3A_99 : memref<1x128x128xf32, #tpu.memory_space<vmem>> -> memref<128x128xf32, #tpu.memory_space<vmem>>
      %dma_start3A_101 = arith.constant 0 : i32
      %dma_start3A_102 = tpu.memref_slice %arg8[%dma_start3A_95, %dma_start3A_101] : memref<2x128xi32, #tpu.memory_space<vmem>> -> memref<1x128xi32, #tpu.memory_space<vmem>>
      %dma_start3A_103 = tpu.memref_squeeze %dma_start3A_102 : memref<1x128xi32, #tpu.memory_space<vmem>> -> memref<128xi32, #tpu.memory_space<vmem>>
      %dma_start3A_104 = arith.constant 0 : i32
      %dma_start3A_105 = arith.constant 0 : i32
      %dma_start3A_106 = tpu.memref_slice %arg5[%dma_start3A_104, %dma_start3A_105] : memref<10000x128xf32, #tpu.memory_space<hbm>> -> memref<10000x128xf32, #tpu.memory_space<hbm>>
      tpu.enqueue_indirect_dma source(%dma_start3A_106 : memref<10000x128xf32, #tpu.memory_space<hbm>>) target(%dma_start3A_100 : memref<128x128xf32, #tpu.memory_space<vmem>>) offsets(%dma_start3A_103 : memref<128xi32, #tpu.memory_space<vmem>>) semaphore(%arg12 : memref<!tpu.dma_semaphore, #tpu.memory_space<semaphore_mem>>)
      %add3A_107 = arith.constant 1 : i32
      %add3A_108 = arith.addi %mul3A_75, %add3A_107 : i32
      %mul3A_109 = arith.constant 32 : i32
      %mul3A_110 = arith.muli %mul3A_109, %add3A_108 : i32
      %add3A_111 = arith.addi %add3A, %mul3A_110 : i32
      %mul3A_112 = arith.constant 128 : i32
      %mul3A_113 = arith.muli %add3A_111, %mul3A_112 : i32
      %run_scoped3A_114 = arith.constant 1 : i32
      "tpu.region"() ({
        %run_scoped3A_217 = tpu.sem_alloc : memref<!tpu.dma_semaphore, #tpu.memory_space<semaphore_mem>>
        %dma_start3A_218 = arith.constant 0 : i32
        %dma_start3A_219 = tpu.memref_slice %arg7[%run_scoped3A_114, %dma_start3A_218] : memref<2x128xi32, #tpu.memory_space<vmem>> -> memref<1x128xi32, #tpu.memory_space<vmem>>
        %dma_start3A_220 = tpu.memref_squeeze %dma_start3A_219 : memref<1x128xi32, #tpu.memory_space<vmem>> -> memref<128xi32, #tpu.memory_space<vmem>>
        %dma_start3A_221 = tpu.memref_slice %arg2[%mul3A_113] : memref<160000xi32, #tpu.memory_space<hbm>> -> memref<128xi32, #tpu.memory_space<hbm>>
        %dma_start3A_222 = arith.constant 0 : i32
        %dma_start3A_223 = tpu.memref_slice %arg7[%run_scoped3A_114, %dma_start3A_222] : memref<2x128xi32, #tpu.memory_space<vmem>> -> memref<1x128xi32, #tpu.memory_space<vmem>>
        %dma_start3A_224 = tpu.memref_squeeze %dma_start3A_223 : memref<1x128xi32, #tpu.memory_space<vmem>> -> memref<128xi32, #tpu.memory_space<vmem>>
        %dma_start3A_225 = tpu.memref_slice %arg2[%mul3A_113] : memref<160000xi32, #tpu.memory_space<hbm>> -> memref<128xi32, #tpu.memory_space<hbm>>
        tpu.enqueue_dma source(%dma_start3A_225 : memref<128xi32, #tpu.memory_space<hbm>>) target(%dma_start3A_224 : memref<128xi32, #tpu.memory_space<vmem>>) target_semaphore(%run_scoped3A_217 : memref<!tpu.dma_semaphore, #tpu.memory_space<semaphore_mem>>)
        %dma_wait3A_226 = arith.constant 0 : i32
        %dma_wait3A_227 = tpu.memref_slice %arg7[%run_scoped3A_114, %dma_wait3A_226] : memref<2x128xi32, #tpu.memory_space<vmem>> -> memref<1x128xi32, #tpu.memory_space<vmem>>
        %dma_wait3A_228 = tpu.memref_squeeze %dma_wait3A_227 : memref<1x128xi32, #tpu.memory_space<vmem>> -> memref<128xi32, #tpu.memory_space<vmem>>
        %dma_wait3A_229 = tpu.memref_slice %arg2[%mul3A_113] : memref<160000xi32, #tpu.memory_space<hbm>> -> memref<128xi32, #tpu.memory_space<hbm>>
        %dma_wait3A_230 = arith.constant 0 : i32
        %dma_wait3A_231 = tpu.memref_slice %arg7[%run_scoped3A_114, %dma_wait3A_230] : memref<2x128xi32, #tpu.memory_space<vmem>> -> memref<1x128xi32, #tpu.memory_space<vmem>>
        %dma_wait3A_232 = tpu.memref_squeeze %dma_wait3A_231 : memref<1x128xi32, #tpu.memory_space<vmem>> -> memref<128xi32, #tpu.memory_space<vmem>>
        %dma_wait3A_233 = tpu.memref_slice %arg2[%mul3A_113] : memref<160000xi32, #tpu.memory_space<hbm>> -> memref<128xi32, #tpu.memory_space<hbm>>
        tpu.wait_dma2 semaphore(%run_scoped3A_217 : memref<!tpu.dma_semaphore, #tpu.memory_space<semaphore_mem>>) src(%dma_wait3A_233 : memref<128xi32, #tpu.memory_space<hbm>>) dst(%dma_wait3A_232 : memref<128xi32, #tpu.memory_space<vmem>>)
        tpu.yield
      }) : () -> ()
      %run_scoped3A_115 = arith.constant 1 : i32
      "tpu.region"() ({
        %run_scoped3A_217 = tpu.sem_alloc : memref<!tpu.dma_semaphore, #tpu.memory_space<semaphore_mem>>
        %dma_start3A_218 = arith.constant 0 : i32
        %dma_start3A_219 = tpu.memref_slice %arg8[%run_scoped3A_115, %dma_start3A_218] : memref<2x128xi32, #tpu.memory_space<vmem>> -> memref<1x128xi32, #tpu.memory_space<vmem>>
        %dma_start3A_220 = tpu.memref_squeeze %dma_start3A_219 : memref<1x128xi32, #tpu.memory_space<vmem>> -> memref<128xi32, #tpu.memory_space<vmem>>
        %dma_start3A_221 = tpu.memref_slice %arg3[%mul3A_113] : memref<160000xi32, #tpu.memory_space<hbm>> -> memref<128xi32, #tpu.memory_space<hbm>>
        %dma_start3A_222 = arith.constant 0 : i32
        %dma_start3A_223 = tpu.memref_slice %arg8[%run_scoped3A_115, %dma_start3A_222] : memref<2x128xi32, #tpu.memory_space<vmem>> -> memref<1x128xi32, #tpu.memory_space<vmem>>
        %dma_start3A_224 = tpu.memref_squeeze %dma_start3A_223 : memref<1x128xi32, #tpu.memory_space<vmem>> -> memref<128xi32, #tpu.memory_space<vmem>>
        %dma_start3A_225 = tpu.memref_slice %arg3[%mul3A_113] : memref<160000xi32, #tpu.memory_space<hbm>> -> memref<128xi32, #tpu.memory_space<hbm>>
        tpu.enqueue_dma source(%dma_start3A_225 : memref<128xi32, #tpu.memory_space<hbm>>) target(%dma_start3A_224 : memref<128xi32, #tpu.memory_space<vmem>>) target_semaphore(%run_scoped3A_217 : memref<!tpu.dma_semaphore, #tpu.memory_space<semaphore_mem>>)
        %dma_wait3A_226 = arith.constant 0 : i32
        %dma_wait3A_227 = tpu.memref_slice %arg8[%run_scoped3A_115, %dma_wait3A_226] : memref<2x128xi32, #tpu.memory_space<vmem>> -> memref<1x128xi32, #tpu.memory_space<vmem>>
        %dma_wait3A_228 = tpu.memref_squeeze %dma_wait3A_227 : memref<1x128xi32, #tpu.memory_space<vmem>> -> memref<128xi32, #tpu.memory_space<vmem>>
        %dma_wait3A_229 = tpu.memref_slice %arg3[%mul3A_113] : memref<160000xi32, #tpu.memory_space<hbm>> -> memref<128xi32, #tpu.memory_space<hbm>>
        %dma_wait3A_230 = arith.constant 0 : i32
        %dma_wait3A_231 = tpu.memref_slice %arg8[%run_scoped3A_115, %dma_wait3A_230] : memref<2x128xi32, #tpu.memory_space<vmem>> -> memref<1x128xi32, #tpu.memory_space<vmem>>
        %dma_wait3A_232 = tpu.memref_squeeze %dma_wait3A_231 : memref<1x128xi32, #tpu.memory_space<vmem>> -> memref<128xi32, #tpu.memory_space<vmem>>
        %dma_wait3A_233 = tpu.memref_slice %arg3[%mul3A_113] : memref<160000xi32, #tpu.memory_space<hbm>> -> memref<128xi32, #tpu.memory_space<hbm>>
        tpu.wait_dma2 semaphore(%run_scoped3A_217 : memref<!tpu.dma_semaphore, #tpu.memory_space<semaphore_mem>>) src(%dma_wait3A_233 : memref<128xi32, #tpu.memory_space<hbm>>) dst(%dma_wait3A_232 : memref<128xi32, #tpu.memory_space<vmem>>)
        tpu.yield
      }) : () -> ()
      %dma_wait3A_116 = arith.constant 0 : i32
      %dma_wait3A_117 = arith.constant 0 : i32
      %dma_wait3A_118 = arith.constant 0 : i32
      %dma_wait3A_119 = arith.constant 0 : i32
      %dma_wait3A_120 = tpu.memref_slice %arg9[%dma_wait3A_117, %dma_wait3A_118, %dma_wait3A_119] : memref<2x128x128xf32, #tpu.memory_space<vmem>> -> memref<1x128x128xf32, #tpu.memory_space<vmem>>
      %dma_wait3A_121 = tpu.memref_squeeze %dma_wait3A_120 : memref<1x128x128xf32, #tpu.memory_space<vmem>> -> memref<128x128xf32, #tpu.memory_space<vmem>>
      %dma_wait3A_122 = arith.constant 0 : i32
      %dma_wait3A_123 = tpu.memref_slice %arg7[%dma_wait3A_116, %dma_wait3A_122] : memref<2x128xi32, #tpu.memory_space<vmem>> -> memref<1x128xi32, #tpu.memory_space<vmem>>
      %dma_wait3A_124 = tpu.memref_squeeze %dma_wait3A_123 : memref<1x128xi32, #tpu.memory_space<vmem>> -> memref<128xi32, #tpu.memory_space<vmem>>
      %dma_wait3A_125 = arith.constant 0 : i32
      %dma_wait3A_126 = arith.constant 0 : i32
      %dma_wait3A_127 = tpu.memref_slice %arg4[%dma_wait3A_125, %dma_wait3A_126] : memref<10000x128xf32, #tpu.memory_space<hbm>> -> memref<10000x128xf32, #tpu.memory_space<hbm>>
      tpu.wait_indirect_dma semaphore(%arg11 : memref<!tpu.dma_semaphore, #tpu.memory_space<semaphore_mem>>) src(%dma_wait3A_127 : memref<10000x128xf32, #tpu.memory_space<hbm>>) dst(%dma_wait3A_121 : memref<128x128xf32, #tpu.memory_space<vmem>>)
      %dma_wait3A_128 = arith.constant 0 : i32
      %dma_wait3A_129 = arith.constant 0 : i32
      %dma_wait3A_130 = arith.constant 0 : i32
      %dma_wait3A_131 = arith.constant 0 : i32
      %dma_wait3A_132 = tpu.memref_slice %arg10[%dma_wait3A_129, %dma_wait3A_130, %dma_wait3A_131] : memref<2x128x128xf32, #tpu.memory_space<vmem>> -> memref<1x128x128xf32, #tpu.memory_space<vmem>>
      %dma_wait3A_133 = tpu.memref_squeeze %dma_wait3A_132 : memref<1x128x128xf32, #tpu.memory_space<vmem>> -> memref<128x128xf32, #tpu.memory_space<vmem>>
      %dma_wait3A_134 = arith.constant 0 : i32
      %dma_wait3A_135 = tpu.memref_slice %arg8[%dma_wait3A_128, %dma_wait3A_134] : memref<2x128xi32, #tpu.memory_space<vmem>> -> memref<1x128xi32, #tpu.memory_space<vmem>>
      %dma_wait3A_136 = tpu.memref_squeeze %dma_wait3A_135 : memref<1x128xi32, #tpu.memory_space<vmem>> -> memref<128xi32, #tpu.memory_space<vmem>>
      %dma_wait3A_137 = arith.constant 0 : i32
      %dma_wait3A_138 = arith.constant 0 : i32
      %dma_wait3A_139 = tpu.memref_slice %arg5[%dma_wait3A_137, %dma_wait3A_138] : memref<10000x128xf32, #tpu.memory_space<hbm>> -> memref<10000x128xf32, #tpu.memory_space<hbm>>
      tpu.wait_indirect_dma semaphore(%arg12 : memref<!tpu.dma_semaphore, #tpu.memory_space<semaphore_mem>>) src(%dma_wait3A_139 : memref<10000x128xf32, #tpu.memory_space<hbm>>) dst(%dma_wait3A_133 : memref<128x128xf32, #tpu.memory_space<vmem>>)
      %dma_start3A_140 = arith.constant 1 : i32
      %dma_start3A_141 = arith.constant 1 : i32
      %dma_start3A_142 = arith.constant 0 : i32
      %dma_start3A_143 = arith.constant 0 : i32
      %dma_start3A_144 = tpu.memref_slice %arg9[%dma_start3A_141, %dma_start3A_142, %dma_start3A_143] : memref<2x128x128xf32, #tpu.memory_space<vmem>> -> memref<1x128x128xf32, #tpu.memory_space<vmem>>
      %dma_start3A_145 = tpu.memref_squeeze %dma_start3A_144 : memref<1x128x128xf32, #tpu.memory_space<vmem>> -> memref<128x128xf32, #tpu.memory_space<vmem>>
      %dma_start3A_146 = arith.constant 0 : i32
      %dma_start3A_147 = tpu.memref_slice %arg7[%dma_start3A_140, %dma_start3A_146] : memref<2x128xi32, #tpu.memory_space<vmem>> -> memref<1x128xi32, #tpu.memory_space<vmem>>
      %dma_start3A_148 = tpu.memref_squeeze %dma_start3A_147 : memref<1x128xi32, #tpu.memory_space<vmem>> -> memref<128xi32, #tpu.memory_space<vmem>>
      %dma_start3A_149 = arith.constant 0 : i32
      %dma_start3A_150 = arith.constant 0 : i32
      %dma_start3A_151 = tpu.memref_slice %arg4[%dma_start3A_149, %dma_start3A_150] : memref<10000x128xf32, #tpu.memory_space<hbm>> -> memref<10000x128xf32, #tpu.memory_space<hbm>>
      tpu.enqueue_indirect_dma source(%dma_start3A_151 : memref<10000x128xf32, #tpu.memory_space<hbm>>) target(%dma_start3A_145 : memref<128x128xf32, #tpu.memory_space<vmem>>) offsets(%dma_start3A_148 : memref<128xi32, #tpu.memory_space<vmem>>) semaphore(%arg13 : memref<!tpu.dma_semaphore, #tpu.memory_space<semaphore_mem>>)
      %dma_start3A_152 = arith.constant 1 : i32
      %dma_start3A_153 = arith.constant 1 : i32
      %dma_start3A_154 = arith.constant 0 : i32
      %dma_start3A_155 = arith.constant 0 : i32
      %dma_start3A_156 = tpu.memref_slice %arg10[%dma_start3A_153, %dma_start3A_154, %dma_start3A_155] : memref<2x128x128xf32, #tpu.memory_space<vmem>> -> memref<1x128x128xf32, #tpu.memory_space<vmem>>
      %dma_start3A_157 = tpu.memref_squeeze %dma_start3A_156 : memref<1x128x128xf32, #tpu.memory_space<vmem>> -> memref<128x128xf32, #tpu.memory_space<vmem>>
      %dma_start3A_158 = arith.constant 0 : i32
      %dma_start3A_159 = tpu.memref_slice %arg8[%dma_start3A_152, %dma_start3A_158] : memref<2x128xi32, #tpu.memory_space<vmem>> -> memref<1x128xi32, #tpu.memory_space<vmem>>
      %dma_start3A_160 = tpu.memref_squeeze %dma_start3A_159 : memref<1x128xi32, #tpu.memory_space<vmem>> -> memref<128xi32, #tpu.memory_space<vmem>>
      %dma_start3A_161 = arith.constant 0 : i32
      %dma_start3A_162 = arith.constant 0 : i32
      %dma_start3A_163 = tpu.memref_slice %arg5[%dma_start3A_161, %dma_start3A_162] : memref<10000x128xf32, #tpu.memory_space<hbm>> -> memref<10000x128xf32, #tpu.memory_space<hbm>>
      tpu.enqueue_indirect_dma source(%dma_start3A_163 : memref<10000x128xf32, #tpu.memory_space<hbm>>) target(%dma_start3A_157 : memref<128x128xf32, #tpu.memory_space<vmem>>) offsets(%dma_start3A_160 : memref<128xi32, #tpu.memory_space<vmem>>) semaphore(%arg14 : memref<!tpu.dma_semaphore, #tpu.memory_space<semaphore_mem>>)
      %scan3A_164 = arith.constant 0 : i32
      %scan3A_165 = arith.constant 0 : i32
      %scan3A_166 = arith.constant 128 : i32
      %scan3A_167 = arith.addi %scan3A_165, %scan3A_166 : i32
      %scan3A_168 = arith.constant 1 : i32
      %scan3A_169 = scf.for %scan3A_217 = %scan3A_165 to %scan3A_167 step %scan3A_168 iter_args(%scan3A_218 = %scan3A_164) -> (i32)  : i32 {
        %get3A = arith.constant 0 : i32
        %get3A_219 = arith.index_cast %get3A : i32 to index
        %get3A_220 = arith.index_cast %scan3A_217 : i32 to index
        %get3A_221 = arith.constant 0 : index
        %get3A_222 = tpu.vector_load %arg9[%get3A_219, %get3A_220, %get3A_221] {strides = array<i32>} : memref<2x128x128xf32, #tpu.memory_space<vmem>>, vector<1x1x16xf32>,
        %get3A_223 = vector.shape_cast %get3A_222 : vector<1x1x16xf32> to vector<16xf32>
        %get3A_224 = arith.constant 0 : i32
        %get3A_225 = arith.index_cast %get3A_224 : i32 to index
        %get3A_226 = arith.index_cast %scan3A_217 : i32 to index
        %get3A_227 = arith.constant 0 : index
        %get3A_228 = tpu.vector_load %arg10[%get3A_225, %get3A_226, %get3A_227] {strides = array<i32>} : memref<2x128x128xf32, #tpu.memory_space<vmem>>, vector<1x1x16xf32>,
        %get3A_229 = vector.shape_cast %get3A_228 : vector<1x1x16xf32> to vector<16xf32>
        %add3A_230 = arith.addf %get3A_223, %get3A_229 : vector<16xf32>
        %swap3A = arith.constant 0 : i32
        %swap3A_231 = arith.index_cast %swap3A : i32 to index
        %swap3A_232 = arith.index_cast %scan3A_217 : i32 to index
        %swap3A_233 = arith.constant 0 : index
        %swap3A_234 = tpu.vector_load %arg9[%swap3A_231, %swap3A_232, %swap3A_233] {strides = array<i32>} : memref<2x128x128xf32, #tpu.memory_space<vmem>>, vector<1x1x16xf32>,
        %swap3A_235 = vector.shape_cast %swap3A_234 : vector<1x1x16xf32> to vector<16xf32>
        %swap3A_236 = vector.shape_cast %add3A_230 : vector<16xf32> to vector<1x1x16xf32>
        tpu.vector_store %arg9[%swap3A_231, %swap3A_232, %swap3A_233], %swap3A_236 {strides = array<i32>} : memref<2x128x128xf32, #tpu.memory_space<vmem>>, vector<1x1x16xf32>,
        %get3A_237 = arith.constant 0 : i32
        %get3A_238 = arith.index_cast %get3A_237 : i32 to index
        %get3A_239 = arith.index_cast %scan3A_217 : i32 to index
        %get3A_240 = arith.constant 16 : index
        %get3A_241 = tpu.vector_load %arg9[%get3A_238, %get3A_239, %get3A_240] {strides = array<i32>} : memref<2x128x128xf32, #tpu.memory_space<vmem>>, vector<1x1x16xf32>,
        %get3A_242 = vector.shape_cast %get3A_241 : vector<1x1x16xf32> to vector<16xf32>
        %get3A_243 = arith.constant 0 : i32
        %get3A_244 = arith.index_cast %get3A_243 : i32 to index
        %get3A_245 = arith.index_cast %scan3A_217 : i32 to index
        %get3A_246 = arith.constant 16 : index
        %get3A_247 = tpu.vector_load %arg10[%get3A_244, %get3A_245, %get3A_246] {strides = array<i32>} : memref<2x128x128xf32, #tpu.memory_space<vmem>>, vector<1x1x16xf32>,
        %get3A_248 = vector.shape_cast %get3A_247 : vector<1x1x16xf32> to vector<16xf32>
        %add3A_249 = arith.addf %get3A_242, %get3A_248 : vector<16xf32>
        %swap3A_250 = arith.constant 0 : i32
        %swap3A_251 = arith.index_cast %swap3A_250 : i32 to index
        %swap3A_252 = arith.index_cast %scan3A_217 : i32 to index
        %swap3A_253 = arith.constant 16 : index
        %swap3A_254 = tpu.vector_load %arg9[%swap3A_251, %swap3A_252, %swap3A_253] {strides = array<i32>} : memref<2x128x128xf32, #tpu.memory_space<vmem>>, vector<1x1x16xf32>,
        %swap3A_255 = vector.shape_cast %swap3A_254 : vector<1x1x16xf32> to vector<16xf32>
        %swap3A_256 = vector.shape_cast %add3A_249 : vector<16xf32> to vector<1x1x16xf32>
        tpu.vector_store %arg9[%swap3A_251, %swap3A_252, %swap3A_253], %swap3A_256 {strides = array<i32>} : memref<2x128x128xf32, #tpu.memory_space<vmem>>, vector<1x1x16xf32>,
        %get3A_257 = arith.constant 0 : i32
        %get3A_258 = arith.index_cast %get3A_257 : i32 to index
        %get3A_259 = arith.index_cast %scan3A_217 : i32 to index
        %get3A_260 = arith.constant 32 : index
        %get3A_261 = tpu.vector_load %arg9[%get3A_258, %get3A_259, %get3A_260] {strides = array<i32>} : memref<2x128x128xf32, #tpu.memory_space<vmem>>, vector<1x1x16xf32>,
        %get3A_262 = vector.shape_cast %get3A_261 : vector<1x1x16xf32> to vector<16xf32>
        %get3A_263 = arith.constant 0 : i32
        %get3A_264 = arith.index_cast %get3A_263 : i32 to index
        %get3A_265 = arith.index_cast %scan3A_217 : i32 to index
        %get3A_266 = arith.constant 32 : index
        %get3A_267 = tpu.vector_load %arg10[%get3A_264, %get3A_265, %get3A_266] {strides = array<i32>} : memref<2x128x128xf32, #tpu.memory_space<vmem>>, vector<1x1x16xf32>,
        %get3A_268 = vector.shape_cast %get3A_267 : vector<1x1x16xf32> to vector<16xf32>
        %add3A_269 = arith.addf %get3A_262, %get3A_268 : vector<16xf32>
        %swap3A_270 = arith.constant 0 : i32
        %swap3A_271 = arith.index_cast %swap3A_270 : i32 to index
        %swap3A_272 = arith.index_cast %scan3A_217 : i32 to index
        %swap3A_273 = arith.constant 32 : index
        %swap3A_274 = tpu.vector_load %arg9[%swap3A_271, %swap3A_272, %swap3A_273] {strides = array<i32>} : memref<2x128x128xf32, #tpu.memory_space<vmem>>, vector<1x1x16xf32>,
        %swap3A_275 = vector.shape_cast %swap3A_274 : vector<1x1x16xf32> to vector<16xf32>
        %swap3A_276 = vector.shape_cast %add3A_269 : vector<16xf32> to vector<1x1x16xf32>
        tpu.vector_store %arg9[%swap3A_271, %swap3A_272, %swap3A_273], %swap3A_276 {strides = array<i32>} : memref<2x128x128xf32, #tpu.memory_space<vmem>>, vector<1x1x16xf32>,
        %get3A_277 = arith.constant 0 : i32
        %get3A_278 = arith.index_cast %get3A_277 : i32 to index
        %get3A_279 = arith.index_cast %scan3A_217 : i32 to index
        %get3A_280 = arith.constant 48 : index
        %get3A_281 = tpu.vector_load %arg9[%get3A_278, %get3A_279, %get3A_280] {strides = array<i32>} : memref<2x128x128xf32, #tpu.memory_space<vmem>>, vector<1x1x16xf32>,
        %get3A_282 = vector.shape_cast %get3A_281 : vector<1x1x16xf32> to vector<16xf32>
        %get3A_283 = arith.constant 0 : i32
        %get3A_284 = arith.index_cast %get3A_283 : i32 to index
        %get3A_285 = arith.index_cast %scan3A_217 : i32 to index
        %get3A_286 = arith.constant 48 : index
        %get3A_287 = tpu.vector_load %arg10[%get3A_284, %get3A_285, %get3A_286] {strides = array<i32>} : memref<2x128x128xf32, #tpu.memory_space<vmem>>, vector<1x1x16xf32>,
        %get3A_288 = vector.shape_cast %get3A_287 : vector<1x1x16xf32> to vector<16xf32>
        %add3A_289 = arith.addf %get3A_282, %get3A_288 : vector<16xf32>
        %swap3A_290 = arith.constant 0 : i32
        %swap3A_291 = arith.index_cast %swap3A_290 : i32 to index
        %swap3A_292 = arith.index_cast %scan3A_217 : i32 to index
        %swap3A_293 = arith.constant 48 : index
        %swap3A_294 = tpu.vector_load %arg9[%swap3A_291, %swap3A_292, %swap3A_293] {strides = array<i32>} : memref<2x128x128xf32, #tpu.memory_space<vmem>>, vector<1x1x16xf32>,
        %swap3A_295 = vector.shape_cast %swap3A_294 : vector<1x1x16xf32> to vector<16xf32>
        %swap3A_296 = vector.shape_cast %add3A_289 : vector<16xf32> to vector<1x1x16xf32>
        tpu.vector_store %arg9[%swap3A_291, %swap3A_292, %swap3A_293], %swap3A_296 {strides = array<i32>} : memref<2x128x128xf32, #tpu.memory_space<vmem>>, vector<1x1x16xf32>,
        %get3A_297 = arith.constant 0 : i32
        %get3A_298 = arith.index_cast %get3A_297 : i32 to index
        %get3A_299 = arith.index_cast %scan3A_217 : i32 to index
        %get3A_300 = arith.constant 64 : index
        %get3A_301 = tpu.vector_load %arg9[%get3A_298, %get3A_299, %get3A_300] {strides = array<i32>} : memref<2x128x128xf32, #tpu.memory_space<vmem>>, vector<1x1x16xf32>,
        %get3A_302 = vector.shape_cast %get3A_301 : vector<1x1x16xf32> to vector<16xf32>
        %get3A_303 = arith.constant 0 : i32
        %get3A_304 = arith.index_cast %get3A_303 : i32 to index
        %get3A_305 = arith.index_cast %scan3A_217 : i32 to index
        %get3A_306 = arith.constant 64 : index
        %get3A_307 = tpu.vector_load %arg10[%get3A_304, %get3A_305, %get3A_306] {strides = array<i32>} : memref<2x128x128xf32, #tpu.memory_space<vmem>>, vector<1x1x16xf32>,
        %get3A_308 = vector.shape_cast %get3A_307 : vector<1x1x16xf32> to vector<16xf32>
        %add3A_309 = arith.addf %get3A_302, %get3A_308 : vector<16xf32>
        %swap3A_310 = arith.constant 0 : i32
        %swap3A_311 = arith.index_cast %swap3A_310 : i32 to index
        %swap3A_312 = arith.index_cast %scan3A_217 : i32 to index
        %swap3A_313 = arith.constant 64 : index
        %swap3A_314 = tpu.vector_load %arg9[%swap3A_311, %swap3A_312, %swap3A_313] {strides = array<i32>} : memref<2x128x128xf32, #tpu.memory_space<vmem>>, vector<1x1x16xf32>,
        %swap3A_315 = vector.shape_cast %swap3A_314 : vector<1x1x16xf32> to vector<16xf32>
        %swap3A_316 = vector.shape_cast %add3A_309 : vector<16xf32> to vector<1x1x16xf32>
        tpu.vector_store %arg9[%swap3A_311, %swap3A_312, %swap3A_313], %swap3A_316 {strides = array<i32>} : memref<2x128x128xf32, #tpu.memory_space<vmem>>, vector<1x1x16xf32>,
        %get3A_317 = arith.constant 0 : i32
        %get3A_318 = arith.index_cast %get3A_317 : i32 to index
        %get3A_319 = arith.index_cast %scan3A_217 : i32 to index
        %get3A_320 = arith.constant 80 : index
        %get3A_321 = tpu.vector_load %arg9[%get3A_318, %get3A_319, %get3A_320] {strides = array<i32>} : memref<2x128x128xf32, #tpu.memory_space<vmem>>, vector<1x1x16xf32>,
        %get3A_322 = vector.shape_cast %get3A_321 : vector<1x1x16xf32> to vector<16xf32>
        %get3A_323 = arith.constant 0 : i32
        %get3A_324 = arith.index_cast %get3A_323 : i32 to index
        %get3A_325 = arith.index_cast %scan3A_217 : i32 to index
        %get3A_326 = arith.constant 80 : index
        %get3A_327 = tpu.vector_load %arg10[%get3A_324, %get3A_325, %get3A_326] {strides = array<i32>} : memref<2x128x128xf32, #tpu.memory_space<vmem>>, vector<1x1x16xf32>,
        %get3A_328 = vector.shape_cast %get3A_327 : vector<1x1x16xf32> to vector<16xf32>
        %add3A_329 = arith.addf %get3A_322, %get3A_328 : vector<16xf32>
        %swap3A_330 = arith.constant 0 : i32
        %swap3A_331 = arith.index_cast %swap3A_330 : i32 to index
        %swap3A_332 = arith.index_cast %scan3A_217 : i32 to index
        %swap3A_333 = arith.constant 80 : index
        %swap3A_334 = tpu.vector_load %arg9[%swap3A_331, %swap3A_332, %swap3A_333] {strides = array<i32>} : memref<2x128x128xf32, #tpu.memory_space<vmem>>, vector<1x1x16xf32>,
        %swap3A_335 = vector.shape_cast %swap3A_334 : vector<1x1x16xf32> to vector<16xf32>
        %swap3A_336 = vector.shape_cast %add3A_329 : vector<16xf32> to vector<1x1x16xf32>
        tpu.vector_store %arg9[%swap3A_331, %swap3A_332, %swap3A_333], %swap3A_336 {strides = array<i32>} : memref<2x128x128xf32, #tpu.memory_space<vmem>>, vector<1x1x16xf32>,
        %get3A_337 = arith.constant 0 : i32
        %get3A_338 = arith.index_cast %get3A_337 : i32 to index
        %get3A_339 = arith.index_cast %scan3A_217 : i32 to index
        %get3A_340 = arith.constant 96 : index
        %get3A_341 = tpu.vector_load %arg9[%get3A_338, %get3A_339, %get3A_340] {strides = array<i32>} : memref<2x128x128xf32, #tpu.memory_space<vmem>>, vector<1x1x16xf32>,
        %get3A_342 = vector.shape_cast %get3A_341 : vector<1x1x16xf32> to vector<16xf32>
        %get3A_343 = arith.constant 0 : i32
        %get3A_344 = arith.index_cast %get3A_343 : i32 to index
        %get3A_345 = arith.index_cast %scan3A_217 : i32 to index
        %get3A_346 = arith.constant 96 : index
        %get3A_347 = tpu.vector_load %arg10[%get3A_344, %get3A_345, %get3A_346] {strides = array<i32>} : memref<2x128x128xf32, #tpu.memory_space<vmem>>, vector<1x1x16xf32>,
        %get3A_348 = vector.shape_cast %get3A_347 : vector<1x1x16xf32> to vector<16xf32>
        %add3A_349 = arith.addf %get3A_342, %get3A_348 : vector<16xf32>
        %swap3A_350 = arith.constant 0 : i32
        %swap3A_351 = arith.index_cast %swap3A_350 : i32 to index
        %swap3A_352 = arith.index_cast %scan3A_217 : i32 to index
        %swap3A_353 = arith.constant 96 : index
        %swap3A_354 = tpu.vector_load %arg9[%swap3A_351, %swap3A_352, %swap3A_353] {strides = array<i32>} : memref<2x128x128xf32, #tpu.memory_space<vmem>>, vector<1x1x16xf32>,
        %swap3A_355 = vector.shape_cast %swap3A_354 : vector<1x1x16xf32> to vector<16xf32>
        %swap3A_356 = vector.shape_cast %add3A_349 : vector<16xf32> to vector<1x1x16xf32>
        tpu.vector_store %arg9[%swap3A_351, %swap3A_352, %swap3A_353], %swap3A_356 {strides = array<i32>} : memref<2x128x128xf32, #tpu.memory_space<vmem>>, vector<1x1x16xf32>,
        %get3A_357 = arith.constant 0 : i32
        %get3A_358 = arith.index_cast %get3A_357 : i32 to index
        %get3A_359 = arith.index_cast %scan3A_217 : i32 to index
        %get3A_360 = arith.constant 112 : index
        %get3A_361 = tpu.vector_load %arg9[%get3A_358, %get3A_359, %get3A_360] {strides = array<i32>} : memref<2x128x128xf32, #tpu.memory_space<vmem>>, vector<1x1x16xf32>,
        %get3A_362 = vector.shape_cast %get3A_361 : vector<1x1x16xf32> to vector<16xf32>
        %get3A_363 = arith.constant 0 : i32
        %get3A_364 = arith.index_cast %get3A_363 : i32 to index
        %get3A_365 = arith.index_cast %scan3A_217 : i32 to index
        %get3A_366 = arith.constant 112 : index
        %get3A_367 = tpu.vector_load %arg10[%get3A_364, %get3A_365, %get3A_366] {strides = array<i32>} : memref<2x128x128xf32, #tpu.memory_space<vmem>>, vector<1x1x16xf32>,
        %get3A_368 = vector.shape_cast %get3A_367 : vector<1x1x16xf32> to vector<16xf32>
        %add3A_369 = arith.addf %get3A_362, %get3A_368 : vector<16xf32>
        %swap3A_370 = arith.constant 0 : i32
        %swap3A_371 = arith.index_cast %swap3A_370 : i32 to index
        %swap3A_372 = arith.index_cast %scan3A_217 : i32 to index
        %swap3A_373 = arith.constant 112 : index
        %swap3A_374 = tpu.vector_load %arg9[%swap3A_371, %swap3A_372, %swap3A_373] {strides = array<i32>} : memref<2x128x128xf32, #tpu.memory_space<vmem>>, vector<1x1x16xf32>,
        %swap3A_375 = vector.shape_cast %swap3A_374 : vector<1x1x16xf32> to vector<16xf32>
        %swap3A_376 = vector.shape_cast %add3A_369 : vector<16xf32> to vector<1x1x16xf32>
        tpu.vector_store %arg9[%swap3A_371, %swap3A_372, %swap3A_373], %swap3A_376 {strides = array<i32>} : memref<2x128x128xf32, #tpu.memory_space<vmem>>, vector<1x1x16xf32>,
        %scan3A_377 = arith.constant 0 : i32
        scf.yield %scan3A_377 : i32
      }
      %scan3A_170 = arith.constant 128 : i32
      %mul3A_171 = arith.constant 32 : i32
      %mul3A_172 = arith.muli %mul3A_171, %mul3A_75 : i32
      %add3A_173 = arith.addi %add3A, %mul3A_172 : i32
      %mul3A_174 = arith.constant 128 : i32
      %mul3A_175 = arith.muli %add3A_173, %mul3A_174 : i32
      %run_scoped3A_176 = arith.constant 0 : i32
      "tpu.region"() ({
        %run_scoped3A_217 = tpu.sem_alloc : memref<!tpu.dma_semaphore, #tpu.memory_space<semaphore_mem>>
        %dma_start3A_218 = arith.constant 0 : i32
        %dma_start3A_219 = arith.constant 0 : i32
        %dma_start3A_220 = tpu.memref_slice %arg9[%run_scoped3A_176, %dma_start3A_218, %dma_start3A_219] : memref<2x128x128xf32, #tpu.memory_space<vmem>> -> memref<1x128x128xf32, #tpu.memory_space<vmem>>
        %dma_start3A_221 = tpu.memref_squeeze %dma_start3A_220 : memref<1x128x128xf32, #tpu.memory_space<vmem>> -> memref<128x128xf32, #tpu.memory_space<vmem>>
        %dma_start3A_222 = arith.constant 0 : i32
        %dma_start3A_223 = tpu.memref_slice %arg6[%mul3A_175, %dma_start3A_222] : memref<160000x128xf32, #tpu.memory_space<hbm>> -> memref<128x128xf32, #tpu.memory_space<hbm>>
        %dma_start3A_224 = arith.constant 0 : i32
        %dma_start3A_225 = tpu.memref_slice %arg6[%mul3A_175, %dma_start3A_224] : memref<160000x128xf32, #tpu.memory_space<hbm>> -> memref<128x128xf32, #tpu.memory_space<hbm>>
        %dma_start3A_226 = arith.constant 0 : i32
        %dma_start3A_227 = arith.constant 0 : i32
        %dma_start3A_228 = tpu.memref_slice %arg9[%run_scoped3A_176, %dma_start3A_226, %dma_start3A_227] : memref<2x128x128xf32, #tpu.memory_space<vmem>> -> memref<1x128x128xf32, #tpu.memory_space<vmem>>
        %dma_start3A_229 = tpu.memref_squeeze %dma_start3A_228 : memref<1x128x128xf32, #tpu.memory_space<vmem>> -> memref<128x128xf32, #tpu.memory_space<vmem>>
        tpu.enqueue_dma source(%dma_start3A_229 : memref<128x128xf32, #tpu.memory_space<vmem>>) target(%dma_start3A_225 : memref<128x128xf32, #tpu.memory_space<hbm>>) target_semaphore(%run_scoped3A_217 : memref<!tpu.dma_semaphore, #tpu.memory_space<semaphore_mem>>)
        %dma_wait3A_230 = arith.constant 0 : i32
        %dma_wait3A_231 = arith.constant 0 : i32
        %dma_wait3A_232 = tpu.memref_slice %arg9[%run_scoped3A_176, %dma_wait3A_230, %dma_wait3A_231] : memref<2x128x128xf32, #tpu.memory_space<vmem>> -> memref<1x128x128xf32, #tpu.memory_space<vmem>>
        %dma_wait3A_233 = tpu.memref_squeeze %dma_wait3A_232 : memref<1x128x128xf32, #tpu.memory_space<vmem>> -> memref<128x128xf32, #tpu.memory_space<vmem>>
        %dma_wait3A_234 = arith.constant 0 : i32
        %dma_wait3A_235 = tpu.memref_slice %arg6[%mul3A_175, %dma_wait3A_234] : memref<160000x128xf32, #tpu.memory_space<hbm>> -> memref<128x128xf32, #tpu.memory_space<hbm>>
        %dma_wait3A_236 = arith.constant 0 : i32
        %dma_wait3A_237 = tpu.memref_slice %arg6[%mul3A_175, %dma_wait3A_236] : memref<160000x128xf32, #tpu.memory_space<hbm>> -> memref<128x128xf32, #tpu.memory_space<hbm>>
        %dma_wait3A_238 = arith.constant 0 : i32
        %dma_wait3A_239 = arith.constant 0 : i32
        %dma_wait3A_240 = tpu.memref_slice %arg9[%run_scoped3A_176, %dma_wait3A_238, %dma_wait3A_239] : memref<2x128x128xf32, #tpu.memory_space<vmem>> -> memref<1x128x128xf32, #tpu.memory_space<vmem>>
        %dma_wait3A_241 = tpu.memref_squeeze %dma_wait3A_240 : memref<1x128x128xf32, #tpu.memory_space<vmem>> -> memref<128x128xf32, #tpu.memory_space<vmem>>
        tpu.wait_dma2 semaphore(%run_scoped3A_217 : memref<!tpu.dma_semaphore, #tpu.memory_space<semaphore_mem>>) src(%dma_wait3A_241 : memref<128x128xf32, #tpu.memory_space<vmem>>) dst(%dma_wait3A_237 : memref<128x128xf32, #tpu.memory_space<hbm>>)
        tpu.yield
      }) : () -> ()
      %dma_wait3A_177 = arith.constant 1 : i32
      %dma_wait3A_178 = arith.constant 1 : i32
      %dma_wait3A_179 = arith.constant 0 : i32
      %dma_wait3A_180 = arith.constant 0 : i32
      %dma_wait3A_181 = tpu.memref_slice %arg9[%dma_wait3A_178, %dma_wait3A_179, %dma_wait3A_180] : memref<2x128x128xf32, #tpu.memory_space<vmem>> -> memref<1x128x128xf32, #tpu.memory_space<vmem>>
      %dma_wait3A_182 = tpu.memref_squeeze %dma_wait3A_181 : memref<1x128x128xf32, #tpu.memory_space<vmem>> -> memref<128x128xf32, #tpu.memory_space<vmem>>
      %dma_wait3A_183 = arith.constant 0 : i32
      %dma_wait3A_184 = tpu.memref_slice %arg7[%dma_wait3A_177, %dma_wait3A_183] : memref<2x128xi32, #tpu.memory_space<vmem>> -> memref<1x128xi32, #tpu.memory_space<vmem>>
      %dma_wait3A_185 = tpu.memref_squeeze %dma_wait3A_184 : memref<1x128xi32, #tpu.memory_space<vmem>> -> memref<128xi32, #tpu.memory_space<vmem>>
      %dma_wait3A_186 = arith.constant 0 : i32
      %dma_wait3A_187 = arith.constant 0 : i32
      %dma_wait3A_188 = tpu.memref_slice %arg4[%dma_wait3A_186, %dma_wait3A_187] : memref<10000x128xf32, #tpu.memory_space<hbm>> -> memref<10000x128xf32, #tpu.memory_space<hbm>>
      tpu.wait_indirect_dma semaphore(%arg13 : memref<!tpu.dma_semaphore, #tpu.memory_space<semaphore_mem>>) src(%dma_wait3A_188 : memref<10000x128xf32, #tpu.memory_space<hbm>>) dst(%dma_wait3A_182 : memref<128x128xf32, #tpu.memory_space<vmem>>)
      %dma_wait3A_189 = arith.constant 1 : i32
      %dma_wait3A_190 = arith.constant 1 : i32
      %dma_wait3A_191 = arith.constant 0 : i32
      %dma_wait3A_192 = arith.constant 0 : i32
      %dma_wait3A_193 = tpu.memref_slice %arg10[%dma_wait3A_190, %dma_wait3A_191, %dma_wait3A_192] : memref<2x128x128xf32, #tpu.memory_space<vmem>> -> memref<1x128x128xf32, #tpu.memory_space<vmem>>
      %dma_wait3A_194 = tpu.memref_squeeze %dma_wait3A_193 : memref<1x128x128xf32, #tpu.memory_space<vmem>> -> memref<128x128xf32, #tpu.memory_space<vmem>>
      %dma_wait3A_195 = arith.constant 0 : i32
      %dma_wait3A_196 = tpu.memref_slice %arg8[%dma_wait3A_189, %dma_wait3A_195] : memref<2x128xi32, #tpu.memory_space<vmem>> -> memref<1x128xi32, #tpu.memory_space<vmem>>
      %dma_wait3A_197 = tpu.memref_squeeze %dma_wait3A_196 : memref<1x128xi32, #tpu.memory_space<vmem>> -> memref<128xi32, #tpu.memory_space<vmem>>
      %dma_wait3A_198 = arith.constant 0 : i32
      %dma_wait3A_199 = arith.constant 0 : i32
      %dma_wait3A_200 = tpu.memref_slice %arg5[%dma_wait3A_198, %dma_wait3A_199] : memref<10000x128xf32, #tpu.memory_space<hbm>> -> memref<10000x128xf32, #tpu.memory_space<hbm>>
      tpu.wait_indirect_dma semaphore(%arg14 : memref<!tpu.dma_semaphore, #tpu.memory_space<semaphore_mem>>) src(%dma_wait3A_200 : memref<10000x128xf32, #tpu.memory_space<hbm>>) dst(%dma_wait3A_194 : memref<128x128xf32, #tpu.memory_space<vmem>>)
      %add3A_201 = arith.constant 1 : i32
      %add3A_202 = arith.addi %mul3A_75, %add3A_201 : i32
      %scan3A_203 = arith.constant 0 : i32
      %scan3A_204 = arith.constant 0 : i32
      %scan3A_205 = arith.constant 128 : i32
      %scan3A_206 = arith.addi %scan3A_204, %scan3A_205 : i32
      %scan3A_207 = arith.constant 1 : i32
      %scan3A_208 = scf.for %scan3A_217 = %scan3A_204 to %scan3A_206 step %scan3A_207 iter_args(%scan3A_218 = %scan3A_203) -> (i32)  : i32 {
        %get3A = arith.constant 1 : i32
        %get3A_219 = arith.index_cast %get3A : i32 to index
        %get3A_220 = arith.index_cast %scan3A_217 : i32 to index
        %get3A_221 = arith.constant 0 : index
        %get3A_222 = tpu.vector_load %arg9[%get3A_219, %get3A_220, %get3A_221] {strides = array<i32>} : memref<2x128x128xf32, #tpu.memory_space<vmem>>, vector<1x1x16xf32>,
        %get3A_223 = vector.shape_cast %get3A_222 : vector<1x1x16xf32> to vector<16xf32>
        %get3A_224 = arith.constant 1 : i32
        %get3A_225 = arith.index_cast %get3A_224 : i32 to index
        %get3A_226 = arith.index_cast %scan3A_217 : i32 to index
        %get3A_227 = arith.constant 0 : index
        %get3A_228 = tpu.vector_load %arg10[%get3A_225, %get3A_226, %get3A_227] {strides = array<i32>} : memref<2x128x128xf32, #tpu.memory_space<vmem>>, vector<1x1x16xf32>,
        %get3A_229 = vector.shape_cast %get3A_228 : vector<1x1x16xf32> to vector<16xf32>
        %add3A_230 = arith.addf %get3A_223, %get3A_229 : vector<16xf32>
        %swap3A = arith.constant 1 : i32
        %swap3A_231 = arith.index_cast %swap3A : i32 to index
        %swap3A_232 = arith.index_cast %scan3A_217 : i32 to index
        %swap3A_233 = arith.constant 0 : index
        %swap3A_234 = tpu.vector_load %arg9[%swap3A_231, %swap3A_232, %swap3A_233] {strides = array<i32>} : memref<2x128x128xf32, #tpu.memory_space<vmem>>, vector<1x1x16xf32>,
        %swap3A_235 = vector.shape_cast %swap3A_234 : vector<1x1x16xf32> to vector<16xf32>
        %swap3A_236 = vector.shape_cast %add3A_230 : vector<16xf32> to vector<1x1x16xf32>
        tpu.vector_store %arg9[%swap3A_231, %swap3A_232, %swap3A_233], %swap3A_236 {strides = array<i32>} : memref<2x128x128xf32, #tpu.memory_space<vmem>>, vector<1x1x16xf32>,
        %get3A_237 = arith.constant 1 : i32
        %get3A_238 = arith.index_cast %get3A_237 : i32 to index
        %get3A_239 = arith.index_cast %scan3A_217 : i32 to index
        %get3A_240 = arith.constant 16 : index
        %get3A_241 = tpu.vector_load %arg9[%get3A_238, %get3A_239, %get3A_240] {strides = array<i32>} : memref<2x128x128xf32, #tpu.memory_space<vmem>>, vector<1x1x16xf32>,
        %get3A_242 = vector.shape_cast %get3A_241 : vector<1x1x16xf32> to vector<16xf32>
        %get3A_243 = arith.constant 1 : i32
        %get3A_244 = arith.index_cast %get3A_243 : i32 to index
        %get3A_245 = arith.index_cast %scan3A_217 : i32 to index
        %get3A_246 = arith.constant 16 : index
        %get3A_247 = tpu.vector_load %arg10[%get3A_244, %get3A_245, %get3A_246] {strides = array<i32>} : memref<2x128x128xf32, #tpu.memory_space<vmem>>, vector<1x1x16xf32>,
        %get3A_248 = vector.shape_cast %get3A_247 : vector<1x1x16xf32> to vector<16xf32>
        %add3A_249 = arith.addf %get3A_242, %get3A_248 : vector<16xf32>
        %swap3A_250 = arith.constant 1 : i32
        %swap3A_251 = arith.index_cast %swap3A_250 : i32 to index
        %swap3A_252 = arith.index_cast %scan3A_217 : i32 to index
        %swap3A_253 = arith.constant 16 : index
        %swap3A_254 = tpu.vector_load %arg9[%swap3A_251, %swap3A_252, %swap3A_253] {strides = array<i32>} : memref<2x128x128xf32, #tpu.memory_space<vmem>>, vector<1x1x16xf32>,
        %swap3A_255 = vector.shape_cast %swap3A_254 : vector<1x1x16xf32> to vector<16xf32>
        %swap3A_256 = vector.shape_cast %add3A_249 : vector<16xf32> to vector<1x1x16xf32>
        tpu.vector_store %arg9[%swap3A_251, %swap3A_252, %swap3A_253], %swap3A_256 {strides = array<i32>} : memref<2x128x128xf32, #tpu.memory_space<vmem>>, vector<1x1x16xf32>,
        %get3A_257 = arith.constant 1 : i32
        %get3A_258 = arith.index_cast %get3A_257 : i32 to index
        %get3A_259 = arith.index_cast %scan3A_217 : i32 to index
        %get3A_260 = arith.constant 32 : index
        %get3A_261 = tpu.vector_load %arg9[%get3A_258, %get3A_259, %get3A_260] {strides = array<i32>} : memref<2x128x128xf32, #tpu.memory_space<vmem>>, vector<1x1x16xf32>,
        %get3A_262 = vector.shape_cast %get3A_261 : vector<1x1x16xf32> to vector<16xf32>
        %get3A_263 = arith.constant 1 : i32
        %get3A_264 = arith.index_cast %get3A_263 : i32 to index
        %get3A_265 = arith.index_cast %scan3A_217 : i32 to index
        %get3A_266 = arith.constant 32 : index
        %get3A_267 = tpu.vector_load %arg10[%get3A_264, %get3A_265, %get3A_266] {strides = array<i32>} : memref<2x128x128xf32, #tpu.memory_space<vmem>>, vector<1x1x16xf32>,
        %get3A_268 = vector.shape_cast %get3A_267 : vector<1x1x16xf32> to vector<16xf32>
        %add3A_269 = arith.addf %get3A_262, %get3A_268 : vector<16xf32>
        %swap3A_270 = arith.constant 1 : i32
        %swap3A_271 = arith.index_cast %swap3A_270 : i32 to index
        %swap3A_272 = arith.index_cast %scan3A_217 : i32 to index
        %swap3A_273 = arith.constant 32 : index
        %swap3A_274 = tpu.vector_load %arg9[%swap3A_271, %swap3A_272, %swap3A_273] {strides = array<i32>} : memref<2x128x128xf32, #tpu.memory_space<vmem>>, vector<1x1x16xf32>,
        %swap3A_275 = vector.shape_cast %swap3A_274 : vector<1x1x16xf32> to vector<16xf32>
        %swap3A_276 = vector.shape_cast %add3A_269 : vector<16xf32> to vector<1x1x16xf32>
        tpu.vector_store %arg9[%swap3A_271, %swap3A_272, %swap3A_273], %swap3A_276 {strides = array<i32>} : memref<2x128x128xf32, #tpu.memory_space<vmem>>, vector<1x1x16xf32>,
        %get3A_277 = arith.constant 1 : i32
        %get3A_278 = arith.index_cast %get3A_277 : i32 to index
        %get3A_279 = arith.index_cast %scan3A_217 : i32 to index
        %get3A_280 = arith.constant 48 : index
        %get3A_281 = tpu.vector_load %arg9[%get3A_278, %get3A_279, %get3A_280] {strides = array<i32>} : memref<2x128x128xf32, #tpu.memory_space<vmem>>, vector<1x1x16xf32>,
        %get3A_282 = vector.shape_cast %get3A_281 : vector<1x1x16xf32> to vector<16xf32>
        %get3A_283 = arith.constant 1 : i32
        %get3A_284 = arith.index_cast %get3A_283 : i32 to index
        %get3A_285 = arith.index_cast %scan3A_217 : i32 to index
        %get3A_286 = arith.constant 48 : index
        %get3A_287 = tpu.vector_load %arg10[%get3A_284, %get3A_285, %get3A_286] {strides = array<i32>} : memref<2x128x128xf32, #tpu.memory_space<vmem>>, vector<1x1x16xf32>,
        %get3A_288 = vector.shape_cast %get3A_287 : vector<1x1x16xf32> to vector<16xf32>
        %add3A_289 = arith.addf %get3A_282, %get3A_288 : vector<16xf32>
        %swap3A_290 = arith.constant 1 : i32
        %swap3A_291 = arith.index_cast %swap3A_290 : i32 to index
        %swap3A_292 = arith.index_cast %scan3A_217 : i32 to index
        %swap3A_293 = arith.constant 48 : index
        %swap3A_294 = tpu.vector_load %arg9[%swap3A_291, %swap3A_292, %swap3A_293] {strides = array<i32>} : memref<2x128x128xf32, #tpu.memory_space<vmem>>, vector<1x1x16xf32>,
        %swap3A_295 = vector.shape_cast %swap3A_294 : vector<1x1x16xf32> to vector<16xf32>
        %swap3A_296 = vector.shape_cast %add3A_289 : vector<16xf32> to vector<1x1x16xf32>
        tpu.vector_store %arg9[%swap3A_291, %swap3A_292, %swap3A_293], %swap3A_296 {strides = array<i32>} : memref<2x128x128xf32, #tpu.memory_space<vmem>>, vector<1x1x16xf32>,
        %get3A_297 = arith.constant 1 : i32
        %get3A_298 = arith.index_cast %get3A_297 : i32 to index
        %get3A_299 = arith.index_cast %scan3A_217 : i32 to index
        %get3A_300 = arith.constant 64 : index
        %get3A_301 = tpu.vector_load %arg9[%get3A_298, %get3A_299, %get3A_300] {strides = array<i32>} : memref<2x128x128xf32, #tpu.memory_space<vmem>>, vector<1x1x16xf32>,
        %get3A_302 = vector.shape_cast %get3A_301 : vector<1x1x16xf32> to vector<16xf32>
        %get3A_303 = arith.constant 1 : i32
        %get3A_304 = arith.index_cast %get3A_303 : i32 to index
        %get3A_305 = arith.index_cast %scan3A_217 : i32 to index
        %get3A_306 = arith.constant 64 : index
        %get3A_307 = tpu.vector_load %arg10[%get3A_304, %get3A_305, %get3A_306] {strides = array<i32>} : memref<2x128x128xf32, #tpu.memory_space<vmem>>, vector<1x1x16xf32>,
        %get3A_308 = vector.shape_cast %get3A_307 : vector<1x1x16xf32> to vector<16xf32>
        %add3A_309 = arith.addf %get3A_302, %get3A_308 : vector<16xf32>
        %swap3A_310 = arith.constant 1 : i32
        %swap3A_311 = arith.index_cast %swap3A_310 : i32 to index
        %swap3A_312 = arith.index_cast %scan3A_217 : i32 to index
        %swap3A_313 = arith.constant 64 : index
        %swap3A_314 = tpu.vector_load %arg9[%swap3A_311, %swap3A_312, %swap3A_313] {strides = array<i32>} : memref<2x128x128xf32, #tpu.memory_space<vmem>>, vector<1x1x16xf32>,
        %swap3A_315 = vector.shape_cast %swap3A_314 : vector<1x1x16xf32> to vector<16xf32>
        %swap3A_316 = vector.shape_cast %add3A_309 : vector<16xf32> to vector<1x1x16xf32>
        tpu.vector_store %arg9[%swap3A_311, %swap3A_312, %swap3A_313], %swap3A_316 {strides = array<i32>} : memref<2x128x128xf32, #tpu.memory_space<vmem>>, vector<1x1x16xf32>,
        %get3A_317 = arith.constant 1 : i32
        %get3A_318 = arith.index_cast %get3A_317 : i32 to index
        %get3A_319 = arith.index_cast %scan3A_217 : i32 to index
        %get3A_320 = arith.constant 80 : index
        %get3A_321 = tpu.vector_load %arg9[%get3A_318, %get3A_319, %get3A_320] {strides = array<i32>} : memref<2x128x128xf32, #tpu.memory_space<vmem>>, vector<1x1x16xf32>,
        %get3A_322 = vector.shape_cast %get3A_321 : vector<1x1x16xf32> to vector<16xf32>
        %get3A_323 = arith.constant 1 : i32
        %get3A_324 = arith.index_cast %get3A_323 : i32 to index
        %get3A_325 = arith.index_cast %scan3A_217 : i32 to index
        %get3A_326 = arith.constant 80 : index
        %get3A_327 = tpu.vector_load %arg10[%get3A_324, %get3A_325, %get3A_326] {strides = array<i32>} : memref<2x128x128xf32, #tpu.memory_space<vmem>>, vector<1x1x16xf32>,
        %get3A_328 = vector.shape_cast %get3A_327 : vector<1x1x16xf32> to vector<16xf32>
        %add3A_329 = arith.addf %get3A_322, %get3A_328 : vector<16xf32>
        %swap3A_330 = arith.constant 1 : i32
        %swap3A_331 = arith.index_cast %swap3A_330 : i32 to index
        %swap3A_332 = arith.index_cast %scan3A_217 : i32 to index
        %swap3A_333 = arith.constant 80 : index
        %swap3A_334 = tpu.vector_load %arg9[%swap3A_331, %swap3A_332, %swap3A_333] {strides = array<i32>} : memref<2x128x128xf32, #tpu.memory_space<vmem>>, vector<1x1x16xf32>,
        %swap3A_335 = vector.shape_cast %swap3A_334 : vector<1x1x16xf32> to vector<16xf32>
        %swap3A_336 = vector.shape_cast %add3A_329 : vector<16xf32> to vector<1x1x16xf32>
        tpu.vector_store %arg9[%swap3A_331, %swap3A_332, %swap3A_333], %swap3A_336 {strides = array<i32>} : memref<2x128x128xf32, #tpu.memory_space<vmem>>, vector<1x1x16xf32>,
        %get3A_337 = arith.constant 1 : i32
        %get3A_338 = arith.index_cast %get3A_337 : i32 to index
        %get3A_339 = arith.index_cast %scan3A_217 : i32 to index
        %get3A_340 = arith.constant 96 : index
        %get3A_341 = tpu.vector_load %arg9[%get3A_338, %get3A_339, %get3A_340] {strides = array<i32>} : memref<2x128x128xf32, #tpu.memory_space<vmem>>, vector<1x1x16xf32>,
        %get3A_342 = vector.shape_cast %get3A_341 : vector<1x1x16xf32> to vector<16xf32>
        %get3A_343 = arith.constant 1 : i32
        %get3A_344 = arith.index_cast %get3A_343 : i32 to index
        %get3A_345 = arith.index_cast %scan3A_217 : i32 to index
        %get3A_346 = arith.constant 96 : index
        %get3A_347 = tpu.vector_load %arg10[%get3A_344, %get3A_345, %get3A_346] {strides = array<i32>} : memref<2x128x128xf32, #tpu.memory_space<vmem>>, vector<1x1x16xf32>,
        %get3A_348 = vector.shape_cast %get3A_347 : vector<1x1x16xf32> to vector<16xf32>
        %add3A_349 = arith.addf %get3A_342, %get3A_348 : vector<16xf32>
        %swap3A_350 = arith.constant 1 : i32
        %swap3A_351 = arith.index_cast %swap3A_350 : i32 to index
        %swap3A_352 = arith.index_cast %scan3A_217 : i32 to index
        %swap3A_353 = arith.constant 96 : index
        %swap3A_354 = tpu.vector_load %arg9[%swap3A_351, %swap3A_352, %swap3A_353] {strides = array<i32>} : memref<2x128x128xf32, #tpu.memory_space<vmem>>, vector<1x1x16xf32>,
        %swap3A_355 = vector.shape_cast %swap3A_354 : vector<1x1x16xf32> to vector<16xf32>
        %swap3A_356 = vector.shape_cast %add3A_349 : vector<16xf32> to vector<1x1x16xf32>
        tpu.vector_store %arg9[%swap3A_351, %swap3A_352, %swap3A_353], %swap3A_356 {strides = array<i32>} : memref<2x128x128xf32, #tpu.memory_space<vmem>>, vector<1x1x16xf32>,
        %get3A_357 = arith.constant 1 : i32
        %get3A_358 = arith.index_cast %get3A_357 : i32 to index
        %get3A_359 = arith.index_cast %scan3A_217 : i32 to index
        %get3A_360 = arith.constant 112 : index
        %get3A_361 = tpu.vector_load %arg9[%get3A_358, %get3A_359, %get3A_360] {strides = array<i32>} : memref<2x128x128xf32, #tpu.memory_space<vmem>>, vector<1x1x16xf32>,
        %get3A_362 = vector.shape_cast %get3A_361 : vector<1x1x16xf32> to vector<16xf32>
        %get3A_363 = arith.constant 1 : i32
        %get3A_364 = arith.index_cast %get3A_363 : i32 to index
        %get3A_365 = arith.index_cast %scan3A_217 : i32 to index
        %get3A_366 = arith.constant 112 : index
        %get3A_367 = tpu.vector_load %arg10[%get3A_364, %get3A_365, %get3A_366] {strides = array<i32>} : memref<2x128x128xf32, #tpu.memory_space<vmem>>, vector<1x1x16xf32>,
        %get3A_368 = vector.shape_cast %get3A_367 : vector<1x1x16xf32> to vector<16xf32>
        %add3A_369 = arith.addf %get3A_362, %get3A_368 : vector<16xf32>
        %swap3A_370 = arith.constant 1 : i32
        %swap3A_371 = arith.index_cast %swap3A_370 : i32 to index
        %swap3A_372 = arith.index_cast %scan3A_217 : i32 to index
        %swap3A_373 = arith.constant 112 : index
        %swap3A_374 = tpu.vector_load %arg9[%swap3A_371, %swap3A_372, %swap3A_373] {strides = array<i32>} : memref<2x128x128xf32, #tpu.memory_space<vmem>>, vector<1x1x16xf32>,
        %swap3A_375 = vector.shape_cast %swap3A_374 : vector<1x1x16xf32> to vector<16xf32>
        %swap3A_376 = vector.shape_cast %add3A_369 : vector<16xf32> to vector<1x1x16xf32>
        tpu.vector_store %arg9[%swap3A_371, %swap3A_372, %swap3A_373], %swap3A_376 {strides = array<i32>} : memref<2x128x128xf32, #tpu.memory_space<vmem>>, vector<1x1x16xf32>,
        %scan3A_377 = arith.constant 0 : i32
        scf.yield %scan3A_377 : i32
      }
      %scan3A_209 = arith.constant 128 : i32
      %mul3A_210 = arith.constant 32 : i32
      %mul3A_211 = arith.muli %mul3A_210, %add3A_202 : i32
      %add3A_212 = arith.addi %add3A, %mul3A_211 : i32
      %mul3A_213 = arith.constant 128 : i32
      %mul3A_214 = arith.muli %add3A_212, %mul3A_213 : i32
      %run_scoped3A_215 = arith.constant 1 : i32
      "tpu.region"() ({
        %run_scoped3A_217 = tpu.sem_alloc : memref<!tpu.dma_semaphore, #tpu.memory_space<semaphore_mem>>
        %dma_start3A_218 = arith.constant 0 : i32
        %dma_start3A_219 = arith.constant 0 : i32
        %dma_start3A_220 = tpu.memref_slice %arg9[%run_scoped3A_215, %dma_start3A_218, %dma_start3A_219] : memref<2x128x128xf32, #tpu.memory_space<vmem>> -> memref<1x128x128xf32, #tpu.memory_space<vmem>>
        %dma_start3A_221 = tpu.memref_squeeze %dma_start3A_220 : memref<1x128x128xf32, #tpu.memory_space<vmem>> -> memref<128x128xf32, #tpu.memory_space<vmem>>
        %dma_start3A_222 = arith.constant 0 : i32
        %dma_start3A_223 = tpu.memref_slice %arg6[%mul3A_214, %dma_start3A_222] : memref<160000x128xf32, #tpu.memory_space<hbm>> -> memref<128x128xf32, #tpu.memory_space<hbm>>
        %dma_start3A_224 = arith.constant 0 : i32
        %dma_start3A_225 = tpu.memref_slice %arg6[%mul3A_214, %dma_start3A_224] : memref<160000x128xf32, #tpu.memory_space<hbm>> -> memref<128x128xf32, #tpu.memory_space<hbm>>
        %dma_start3A_226 = arith.constant 0 : i32
        %dma_start3A_227 = arith.constant 0 : i32
        %dma_start3A_228 = tpu.memref_slice %arg9[%run_scoped3A_215, %dma_start3A_226, %dma_start3A_227] : memref<2x128x128xf32, #tpu.memory_space<vmem>> -> memref<1x128x128xf32, #tpu.memory_space<vmem>>
        %dma_start3A_229 = tpu.memref_squeeze %dma_start3A_228 : memref<1x128x128xf32, #tpu.memory_space<vmem>> -> memref<128x128xf32, #tpu.memory_space<vmem>>
        tpu.enqueue_dma source(%dma_start3A_229 : memref<128x128xf32, #tpu.memory_space<vmem>>) target(%dma_start3A_225 : memref<128x128xf32, #tpu.memory_space<hbm>>) target_semaphore(%run_scoped3A_217 : memref<!tpu.dma_semaphore, #tpu.memory_space<semaphore_mem>>)
        %dma_wait3A_230 = arith.constant 0 : i32
        %dma_wait3A_231 = arith.constant 0 : i32
        %dma_wait3A_232 = tpu.memref_slice %arg9[%run_scoped3A_215, %dma_wait3A_230, %dma_wait3A_231] : memref<2x128x128xf32, #tpu.memory_space<vmem>> -> memref<1x128x128xf32, #tpu.memory_space<vmem>>
        %dma_wait3A_233 = tpu.memref_squeeze %dma_wait3A_232 : memref<1x128x128xf32, #tpu.memory_space<vmem>> -> memref<128x128xf32, #tpu.memory_space<vmem>>
        %dma_wait3A_234 = arith.constant 0 : i32
        %dma_wait3A_235 = tpu.memref_slice %arg6[%mul3A_214, %dma_wait3A_234] : memref<160000x128xf32, #tpu.memory_space<hbm>> -> memref<128x128xf32, #tpu.memory_space<hbm>>
        %dma_wait3A_236 = arith.constant 0 : i32
        %dma_wait3A_237 = tpu.memref_slice %arg6[%mul3A_214, %dma_wait3A_236] : memref<160000x128xf32, #tpu.memory_space<hbm>> -> memref<128x128xf32, #tpu.memory_space<hbm>>
        %dma_wait3A_238 = arith.constant 0 : i32
        %dma_wait3A_239 = arith.constant 0 : i32
        %dma_wait3A_240 = tpu.memref_slice %arg9[%run_scoped3A_215, %dma_wait3A_238, %dma_wait3A_239] : memref<2x128x128xf32, #tpu.memory_space<vmem>> -> memref<1x128x128xf32, #tpu.memory_space<vmem>>
        %dma_wait3A_241 = tpu.memref_squeeze %dma_wait3A_240 : memref<1x128x128xf32, #tpu.memory_space<vmem>> -> memref<128x128xf32, #tpu.memory_space<vmem>>
        tpu.wait_dma2 semaphore(%run_scoped3A_217 : memref<!tpu.dma_semaphore, #tpu.memory_space<semaphore_mem>>) src(%dma_wait3A_241 : memref<128x128xf32, #tpu.memory_space<vmem>>) dst(%dma_wait3A_237 : memref<128x128xf32, #tpu.memory_space<hbm>>)
        tpu.yield
      }) : () -> ()
      %scan3A_216 = arith.constant 0 : i32
      scf.yield %scan3A_216 : i32
    }
    %scan3A_6 = arith.constant 19 : i32
    %add3A_7 = arith.constant 1216 : i32
    %add3A_8 = arith.addi %add3A, %add3A_7 : i32
    %mul3A_9 = arith.constant 128 : i32
    %mul3A_10 = arith.muli %add3A_8, %mul3A_9 : i32
    %run_scoped3A = arith.constant 0 : i32
    "tpu.region"() ({
      %run_scoped3A_72 = tpu.sem_alloc : memref<!tpu.dma_semaphore, #tpu.memory_space<semaphore_mem>>
      %dma_start3A_73 = arith.constant 0 : i32
      %dma_start3A_74 = tpu.memref_slice %arg7[%run_scoped3A, %dma_start3A_73] : memref<2x128xi32, #tpu.memory_space<vmem>> -> memref<1x128xi32, #tpu.memory_space<vmem>>
      %dma_start3A_75 = tpu.memref_squeeze %dma_start3A_74 : memref<1x128xi32, #tpu.memory_space<vmem>> -> memref<128xi32, #tpu.memory_space<vmem>>
      %dma_start3A_76 = tpu.memref_slice %arg2[%mul3A_10] : memref<160000xi32, #tpu.memory_space<hbm>> -> memref<128xi32, #tpu.memory_space<hbm>>
      %dma_start3A_77 = arith.constant 0 : i32
      %dma_start3A_78 = tpu.memref_slice %arg7[%run_scoped3A, %dma_start3A_77] : memref<2x128xi32, #tpu.memory_space<vmem>> -> memref<1x128xi32, #tpu.memory_space<vmem>>
      %dma_start3A_79 = tpu.memref_squeeze %dma_start3A_78 : memref<1x128xi32, #tpu.memory_space<vmem>> -> memref<128xi32, #tpu.memory_space<vmem>>
      %dma_start3A_80 = tpu.memref_slice %arg2[%mul3A_10] : memref<160000xi32, #tpu.memory_space<hbm>> -> memref<128xi32, #tpu.memory_space<hbm>>
      tpu.enqueue_dma source(%dma_start3A_80 : memref<128xi32, #tpu.memory_space<hbm>>) target(%dma_start3A_79 : memref<128xi32, #tpu.memory_space<vmem>>) target_semaphore(%run_scoped3A_72 : memref<!tpu.dma_semaphore, #tpu.memory_space<semaphore_mem>>)
      %dma_wait3A_81 = arith.constant 0 : i32
      %dma_wait3A_82 = tpu.memref_slice %arg7[%run_scoped3A, %dma_wait3A_81] : memref<2x128xi32, #tpu.memory_space<vmem>> -> memref<1x128xi32, #tpu.memory_space<vmem>>
      %dma_wait3A_83 = tpu.memref_squeeze %dma_wait3A_82 : memref<1x128xi32, #tpu.memory_space<vmem>> -> memref<128xi32, #tpu.memory_space<vmem>>
      %dma_wait3A_84 = tpu.memref_slice %arg2[%mul3A_10] : memref<160000xi32, #tpu.memory_space<hbm>> -> memref<128xi32, #tpu.memory_space<hbm>>
      %dma_wait3A_85 = arith.constant 0 : i32
      %dma_wait3A_86 = tpu.memref_slice %arg7[%run_scoped3A, %dma_wait3A_85] : memref<2x128xi32, #tpu.memory_space<vmem>> -> memref<1x128xi32, #tpu.memory_space<vmem>>
      %dma_wait3A_87 = tpu.memref_squeeze %dma_wait3A_86 : memref<1x128xi32, #tpu.memory_space<vmem>> -> memref<128xi32, #tpu.memory_space<vmem>>
      %dma_wait3A_88 = tpu.memref_slice %arg2[%mul3A_10] : memref<160000xi32, #tpu.memory_space<hbm>> -> memref<128xi32, #tpu.memory_space<hbm>>
      tpu.wait_dma2 semaphore(%run_scoped3A_72 : memref<!tpu.dma_semaphore, #tpu.memory_space<semaphore_mem>>) src(%dma_wait3A_88 : memref<128xi32, #tpu.memory_space<hbm>>) dst(%dma_wait3A_87 : memref<128xi32, #tpu.memory_space<vmem>>)
      tpu.yield
    }) : () -> ()
    %run_scoped3A_11 = arith.constant 0 : i32
    "tpu.region"() ({
      %run_scoped3A_72 = tpu.sem_alloc : memref<!tpu.dma_semaphore, #tpu.memory_space<semaphore_mem>>
      %dma_start3A_73 = arith.constant 0 : i32
      %dma_start3A_74 = tpu.memref_slice %arg8[%run_scoped3A_11, %dma_start3A_73] : memref<2x128xi32, #tpu.memory_space<vmem>> -> memref<1x128xi32, #tpu.memory_space<vmem>>
      %dma_start3A_75 = tpu.memref_squeeze %dma_start3A_74 : memref<1x128xi32, #tpu.memory_space<vmem>> -> memref<128xi32, #tpu.memory_space<vmem>>
      %dma_start3A_76 = tpu.memref_slice %arg3[%mul3A_10] : memref<160000xi32, #tpu.memory_space<hbm>> -> memref<128xi32, #tpu.memory_space<hbm>>
      %dma_start3A_77 = arith.constant 0 : i32
      %dma_start3A_78 = tpu.memref_slice %arg8[%run_scoped3A_11, %dma_start3A_77] : memref<2x128xi32, #tpu.memory_space<vmem>> -> memref<1x128xi32, #tpu.memory_space<vmem>>
      %dma_start3A_79 = tpu.memref_squeeze %dma_start3A_78 : memref<1x128xi32, #tpu.memory_space<vmem>> -> memref<128xi32, #tpu.memory_space<vmem>>
      %dma_start3A_80 = tpu.memref_slice %arg3[%mul3A_10] : memref<160000xi32, #tpu.memory_space<hbm>> -> memref<128xi32, #tpu.memory_space<hbm>>
      tpu.enqueue_dma source(%dma_start3A_80 : memref<128xi32, #tpu.memory_space<hbm>>) target(%dma_start3A_79 : memref<128xi32, #tpu.memory_space<vmem>>) target_semaphore(%run_scoped3A_72 : memref<!tpu.dma_semaphore, #tpu.memory_space<semaphore_mem>>)
      %dma_wait3A_81 = arith.constant 0 : i32
      %dma_wait3A_82 = tpu.memref_slice %arg8[%run_scoped3A_11, %dma_wait3A_81] : memref<2x128xi32, #tpu.memory_space<vmem>> -> memref<1x128xi32, #tpu.memory_space<vmem>>
      %dma_wait3A_83 = tpu.memref_squeeze %dma_wait3A_82 : memref<1x128xi32, #tpu.memory_space<vmem>> -> memref<128xi32, #tpu.memory_space<vmem>>
      %dma_wait3A_84 = tpu.memref_slice %arg3[%mul3A_10] : memref<160000xi32, #tpu.memory_space<hbm>> -> memref<128xi32, #tpu.memory_space<hbm>>
      %dma_wait3A_85 = arith.constant 0 : i32
      %dma_wait3A_86 = tpu.memref_slice %arg8[%run_scoped3A_11, %dma_wait3A_85] : memref<2x128xi32, #tpu.memory_space<vmem>> -> memref<1x128xi32, #tpu.memory_space<vmem>>
      %dma_wait3A_87 = tpu.memref_squeeze %dma_wait3A_86 : memref<1x128xi32, #tpu.memory_space<vmem>> -> memref<128xi32, #tpu.memory_space<vmem>>
      %dma_wait3A_88 = tpu.memref_slice %arg3[%mul3A_10] : memref<160000xi32, #tpu.memory_space<hbm>> -> memref<128xi32, #tpu.memory_space<hbm>>
      tpu.wait_dma2 semaphore(%run_scoped3A_72 : memref<!tpu.dma_semaphore, #tpu.memory_space<semaphore_mem>>) src(%dma_wait3A_88 : memref<128xi32, #tpu.memory_space<hbm>>) dst(%dma_wait3A_87 : memref<128xi32, #tpu.memory_space<vmem>>)
      tpu.yield
    }) : () -> ()
    %dma_start3A = arith.constant 0 : i32
    %dma_start3A_12 = arith.constant 0 : i32
    %dma_start3A_13 = arith.constant 0 : i32
    %dma_start3A_14 = arith.constant 0 : i32
    %dma_start3A_15 = tpu.memref_slice %arg9[%dma_start3A_12, %dma_start3A_13, %dma_start3A_14] : memref<2x128x128xf32, #tpu.memory_space<vmem>> -> memref<1x128x128xf32, #tpu.memory_space<vmem>>
    %dma_start3A_16 = tpu.memref_squeeze %dma_start3A_15 : memref<1x128x128xf32, #tpu.memory_space<vmem>> -> memref<128x128xf32, #tpu.memory_space<vmem>>
    %dma_start3A_17 = arith.constant 0 : i32
    %dma_start3A_18 = tpu.memref_slice %arg7[%dma_start3A, %dma_start3A_17] : memref<2x128xi32, #tpu.memory_space<vmem>> -> memref<1x128xi32, #tpu.memory_space<vmem>>
    %dma_start3A_19 = tpu.memref_squeeze %dma_start3A_18 : memref<1x128xi32, #tpu.memory_space<vmem>> -> memref<128xi32, #tpu.memory_space<vmem>>
    %dma_start3A_20 = arith.constant 0 : i32
    %dma_start3A_21 = arith.constant 0 : i32
    %dma_start3A_22 = tpu.memref_slice %arg4[%dma_start3A_20, %dma_start3A_21] : memref<10000x128xf32, #tpu.memory_space<hbm>> -> memref<10000x128xf32, #tpu.memory_space<hbm>>
    tpu.enqueue_indirect_dma source(%dma_start3A_22 : memref<10000x128xf32, #tpu.memory_space<hbm>>) target(%dma_start3A_16 : memref<128x128xf32, #tpu.memory_space<vmem>>) offsets(%dma_start3A_19 : memref<128xi32, #tpu.memory_space<vmem>>) semaphore(%arg11 : memref<!tpu.dma_semaphore, #tpu.memory_space<semaphore_mem>>)
    %dma_start3A_23 = arith.constant 0 : i32
    %dma_start3A_24 = arith.constant 0 : i32
    %dma_start3A_25 = arith.constant 0 : i32
    %dma_start3A_26 = arith.constant 0 : i32
    %dma_start3A_27 = tpu.memref_slice %arg10[%dma_start3A_24, %dma_start3A_25, %dma_start3A_26] : memref<2x128x128xf32, #tpu.memory_space<vmem>> -> memref<1x128x128xf32, #tpu.memory_space<vmem>>
    %dma_start3A_28 = tpu.memref_squeeze %dma_start3A_27 : memref<1x128x128xf32, #tpu.memory_space<vmem>> -> memref<128x128xf32, #tpu.memory_space<vmem>>
    %dma_start3A_29 = arith.constant 0 : i32
    %dma_start3A_30 = tpu.memref_slice %arg8[%dma_start3A_23, %dma_start3A_29] : memref<2x128xi32, #tpu.memory_space<vmem>> -> memref<1x128xi32, #tpu.memory_space<vmem>>
    %dma_start3A_31 = tpu.memref_squeeze %dma_start3A_30 : memref<1x128xi32, #tpu.memory_space<vmem>> -> memref<128xi32, #tpu.memory_space<vmem>>
    %dma_start3A_32 = arith.constant 0 : i32
    %dma_start3A_33 = arith.constant 0 : i32
    %dma_start3A_34 = tpu.memref_slice %arg5[%dma_start3A_32, %dma_start3A_33] : memref<10000x128xf32, #tpu.memory_space<hbm>> -> memref<10000x128xf32, #tpu.memory_space<hbm>>
    tpu.enqueue_indirect_dma source(%dma_start3A_34 : memref<10000x128xf32, #tpu.memory_space<hbm>>) target(%dma_start3A_28 : memref<128x128xf32, #tpu.memory_space<vmem>>) offsets(%dma_start3A_31 : memref<128xi32, #tpu.memory_space<vmem>>) semaphore(%arg12 : memref<!tpu.dma_semaphore, #tpu.memory_space<semaphore_mem>>)
    %dma_wait3A = arith.constant 0 : i32
    %dma_wait3A_35 = arith.constant 0 : i32
    %dma_wait3A_36 = arith.constant 0 : i32
    %dma_wait3A_37 = arith.constant 0 : i32
    %dma_wait3A_38 = tpu.memref_slice %arg9[%dma_wait3A_35, %dma_wait3A_36, %dma_wait3A_37] : memref<2x128x128xf32, #tpu.memory_space<vmem>> -> memref<1x128x128xf32, #tpu.memory_space<vmem>>
    %dma_wait3A_39 = tpu.memref_squeeze %dma_wait3A_38 : memref<1x128x128xf32, #tpu.memory_space<vmem>> -> memref<128x128xf32, #tpu.memory_space<vmem>>
    %dma_wait3A_40 = arith.constant 0 : i32
    %dma_wait3A_41 = tpu.memref_slice %arg7[%dma_wait3A, %dma_wait3A_40] : memref<2x128xi32, #tpu.memory_space<vmem>> -> memref<1x128xi32, #tpu.memory_space<vmem>>
    %dma_wait3A_42 = tpu.memref_squeeze %dma_wait3A_41 : memref<1x128xi32, #tpu.memory_space<vmem>> -> memref<128xi32, #tpu.memory_space<vmem>>
    %dma_wait3A_43 = arith.constant 0 : i32
    %dma_wait3A_44 = arith.constant 0 : i32
    %dma_wait3A_45 = tpu.memref_slice %arg4[%dma_wait3A_43, %dma_wait3A_44] : memref<10000x128xf32, #tpu.memory_space<hbm>> -> memref<10000x128xf32, #tpu.memory_space<hbm>>
    tpu.wait_indirect_dma semaphore(%arg11 : memref<!tpu.dma_semaphore, #tpu.memory_space<semaphore_mem>>) src(%dma_wait3A_45 : memref<10000x128xf32, #tpu.memory_space<hbm>>) dst(%dma_wait3A_39 : memref<128x128xf32, #tpu.memory_space<vmem>>)
    %dma_wait3A_46 = arith.constant 0 : i32
    %dma_wait3A_47 = arith.constant 0 : i32
    %dma_wait3A_48 = arith.constant 0 : i32
    %dma_wait3A_49 = arith.constant 0 : i32
    %dma_wait3A_50 = tpu.memref_slice %arg10[%dma_wait3A_47, %dma_wait3A_48, %dma_wait3A_49] : memref<2x128x128xf32, #tpu.memory_space<vmem>> -> memref<1x128x128xf32, #tpu.memory_space<vmem>>
    %dma_wait3A_51 = tpu.memref_squeeze %dma_wait3A_50 : memref<1x128x128xf32, #tpu.memory_space<vmem>> -> memref<128x128xf32, #tpu.memory_space<vmem>>
    %dma_wait3A_52 = arith.constant 0 : i32
    %dma_wait3A_53 = tpu.memref_slice %arg8[%dma_wait3A_46, %dma_wait3A_52] : memref<2x128xi32, #tpu.memory_space<vmem>> -> memref<1x128xi32, #tpu.memory_space<vmem>>
    %dma_wait3A_54 = tpu.memref_squeeze %dma_wait3A_53 : memref<1x128xi32, #tpu.memory_space<vmem>> -> memref<128xi32, #tpu.memory_space<vmem>>
    %dma_wait3A_55 = arith.constant 0 : i32
    %dma_wait3A_56 = arith.constant 0 : i32
    %dma_wait3A_57 = tpu.memref_slice %arg5[%dma_wait3A_55, %dma_wait3A_56] : memref<10000x128xf32, #tpu.memory_space<hbm>> -> memref<10000x128xf32, #tpu.memory_space<hbm>>
    tpu.wait_indirect_dma semaphore(%arg12 : memref<!tpu.dma_semaphore, #tpu.memory_space<semaphore_mem>>) src(%dma_wait3A_57 : memref<10000x128xf32, #tpu.memory_space<hbm>>) dst(%dma_wait3A_51 : memref<128x128xf32, #tpu.memory_space<vmem>>)
    %scan3A_58 = arith.constant 0 : i32
    %scan3A_59 = arith.constant 0 : i32
    %scan3A_60 = arith.constant 128 : i32
    %scan3A_61 = arith.addi %scan3A_59, %scan3A_60 : i32
    %scan3A_62 = arith.constant 1 : i32
    %scan3A_63 = scf.for %scan3A_72 = %scan3A_59 to %scan3A_61 step %scan3A_62 iter_args(%scan3A_73 = %scan3A_58) -> (i32)  : i32 {
      %get3A = arith.constant 0 : i32
      %get3A_74 = arith.index_cast %get3A : i32 to index
      %get3A_75 = arith.index_cast %scan3A_72 : i32 to index
      %get3A_76 = arith.constant 0 : index
      %get3A_77 = tpu.vector_load %arg9[%get3A_74, %get3A_75, %get3A_76] {strides = array<i32>} : memref<2x128x128xf32, #tpu.memory_space<vmem>>, vector<1x1x16xf32>,
      %get3A_78 = vector.shape_cast %get3A_77 : vector<1x1x16xf32> to vector<16xf32>
      %get3A_79 = arith.constant 0 : i32
      %get3A_80 = arith.index_cast %get3A_79 : i32 to index
      %get3A_81 = arith.index_cast %scan3A_72 : i32 to index
      %get3A_82 = arith.constant 0 : index
      %get3A_83 = tpu.vector_load %arg10[%get3A_80, %get3A_81, %get3A_82] {strides = array<i32>} : memref<2x128x128xf32, #tpu.memory_space<vmem>>, vector<1x1x16xf32>,
      %get3A_84 = vector.shape_cast %get3A_83 : vector<1x1x16xf32> to vector<16xf32>
      %add3A_85 = arith.addf %get3A_78, %get3A_84 : vector<16xf32>
      %swap3A = arith.constant 0 : i32
      %swap3A_86 = arith.index_cast %swap3A : i32 to index
      %swap3A_87 = arith.index_cast %scan3A_72 : i32 to index
      %swap3A_88 = arith.constant 0 : index
      %swap3A_89 = tpu.vector_load %arg9[%swap3A_86, %swap3A_87, %swap3A_88] {strides = array<i32>} : memref<2x128x128xf32, #tpu.memory_space<vmem>>, vector<1x1x16xf32>,
      %swap3A_90 = vector.shape_cast %swap3A_89 : vector<1x1x16xf32> to vector<16xf32>
      %swap3A_91 = vector.shape_cast %add3A_85 : vector<16xf32> to vector<1x1x16xf32>
      tpu.vector_store %arg9[%swap3A_86, %swap3A_87, %swap3A_88], %swap3A_91 {strides = array<i32>} : memref<2x128x128xf32, #tpu.memory_space<vmem>>, vector<1x1x16xf32>,
      %get3A_92 = arith.constant 0 : i32
      %get3A_93 = arith.index_cast %get3A_92 : i32 to index
      %get3A_94 = arith.index_cast %scan3A_72 : i32 to index
      %get3A_95 = arith.constant 16 : index
      %get3A_96 = tpu.vector_load %arg9[%get3A_93, %get3A_94, %get3A_95] {strides = array<i32>} : memref<2x128x128xf32, #tpu.memory_space<vmem>>, vector<1x1x16xf32>,
      %get3A_97 = vector.shape_cast %get3A_96 : vector<1x1x16xf32> to vector<16xf32>
      %get3A_98 = arith.constant 0 : i32
      %get3A_99 = arith.index_cast %get3A_98 : i32 to index
      %get3A_100 = arith.index_cast %scan3A_72 : i32 to index
      %get3A_101 = arith.constant 16 : index
      %get3A_102 = tpu.vector_load %arg10[%get3A_99, %get3A_100, %get3A_101] {strides = array<i32>} : memref<2x128x128xf32, #tpu.memory_space<vmem>>, vector<1x1x16xf32>,
      %get3A_103 = vector.shape_cast %get3A_102 : vector<1x1x16xf32> to vector<16xf32>
      %add3A_104 = arith.addf %get3A_97, %get3A_103 : vector<16xf32>
      %swap3A_105 = arith.constant 0 : i32
      %swap3A_106 = arith.index_cast %swap3A_105 : i32 to index
      %swap3A_107 = arith.index_cast %scan3A_72 : i32 to index
      %swap3A_108 = arith.constant 16 : index
      %swap3A_109 = tpu.vector_load %arg9[%swap3A_106, %swap3A_107, %swap3A_108] {strides = array<i32>} : memref<2x128x128xf32, #tpu.memory_space<vmem>>, vector<1x1x16xf32>,
      %swap3A_110 = vector.shape_cast %swap3A_109 : vector<1x1x16xf32> to vector<16xf32>
      %swap3A_111 = vector.shape_cast %add3A_104 : vector<16xf32> to vector<1x1x16xf32>
      tpu.vector_store %arg9[%swap3A_106, %swap3A_107, %swap3A_108], %swap3A_111 {strides = array<i32>} : memref<2x128x128xf32, #tpu.memory_space<vmem>>, vector<1x1x16xf32>,
      %get3A_112 = arith.constant 0 : i32
      %get3A_113 = arith.index_cast %get3A_112 : i32 to index
      %get3A_114 = arith.index_cast %scan3A_72 : i32 to index
      %get3A_115 = arith.constant 32 : index
      %get3A_116 = tpu.vector_load %arg9[%get3A_113, %get3A_114, %get3A_115] {strides = array<i32>} : memref<2x128x128xf32, #tpu.memory_space<vmem>>, vector<1x1x16xf32>,
      %get3A_117 = vector.shape_cast %get3A_116 : vector<1x1x16xf32> to vector<16xf32>
      %get3A_118 = arith.constant 0 : i32
      %get3A_119 = arith.index_cast %get3A_118 : i32 to index
      %get3A_120 = arith.index_cast %scan3A_72 : i32 to index
      %get3A_121 = arith.constant 32 : index
      %get3A_122 = tpu.vector_load %arg10[%get3A_119, %get3A_120, %get3A_121] {strides = array<i32>} : memref<2x128x128xf32, #tpu.memory_space<vmem>>, vector<1x1x16xf32>,
      %get3A_123 = vector.shape_cast %get3A_122 : vector<1x1x16xf32> to vector<16xf32>
      %add3A_124 = arith.addf %get3A_117, %get3A_123 : vector<16xf32>
      %swap3A_125 = arith.constant 0 : i32
      %swap3A_126 = arith.index_cast %swap3A_125 : i32 to index
      %swap3A_127 = arith.index_cast %scan3A_72 : i32 to index
      %swap3A_128 = arith.constant 32 : index
      %swap3A_129 = tpu.vector_load %arg9[%swap3A_126, %swap3A_127, %swap3A_128] {strides = array<i32>} : memref<2x128x128xf32, #tpu.memory_space<vmem>>, vector<1x1x16xf32>,
      %swap3A_130 = vector.shape_cast %swap3A_129 : vector<1x1x16xf32> to vector<16xf32>
      %swap3A_131 = vector.shape_cast %add3A_124 : vector<16xf32> to vector<1x1x16xf32>
      tpu.vector_store %arg9[%swap3A_126, %swap3A_127, %swap3A_128], %swap3A_131 {strides = array<i32>} : memref<2x128x128xf32, #tpu.memory_space<vmem>>, vector<1x1x16xf32>,
      %get3A_132 = arith.constant 0 : i32
      %get3A_133 = arith.index_cast %get3A_132 : i32 to index
      %get3A_134 = arith.index_cast %scan3A_72 : i32 to index
      %get3A_135 = arith.constant 48 : index
      %get3A_136 = tpu.vector_load %arg9[%get3A_133, %get3A_134, %get3A_135] {strides = array<i32>} : memref<2x128x128xf32, #tpu.memory_space<vmem>>, vector<1x1x16xf32>,
      %get3A_137 = vector.shape_cast %get3A_136 : vector<1x1x16xf32> to vector<16xf32>
      %get3A_138 = arith.constant 0 : i32
      %get3A_139 = arith.index_cast %get3A_138 : i32 to index
      %get3A_140 = arith.index_cast %scan3A_72 : i32 to index
      %get3A_141 = arith.constant 48 : index
      %get3A_142 = tpu.vector_load %arg10[%get3A_139, %get3A_140, %get3A_141] {strides = array<i32>} : memref<2x128x128xf32, #tpu.memory_space<vmem>>, vector<1x1x16xf32>,
      %get3A_143 = vector.shape_cast %get3A_142 : vector<1x1x16xf32> to vector<16xf32>
      %add3A_144 = arith.addf %get3A_137, %get3A_143 : vector<16xf32>
      %swap3A_145 = arith.constant 0 : i32
      %swap3A_146 = arith.index_cast %swap3A_145 : i32 to index
      %swap3A_147 = arith.index_cast %scan3A_72 : i32 to index
      %swap3A_148 = arith.constant 48 : index
      %swap3A_149 = tpu.vector_load %arg9[%swap3A_146, %swap3A_147, %swap3A_148] {strides = array<i32>} : memref<2x128x128xf32, #tpu.memory_space<vmem>>, vector<1x1x16xf32>,
      %swap3A_150 = vector.shape_cast %swap3A_149 : vector<1x1x16xf32> to vector<16xf32>
      %swap3A_151 = vector.shape_cast %add3A_144 : vector<16xf32> to vector<1x1x16xf32>
      tpu.vector_store %arg9[%swap3A_146, %swap3A_147, %swap3A_148], %swap3A_151 {strides = array<i32>} : memref<2x128x128xf32, #tpu.memory_space<vmem>>, vector<1x1x16xf32>,
      %get3A_152 = arith.constant 0 : i32
      %get3A_153 = arith.index_cast %get3A_152 : i32 to index
      %get3A_154 = arith.index_cast %scan3A_72 : i32 to index
      %get3A_155 = arith.constant 64 : index
      %get3A_156 = tpu.vector_load %arg9[%get3A_153, %get3A_154, %get3A_155] {strides = array<i32>} : memref<2x128x128xf32, #tpu.memory_space<vmem>>, vector<1x1x16xf32>,
      %get3A_157 = vector.shape_cast %get3A_156 : vector<1x1x16xf32> to vector<16xf32>
      %get3A_158 = arith.constant 0 : i32
      %get3A_159 = arith.index_cast %get3A_158 : i32 to index
      %get3A_160 = arith.index_cast %scan3A_72 : i32 to index
      %get3A_161 = arith.constant 64 : index
      %get3A_162 = tpu.vector_load %arg10[%get3A_159, %get3A_160, %get3A_161] {strides = array<i32>} : memref<2x128x128xf32, #tpu.memory_space<vmem>>, vector<1x1x16xf32>,
      %get3A_163 = vector.shape_cast %get3A_162 : vector<1x1x16xf32> to vector<16xf32>
      %add3A_164 = arith.addf %get3A_157, %get3A_163 : vector<16xf32>
      %swap3A_165 = arith.constant 0 : i32
      %swap3A_166 = arith.index_cast %swap3A_165 : i32 to index
      %swap3A_167 = arith.index_cast %scan3A_72 : i32 to index
      %swap3A_168 = arith.constant 64 : index
      %swap3A_169 = tpu.vector_load %arg9[%swap3A_166, %swap3A_167, %swap3A_168] {strides = array<i32>} : memref<2x128x128xf32, #tpu.memory_space<vmem>>, vector<1x1x16xf32>,
      %swap3A_170 = vector.shape_cast %swap3A_169 : vector<1x1x16xf32> to vector<16xf32>
      %swap3A_171 = vector.shape_cast %add3A_164 : vector<16xf32> to vector<1x1x16xf32>
      tpu.vector_store %arg9[%swap3A_166, %swap3A_167, %swap3A_168], %swap3A_171 {strides = array<i32>} : memref<2x128x128xf32, #tpu.memory_space<vmem>>, vector<1x1x16xf32>,
      %get3A_172 = arith.constant 0 : i32
      %get3A_173 = arith.index_cast %get3A_172 : i32 to index
      %get3A_174 = arith.index_cast %scan3A_72 : i32 to index
      %get3A_175 = arith.constant 80 : index
      %get3A_176 = tpu.vector_load %arg9[%get3A_173, %get3A_174, %get3A_175] {strides = array<i32>} : memref<2x128x128xf32, #tpu.memory_space<vmem>>, vector<1x1x16xf32>,
      %get3A_177 = vector.shape_cast %get3A_176 : vector<1x1x16xf32> to vector<16xf32>
      %get3A_178 = arith.constant 0 : i32
      %get3A_179 = arith.index_cast %get3A_178 : i32 to index
      %get3A_180 = arith.index_cast %scan3A_72 : i32 to index
      %get3A_181 = arith.constant 80 : index
      %get3A_182 = tpu.vector_load %arg10[%get3A_179, %get3A_180, %get3A_181] {strides = array<i32>} : memref<2x128x128xf32, #tpu.memory_space<vmem>>, vector<1x1x16xf32>,
      %get3A_183 = vector.shape_cast %get3A_182 : vector<1x1x16xf32> to vector<16xf32>
      %add3A_184 = arith.addf %get3A_177, %get3A_183 : vector<16xf32>
      %swap3A_185 = arith.constant 0 : i32
      %swap3A_186 = arith.index_cast %swap3A_185 : i32 to index
      %swap3A_187 = arith.index_cast %scan3A_72 : i32 to index
      %swap3A_188 = arith.constant 80 : index
      %swap3A_189 = tpu.vector_load %arg9[%swap3A_186, %swap3A_187, %swap3A_188] {strides = array<i32>} : memref<2x128x128xf32, #tpu.memory_space<vmem>>, vector<1x1x16xf32>,
      %swap3A_190 = vector.shape_cast %swap3A_189 : vector<1x1x16xf32> to vector<16xf32>
      %swap3A_191 = vector.shape_cast %add3A_184 : vector<16xf32> to vector<1x1x16xf32>
      tpu.vector_store %arg9[%swap3A_186, %swap3A_187, %swap3A_188], %swap3A_191 {strides = array<i32>} : memref<2x128x128xf32, #tpu.memory_space<vmem>>, vector<1x1x16xf32>,
      %get3A_192 = arith.constant 0 : i32
      %get3A_193 = arith.index_cast %get3A_192 : i32 to index
      %get3A_194 = arith.index_cast %scan3A_72 : i32 to index
      %get3A_195 = arith.constant 96 : index
      %get3A_196 = tpu.vector_load %arg9[%get3A_193, %get3A_194, %get3A_195] {strides = array<i32>} : memref<2x128x128xf32, #tpu.memory_space<vmem>>, vector<1x1x16xf32>,
      %get3A_197 = vector.shape_cast %get3A_196 : vector<1x1x16xf32> to vector<16xf32>
      %get3A_198 = arith.constant 0 : i32
      %get3A_199 = arith.index_cast %get3A_198 : i32 to index
      %get3A_200 = arith.index_cast %scan3A_72 : i32 to index
      %get3A_201 = arith.constant 96 : index
      %get3A_202 = tpu.vector_load %arg10[%get3A_199, %get3A_200, %get3A_201] {strides = array<i32>} : memref<2x128x128xf32, #tpu.memory_space<vmem>>, vector<1x1x16xf32>,
      %get3A_203 = vector.shape_cast %get3A_202 : vector<1x1x16xf32> to vector<16xf32>
      %add3A_204 = arith.addf %get3A_197, %get3A_203 : vector<16xf32>
      %swap3A_205 = arith.constant 0 : i32
      %swap3A_206 = arith.index_cast %swap3A_205 : i32 to index
      %swap3A_207 = arith.index_cast %scan3A_72 : i32 to index
      %swap3A_208 = arith.constant 96 : index
      %swap3A_209 = tpu.vector_load %arg9[%swap3A_206, %swap3A_207, %swap3A_208] {strides = array<i32>} : memref<2x128x128xf32, #tpu.memory_space<vmem>>, vector<1x1x16xf32>,
      %swap3A_210 = vector.shape_cast %swap3A_209 : vector<1x1x16xf32> to vector<16xf32>
      %swap3A_211 = vector.shape_cast %add3A_204 : vector<16xf32> to vector<1x1x16xf32>
      tpu.vector_store %arg9[%swap3A_206, %swap3A_207, %swap3A_208], %swap3A_211 {strides = array<i32>} : memref<2x128x128xf32, #tpu.memory_space<vmem>>, vector<1x1x16xf32>,
      %get3A_212 = arith.constant 0 : i32
      %get3A_213 = arith.index_cast %get3A_212 : i32 to index
      %get3A_214 = arith.index_cast %scan3A_72 : i32 to index
      %get3A_215 = arith.constant 112 : index
      %get3A_216 = tpu.vector_load %arg9[%get3A_213, %get3A_214, %get3A_215] {strides = array<i32>} : memref<2x128x128xf32, #tpu.memory_space<vmem>>, vector<1x1x16xf32>,
      %get3A_217 = vector.shape_cast %get3A_216 : vector<1x1x16xf32> to vector<16xf32>
      %get3A_218 = arith.constant 0 : i32
      %get3A_219 = arith.index_cast %get3A_218 : i32 to index
      %get3A_220 = arith.index_cast %scan3A_72 : i32 to index
      %get3A_221 = arith.constant 112 : index
      %get3A_222 = tpu.vector_load %arg10[%get3A_219, %get3A_220, %get3A_221] {strides = array<i32>} : memref<2x128x128xf32, #tpu.memory_space<vmem>>, vector<1x1x16xf32>,
      %get3A_223 = vector.shape_cast %get3A_222 : vector<1x1x16xf32> to vector<16xf32>
      %add3A_224 = arith.addf %get3A_217, %get3A_223 : vector<16xf32>
      %swap3A_225 = arith.constant 0 : i32
      %swap3A_226 = arith.index_cast %swap3A_225 : i32 to index
      %swap3A_227 = arith.index_cast %scan3A_72 : i32 to index
      %swap3A_228 = arith.constant 112 : index
      %swap3A_229 = tpu.vector_load %arg9[%swap3A_226, %swap3A_227, %swap3A_228] {strides = array<i32>} : memref<2x128x128xf32, #tpu.memory_space<vmem>>, vector<1x1x16xf32>,
      %swap3A_230 = vector.shape_cast %swap3A_229 : vector<1x1x16xf32> to vector<16xf32>
      %swap3A_231 = vector.shape_cast %add3A_224 : vector<16xf32> to vector<1x1x16xf32>
      tpu.vector_store %arg9[%swap3A_226, %swap3A_227, %swap3A_228], %swap3A_231 {strides = array<i32>} : memref<2x128x128xf32, #tpu.memory_space<vmem>>, vector<1x1x16xf32>,
      %scan3A_232 = arith.constant 0 : i32
      scf.yield %scan3A_232 : i32
    }
    %scan3A_64 = arith.constant 128 : i32
    %add3A_65 = arith.constant 1216 : i32
    %add3A_66 = arith.addi %add3A, %add3A_65 : i32
    %mul3A_67 = arith.constant 128 : i32
    %mul3A_68 = arith.muli %add3A_66, %mul3A_67 : i32
    %run_scoped3A_69 = arith.constant 0 : i32
    "tpu.region"() ({
      %run_scoped3A_72 = tpu.sem_alloc : memref<!tpu.dma_semaphore, #tpu.memory_space<semaphore_mem>>
      %dma_start3A_73 = arith.constant 0 : i32
      %dma_start3A_74 = arith.constant 0 : i32
      %dma_start3A_75 = tpu.memref_slice %arg9[%run_scoped3A_69, %dma_start3A_73, %dma_start3A_74] : memref<2x128x128xf32, #tpu.memory_space<vmem>> -> memref<1x128x128xf32, #tpu.memory_space<vmem>>
      %dma_start3A_76 = tpu.memref_squeeze %dma_start3A_75 : memref<1x128x128xf32, #tpu.memory_space<vmem>> -> memref<128x128xf32, #tpu.memory_space<vmem>>
      %dma_start3A_77 = arith.constant 0 : i32
      %dma_start3A_78 = tpu.memref_slice %arg6[%mul3A_68, %dma_start3A_77] : memref<160000x128xf32, #tpu.memory_space<hbm>> -> memref<128x128xf32, #tpu.memory_space<hbm>>
      %dma_start3A_79 = arith.constant 0 : i32
      %dma_start3A_80 = tpu.memref_slice %arg6[%mul3A_68, %dma_start3A_79] : memref<160000x128xf32, #tpu.memory_space<hbm>> -> memref<128x128xf32, #tpu.memory_space<hbm>>
      %dma_start3A_81 = arith.constant 0 : i32
      %dma_start3A_82 = arith.constant 0 : i32
      %dma_start3A_83 = tpu.memref_slice %arg9[%run_scoped3A_69, %dma_start3A_81, %dma_start3A_82] : memref<2x128x128xf32, #tpu.memory_space<vmem>> -> memref<1x128x128xf32, #tpu.memory_space<vmem>>
      %dma_start3A_84 = tpu.memref_squeeze %dma_start3A_83 : memref<1x128x128xf32, #tpu.memory_space<vmem>> -> memref<128x128xf32, #tpu.memory_space<vmem>>
      tpu.enqueue_dma source(%dma_start3A_84 : memref<128x128xf32, #tpu.memory_space<vmem>>) target(%dma_start3A_80 : memref<128x128xf32, #tpu.memory_space<hbm>>) target_semaphore(%run_scoped3A_72 : memref<!tpu.dma_semaphore, #tpu.memory_space<semaphore_mem>>)
      %dma_wait3A_85 = arith.constant 0 : i32
      %dma_wait3A_86 = arith.constant 0 : i32
      %dma_wait3A_87 = tpu.memref_slice %arg9[%run_scoped3A_69, %dma_wait3A_85, %dma_wait3A_86] : memref<2x128x128xf32, #tpu.memory_space<vmem>> -> memref<1x128x128xf32, #tpu.memory_space<vmem>>
      %dma_wait3A_88 = tpu.memref_squeeze %dma_wait3A_87 : memref<1x128x128xf32, #tpu.memory_space<vmem>> -> memref<128x128xf32, #tpu.memory_space<vmem>>
      %dma_wait3A_89 = arith.constant 0 : i32
      %dma_wait3A_90 = tpu.memref_slice %arg6[%mul3A_68, %dma_wait3A_89] : memref<160000x128xf32, #tpu.memory_space<hbm>> -> memref<128x128xf32, #tpu.memory_space<hbm>>
      %dma_wait3A_91 = arith.constant 0 : i32
      %dma_wait3A_92 = tpu.memref_slice %arg6[%mul3A_68, %dma_wait3A_91] : memref<160000x128xf32, #tpu.memory_space<hbm>> -> memref<128x128xf32, #tpu.memory_space<hbm>>
      %dma_wait3A_93 = arith.constant 0 : i32
      %dma_wait3A_94 = arith.constant 0 : i32
      %dma_wait3A_95 = tpu.memref_slice %arg9[%run_scoped3A_69, %dma_wait3A_93, %dma_wait3A_94] : memref<2x128x128xf32, #tpu.memory_space<vmem>> -> memref<1x128x128xf32, #tpu.memory_space<vmem>>
      %dma_wait3A_96 = tpu.memref_squeeze %dma_wait3A_95 : memref<1x128x128xf32, #tpu.memory_space<vmem>> -> memref<128x128xf32, #tpu.memory_space<vmem>>
      tpu.wait_dma2 semaphore(%run_scoped3A_72 : memref<!tpu.dma_semaphore, #tpu.memory_space<semaphore_mem>>) src(%dma_wait3A_96 : memref<128x128xf32, #tpu.memory_space<vmem>>) dst(%dma_wait3A_92 : memref<128x128xf32, #tpu.memory_space<hbm>>)
      tpu.yield
    }) : () -> ()
    %lt3A = arith.constant 2 : i32
    %lt3A_70 = arith.cmpi slt, %add3A, %lt3A : i32
    %convert_element_type3A = arith.extui %lt3A_70 : i1 to i32
    %cond3A = arith.constant 0 : i32
    %cond3A_71 = arith.cmpi ne, %convert_element_type3A, %cond3A : i32
    scf.if %cond3A_71 {
      %add3A_72 = arith.constant 1248 : i32
      %add3A_73 = arith.addi %add3A, %add3A_72 : i32
      %mul3A_74 = arith.constant 128 : i32
      %mul3A_75 = arith.muli %add3A_73, %mul3A_74 : i32
      %run_scoped3A_76 = arith.constant 0 : i32
      "tpu.region"() ({
        %run_scoped3A_138 = tpu.sem_alloc : memref<!tpu.dma_semaphore, #tpu.memory_space<semaphore_mem>>
        %dma_start3A_139 = arith.constant 0 : i32
        %dma_start3A_140 = tpu.memref_slice %arg7[%run_scoped3A_76, %dma_start3A_139] : memref<2x128xi32, #tpu.memory_space<vmem>> -> memref<1x128xi32, #tpu.memory_space<vmem>>
        %dma_start3A_141 = tpu.memref_squeeze %dma_start3A_140 : memref<1x128xi32, #tpu.memory_space<vmem>> -> memref<128xi32, #tpu.memory_space<vmem>>
        %dma_start3A_142 = tpu.memref_slice %arg2[%mul3A_75] : memref<160000xi32, #tpu.memory_space<hbm>> -> memref<128xi32, #tpu.memory_space<hbm>>
        %dma_start3A_143 = arith.constant 0 : i32
        %dma_start3A_144 = tpu.memref_slice %arg7[%run_scoped3A_76, %dma_start3A_143] : memref<2x128xi32, #tpu.memory_space<vmem>> -> memref<1x128xi32, #tpu.memory_space<vmem>>
        %dma_start3A_145 = tpu.memref_squeeze %dma_start3A_144 : memref<1x128xi32, #tpu.memory_space<vmem>> -> memref<128xi32, #tpu.memory_space<vmem>>
        %dma_start3A_146 = tpu.memref_slice %arg2[%mul3A_75] : memref<160000xi32, #tpu.memory_space<hbm>> -> memref<128xi32, #tpu.memory_space<hbm>>
        tpu.enqueue_dma source(%dma_start3A_146 : memref<128xi32, #tpu.memory_space<hbm>>) target(%dma_start3A_145 : memref<128xi32, #tpu.memory_space<vmem>>) target_semaphore(%run_scoped3A_138 : memref<!tpu.dma_semaphore, #tpu.memory_space<semaphore_mem>>)
        %dma_wait3A_147 = arith.constant 0 : i32
        %dma_wait3A_148 = tpu.memref_slice %arg7[%run_scoped3A_76, %dma_wait3A_147] : memref<2x128xi32, #tpu.memory_space<vmem>> -> memref<1x128xi32, #tpu.memory_space<vmem>>
        %dma_wait3A_149 = tpu.memref_squeeze %dma_wait3A_148 : memref<1x128xi32, #tpu.memory_space<vmem>> -> memref<128xi32, #tpu.memory_space<vmem>>
        %dma_wait3A_150 = tpu.memref_slice %arg2[%mul3A_75] : memref<160000xi32, #tpu.memory_space<hbm>> -> memref<128xi32, #tpu.memory_space<hbm>>
        %dma_wait3A_151 = arith.constant 0 : i32
        %dma_wait3A_152 = tpu.memref_slice %arg7[%run_scoped3A_76, %dma_wait3A_151] : memref<2x128xi32, #tpu.memory_space<vmem>> -> memref<1x128xi32, #tpu.memory_space<vmem>>
        %dma_wait3A_153 = tpu.memref_squeeze %dma_wait3A_152 : memref<1x128xi32, #tpu.memory_space<vmem>> -> memref<128xi32, #tpu.memory_space<vmem>>
        %dma_wait3A_154 = tpu.memref_slice %arg2[%mul3A_75] : memref<160000xi32, #tpu.memory_space<hbm>> -> memref<128xi32, #tpu.memory_space<hbm>>
        tpu.wait_dma2 semaphore(%run_scoped3A_138 : memref<!tpu.dma_semaphore, #tpu.memory_space<semaphore_mem>>) src(%dma_wait3A_154 : memref<128xi32, #tpu.memory_space<hbm>>) dst(%dma_wait3A_153 : memref<128xi32, #tpu.memory_space<vmem>>)
        tpu.yield
      }) : () -> ()
      %run_scoped3A_77 = arith.constant 0 : i32
      "tpu.region"() ({
        %run_scoped3A_138 = tpu.sem_alloc : memref<!tpu.dma_semaphore, #tpu.memory_space<semaphore_mem>>
        %dma_start3A_139 = arith.constant 0 : i32
        %dma_start3A_140 = tpu.memref_slice %arg8[%run_scoped3A_77, %dma_start3A_139] : memref<2x128xi32, #tpu.memory_space<vmem>> -> memref<1x128xi32, #tpu.memory_space<vmem>>
        %dma_start3A_141 = tpu.memref_squeeze %dma_start3A_140 : memref<1x128xi32, #tpu.memory_space<vmem>> -> memref<128xi32, #tpu.memory_space<vmem>>
        %dma_start3A_142 = tpu.memref_slice %arg3[%mul3A_75] : memref<160000xi32, #tpu.memory_space<hbm>> -> memref<128xi32, #tpu.memory_space<hbm>>
        %dma_start3A_143 = arith.constant 0 : i32
        %dma_start3A_144 = tpu.memref_slice %arg8[%run_scoped3A_77, %dma_start3A_143] : memref<2x128xi32, #tpu.memory_space<vmem>> -> memref<1x128xi32, #tpu.memory_space<vmem>>
        %dma_start3A_145 = tpu.memref_squeeze %dma_start3A_144 : memref<1x128xi32, #tpu.memory_space<vmem>> -> memref<128xi32, #tpu.memory_space<vmem>>
        %dma_start3A_146 = tpu.memref_slice %arg3[%mul3A_75] : memref<160000xi32, #tpu.memory_space<hbm>> -> memref<128xi32, #tpu.memory_space<hbm>>
        tpu.enqueue_dma source(%dma_start3A_146 : memref<128xi32, #tpu.memory_space<hbm>>) target(%dma_start3A_145 : memref<128xi32, #tpu.memory_space<vmem>>) target_semaphore(%run_scoped3A_138 : memref<!tpu.dma_semaphore, #tpu.memory_space<semaphore_mem>>)
        %dma_wait3A_147 = arith.constant 0 : i32
        %dma_wait3A_148 = tpu.memref_slice %arg8[%run_scoped3A_77, %dma_wait3A_147] : memref<2x128xi32, #tpu.memory_space<vmem>> -> memref<1x128xi32, #tpu.memory_space<vmem>>
        %dma_wait3A_149 = tpu.memref_squeeze %dma_wait3A_148 : memref<1x128xi32, #tpu.memory_space<vmem>> -> memref<128xi32, #tpu.memory_space<vmem>>
        %dma_wait3A_150 = tpu.memref_slice %arg3[%mul3A_75] : memref<160000xi32, #tpu.memory_space<hbm>> -> memref<128xi32, #tpu.memory_space<hbm>>
        %dma_wait3A_151 = arith.constant 0 : i32
        %dma_wait3A_152 = tpu.memref_slice %arg8[%run_scoped3A_77, %dma_wait3A_151] : memref<2x128xi32, #tpu.memory_space<vmem>> -> memref<1x128xi32, #tpu.memory_space<vmem>>
        %dma_wait3A_153 = tpu.memref_squeeze %dma_wait3A_152 : memref<1x128xi32, #tpu.memory_space<vmem>> -> memref<128xi32, #tpu.memory_space<vmem>>
        %dma_wait3A_154 = tpu.memref_slice %arg3[%mul3A_75] : memref<160000xi32, #tpu.memory_space<hbm>> -> memref<128xi32, #tpu.memory_space<hbm>>
        tpu.wait_dma2 semaphore(%run_scoped3A_138 : memref<!tpu.dma_semaphore, #tpu.memory_space<semaphore_mem>>) src(%dma_wait3A_154 : memref<128xi32, #tpu.memory_space<hbm>>) dst(%dma_wait3A_153 : memref<128xi32, #tpu.memory_space<vmem>>)
        tpu.yield
      }) : () -> ()
      %dma_start3A_78 = arith.constant 0 : i32
      %dma_start3A_79 = arith.constant 0 : i32
      %dma_start3A_80 = arith.constant 0 : i32
      %dma_start3A_81 = arith.constant 0 : i32
      %dma_start3A_82 = tpu.memref_slice %arg9[%dma_start3A_79, %dma_start3A_80, %dma_start3A_81] : memref<2x128x128xf32, #tpu.memory_space<vmem>> -> memref<1x128x128xf32, #tpu.memory_space<vmem>>
      %dma_start3A_83 = tpu.memref_squeeze %dma_start3A_82 : memref<1x128x128xf32, #tpu.memory_space<vmem>> -> memref<128x128xf32, #tpu.memory_space<vmem>>
      %dma_start3A_84 = arith.constant 0 : i32
      %dma_start3A_85 = tpu.memref_slice %arg7[%dma_start3A_78, %dma_start3A_84] : memref<2x128xi32, #tpu.memory_space<vmem>> -> memref<1x128xi32, #tpu.memory_space<vmem>>
      %dma_start3A_86 = tpu.memref_squeeze %dma_start3A_85 : memref<1x128xi32, #tpu.memory_space<vmem>> -> memref<128xi32, #tpu.memory_space<vmem>>
      %dma_start3A_87 = arith.constant 0 : i32
      %dma_start3A_88 = arith.constant 0 : i32
      %dma_start3A_89 = tpu.memref_slice %arg4[%dma_start3A_87, %dma_start3A_88] : memref<10000x128xf32, #tpu.memory_space<hbm>> -> memref<10000x128xf32, #tpu.memory_space<hbm>>
      tpu.enqueue_indirect_dma source(%dma_start3A_89 : memref<10000x128xf32, #tpu.memory_space<hbm>>) target(%dma_start3A_83 : memref<128x128xf32, #tpu.memory_space<vmem>>) offsets(%dma_start3A_86 : memref<128xi32, #tpu.memory_space<vmem>>) semaphore(%arg11 : memref<!tpu.dma_semaphore, #tpu.memory_space<semaphore_mem>>)
      %dma_start3A_90 = arith.constant 0 : i32
      %dma_start3A_91 = arith.constant 0 : i32
      %dma_start3A_92 = arith.constant 0 : i32
      %dma_start3A_93 = arith.constant 0 : i32
      %dma_start3A_94 = tpu.memref_slice %arg10[%dma_start3A_91, %dma_start3A_92, %dma_start3A_93] : memref<2x128x128xf32, #tpu.memory_space<vmem>> -> memref<1x128x128xf32, #tpu.memory_space<vmem>>
      %dma_start3A_95 = tpu.memref_squeeze %dma_start3A_94 : memref<1x128x128xf32, #tpu.memory_space<vmem>> -> memref<128x128xf32, #tpu.memory_space<vmem>>
      %dma_start3A_96 = arith.constant 0 : i32
      %dma_start3A_97 = tpu.memref_slice %arg8[%dma_start3A_90, %dma_start3A_96] : memref<2x128xi32, #tpu.memory_space<vmem>> -> memref<1x128xi32, #tpu.memory_space<vmem>>
      %dma_start3A_98 = tpu.memref_squeeze %dma_start3A_97 : memref<1x128xi32, #tpu.memory_space<vmem>> -> memref<128xi32, #tpu.memory_space<vmem>>
      %dma_start3A_99 = arith.constant 0 : i32
      %dma_start3A_100 = arith.constant 0 : i32
      %dma_start3A_101 = tpu.memref_slice %arg5[%dma_start3A_99, %dma_start3A_100] : memref<10000x128xf32, #tpu.memory_space<hbm>> -> memref<10000x128xf32, #tpu.memory_space<hbm>>
      tpu.enqueue_indirect_dma source(%dma_start3A_101 : memref<10000x128xf32, #tpu.memory_space<hbm>>) target(%dma_start3A_95 : memref<128x128xf32, #tpu.memory_space<vmem>>) offsets(%dma_start3A_98 : memref<128xi32, #tpu.memory_space<vmem>>) semaphore(%arg12 : memref<!tpu.dma_semaphore, #tpu.memory_space<semaphore_mem>>)
      %dma_wait3A_102 = arith.constant 0 : i32
      %dma_wait3A_103 = arith.constant 0 : i32
      %dma_wait3A_104 = arith.constant 0 : i32
      %dma_wait3A_105 = arith.constant 0 : i32
      %dma_wait3A_106 = tpu.memref_slice %arg9[%dma_wait3A_103, %dma_wait3A_104, %dma_wait3A_105] : memref<2x128x128xf32, #tpu.memory_space<vmem>> -> memref<1x128x128xf32, #tpu.memory_space<vmem>>
      %dma_wait3A_107 = tpu.memref_squeeze %dma_wait3A_106 : memref<1x128x128xf32, #tpu.memory_space<vmem>> -> memref<128x128xf32, #tpu.memory_space<vmem>>
      %dma_wait3A_108 = arith.constant 0 : i32
      %dma_wait3A_109 = tpu.memref_slice %arg7[%dma_wait3A_102, %dma_wait3A_108] : memref<2x128xi32, #tpu.memory_space<vmem>> -> memref<1x128xi32, #tpu.memory_space<vmem>>
      %dma_wait3A_110 = tpu.memref_squeeze %dma_wait3A_109 : memref<1x128xi32, #tpu.memory_space<vmem>> -> memref<128xi32, #tpu.memory_space<vmem>>
      %dma_wait3A_111 = arith.constant 0 : i32
      %dma_wait3A_112 = arith.constant 0 : i32
      %dma_wait3A_113 = tpu.memref_slice %arg4[%dma_wait3A_111, %dma_wait3A_112] : memref<10000x128xf32, #tpu.memory_space<hbm>> -> memref<10000x128xf32, #tpu.memory_space<hbm>>
      tpu.wait_indirect_dma semaphore(%arg11 : memref<!tpu.dma_semaphore, #tpu.memory_space<semaphore_mem>>) src(%dma_wait3A_113 : memref<10000x128xf32, #tpu.memory_space<hbm>>) dst(%dma_wait3A_107 : memref<128x128xf32, #tpu.memory_space<vmem>>)
      %dma_wait3A_114 = arith.constant 0 : i32
      %dma_wait3A_115 = arith.constant 0 : i32
      %dma_wait3A_116 = arith.constant 0 : i32
      %dma_wait3A_117 = arith.constant 0 : i32
      %dma_wait3A_118 = tpu.memref_slice %arg10[%dma_wait3A_115, %dma_wait3A_116, %dma_wait3A_117] : memref<2x128x128xf32, #tpu.memory_space<vmem>> -> memref<1x128x128xf32, #tpu.memory_space<vmem>>
      %dma_wait3A_119 = tpu.memref_squeeze %dma_wait3A_118 : memref<1x128x128xf32, #tpu.memory_space<vmem>> -> memref<128x128xf32, #tpu.memory_space<vmem>>
      %dma_wait3A_120 = arith.constant 0 : i32
      %dma_wait3A_121 = tpu.memref_slice %arg8[%dma_wait3A_114, %dma_wait3A_120] : memref<2x128xi32, #tpu.memory_space<vmem>> -> memref<1x128xi32, #tpu.memory_space<vmem>>
      %dma_wait3A_122 = tpu.memref_squeeze %dma_wait3A_121 : memref<1x128xi32, #tpu.memory_space<vmem>> -> memref<128xi32, #tpu.memory_space<vmem>>
      %dma_wait3A_123 = arith.constant 0 : i32
      %dma_wait3A_124 = arith.constant 0 : i32
      %dma_wait3A_125 = tpu.memref_slice %arg5[%dma_wait3A_123, %dma_wait3A_124] : memref<10000x128xf32, #tpu.memory_space<hbm>> -> memref<10000x128xf32, #tpu.memory_space<hbm>>
      tpu.wait_indirect_dma semaphore(%arg12 : memref<!tpu.dma_semaphore, #tpu.memory_space<semaphore_mem>>) src(%dma_wait3A_125 : memref<10000x128xf32, #tpu.memory_space<hbm>>) dst(%dma_wait3A_119 : memref<128x128xf32, #tpu.memory_space<vmem>>)
      %scan3A_126 = arith.constant 0 : i32
      %scan3A_127 = arith.constant 0 : i32
      %scan3A_128 = arith.constant 128 : i32
      %scan3A_129 = arith.addi %scan3A_127, %scan3A_128 : i32
      %scan3A_130 = arith.constant 1 : i32
      %scan3A_131 = scf.for %scan3A_138 = %scan3A_127 to %scan3A_129 step %scan3A_130 iter_args(%scan3A_139 = %scan3A_126) -> (i32)  : i32 {
        %get3A = arith.constant 0 : i32
        %get3A_140 = arith.index_cast %get3A : i32 to index
        %get3A_141 = arith.index_cast %scan3A_138 : i32 to index
        %get3A_142 = arith.constant 0 : index
        %get3A_143 = tpu.vector_load %arg9[%get3A_140, %get3A_141, %get3A_142] {strides = array<i32>} : memref<2x128x128xf32, #tpu.memory_space<vmem>>, vector<1x1x16xf32>,
        %get3A_144 = vector.shape_cast %get3A_143 : vector<1x1x16xf32> to vector<16xf32>
        %get3A_145 = arith.constant 0 : i32
        %get3A_146 = arith.index_cast %get3A_145 : i32 to index
        %get3A_147 = arith.index_cast %scan3A_138 : i32 to index
        %get3A_148 = arith.constant 0 : index
        %get3A_149 = tpu.vector_load %arg10[%get3A_146, %get3A_147, %get3A_148] {strides = array<i32>} : memref<2x128x128xf32, #tpu.memory_space<vmem>>, vector<1x1x16xf32>,
        %get3A_150 = vector.shape_cast %get3A_149 : vector<1x1x16xf32> to vector<16xf32>
        %add3A_151 = arith.addf %get3A_144, %get3A_150 : vector<16xf32>
        %swap3A = arith.constant 0 : i32
        %swap3A_152 = arith.index_cast %swap3A : i32 to index
        %swap3A_153 = arith.index_cast %scan3A_138 : i32 to index
        %swap3A_154 = arith.constant 0 : index
        %swap3A_155 = tpu.vector_load %arg9[%swap3A_152, %swap3A_153, %swap3A_154] {strides = array<i32>} : memref<2x128x128xf32, #tpu.memory_space<vmem>>, vector<1x1x16xf32>,
        %swap3A_156 = vector.shape_cast %swap3A_155 : vector<1x1x16xf32> to vector<16xf32>
        %swap3A_157 = vector.shape_cast %add3A_151 : vector<16xf32> to vector<1x1x16xf32>
        tpu.vector_store %arg9[%swap3A_152, %swap3A_153, %swap3A_154], %swap3A_157 {strides = array<i32>} : memref<2x128x128xf32, #tpu.memory_space<vmem>>, vector<1x1x16xf32>,
        %get3A_158 = arith.constant 0 : i32
        %get3A_159 = arith.index_cast %get3A_158 : i32 to index
        %get3A_160 = arith.index_cast %scan3A_138 : i32 to index
        %get3A_161 = arith.constant 16 : index
        %get3A_162 = tpu.vector_load %arg9[%get3A_159, %get3A_160, %get3A_161] {strides = array<i32>} : memref<2x128x128xf32, #tpu.memory_space<vmem>>, vector<1x1x16xf32>,
        %get3A_163 = vector.shape_cast %get3A_162 : vector<1x1x16xf32> to vector<16xf32>
        %get3A_164 = arith.constant 0 : i32
        %get3A_165 = arith.index_cast %get3A_164 : i32 to index
        %get3A_166 = arith.index_cast %scan3A_138 : i32 to index
        %get3A_167 = arith.constant 16 : index
        %get3A_168 = tpu.vector_load %arg10[%get3A_165, %get3A_166, %get3A_167] {strides = array<i32>} : memref<2x128x128xf32, #tpu.memory_space<vmem>>, vector<1x1x16xf32>,
        %get3A_169 = vector.shape_cast %get3A_168 : vector<1x1x16xf32> to vector<16xf32>
        %add3A_170 = arith.addf %get3A_163, %get3A_169 : vector<16xf32>
        %swap3A_171 = arith.constant 0 : i32
        %swap3A_172 = arith.index_cast %swap3A_171 : i32 to index
        %swap3A_173 = arith.index_cast %scan3A_138 : i32 to index
        %swap3A_174 = arith.constant 16 : index
        %swap3A_175 = tpu.vector_load %arg9[%swap3A_172, %swap3A_173, %swap3A_174] {strides = array<i32>} : memref<2x128x128xf32, #tpu.memory_space<vmem>>, vector<1x1x16xf32>,
        %swap3A_176 = vector.shape_cast %swap3A_175 : vector<1x1x16xf32> to vector<16xf32>
        %swap3A_177 = vector.shape_cast %add3A_170 : vector<16xf32> to vector<1x1x16xf32>
        tpu.vector_store %arg9[%swap3A_172, %swap3A_173, %swap3A_174], %swap3A_177 {strides = array<i32>} : memref<2x128x128xf32, #tpu.memory_space<vmem>>, vector<1x1x16xf32>,
        %get3A_178 = arith.constant 0 : i32
        %get3A_179 = arith.index_cast %get3A_178 : i32 to index
        %get3A_180 = arith.index_cast %scan3A_138 : i32 to index
        %get3A_181 = arith.constant 32 : index
        %get3A_182 = tpu.vector_load %arg9[%get3A_179, %get3A_180, %get3A_181] {strides = array<i32>} : memref<2x128x128xf32, #tpu.memory_space<vmem>>, vector<1x1x16xf32>,
        %get3A_183 = vector.shape_cast %get3A_182 : vector<1x1x16xf32> to vector<16xf32>
        %get3A_184 = arith.constant 0 : i32
        %get3A_185 = arith.index_cast %get3A_184 : i32 to index
        %get3A_186 = arith.index_cast %scan3A_138 : i32 to index
        %get3A_187 = arith.constant 32 : index
        %get3A_188 = tpu.vector_load %arg10[%get3A_185, %get3A_186, %get3A_187] {strides = array<i32>} : memref<2x128x128xf32, #tpu.memory_space<vmem>>, vector<1x1x16xf32>,
        %get3A_189 = vector.shape_cast %get3A_188 : vector<1x1x16xf32> to vector<16xf32>
        %add3A_190 = arith.addf %get3A_183, %get3A_189 : vector<16xf32>
        %swap3A_191 = arith.constant 0 : i32
        %swap3A_192 = arith.index_cast %swap3A_191 : i32 to index
        %swap3A_193 = arith.index_cast %scan3A_138 : i32 to index
        %swap3A_194 = arith.constant 32 : index
        %swap3A_195 = tpu.vector_load %arg9[%swap3A_192, %swap3A_193, %swap3A_194] {strides = array<i32>} : memref<2x128x128xf32, #tpu.memory_space<vmem>>, vector<1x1x16xf32>,
        %swap3A_196 = vector.shape_cast %swap3A_195 : vector<1x1x16xf32> to vector<16xf32>
        %swap3A_197 = vector.shape_cast %add3A_190 : vector<16xf32> to vector<1x1x16xf32>
        tpu.vector_store %arg9[%swap3A_192, %swap3A_193, %swap3A_194], %swap3A_197 {strides = array<i32>} : memref<2x128x128xf32, #tpu.memory_space<vmem>>, vector<1x1x16xf32>,
        %get3A_198 = arith.constant 0 : i32
        %get3A_199 = arith.index_cast %get3A_198 : i32 to index
        %get3A_200 = arith.index_cast %scan3A_138 : i32 to index
        %get3A_201 = arith.constant 48 : index
        %get3A_202 = tpu.vector_load %arg9[%get3A_199, %get3A_200, %get3A_201] {strides = array<i32>} : memref<2x128x128xf32, #tpu.memory_space<vmem>>, vector<1x1x16xf32>,
        %get3A_203 = vector.shape_cast %get3A_202 : vector<1x1x16xf32> to vector<16xf32>
        %get3A_204 = arith.constant 0 : i32
        %get3A_205 = arith.index_cast %get3A_204 : i32 to index
        %get3A_206 = arith.index_cast %scan3A_138 : i32 to index
        %get3A_207 = arith.constant 48 : index
        %get3A_208 = tpu.vector_load %arg10[%get3A_205, %get3A_206, %get3A_207] {strides = array<i32>} : memref<2x128x128xf32, #tpu.memory_space<vmem>>, vector<1x1x16xf32>,
        %get3A_209 = vector.shape_cast %get3A_208 : vector<1x1x16xf32> to vector<16xf32>
        %add3A_210 = arith.addf %get3A_203, %get3A_209 : vector<16xf32>
        %swap3A_211 = arith.constant 0 : i32
        %swap3A_212 = arith.index_cast %swap3A_211 : i32 to index
        %swap3A_213 = arith.index_cast %scan3A_138 : i32 to index
        %swap3A_214 = arith.constant 48 : index
        %swap3A_215 = tpu.vector_load %arg9[%swap3A_212, %swap3A_213, %swap3A_214] {strides = array<i32>} : memref<2x128x128xf32, #tpu.memory_space<vmem>>, vector<1x1x16xf32>,
        %swap3A_216 = vector.shape_cast %swap3A_215 : vector<1x1x16xf32> to vector<16xf32>
        %swap3A_217 = vector.shape_cast %add3A_210 : vector<16xf32> to vector<1x1x16xf32>
        tpu.vector_store %arg9[%swap3A_212, %swap3A_213, %swap3A_214], %swap3A_217 {strides = array<i32>} : memref<2x128x128xf32, #tpu.memory_space<vmem>>, vector<1x1x16xf32>,
        %get3A_218 = arith.constant 0 : i32
        %get3A_219 = arith.index_cast %get3A_218 : i32 to index
        %get3A_220 = arith.index_cast %scan3A_138 : i32 to index
        %get3A_221 = arith.constant 64 : index
        %get3A_222 = tpu.vector_load %arg9[%get3A_219, %get3A_220, %get3A_221] {strides = array<i32>} : memref<2x128x128xf32, #tpu.memory_space<vmem>>, vector<1x1x16xf32>,
        %get3A_223 = vector.shape_cast %get3A_222 : vector<1x1x16xf32> to vector<16xf32>
        %get3A_224 = arith.constant 0 : i32
        %get3A_225 = arith.index_cast %get3A_224 : i32 to index
        %get3A_226 = arith.index_cast %scan3A_138 : i32 to index
        %get3A_227 = arith.constant 64 : index
        %get3A_228 = tpu.vector_load %arg10[%get3A_225, %get3A_226, %get3A_227] {strides = array<i32>} : memref<2x128x128xf32, #tpu.memory_space<vmem>>, vector<1x1x16xf32>,
        %get3A_229 = vector.shape_cast %get3A_228 : vector<1x1x16xf32> to vector<16xf32>
        %add3A_230 = arith.addf %get3A_223, %get3A_229 : vector<16xf32>
        %swap3A_231 = arith.constant 0 : i32
        %swap3A_232 = arith.index_cast %swap3A_231 : i32 to index
        %swap3A_233 = arith.index_cast %scan3A_138 : i32 to index
        %swap3A_234 = arith.constant 64 : index
        %swap3A_235 = tpu.vector_load %arg9[%swap3A_232, %swap3A_233, %swap3A_234] {strides = array<i32>} : memref<2x128x128xf32, #tpu.memory_space<vmem>>, vector<1x1x16xf32>,
        %swap3A_236 = vector.shape_cast %swap3A_235 : vector<1x1x16xf32> to vector<16xf32>
        %swap3A_237 = vector.shape_cast %add3A_230 : vector<16xf32> to vector<1x1x16xf32>
        tpu.vector_store %arg9[%swap3A_232, %swap3A_233, %swap3A_234], %swap3A_237 {strides = array<i32>} : memref<2x128x128xf32, #tpu.memory_space<vmem>>, vector<1x1x16xf32>,
        %get3A_238 = arith.constant 0 : i32
        %get3A_239 = arith.index_cast %get3A_238 : i32 to index
        %get3A_240 = arith.index_cast %scan3A_138 : i32 to index
        %get3A_241 = arith.constant 80 : index
        %get3A_242 = tpu.vector_load %arg9[%get3A_239, %get3A_240, %get3A_241] {strides = array<i32>} : memref<2x128x128xf32, #tpu.memory_space<vmem>>, vector<1x1x16xf32>,
        %get3A_243 = vector.shape_cast %get3A_242 : vector<1x1x16xf32> to vector<16xf32>
        %get3A_244 = arith.constant 0 : i32
        %get3A_245 = arith.index_cast %get3A_244 : i32 to index
        %get3A_246 = arith.index_cast %scan3A_138 : i32 to index
        %get3A_247 = arith.constant 80 : index
        %get3A_248 = tpu.vector_load %arg10[%get3A_245, %get3A_246, %get3A_247] {strides = array<i32>} : memref<2x128x128xf32, #tpu.memory_space<vmem>>, vector<1x1x16xf32>,
        %get3A_249 = vector.shape_cast %get3A_248 : vector<1x1x16xf32> to vector<16xf32>
        %add3A_250 = arith.addf %get3A_243, %get3A_249 : vector<16xf32>
        %swap3A_251 = arith.constant 0 : i32
        %swap3A_252 = arith.index_cast %swap3A_251 : i32 to index
        %swap3A_253 = arith.index_cast %scan3A_138 : i32 to index
        %swap3A_254 = arith.constant 80 : index
        %swap3A_255 = tpu.vector_load %arg9[%swap3A_252, %swap3A_253, %swap3A_254] {strides = array<i32>} : memref<2x128x128xf32, #tpu.memory_space<vmem>>, vector<1x1x16xf32>,
        %swap3A_256 = vector.shape_cast %swap3A_255 : vector<1x1x16xf32> to vector<16xf32>
        %swap3A_257 = vector.shape_cast %add3A_250 : vector<16xf32> to vector<1x1x16xf32>
        tpu.vector_store %arg9[%swap3A_252, %swap3A_253, %swap3A_254], %swap3A_257 {strides = array<i32>} : memref<2x128x128xf32, #tpu.memory_space<vmem>>, vector<1x1x16xf32>,
        %get3A_258 = arith.constant 0 : i32
        %get3A_259 = arith.index_cast %get3A_258 : i32 to index
        %get3A_260 = arith.index_cast %scan3A_138 : i32 to index
        %get3A_261 = arith.constant 96 : index
        %get3A_262 = tpu.vector_load %arg9[%get3A_259, %get3A_260, %get3A_261] {strides = array<i32>} : memref<2x128x128xf32, #tpu.memory_space<vmem>>, vector<1x1x16xf32>,
        %get3A_263 = vector.shape_cast %get3A_262 : vector<1x1x16xf32> to vector<16xf32>
        %get3A_264 = arith.constant 0 : i32
        %get3A_265 = arith.index_cast %get3A_264 : i32 to index
        %get3A_266 = arith.index_cast %scan3A_138 : i32 to index
        %get3A_267 = arith.constant 96 : index
        %get3A_268 = tpu.vector_load %arg10[%get3A_265, %get3A_266, %get3A_267] {strides = array<i32>} : memref<2x128x128xf32, #tpu.memory_space<vmem>>, vector<1x1x16xf32>,
        %get3A_269 = vector.shape_cast %get3A_268 : vector<1x1x16xf32> to vector<16xf32>
        %add3A_270 = arith.addf %get3A_263, %get3A_269 : vector<16xf32>
        %swap3A_271 = arith.constant 0 : i32
        %swap3A_272 = arith.index_cast %swap3A_271 : i32 to index
        %swap3A_273 = arith.index_cast %scan3A_138 : i32 to index
        %swap3A_274 = arith.constant 96 : index
        %swap3A_275 = tpu.vector_load %arg9[%swap3A_272, %swap3A_273, %swap3A_274] {strides = array<i32>} : memref<2x128x128xf32, #tpu.memory_space<vmem>>, vector<1x1x16xf32>,
        %swap3A_276 = vector.shape_cast %swap3A_275 : vector<1x1x16xf32> to vector<16xf32>
        %swap3A_277 = vector.shape_cast %add3A_270 : vector<16xf32> to vector<1x1x16xf32>
        tpu.vector_store %arg9[%swap3A_272, %swap3A_273, %swap3A_274], %swap3A_277 {strides = array<i32>} : memref<2x128x128xf32, #tpu.memory_space<vmem>>, vector<1x1x16xf32>,
        %get3A_278 = arith.constant 0 : i32
        %get3A_279 = arith.index_cast %get3A_278 : i32 to index
        %get3A_280 = arith.index_cast %scan3A_138 : i32 to index
        %get3A_281 = arith.constant 112 : index
        %get3A_282 = tpu.vector_load %arg9[%get3A_279, %get3A_280, %get3A_281] {strides = array<i32>} : memref<2x128x128xf32, #tpu.memory_space<vmem>>, vector<1x1x16xf32>,
        %get3A_283 = vector.shape_cast %get3A_282 : vector<1x1x16xf32> to vector<16xf32>
        %get3A_284 = arith.constant 0 : i32
        %get3A_285 = arith.index_cast %get3A_284 : i32 to index
        %get3A_286 = arith.index_cast %scan3A_138 : i32 to index
        %get3A_287 = arith.constant 112 : index
        %get3A_288 = tpu.vector_load %arg10[%get3A_285, %get3A_286, %get3A_287] {strides = array<i32>} : memref<2x128x128xf32, #tpu.memory_space<vmem>>, vector<1x1x16xf32>,
        %get3A_289 = vector.shape_cast %get3A_288 : vector<1x1x16xf32> to vector<16xf32>
        %add3A_290 = arith.addf %get3A_283, %get3A_289 : vector<16xf32>
        %swap3A_291 = arith.constant 0 : i32
        %swap3A_292 = arith.index_cast %swap3A_291 : i32 to index
        %swap3A_293 = arith.index_cast %scan3A_138 : i32 to index
        %swap3A_294 = arith.constant 112 : index
        %swap3A_295 = tpu.vector_load %arg9[%swap3A_292, %swap3A_293, %swap3A_294] {strides = array<i32>} : memref<2x128x128xf32, #tpu.memory_space<vmem>>, vector<1x1x16xf32>,
        %swap3A_296 = vector.shape_cast %swap3A_295 : vector<1x1x16xf32> to vector<16xf32>
        %swap3A_297 = vector.shape_cast %add3A_290 : vector<16xf32> to vector<1x1x16xf32>
        tpu.vector_store %arg9[%swap3A_292, %swap3A_293, %swap3A_294], %swap3A_297 {strides = array<i32>} : memref<2x128x128xf32, #tpu.memory_space<vmem>>, vector<1x1x16xf32>,
        %scan3A_298 = arith.constant 0 : i32
        scf.yield %scan3A_298 : i32
      }
      %scan3A_132 = arith.constant 128 : i32
      %add3A_133 = arith.constant 1248 : i32
      %add3A_134 = arith.addi %add3A, %add3A_133 : i32
      %mul3A_135 = arith.constant 128 : i32
      %mul3A_136 = arith.muli %add3A_134, %mul3A_135 : i32
      %run_scoped3A_137 = arith.constant 0 : i32
      "tpu.region"() ({
        %run_scoped3A_138 = tpu.sem_alloc : memref<!tpu.dma_semaphore, #tpu.memory_space<semaphore_mem>>
        %dma_start3A_139 = arith.constant 0 : i32
        %dma_start3A_140 = arith.constant 0 : i32
        %dma_start3A_141 = tpu.memref_slice %arg9[%run_scoped3A_137, %dma_start3A_139, %dma_start3A_140] : memref<2x128x128xf32, #tpu.memory_space<vmem>> -> memref<1x128x128xf32, #tpu.memory_space<vmem>>
        %dma_start3A_142 = tpu.memref_squeeze %dma_start3A_141 : memref<1x128x128xf32, #tpu.memory_space<vmem>> -> memref<128x128xf32, #tpu.memory_space<vmem>>
        %dma_start3A_143 = arith.constant 0 : i32
        %dma_start3A_144 = tpu.memref_slice %arg6[%mul3A_136, %dma_start3A_143] : memref<160000x128xf32, #tpu.memory_space<hbm>> -> memref<128x128xf32, #tpu.memory_space<hbm>>
        %dma_start3A_145 = arith.constant 0 : i32
        %dma_start3A_146 = tpu.memref_slice %arg6[%mul3A_136, %dma_start3A_145] : memref<160000x128xf32, #tpu.memory_space<hbm>> -> memref<128x128xf32, #tpu.memory_space<hbm>>
        %dma_start3A_147 = arith.constant 0 : i32
        %dma_start3A_148 = arith.constant 0 : i32
        %dma_start3A_149 = tpu.memref_slice %arg9[%run_scoped3A_137, %dma_start3A_147, %dma_start3A_148] : memref<2x128x128xf32, #tpu.memory_space<vmem>> -> memref<1x128x128xf32, #tpu.memory_space<vmem>>
        %dma_start3A_150 = tpu.memref_squeeze %dma_start3A_149 : memref<1x128x128xf32, #tpu.memory_space<vmem>> -> memref<128x128xf32, #tpu.memory_space<vmem>>
        tpu.enqueue_dma source(%dma_start3A_150 : memref<128x128xf32, #tpu.memory_space<vmem>>) target(%dma_start3A_146 : memref<128x128xf32, #tpu.memory_space<hbm>>) target_semaphore(%run_scoped3A_138 : memref<!tpu.dma_semaphore, #tpu.memory_space<semaphore_mem>>)
        %dma_wait3A_151 = arith.constant 0 : i32
        %dma_wait3A_152 = arith.constant 0 : i32
        %dma_wait3A_153 = tpu.memref_slice %arg9[%run_scoped3A_137, %dma_wait3A_151, %dma_wait3A_152] : memref<2x128x128xf32, #tpu.memory_space<vmem>> -> memref<1x128x128xf32, #tpu.memory_space<vmem>>
        %dma_wait3A_154 = tpu.memref_squeeze %dma_wait3A_153 : memref<1x128x128xf32, #tpu.memory_space<vmem>> -> memref<128x128xf32, #tpu.memory_space<vmem>>
        %dma_wait3A_155 = arith.constant 0 : i32
        %dma_wait3A_156 = tpu.memref_slice %arg6[%mul3A_136, %dma_wait3A_155] : memref<160000x128xf32, #tpu.memory_space<hbm>> -> memref<128x128xf32, #tpu.memory_space<hbm>>
        %dma_wait3A_157 = arith.constant 0 : i32
        %dma_wait3A_158 = tpu.memref_slice %arg6[%mul3A_136, %dma_wait3A_157] : memref<160000x128xf32, #tpu.memory_space<hbm>> -> memref<128x128xf32, #tpu.memory_space<hbm>>
        %dma_wait3A_159 = arith.constant 0 : i32
        %dma_wait3A_160 = arith.constant 0 : i32
        %dma_wait3A_161 = tpu.memref_slice %arg9[%run_scoped3A_137, %dma_wait3A_159, %dma_wait3A_160] : memref<2x128x128xf32, #tpu.memory_space<vmem>> -> memref<1x128x128xf32, #tpu.memory_space<vmem>>
        %dma_wait3A_162 = tpu.memref_squeeze %dma_wait3A_161 : memref<1x128x128xf32, #tpu.memory_space<vmem>> -> memref<128x128xf32, #tpu.memory_space<vmem>>
        tpu.wait_dma2 semaphore(%run_scoped3A_138 : memref<!tpu.dma_semaphore, #tpu.memory_space<semaphore_mem>>) src(%dma_wait3A_162 : memref<128x128xf32, #tpu.memory_space<vmem>>) dst(%dma_wait3A_158 : memref<128x128xf32, #tpu.memory_space<hbm>>)
        tpu.yield
      }) : () -> ()
    } else {
    }
    return
  }
}

#map = affine_map<(d0, d1) -> (0)>
#map1 = affine_map<(d0, d1) -> (0, 0, 0)>
#map2 = affine_map<(d0, d1) -> (0, 0)>
module attributes {stable_mosaic.version = 14 : i64} {
  func.func @_k4_body(%arg0: i32, %arg1: i32, %arg2: memref<160000xi32, #tpu.memory_space<hbm>>, %arg3: memref<2x160000x128xf32, #tpu.memory_space<hbm>>, %arg4: memref<1000x128xf32, #tpu.memory_space<hbm>>, %arg5: memref<2x10000x128xf32, #tpu.memory_space<hbm>>, %arg6: memref<3x128xi32, #tpu.memory_space<vmem>>, %arg7: memref<3x128x128xf32, #tpu.memory_space<vmem>>, %arg8: memref<10000x128xf32, #tpu.memory_space<vmem_shared>>, %arg9: memref<!tpu.dma_semaphore, #tpu.memory_space<semaphore_mem>>, %arg10: memref<!tpu.dma_semaphore, #tpu.memory_space<semaphore_mem>>, %arg11: memref<!tpu.dma_semaphore, #tpu.memory_space<semaphore_mem>>) attributes {dimension_semantics = [#tpu.dimension_semantics<core_parallel>, #tpu.dimension_semantics<subcore_parallel>], iteration_bounds = array<i64: 2, 16>, scalar_prefetch = 0 : i64, scratch_operands = 6 : i64, tpu.core_type = #tpu.core_type<sc_vector_subcore>, window_params = [{transform_indices = #map}, {transform_indices = #map1}, {transform_indices = #map2}, {transform_indices = #map1}]} {
    %lt3A = arith.constant 10 : i32
    %lt3A_0 = arith.cmpi slt, %arg1, %lt3A : i32
    %convert_element_type3A = arith.extui %lt3A_0 : i1 to i32
    %cond3A = arith.constant 0 : i32
    %cond3A_1 = arith.cmpi ne, %convert_element_type3A, %cond3A : i32
    scf.if %cond3A_1 {
      %mul3A = arith.constant 1000 : i32
      %mul3A_19 = arith.muli %arg1, %mul3A : i32
      "tpu.region"() ({
        %run_scoped3A = tpu.sem_alloc : memref<!tpu.dma_semaphore, #tpu.memory_space<semaphore_mem>>
        %dma_start3A = arith.constant 0 : i32
        %dma_start3A_20 = tpu.memref_slice %arg8[%mul3A_19, %dma_start3A] : memref<10000x128xf32, #tpu.memory_space<vmem_shared>> -> memref<1000x128xf32, #tpu.memory_space<vmem_shared>>
        tpu.enqueue_dma source(%arg4 : memref<1000x128xf32, #tpu.memory_space<hbm>>) target(%dma_start3A_20 : memref<1000x128xf32, #tpu.memory_space<vmem_shared>>) target_semaphore(%run_scoped3A : memref<!tpu.dma_semaphore, #tpu.memory_space<semaphore_mem>>)
        %dma_wait3A = arith.constant 0 : i32
        %dma_wait3A_21 = tpu.memref_slice %arg8[%mul3A_19, %dma_wait3A] : memref<10000x128xf32, #tpu.memory_space<vmem_shared>> -> memref<1000x128xf32, #tpu.memory_space<vmem_shared>>
        tpu.wait_dma2 semaphore(%run_scoped3A : memref<!tpu.dma_semaphore, #tpu.memory_space<semaphore_mem>>) src(%arg4 : memref<1000x128xf32, #tpu.memory_space<hbm>>) dst(%dma_wait3A_21 : memref<1000x128xf32, #tpu.memory_space<vmem_shared>>)
        tpu.yield
      }) : () -> ()
    } else {
    }
    %barrier3A = arith.constant 0 : index
    tpu.barrier barrier_id(%barrier3A)
    %scan3A = arith.constant 0 : i32
    %scan3A_2 = arith.constant 0 : i32
    %scan3A_3 = arith.constant 26 : i32
    %scan3A_4 = arith.addi %scan3A_2, %scan3A_3 : i32
    %scan3A_5 = arith.constant 1 : i32
    %scan3A_6 = scf.for %scan3A_19 = %scan3A_2 to %scan3A_4 step %scan3A_5 iter_args(%scan3A_20 = %scan3A) -> (i32)  : i32 {
      %mul3A = arith.constant 3 : i32
      %mul3A_21 = arith.muli %mul3A, %scan3A_19 : i32
      %add3A = arith.constant 0 : i32
      %add3A_22 = arith.addi %mul3A_21, %add3A : i32
      %mul3A_23 = arith.constant 16 : i32
      %mul3A_24 = arith.muli %mul3A_23, %add3A_22 : i32
      %add3A_25 = arith.addi %arg1, %mul3A_24 : i32
      %mul3A_26 = arith.constant 128 : i32
      %mul3A_27 = arith.muli %add3A_25, %mul3A_26 : i32
      %run_scoped3A = arith.constant 0 : i32
      "tpu.region"() ({
        %run_scoped3A_143 = tpu.sem_alloc : memref<!tpu.dma_semaphore, #tpu.memory_space<semaphore_mem>>
        %dma_start3A_144 = arith.constant 0 : i32
        %dma_start3A_145 = tpu.memref_slice %arg6[%run_scoped3A, %dma_start3A_144] : memref<3x128xi32, #tpu.memory_space<vmem>> -> memref<1x128xi32, #tpu.memory_space<vmem>>
        %dma_start3A_146 = tpu.memref_squeeze %dma_start3A_145 : memref<1x128xi32, #tpu.memory_space<vmem>> -> memref<128xi32, #tpu.memory_space<vmem>>
        %dma_start3A_147 = tpu.memref_slice %arg2[%mul3A_27] : memref<160000xi32, #tpu.memory_space<hbm>> -> memref<128xi32, #tpu.memory_space<hbm>>
        %dma_start3A_148 = arith.constant 0 : i32
        %dma_start3A_149 = tpu.memref_slice %arg6[%run_scoped3A, %dma_start3A_148] : memref<3x128xi32, #tpu.memory_space<vmem>> -> memref<1x128xi32, #tpu.memory_space<vmem>>
        %dma_start3A_150 = tpu.memref_squeeze %dma_start3A_149 : memref<1x128xi32, #tpu.memory_space<vmem>> -> memref<128xi32, #tpu.memory_space<vmem>>
        %dma_start3A_151 = tpu.memref_slice %arg2[%mul3A_27] : memref<160000xi32, #tpu.memory_space<hbm>> -> memref<128xi32, #tpu.memory_space<hbm>>
        tpu.enqueue_dma source(%dma_start3A_151 : memref<128xi32, #tpu.memory_space<hbm>>) target(%dma_start3A_150 : memref<128xi32, #tpu.memory_space<vmem>>) target_semaphore(%run_scoped3A_143 : memref<!tpu.dma_semaphore, #tpu.memory_space<semaphore_mem>>)
        %dma_wait3A_152 = arith.constant 0 : i32
        %dma_wait3A_153 = tpu.memref_slice %arg6[%run_scoped3A, %dma_wait3A_152] : memref<3x128xi32, #tpu.memory_space<vmem>> -> memref<1x128xi32, #tpu.memory_space<vmem>>
        %dma_wait3A_154 = tpu.memref_squeeze %dma_wait3A_153 : memref<1x128xi32, #tpu.memory_space<vmem>> -> memref<128xi32, #tpu.memory_space<vmem>>
        %dma_wait3A_155 = tpu.memref_slice %arg2[%mul3A_27] : memref<160000xi32, #tpu.memory_space<hbm>> -> memref<128xi32, #tpu.memory_space<hbm>>
        %dma_wait3A_156 = arith.constant 0 : i32
        %dma_wait3A_157 = tpu.memref_slice %arg6[%run_scoped3A, %dma_wait3A_156] : memref<3x128xi32, #tpu.memory_space<vmem>> -> memref<1x128xi32, #tpu.memory_space<vmem>>
        %dma_wait3A_158 = tpu.memref_squeeze %dma_wait3A_157 : memref<1x128xi32, #tpu.memory_space<vmem>> -> memref<128xi32, #tpu.memory_space<vmem>>
        %dma_wait3A_159 = tpu.memref_slice %arg2[%mul3A_27] : memref<160000xi32, #tpu.memory_space<hbm>> -> memref<128xi32, #tpu.memory_space<hbm>>
        tpu.wait_dma2 semaphore(%run_scoped3A_143 : memref<!tpu.dma_semaphore, #tpu.memory_space<semaphore_mem>>) src(%dma_wait3A_159 : memref<128xi32, #tpu.memory_space<hbm>>) dst(%dma_wait3A_158 : memref<128xi32, #tpu.memory_space<vmem>>)
        tpu.yield
      }) : () -> ()
      %dma_start3A = arith.constant 0 : i32
      %dma_start3A_28 = arith.constant 0 : i32
      %dma_start3A_29 = arith.constant 0 : i32
      %dma_start3A_30 = tpu.memref_slice %arg7[%dma_start3A, %dma_start3A_28, %dma_start3A_29] : memref<3x128x128xf32, #tpu.memory_space<vmem>> -> memref<1x128x128xf32, #tpu.memory_space<vmem>>
      %dma_start3A_31 = tpu.memref_squeeze %dma_start3A_30 : memref<1x128x128xf32, #tpu.memory_space<vmem>> -> memref<128x128xf32, #tpu.memory_space<vmem>>
      %dma_start3A_32 = arith.constant 0 : i32
      %dma_start3A_33 = tpu.memref_slice %arg3[%arg0, %mul3A_27, %dma_start3A_32] : memref<2x160000x128xf32, #tpu.memory_space<hbm>> -> memref<1x128x128xf32, #tpu.memory_space<hbm>>
      %dma_start3A_34 = tpu.memref_squeeze %dma_start3A_33 : memref<1x128x128xf32, #tpu.memory_space<hbm>> -> memref<128x128xf32, #tpu.memory_space<hbm>>
      %dma_start3A_35 = arith.constant 0 : i32
      %dma_start3A_36 = arith.constant 0 : i32
      %dma_start3A_37 = tpu.memref_slice %arg7[%dma_start3A, %dma_start3A_35, %dma_start3A_36] : memref<3x128x128xf32, #tpu.memory_space<vmem>> -> memref<1x128x128xf32, #tpu.memory_space<vmem>>
      %dma_start3A_38 = tpu.memref_squeeze %dma_start3A_37 : memref<1x128x128xf32, #tpu.memory_space<vmem>> -> memref<128x128xf32, #tpu.memory_space<vmem>>
      %dma_start3A_39 = arith.constant 0 : i32
      %dma_start3A_40 = tpu.memref_slice %arg3[%arg0, %mul3A_27, %dma_start3A_39] : memref<2x160000x128xf32, #tpu.memory_space<hbm>> -> memref<1x128x128xf32, #tpu.memory_space<hbm>>
      %dma_start3A_41 = tpu.memref_squeeze %dma_start3A_40 : memref<1x128x128xf32, #tpu.memory_space<hbm>> -> memref<128x128xf32, #tpu.memory_space<hbm>>
      tpu.enqueue_dma source(%dma_start3A_41 : memref<128x128xf32, #tpu.memory_space<hbm>>) target(%dma_start3A_38 : memref<128x128xf32, #tpu.memory_space<vmem>>) target_semaphore(%arg9 : memref<!tpu.dma_semaphore, #tpu.memory_space<semaphore_mem>>)
      %mul3A_42 = arith.constant 3 : i32
      %mul3A_43 = arith.muli %mul3A_42, %scan3A_19 : i32
      %add3A_44 = arith.constant 1 : i32
      %add3A_45 = arith.addi %mul3A_43, %add3A_44 : i32
      %mul3A_46 = arith.constant 16 : i32
      %mul3A_47 = arith.muli %mul3A_46, %add3A_45 : i32
      %add3A_48 = arith.addi %arg1, %mul3A_47 : i32
      %mul3A_49 = arith.constant 128 : i32
      %mul3A_50 = arith.muli %add3A_48, %mul3A_49 : i32
      %run_scoped3A_51 = arith.constant 1 : i32
      "tpu.region"() ({
        %run_scoped3A_143 = tpu.sem_alloc : memref<!tpu.dma_semaphore, #tpu.memory_space<semaphore_mem>>
        %dma_start3A_144 = arith.constant 0 : i32
        %dma_start3A_145 = tpu.memref_slice %arg6[%run_scoped3A_51, %dma_start3A_144] : memref<3x128xi32, #tpu.memory_space<vmem>> -> memref<1x128xi32, #tpu.memory_space<vmem>>
        %dma_start3A_146 = tpu.memref_squeeze %dma_start3A_145 : memref<1x128xi32, #tpu.memory_space<vmem>> -> memref<128xi32, #tpu.memory_space<vmem>>
        %dma_start3A_147 = tpu.memref_slice %arg2[%mul3A_50] : memref<160000xi32, #tpu.memory_space<hbm>> -> memref<128xi32, #tpu.memory_space<hbm>>
        %dma_start3A_148 = arith.constant 0 : i32
        %dma_start3A_149 = tpu.memref_slice %arg6[%run_scoped3A_51, %dma_start3A_148] : memref<3x128xi32, #tpu.memory_space<vmem>> -> memref<1x128xi32, #tpu.memory_space<vmem>>
        %dma_start3A_150 = tpu.memref_squeeze %dma_start3A_149 : memref<1x128xi32, #tpu.memory_space<vmem>> -> memref<128xi32, #tpu.memory_space<vmem>>
        %dma_start3A_151 = tpu.memref_slice %arg2[%mul3A_50] : memref<160000xi32, #tpu.memory_space<hbm>> -> memref<128xi32, #tpu.memory_space<hbm>>
        tpu.enqueue_dma source(%dma_start3A_151 : memref<128xi32, #tpu.memory_space<hbm>>) target(%dma_start3A_150 : memref<128xi32, #tpu.memory_space<vmem>>) target_semaphore(%run_scoped3A_143 : memref<!tpu.dma_semaphore, #tpu.memory_space<semaphore_mem>>)
        %dma_wait3A_152 = arith.constant 0 : i32
        %dma_wait3A_153 = tpu.memref_slice %arg6[%run_scoped3A_51, %dma_wait3A_152] : memref<3x128xi32, #tpu.memory_space<vmem>> -> memref<1x128xi32, #tpu.memory_space<vmem>>
        %dma_wait3A_154 = tpu.memref_squeeze %dma_wait3A_153 : memref<1x128xi32, #tpu.memory_space<vmem>> -> memref<128xi32, #tpu.memory_space<vmem>>
        %dma_wait3A_155 = tpu.memref_slice %arg2[%mul3A_50] : memref<160000xi32, #tpu.memory_space<hbm>> -> memref<128xi32, #tpu.memory_space<hbm>>
        %dma_wait3A_156 = arith.constant 0 : i32
        %dma_wait3A_157 = tpu.memref_slice %arg6[%run_scoped3A_51, %dma_wait3A_156] : memref<3x128xi32, #tpu.memory_space<vmem>> -> memref<1x128xi32, #tpu.memory_space<vmem>>
        %dma_wait3A_158 = tpu.memref_squeeze %dma_wait3A_157 : memref<1x128xi32, #tpu.memory_space<vmem>> -> memref<128xi32, #tpu.memory_space<vmem>>
        %dma_wait3A_159 = tpu.memref_slice %arg2[%mul3A_50] : memref<160000xi32, #tpu.memory_space<hbm>> -> memref<128xi32, #tpu.memory_space<hbm>>
        tpu.wait_dma2 semaphore(%run_scoped3A_143 : memref<!tpu.dma_semaphore, #tpu.memory_space<semaphore_mem>>) src(%dma_wait3A_159 : memref<128xi32, #tpu.memory_space<hbm>>) dst(%dma_wait3A_158 : memref<128xi32, #tpu.memory_space<vmem>>)
        tpu.yield
      }) : () -> ()
      %dma_start3A_52 = arith.constant 1 : i32
      %dma_start3A_53 = arith.constant 0 : i32
      %dma_start3A_54 = arith.constant 0 : i32
      %dma_start3A_55 = tpu.memref_slice %arg7[%dma_start3A_52, %dma_start3A_53, %dma_start3A_54] : memref<3x128x128xf32, #tpu.memory_space<vmem>> -> memref<1x128x128xf32, #tpu.memory_space<vmem>>
      %dma_start3A_56 = tpu.memref_squeeze %dma_start3A_55 : memref<1x128x128xf32, #tpu.memory_space<vmem>> -> memref<128x128xf32, #tpu.memory_space<vmem>>
      %dma_start3A_57 = arith.constant 0 : i32
      %dma_start3A_58 = tpu.memref_slice %arg3[%arg0, %mul3A_50, %dma_start3A_57] : memref<2x160000x128xf32, #tpu.memory_space<hbm>> -> memref<1x128x128xf32, #tpu.memory_space<hbm>>
      %dma_start3A_59 = tpu.memref_squeeze %dma_start3A_58 : memref<1x128x128xf32, #tpu.memory_space<hbm>> -> memref<128x128xf32, #tpu.memory_space<hbm>>
      %dma_start3A_60 = arith.constant 0 : i32
      %dma_start3A_61 = arith.constant 0 : i32
      %dma_start3A_62 = tpu.memref_slice %arg7[%dma_start3A_52, %dma_start3A_60, %dma_start3A_61] : memref<3x128x128xf32, #tpu.memory_space<vmem>> -> memref<1x128x128xf32, #tpu.memory_space<vmem>>
      %dma_start3A_63 = tpu.memref_squeeze %dma_start3A_62 : memref<1x128x128xf32, #tpu.memory_space<vmem>> -> memref<128x128xf32, #tpu.memory_space<vmem>>
      %dma_start3A_64 = arith.constant 0 : i32
      %dma_start3A_65 = tpu.memref_slice %arg3[%arg0, %mul3A_50, %dma_start3A_64] : memref<2x160000x128xf32, #tpu.memory_space<hbm>> -> memref<1x128x128xf32, #tpu.memory_space<hbm>>
      %dma_start3A_66 = tpu.memref_squeeze %dma_start3A_65 : memref<1x128x128xf32, #tpu.memory_space<hbm>> -> memref<128x128xf32, #tpu.memory_space<hbm>>
      tpu.enqueue_dma source(%dma_start3A_66 : memref<128x128xf32, #tpu.memory_space<hbm>>) target(%dma_start3A_63 : memref<128x128xf32, #tpu.memory_space<vmem>>) target_semaphore(%arg10 : memref<!tpu.dma_semaphore, #tpu.memory_space<semaphore_mem>>)
      %mul3A_67 = arith.constant 3 : i32
      %mul3A_68 = arith.muli %mul3A_67, %scan3A_19 : i32
      %add3A_69 = arith.constant 2 : i32
      %add3A_70 = arith.addi %mul3A_68, %add3A_69 : i32
      %mul3A_71 = arith.constant 16 : i32
      %mul3A_72 = arith.muli %mul3A_71, %add3A_70 : i32
      %add3A_73 = arith.addi %arg1, %mul3A_72 : i32
      %mul3A_74 = arith.constant 128 : i32
      %mul3A_75 = arith.muli %add3A_73, %mul3A_74 : i32
      %run_scoped3A_76 = arith.constant 2 : i32
      "tpu.region"() ({
        %run_scoped3A_143 = tpu.sem_alloc : memref<!tpu.dma_semaphore, #tpu.memory_space<semaphore_mem>>
        %dma_start3A_144 = arith.constant 0 : i32
        %dma_start3A_145 = tpu.memref_slice %arg6[%run_scoped3A_76, %dma_start3A_144] : memref<3x128xi32, #tpu.memory_space<vmem>> -> memref<1x128xi32, #tpu.memory_space<vmem>>
        %dma_start3A_146 = tpu.memref_squeeze %dma_start3A_145 : memref<1x128xi32, #tpu.memory_space<vmem>> -> memref<128xi32, #tpu.memory_space<vmem>>
        %dma_start3A_147 = tpu.memref_slice %arg2[%mul3A_75] : memref<160000xi32, #tpu.memory_space<hbm>> -> memref<128xi32, #tpu.memory_space<hbm>>
        %dma_start3A_148 = arith.constant 0 : i32
        %dma_start3A_149 = tpu.memref_slice %arg6[%run_scoped3A_76, %dma_start3A_148] : memref<3x128xi32, #tpu.memory_space<vmem>> -> memref<1x128xi32, #tpu.memory_space<vmem>>
        %dma_start3A_150 = tpu.memref_squeeze %dma_start3A_149 : memref<1x128xi32, #tpu.memory_space<vmem>> -> memref<128xi32, #tpu.memory_space<vmem>>
        %dma_start3A_151 = tpu.memref_slice %arg2[%mul3A_75] : memref<160000xi32, #tpu.memory_space<hbm>> -> memref<128xi32, #tpu.memory_space<hbm>>
        tpu.enqueue_dma source(%dma_start3A_151 : memref<128xi32, #tpu.memory_space<hbm>>) target(%dma_start3A_150 : memref<128xi32, #tpu.memory_space<vmem>>) target_semaphore(%run_scoped3A_143 : memref<!tpu.dma_semaphore, #tpu.memory_space<semaphore_mem>>)
        %dma_wait3A_152 = arith.constant 0 : i32
        %dma_wait3A_153 = tpu.memref_slice %arg6[%run_scoped3A_76, %dma_wait3A_152] : memref<3x128xi32, #tpu.memory_space<vmem>> -> memref<1x128xi32, #tpu.memory_space<vmem>>
        %dma_wait3A_154 = tpu.memref_squeeze %dma_wait3A_153 : memref<1x128xi32, #tpu.memory_space<vmem>> -> memref<128xi32, #tpu.memory_space<vmem>>
        %dma_wait3A_155 = tpu.memref_slice %arg2[%mul3A_75] : memref<160000xi32, #tpu.memory_space<hbm>> -> memref<128xi32, #tpu.memory_space<hbm>>
        %dma_wait3A_156 = arith.constant 0 : i32
        %dma_wait3A_157 = tpu.memref_slice %arg6[%run_scoped3A_76, %dma_wait3A_156] : memref<3x128xi32, #tpu.memory_space<vmem>> -> memref<1x128xi32, #tpu.memory_space<vmem>>
        %dma_wait3A_158 = tpu.memref_squeeze %dma_wait3A_157 : memref<1x128xi32, #tpu.memory_space<vmem>> -> memref<128xi32, #tpu.memory_space<vmem>>
        %dma_wait3A_159 = tpu.memref_slice %arg2[%mul3A_75] : memref<160000xi32, #tpu.memory_space<hbm>> -> memref<128xi32, #tpu.memory_space<hbm>>
        tpu.wait_dma2 semaphore(%run_scoped3A_143 : memref<!tpu.dma_semaphore, #tpu.memory_space<semaphore_mem>>) src(%dma_wait3A_159 : memref<128xi32, #tpu.memory_space<hbm>>) dst(%dma_wait3A_158 : memref<128xi32, #tpu.memory_space<vmem>>)
        tpu.yield
      }) : () -> ()
      %dma_start3A_77 = arith.constant 2 : i32
      %dma_start3A_78 = arith.constant 0 : i32
      %dma_start3A_79 = arith.constant 0 : i32
      %dma_start3A_80 = tpu.memref_slice %arg7[%dma_start3A_77, %dma_start3A_78, %dma_start3A_79] : memref<3x128x128xf32, #tpu.memory_space<vmem>> -> memref<1x128x128xf32, #tpu.memory_space<vmem>>
      %dma_start3A_81 = tpu.memref_squeeze %dma_start3A_80 : memref<1x128x128xf32, #tpu.memory_space<vmem>> -> memref<128x128xf32, #tpu.memory_space<vmem>>
      %dma_start3A_82 = arith.constant 0 : i32
      %dma_start3A_83 = tpu.memref_slice %arg3[%arg0, %mul3A_75, %dma_start3A_82] : memref<2x160000x128xf32, #tpu.memory_space<hbm>> -> memref<1x128x128xf32, #tpu.memory_space<hbm>>
      %dma_start3A_84 = tpu.memref_squeeze %dma_start3A_83 : memref<1x128x128xf32, #tpu.memory_space<hbm>> -> memref<128x128xf32, #tpu.memory_space<hbm>>
      %dma_start3A_85 = arith.constant 0 : i32
      %dma_start3A_86 = arith.constant 0 : i32
      %dma_start3A_87 = tpu.memref_slice %arg7[%dma_start3A_77, %dma_start3A_85, %dma_start3A_86] : memref<3x128x128xf32, #tpu.memory_space<vmem>> -> memref<1x128x128xf32, #tpu.memory_space<vmem>>
      %dma_start3A_88 = tpu.memref_squeeze %dma_start3A_87 : memref<1x128x128xf32, #tpu.memory_space<vmem>> -> memref<128x128xf32, #tpu.memory_space<vmem>>
      %dma_start3A_89 = arith.constant 0 : i32
      %dma_start3A_90 = tpu.memref_slice %arg3[%arg0, %mul3A_75, %dma_start3A_89] : memref<2x160000x128xf32, #tpu.memory_space<hbm>> -> memref<1x128x128xf32, #tpu.memory_space<hbm>>
      %dma_start3A_91 = tpu.memref_squeeze %dma_start3A_90 : memref<1x128x128xf32, #tpu.memory_space<hbm>> -> memref<128x128xf32, #tpu.memory_space<hbm>>
      tpu.enqueue_dma source(%dma_start3A_91 : memref<128x128xf32, #tpu.memory_space<hbm>>) target(%dma_start3A_88 : memref<128x128xf32, #tpu.memory_space<vmem>>) target_semaphore(%arg11 : memref<!tpu.dma_semaphore, #tpu.memory_space<semaphore_mem>>)
      %dma_wait3A = arith.constant 0 : i32
      %dma_wait3A_92 = arith.constant 0 : i32
      %dma_wait3A_93 = arith.constant 0 : i32
      %dma_wait3A_94 = tpu.memref_slice %arg7[%dma_wait3A, %dma_wait3A_92, %dma_wait3A_93] : memref<3x128x128xf32, #tpu.memory_space<vmem>> -> memref<1x128x128xf32, #tpu.memory_space<vmem>>
      %dma_wait3A_95 = tpu.memref_squeeze %dma_wait3A_94 : memref<1x128x128xf32, #tpu.memory_space<vmem>> -> memref<128x128xf32, #tpu.memory_space<vmem>>
      %dma_wait3A_96 = arith.constant 0 : i32
      %dma_wait3A_97 = tpu.memref_slice %arg3[%arg0, %mul3A_27, %dma_wait3A_96] : memref<2x160000x128xf32, #tpu.memory_space<hbm>> -> memref<1x128x128xf32, #tpu.memory_space<hbm>>
      %dma_wait3A_98 = tpu.memref_squeeze %dma_wait3A_97 : memref<1x128x128xf32, #tpu.memory_space<hbm>> -> memref<128x128xf32, #tpu.memory_space<hbm>>
      %dma_wait3A_99 = arith.constant 0 : i32
      %dma_wait3A_100 = arith.constant 0 : i32
      %dma_wait3A_101 = tpu.memref_slice %arg7[%dma_wait3A, %dma_wait3A_99, %dma_wait3A_100] : memref<3x128x128xf32, #tpu.memory_space<vmem>> -> memref<1x128x128xf32, #tpu.memory_space<vmem>>
      %dma_wait3A_102 = tpu.memref_squeeze %dma_wait3A_101 : memref<1x128x128xf32, #tpu.memory_space<vmem>> -> memref<128x128xf32, #tpu.memory_space<vmem>>
      %dma_wait3A_103 = arith.constant 0 : i32
      %dma_wait3A_104 = tpu.memref_slice %arg3[%arg0, %mul3A_27, %dma_wait3A_103] : memref<2x160000x128xf32, #tpu.memory_space<hbm>> -> memref<1x128x128xf32, #tpu.memory_space<hbm>>
      %dma_wait3A_105 = tpu.memref_squeeze %dma_wait3A_104 : memref<1x128x128xf32, #tpu.memory_space<hbm>> -> memref<128x128xf32, #tpu.memory_space<hbm>>
      tpu.wait_dma2 semaphore(%arg9 : memref<!tpu.dma_semaphore, #tpu.memory_space<semaphore_mem>>) src(%dma_wait3A_105 : memref<128x128xf32, #tpu.memory_space<hbm>>) dst(%dma_wait3A_102 : memref<128x128xf32, #tpu.memory_space<vmem>>)
      %run_scoped3A_106 = arith.constant 0 : i32
      %run_scoped3A_107 = arith.constant 0 : i32
      "tpu.region"() ({
        %run_scoped3A_143 = tpu.sem_alloc : memref<!tpu.dma_semaphore, #tpu.memory_space<semaphore_mem>>
        %dma_start3A_144 = arith.constant 0 : i32
        %dma_start3A_145 = arith.constant 0 : i32
        %dma_start3A_146 = tpu.memref_slice %arg7[%run_scoped3A_106, %dma_start3A_144, %dma_start3A_145] : memref<3x128x128xf32, #tpu.memory_space<vmem>> -> memref<1x128x128xf32, #tpu.memory_space<vmem>>
        %dma_start3A_147 = tpu.memref_squeeze %dma_start3A_146 : memref<1x128x128xf32, #tpu.memory_space<vmem>> -> memref<128x128xf32, #tpu.memory_space<vmem>>
        %dma_start3A_148 = arith.constant 0 : i32
        %dma_start3A_149 = tpu.memref_slice %arg6[%run_scoped3A_107, %dma_start3A_148] : memref<3x128xi32, #tpu.memory_space<vmem>> -> memref<1x128xi32, #tpu.memory_space<vmem>>
        %dma_start3A_150 = tpu.memref_squeeze %dma_start3A_149 : memref<1x128xi32, #tpu.memory_space<vmem>> -> memref<128xi32, #tpu.memory_space<vmem>>
        %dma_start3A_151 = arith.constant 0 : i32
        %dma_start3A_152 = arith.constant 0 : i32
        %dma_start3A_153 = tpu.memref_slice %arg8[%dma_start3A_151, %dma_start3A_152] : memref<10000x128xf32, #tpu.memory_space<vmem_shared>> -> memref<10000x128xf32, #tpu.memory_space<vmem_shared>>
        tpu.enqueue_indirect_dma source(%dma_start3A_147 : memref<128x128xf32, #tpu.memory_space<vmem>>) target(%dma_start3A_153 : memref<10000x128xf32, #tpu.memory_space<vmem_shared>>) offsets(%dma_start3A_150 : memref<128xi32, #tpu.memory_space<vmem>>) semaphore(%run_scoped3A_143 : memref<!tpu.dma_semaphore, #tpu.memory_space<semaphore_mem>>) {add = true}
        %dma_wait3A_154 = arith.constant 0 : i32
        %dma_wait3A_155 = arith.constant 0 : i32
        %dma_wait3A_156 = tpu.memref_slice %arg7[%run_scoped3A_106, %dma_wait3A_154, %dma_wait3A_155] : memref<3x128x128xf32, #tpu.memory_space<vmem>> -> memref<1x128x128xf32, #tpu.memory_space<vmem>>
        %dma_wait3A_157 = tpu.memref_squeeze %dma_wait3A_156 : memref<1x128x128xf32, #tpu.memory_space<vmem>> -> memref<128x128xf32, #tpu.memory_space<vmem>>
        %dma_wait3A_158 = arith.constant 0 : i32
        %dma_wait3A_159 = tpu.memref_slice %arg6[%run_scoped3A_107, %dma_wait3A_158] : memref<3x128xi32, #tpu.memory_space<vmem>> -> memref<1x128xi32, #tpu.memory_space<vmem>>
        %dma_wait3A_160 = tpu.memref_squeeze %dma_wait3A_159 : memref<1x128xi32, #tpu.memory_space<vmem>> -> memref<128xi32, #tpu.memory_space<vmem>>
        %dma_wait3A_161 = arith.constant 0 : i32
        %dma_wait3A_162 = arith.constant 0 : i32
        %dma_wait3A_163 = tpu.memref_slice %arg8[%dma_wait3A_161, %dma_wait3A_162] : memref<10000x128xf32, #tpu.memory_space<vmem_shared>> -> memref<10000x128xf32, #tpu.memory_space<vmem_shared>>
        tpu.wait_indirect_dma semaphore(%run_scoped3A_143 : memref<!tpu.dma_semaphore, #tpu.memory_space<semaphore_mem>>) src(%dma_wait3A_157 : memref<128x128xf32, #tpu.memory_space<vmem>>) dst(%dma_wait3A_163 : memref<10000x128xf32, #tpu.memory_space<vmem_shared>>)
        tpu.yield
      }) : () -> ()
      %dma_wait3A_108 = arith.constant 1 : i32
      %dma_wait3A_109 = arith.constant 0 : i32
      %dma_wait3A_110 = arith.constant 0 : i32
      %dma_wait3A_111 = tpu.memref_slice %arg7[%dma_wait3A_108, %dma_wait3A_109, %dma_wait3A_110] : memref<3x128x128xf32, #tpu.memory_space<vmem>> -> memref<1x128x128xf32, #tpu.memory_space<vmem>>
      %dma_wait3A_112 = tpu.memref_squeeze %dma_wait3A_111 : memref<1x128x128xf32, #tpu.memory_space<vmem>> -> memref<128x128xf32, #tpu.memory_space<vmem>>
      %dma_wait3A_113 = arith.constant 0 : i32
      %dma_wait3A_114 = tpu.memref_slice %arg3[%arg0, %mul3A_50, %dma_wait3A_113] : memref<2x160000x128xf32, #tpu.memory_space<hbm>> -> memref<1x128x128xf32, #tpu.memory_space<hbm>>
      %dma_wait3A_115 = tpu.memref_squeeze %dma_wait3A_114 : memref<1x128x128xf32, #tpu.memory_space<hbm>> -> memref<128x128xf32, #tpu.memory_space<hbm>>
      %dma_wait3A_116 = arith.constant 0 : i32
      %dma_wait3A_117 = arith.constant 0 : i32
      %dma_wait3A_118 = tpu.memref_slice %arg7[%dma_wait3A_108, %dma_wait3A_116, %dma_wait3A_117] : memref<3x128x128xf32, #tpu.memory_space<vmem>> -> memref<1x128x128xf32, #tpu.memory_space<vmem>>
      %dma_wait3A_119 = tpu.memref_squeeze %dma_wait3A_118 : memref<1x128x128xf32, #tpu.memory_space<vmem>> -> memref<128x128xf32, #tpu.memory_space<vmem>>
      %dma_wait3A_120 = arith.constant 0 : i32
      %dma_wait3A_121 = tpu.memref_slice %arg3[%arg0, %mul3A_50, %dma_wait3A_120] : memref<2x160000x128xf32, #tpu.memory_space<hbm>> -> memref<1x128x128xf32, #tpu.memory_space<hbm>>
      %dma_wait3A_122 = tpu.memref_squeeze %dma_wait3A_121 : memref<1x128x128xf32, #tpu.memory_space<hbm>> -> memref<128x128xf32, #tpu.memory_space<hbm>>
      tpu.wait_dma2 semaphore(%arg10 : memref<!tpu.dma_semaphore, #tpu.memory_space<semaphore_mem>>) src(%dma_wait3A_122 : memref<128x128xf32, #tpu.memory_space<hbm>>) dst(%dma_wait3A_119 : memref<128x128xf32, #tpu.memory_space<vmem>>)
      %run_scoped3A_123 = arith.constant 1 : i32
      %run_scoped3A_124 = arith.constant 1 : i32
      "tpu.region"() ({
        %run_scoped3A_143 = tpu.sem_alloc : memref<!tpu.dma_semaphore, #tpu.memory_space<semaphore_mem>>
        %dma_start3A_144 = arith.constant 0 : i32
        %dma_start3A_145 = arith.constant 0 : i32
        %dma_start3A_146 = tpu.memref_slice %arg7[%run_scoped3A_123, %dma_start3A_144, %dma_start3A_145] : memref<3x128x128xf32, #tpu.memory_space<vmem>> -> memref<1x128x128xf32, #tpu.memory_space<vmem>>
        %dma_start3A_147 = tpu.memref_squeeze %dma_start3A_146 : memref<1x128x128xf32, #tpu.memory_space<vmem>> -> memref<128x128xf32, #tpu.memory_space<vmem>>
        %dma_start3A_148 = arith.constant 0 : i32
        %dma_start3A_149 = tpu.memref_slice %arg6[%run_scoped3A_124, %dma_start3A_148] : memref<3x128xi32, #tpu.memory_space<vmem>> -> memref<1x128xi32, #tpu.memory_space<vmem>>
        %dma_start3A_150 = tpu.memref_squeeze %dma_start3A_149 : memref<1x128xi32, #tpu.memory_space<vmem>> -> memref<128xi32, #tpu.memory_space<vmem>>
        %dma_start3A_151 = arith.constant 0 : i32
        %dma_start3A_152 = arith.constant 0 : i32
        %dma_start3A_153 = tpu.memref_slice %arg8[%dma_start3A_151, %dma_start3A_152] : memref<10000x128xf32, #tpu.memory_space<vmem_shared>> -> memref<10000x128xf32, #tpu.memory_space<vmem_shared>>
        tpu.enqueue_indirect_dma source(%dma_start3A_147 : memref<128x128xf32, #tpu.memory_space<vmem>>) target(%dma_start3A_153 : memref<10000x128xf32, #tpu.memory_space<vmem_shared>>) offsets(%dma_start3A_150 : memref<128xi32, #tpu.memory_space<vmem>>) semaphore(%run_scoped3A_143 : memref<!tpu.dma_semaphore, #tpu.memory_space<semaphore_mem>>) {add = true}
        %dma_wait3A_154 = arith.constant 0 : i32
        %dma_wait3A_155 = arith.constant 0 : i32
        %dma_wait3A_156 = tpu.memref_slice %arg7[%run_scoped3A_123, %dma_wait3A_154, %dma_wait3A_155] : memref<3x128x128xf32, #tpu.memory_space<vmem>> -> memref<1x128x128xf32, #tpu.memory_space<vmem>>
        %dma_wait3A_157 = tpu.memref_squeeze %dma_wait3A_156 : memref<1x128x128xf32, #tpu.memory_space<vmem>> -> memref<128x128xf32, #tpu.memory_space<vmem>>
        %dma_wait3A_158 = arith.constant 0 : i32
        %dma_wait3A_159 = tpu.memref_slice %arg6[%run_scoped3A_124, %dma_wait3A_158] : memref<3x128xi32, #tpu.memory_space<vmem>> -> memref<1x128xi32, #tpu.memory_space<vmem>>
        %dma_wait3A_160 = tpu.memref_squeeze %dma_wait3A_159 : memref<1x128xi32, #tpu.memory_space<vmem>> -> memref<128xi32, #tpu.memory_space<vmem>>
        %dma_wait3A_161 = arith.constant 0 : i32
        %dma_wait3A_162 = arith.constant 0 : i32
        %dma_wait3A_163 = tpu.memref_slice %arg8[%dma_wait3A_161, %dma_wait3A_162] : memref<10000x128xf32, #tpu.memory_space<vmem_shared>> -> memref<10000x128xf32, #tpu.memory_space<vmem_shared>>
        tpu.wait_indirect_dma semaphore(%run_scoped3A_143 : memref<!tpu.dma_semaphore, #tpu.memory_space<semaphore_mem>>) src(%dma_wait3A_157 : memref<128x128xf32, #tpu.memory_space<vmem>>) dst(%dma_wait3A_163 : memref<10000x128xf32, #tpu.memory_space<vmem_shared>>)
        tpu.yield
      }) : () -> ()
      %dma_wait3A_125 = arith.constant 2 : i32
      %dma_wait3A_126 = arith.constant 0 : i32
      %dma_wait3A_127 = arith.constant 0 : i32
      %dma_wait3A_128 = tpu.memref_slice %arg7[%dma_wait3A_125, %dma_wait3A_126, %dma_wait3A_127] : memref<3x128x128xf32, #tpu.memory_space<vmem>> -> memref<1x128x128xf32, #tpu.memory_space<vmem>>
      %dma_wait3A_129 = tpu.memref_squeeze %dma_wait3A_128 : memref<1x128x128xf32, #tpu.memory_space<vmem>> -> memref<128x128xf32, #tpu.memory_space<vmem>>
      %dma_wait3A_130 = arith.constant 0 : i32
      %dma_wait3A_131 = tpu.memref_slice %arg3[%arg0, %mul3A_75, %dma_wait3A_130] : memref<2x160000x128xf32, #tpu.memory_space<hbm>> -> memref<1x128x128xf32, #tpu.memory_space<hbm>>
      %dma_wait3A_132 = tpu.memref_squeeze %dma_wait3A_131 : memref<1x128x128xf32, #tpu.memory_space<hbm>> -> memref<128x128xf32, #tpu.memory_space<hbm>>
      %dma_wait3A_133 = arith.constant 0 : i32
      %dma_wait3A_134 = arith.constant 0 : i32
      %dma_wait3A_135 = tpu.memref_slice %arg7[%dma_wait3A_125, %dma_wait3A_133, %dma_wait3A_134] : memref<3x128x128xf32, #tpu.memory_space<vmem>> -> memref<1x128x128xf32, #tpu.memory_space<vmem>>
      %dma_wait3A_136 = tpu.memref_squeeze %dma_wait3A_135 : memref<1x128x128xf32, #tpu.memory_space<vmem>> -> memref<128x128xf32, #tpu.memory_space<vmem>>
      %dma_wait3A_137 = arith.constant 0 : i32
      %dma_wait3A_138 = tpu.memref_slice %arg3[%arg0, %mul3A_75, %dma_wait3A_137] : memref<2x160000x128xf32, #tpu.memory_space<hbm>> -> memref<1x128x128xf32, #tpu.memory_space<hbm>>
      %dma_wait3A_139 = tpu.memref_squeeze %dma_wait3A_138 : memref<1x128x128xf32, #tpu.memory_space<hbm>> -> memref<128x128xf32, #tpu.memory_space<hbm>>
      tpu.wait_dma2 semaphore(%arg11 : memref<!tpu.dma_semaphore, #tpu.memory_space<semaphore_mem>>) src(%dma_wait3A_139 : memref<128x128xf32, #tpu.memory_space<hbm>>) dst(%dma_wait3A_136 : memref<128x128xf32, #tpu.memory_space<vmem>>)
      %run_scoped3A_140 = arith.constant 2 : i32
      %run_scoped3A_141 = arith.constant 2 : i32
      "tpu.region"() ({
        %run_scoped3A_143 = tpu.sem_alloc : memref<!tpu.dma_semaphore, #tpu.memory_space<semaphore_mem>>
        %dma_start3A_144 = arith.constant 0 : i32
        %dma_start3A_145 = arith.constant 0 : i32
        %dma_start3A_146 = tpu.memref_slice %arg7[%run_scoped3A_140, %dma_start3A_144, %dma_start3A_145] : memref<3x128x128xf32, #tpu.memory_space<vmem>> -> memref<1x128x128xf32, #tpu.memory_space<vmem>>
        %dma_start3A_147 = tpu.memref_squeeze %dma_start3A_146 : memref<1x128x128xf32, #tpu.memory_space<vmem>> -> memref<128x128xf32, #tpu.memory_space<vmem>>
        %dma_start3A_148 = arith.constant 0 : i32
        %dma_start3A_149 = tpu.memref_slice %arg6[%run_scoped3A_141, %dma_start3A_148] : memref<3x128xi32, #tpu.memory_space<vmem>> -> memref<1x128xi32, #tpu.memory_space<vmem>>
        %dma_start3A_150 = tpu.memref_squeeze %dma_start3A_149 : memref<1x128xi32, #tpu.memory_space<vmem>> -> memref<128xi32, #tpu.memory_space<vmem>>
        %dma_start3A_151 = arith.constant 0 : i32
        %dma_start3A_152 = arith.constant 0 : i32
        %dma_start3A_153 = tpu.memref_slice %arg8[%dma_start3A_151, %dma_start3A_152] : memref<10000x128xf32, #tpu.memory_space<vmem_shared>> -> memref<10000x128xf32, #tpu.memory_space<vmem_shared>>
        tpu.enqueue_indirect_dma source(%dma_start3A_147 : memref<128x128xf32, #tpu.memory_space<vmem>>) target(%dma_start3A_153 : memref<10000x128xf32, #tpu.memory_space<vmem_shared>>) offsets(%dma_start3A_150 : memref<128xi32, #tpu.memory_space<vmem>>) semaphore(%run_scoped3A_143 : memref<!tpu.dma_semaphore, #tpu.memory_space<semaphore_mem>>) {add = true}
        %dma_wait3A_154 = arith.constant 0 : i32
        %dma_wait3A_155 = arith.constant 0 : i32
        %dma_wait3A_156 = tpu.memref_slice %arg7[%run_scoped3A_140, %dma_wait3A_154, %dma_wait3A_155] : memref<3x128x128xf32, #tpu.memory_space<vmem>> -> memref<1x128x128xf32, #tpu.memory_space<vmem>>
        %dma_wait3A_157 = tpu.memref_squeeze %dma_wait3A_156 : memref<1x128x128xf32, #tpu.memory_space<vmem>> -> memref<128x128xf32, #tpu.memory_space<vmem>>
        %dma_wait3A_158 = arith.constant 0 : i32
        %dma_wait3A_159 = tpu.memref_slice %arg6[%run_scoped3A_141, %dma_wait3A_158] : memref<3x128xi32, #tpu.memory_space<vmem>> -> memref<1x128xi32, #tpu.memory_space<vmem>>
        %dma_wait3A_160 = tpu.memref_squeeze %dma_wait3A_159 : memref<1x128xi32, #tpu.memory_space<vmem>> -> memref<128xi32, #tpu.memory_space<vmem>>
        %dma_wait3A_161 = arith.constant 0 : i32
        %dma_wait3A_162 = arith.constant 0 : i32
        %dma_wait3A_163 = tpu.memref_slice %arg8[%dma_wait3A_161, %dma_wait3A_162] : memref<10000x128xf32, #tpu.memory_space<vmem_shared>> -> memref<10000x128xf32, #tpu.memory_space<vmem_shared>>
        tpu.wait_indirect_dma semaphore(%run_scoped3A_143 : memref<!tpu.dma_semaphore, #tpu.memory_space<semaphore_mem>>) src(%dma_wait3A_157 : memref<128x128xf32, #tpu.memory_space<vmem>>) dst(%dma_wait3A_163 : memref<10000x128xf32, #tpu.memory_space<vmem_shared>>)
        tpu.yield
      }) : () -> ()
      %scan3A_142 = arith.constant 0 : i32
      scf.yield %scan3A_142 : i32
    }
    %scan3A_7 = arith.constant 26 : i32
    %lt3A_8 = arith.constant 2 : i32
    %lt3A_9 = arith.cmpi slt, %arg1, %lt3A_8 : i32
    %convert_element_type3A_10 = arith.extui %lt3A_9 : i1 to i32
    %cond3A_11 = arith.constant 0 : i32
    %cond3A_12 = arith.cmpi ne, %convert_element_type3A_10, %cond3A_11 : i32
    scf.if %cond3A_12 {
      %add3A = arith.constant 1248 : i32
      %add3A_19 = arith.addi %arg1, %add3A : i32
      %mul3A = arith.constant 128 : i32
      %mul3A_20 = arith.muli %add3A_19, %mul3A : i32
      %run_scoped3A = arith.constant 0 : i32
      "tpu.region"() ({
        %run_scoped3A_51 = tpu.sem_alloc : memref<!tpu.dma_semaphore, #tpu.memory_space<semaphore_mem>>
        %dma_start3A_52 = arith.constant 0 : i32
        %dma_start3A_53 = tpu.memref_slice %arg6[%run_scoped3A, %dma_start3A_52] : memref<3x128xi32, #tpu.memory_space<vmem>> -> memref<1x128xi32, #tpu.memory_space<vmem>>
        %dma_start3A_54 = tpu.memref_squeeze %dma_start3A_53 : memref<1x128xi32, #tpu.memory_space<vmem>> -> memref<128xi32, #tpu.memory_space<vmem>>
        %dma_start3A_55 = tpu.memref_slice %arg2[%mul3A_20] : memref<160000xi32, #tpu.memory_space<hbm>> -> memref<128xi32, #tpu.memory_space<hbm>>
        %dma_start3A_56 = arith.constant 0 : i32
        %dma_start3A_57 = tpu.memref_slice %arg6[%run_scoped3A, %dma_start3A_56] : memref<3x128xi32, #tpu.memory_space<vmem>> -> memref<1x128xi32, #tpu.memory_space<vmem>>
        %dma_start3A_58 = tpu.memref_squeeze %dma_start3A_57 : memref<1x128xi32, #tpu.memory_space<vmem>> -> memref<128xi32, #tpu.memory_space<vmem>>
        %dma_start3A_59 = tpu.memref_slice %arg2[%mul3A_20] : memref<160000xi32, #tpu.memory_space<hbm>> -> memref<128xi32, #tpu.memory_space<hbm>>
        tpu.enqueue_dma source(%dma_start3A_59 : memref<128xi32, #tpu.memory_space<hbm>>) target(%dma_start3A_58 : memref<128xi32, #tpu.memory_space<vmem>>) target_semaphore(%run_scoped3A_51 : memref<!tpu.dma_semaphore, #tpu.memory_space<semaphore_mem>>)
        %dma_wait3A_60 = arith.constant 0 : i32
        %dma_wait3A_61 = tpu.memref_slice %arg6[%run_scoped3A, %dma_wait3A_60] : memref<3x128xi32, #tpu.memory_space<vmem>> -> memref<1x128xi32, #tpu.memory_space<vmem>>
        %dma_wait3A_62 = tpu.memref_squeeze %dma_wait3A_61 : memref<1x128xi32, #tpu.memory_space<vmem>> -> memref<128xi32, #tpu.memory_space<vmem>>
        %dma_wait3A_63 = tpu.memref_slice %arg2[%mul3A_20] : memref<160000xi32, #tpu.memory_space<hbm>> -> memref<128xi32, #tpu.memory_space<hbm>>
        %dma_wait3A_64 = arith.constant 0 : i32
        %dma_wait3A_65 = tpu.memref_slice %arg6[%run_scoped3A, %dma_wait3A_64] : memref<3x128xi32, #tpu.memory_space<vmem>> -> memref<1x128xi32, #tpu.memory_space<vmem>>
        %dma_wait3A_66 = tpu.memref_squeeze %dma_wait3A_65 : memref<1x128xi32, #tpu.memory_space<vmem>> -> memref<128xi32, #tpu.memory_space<vmem>>
        %dma_wait3A_67 = tpu.memref_slice %arg2[%mul3A_20] : memref<160000xi32, #tpu.memory_space<hbm>> -> memref<128xi32, #tpu.memory_space<hbm>>
        tpu.wait_dma2 semaphore(%run_scoped3A_51 : memref<!tpu.dma_semaphore, #tpu.memory_space<semaphore_mem>>) src(%dma_wait3A_67 : memref<128xi32, #tpu.memory_space<hbm>>) dst(%dma_wait3A_66 : memref<128xi32, #tpu.memory_space<vmem>>)
        tpu.yield
      }) : () -> ()
      %dma_start3A = arith.constant 0 : i32
      %dma_start3A_21 = arith.constant 0 : i32
      %dma_start3A_22 = arith.constant 0 : i32
      %dma_start3A_23 = tpu.memref_slice %arg7[%dma_start3A, %dma_start3A_21, %dma_start3A_22] : memref<3x128x128xf32, #tpu.memory_space<vmem>> -> memref<1x128x128xf32, #tpu.memory_space<vmem>>
      %dma_start3A_24 = tpu.memref_squeeze %dma_start3A_23 : memref<1x128x128xf32, #tpu.memory_space<vmem>> -> memref<128x128xf32, #tpu.memory_space<vmem>>
      %dma_start3A_25 = arith.constant 0 : i32
      %dma_start3A_26 = tpu.memref_slice %arg3[%arg0, %mul3A_20, %dma_start3A_25] : memref<2x160000x128xf32, #tpu.memory_space<hbm>> -> memref<1x128x128xf32, #tpu.memory_space<hbm>>
      %dma_start3A_27 = tpu.memref_squeeze %dma_start3A_26 : memref<1x128x128xf32, #tpu.memory_space<hbm>> -> memref<128x128xf32, #tpu.memory_space<hbm>>
      %dma_start3A_28 = arith.constant 0 : i32
      %dma_start3A_29 = arith.constant 0 : i32
      %dma_start3A_30 = tpu.memref_slice %arg7[%dma_start3A, %dma_start3A_28, %dma_start3A_29] : memref<3x128x128xf32, #tpu.memory_space<vmem>> -> memref<1x128x128xf32, #tpu.memory_space<vmem>>
      %dma_start3A_31 = tpu.memref_squeeze %dma_start3A_30 : memref<1x128x128xf32, #tpu.memory_space<vmem>> -> memref<128x128xf32, #tpu.memory_space<vmem>>
      %dma_start3A_32 = arith.constant 0 : i32
      %dma_start3A_33 = tpu.memref_slice %arg3[%arg0, %mul3A_20, %dma_start3A_32] : memref<2x160000x128xf32, #tpu.memory_space<hbm>> -> memref<1x128x128xf32, #tpu.memory_space<hbm>>
      %dma_start3A_34 = tpu.memref_squeeze %dma_start3A_33 : memref<1x128x128xf32, #tpu.memory_space<hbm>> -> memref<128x128xf32, #tpu.memory_space<hbm>>
      tpu.enqueue_dma source(%dma_start3A_34 : memref<128x128xf32, #tpu.memory_space<hbm>>) target(%dma_start3A_31 : memref<128x128xf32, #tpu.memory_space<vmem>>) target_semaphore(%arg9 : memref<!tpu.dma_semaphore, #tpu.memory_space<semaphore_mem>>)
      %dma_wait3A = arith.constant 0 : i32
      %dma_wait3A_35 = arith.constant 0 : i32
      %dma_wait3A_36 = arith.constant 0 : i32
      %dma_wait3A_37 = tpu.memref_slice %arg7[%dma_wait3A, %dma_wait3A_35, %dma_wait3A_36] : memref<3x128x128xf32, #tpu.memory_space<vmem>> -> memref<1x128x128xf32, #tpu.memory_space<vmem>>
      %dma_wait3A_38 = tpu.memref_squeeze %dma_wait3A_37 : memref<1x128x128xf32, #tpu.memory_space<vmem>> -> memref<128x128xf32, #tpu.memory_space<vmem>>
      %dma_wait3A_39 = arith.constant 0 : i32
      %dma_wait3A_40 = tpu.memref_slice %arg3[%arg0, %mul3A_20, %dma_wait3A_39] : memref<2x160000x128xf32, #tpu.memory_space<hbm>> -> memref<1x128x128xf32, #tpu.memory_space<hbm>>
      %dma_wait3A_41 = tpu.memref_squeeze %dma_wait3A_40 : memref<1x128x128xf32, #tpu.memory_space<hbm>> -> memref<128x128xf32, #tpu.memory_space<hbm>>
      %dma_wait3A_42 = arith.constant 0 : i32
      %dma_wait3A_43 = arith.constant 0 : i32
      %dma_wait3A_44 = tpu.memref_slice %arg7[%dma_wait3A, %dma_wait3A_42, %dma_wait3A_43] : memref<3x128x128xf32, #tpu.memory_space<vmem>> -> memref<1x128x128xf32, #tpu.memory_space<vmem>>
      %dma_wait3A_45 = tpu.memref_squeeze %dma_wait3A_44 : memref<1x128x128xf32, #tpu.memory_space<vmem>> -> memref<128x128xf32, #tpu.memory_space<vmem>>
      %dma_wait3A_46 = arith.constant 0 : i32
      %dma_wait3A_47 = tpu.memref_slice %arg3[%arg0, %mul3A_20, %dma_wait3A_46] : memref<2x160000x128xf32, #tpu.memory_space<hbm>> -> memref<1x128x128xf32, #tpu.memory_space<hbm>>
      %dma_wait3A_48 = tpu.memref_squeeze %dma_wait3A_47 : memref<1x128x128xf32, #tpu.memory_space<hbm>> -> memref<128x128xf32, #tpu.memory_space<hbm>>
      tpu.wait_dma2 semaphore(%arg9 : memref<!tpu.dma_semaphore, #tpu.memory_space<semaphore_mem>>) src(%dma_wait3A_48 : memref<128x128xf32, #tpu.memory_space<hbm>>) dst(%dma_wait3A_45 : memref<128x128xf32, #tpu.memory_space<vmem>>)
      %run_scoped3A_49 = arith.constant 0 : i32
      %run_scoped3A_50 = arith.constant 0 : i32
      "tpu.region"() ({
        %run_scoped3A_51 = tpu.sem_alloc : memref<!tpu.dma_semaphore, #tpu.memory_space<semaphore_mem>>
        %dma_start3A_52 = arith.constant 0 : i32
        %dma_start3A_53 = arith.constant 0 : i32
        %dma_start3A_54 = tpu.memref_slice %arg7[%run_scoped3A_49, %dma_start3A_52, %dma_start3A_53] : memref<3x128x128xf32, #tpu.memory_space<vmem>> -> memref<1x128x128xf32, #tpu.memory_space<vmem>>
        %dma_start3A_55 = tpu.memref_squeeze %dma_start3A_54 : memref<1x128x128xf32, #tpu.memory_space<vmem>> -> memref<128x128xf32, #tpu.memory_space<vmem>>
        %dma_start3A_56 = arith.constant 0 : i32
        %dma_start3A_57 = tpu.memref_slice %arg6[%run_scoped3A_50, %dma_start3A_56] : memref<3x128xi32, #tpu.memory_space<vmem>> -> memref<1x128xi32, #tpu.memory_space<vmem>>
        %dma_start3A_58 = tpu.memref_squeeze %dma_start3A_57 : memref<1x128xi32, #tpu.memory_space<vmem>> -> memref<128xi32, #tpu.memory_space<vmem>>
        %dma_start3A_59 = arith.constant 0 : i32
        %dma_start3A_60 = arith.constant 0 : i32
        %dma_start3A_61 = tpu.memref_slice %arg8[%dma_start3A_59, %dma_start3A_60] : memref<10000x128xf32, #tpu.memory_space<vmem_shared>> -> memref<10000x128xf32, #tpu.memory_space<vmem_shared>>
        tpu.enqueue_indirect_dma source(%dma_start3A_55 : memref<128x128xf32, #tpu.memory_space<vmem>>) target(%dma_start3A_61 : memref<10000x128xf32, #tpu.memory_space<vmem_shared>>) offsets(%dma_start3A_58 : memref<128xi32, #tpu.memory_space<vmem>>) semaphore(%run_scoped3A_51 : memref<!tpu.dma_semaphore, #tpu.memory_space<semaphore_mem>>) {add = true}
        %dma_wait3A_62 = arith.constant 0 : i32
        %dma_wait3A_63 = arith.constant 0 : i32
        %dma_wait3A_64 = tpu.memref_slice %arg7[%run_scoped3A_49, %dma_wait3A_62, %dma_wait3A_63] : memref<3x128x128xf32, #tpu.memory_space<vmem>> -> memref<1x128x128xf32, #tpu.memory_space<vmem>>
        %dma_wait3A_65 = tpu.memref_squeeze %dma_wait3A_64 : memref<1x128x128xf32, #tpu.memory_space<vmem>> -> memref<128x128xf32, #tpu.memory_space<vmem>>
        %dma_wait3A_66 = arith.constant 0 : i32
        %dma_wait3A_67 = tpu.memref_slice %arg6[%run_scoped3A_50, %dma_wait3A_66] : memref<3x128xi32, #tpu.memory_space<vmem>> -> memref<1x128xi32, #tpu.memory_space<vmem>>
        %dma_wait3A_68 = tpu.memref_squeeze %dma_wait3A_67 : memref<1x128xi32, #tpu.memory_space<vmem>> -> memref<128xi32, #tpu.memory_space<vmem>>
        %dma_wait3A_69 = arith.constant 0 : i32
        %dma_wait3A_70 = arith.constant 0 : i32
        %dma_wait3A_71 = tpu.memref_slice %arg8[%dma_wait3A_69, %dma_wait3A_70] : memref<10000x128xf32, #tpu.memory_space<vmem_shared>> -> memref<10000x128xf32, #tpu.memory_space<vmem_shared>>
        tpu.wait_indirect_dma semaphore(%run_scoped3A_51 : memref<!tpu.dma_semaphore, #tpu.memory_space<semaphore_mem>>) src(%dma_wait3A_65 : memref<128x128xf32, #tpu.memory_space<vmem>>) dst(%dma_wait3A_71 : memref<10000x128xf32, #tpu.memory_space<vmem_shared>>)
        tpu.yield
      }) : () -> ()
    } else {
    }
    %barrier3A_13 = arith.constant 0 : index
    tpu.barrier barrier_id(%barrier3A_13)
    %lt3A_14 = arith.constant 10 : i32
    %lt3A_15 = arith.cmpi slt, %arg1, %lt3A_14 : i32
    %convert_element_type3A_16 = arith.extui %lt3A_15 : i1 to i32
    %cond3A_17 = arith.constant 0 : i32
    %cond3A_18 = arith.cmpi ne, %convert_element_type3A_16, %cond3A_17 : i32
    scf.if %cond3A_18 {
      %mul3A = arith.constant 1000 : i32
      %mul3A_19 = arith.muli %arg1, %mul3A : i32
      %mul3A_20 = arith.constant 1000 : i32
      %mul3A_21 = arith.muli %arg1, %mul3A_20 : i32
      "tpu.region"() ({
        %run_scoped3A = tpu.sem_alloc : memref<!tpu.dma_semaphore, #tpu.memory_space<semaphore_mem>>
        %dma_start3A = arith.constant 0 : i32
        %dma_start3A_22 = tpu.memref_slice %arg5[%arg0, %mul3A_21, %dma_start3A] : memref<2x10000x128xf32, #tpu.memory_space<hbm>> -> memref<1x1000x128xf32, #tpu.memory_space<hbm>>
        %dma_start3A_23 = tpu.memref_squeeze %dma_start3A_22 : memref<1x1000x128xf32, #tpu.memory_space<hbm>> -> memref<1000x128xf32, #tpu.memory_space<hbm>>
        %dma_start3A_24 = arith.constant 0 : i32
        %dma_start3A_25 = tpu.memref_slice %arg8[%mul3A_19, %dma_start3A_24] : memref<10000x128xf32, #tpu.memory_space<vmem_shared>> -> memref<1000x128xf32, #tpu.memory_space<vmem_shared>>
        tpu.enqueue_dma source(%dma_start3A_25 : memref<1000x128xf32, #tpu.memory_space<vmem_shared>>) target(%dma_start3A_23 : memref<1000x128xf32, #tpu.memory_space<hbm>>) target_semaphore(%run_scoped3A : memref<!tpu.dma_semaphore, #tpu.memory_space<semaphore_mem>>)
        %dma_wait3A = arith.constant 0 : i32
        %dma_wait3A_26 = tpu.memref_slice %arg5[%arg0, %mul3A_21, %dma_wait3A] : memref<2x10000x128xf32, #tpu.memory_space<hbm>> -> memref<1x1000x128xf32, #tpu.memory_space<hbm>>
        %dma_wait3A_27 = tpu.memref_squeeze %dma_wait3A_26 : memref<1x1000x128xf32, #tpu.memory_space<hbm>> -> memref<1000x128xf32, #tpu.memory_space<hbm>>
        %dma_wait3A_28 = arith.constant 0 : i32
        %dma_wait3A_29 = tpu.memref_slice %arg8[%mul3A_19, %dma_wait3A_28] : memref<10000x128xf32, #tpu.memory_space<vmem_shared>> -> memref<1000x128xf32, #tpu.memory_space<vmem_shared>>
        tpu.wait_dma2 semaphore(%run_scoped3A : memref<!tpu.dma_semaphore, #tpu.memory_space<semaphore_mem>>) src(%dma_wait3A_29 : memref<1000x128xf32, #tpu.memory_space<vmem_shared>>) dst(%dma_wait3A_27 : memref<1000x128xf32, #tpu.memory_space<hbm>>)
        tpu.yield
      }) : () -> ()
    } else {
    }
    return
  }
}

#map = affine_map<(d0, d1) -> (0)>
#map1 = affine_map<(d0, d1) -> (0, 0, 0)>
#map2 = affine_map<(d0, d1) -> (0, 0)>
module attributes {stable_mosaic.version = 14 : i64} {
  func.func @_k4_body(%arg0: i32, %arg1: i32, %arg2: memref<160000xi32, #tpu.memory_space<hbm>>, %arg3: memref<2x160000x128xf32, #tpu.memory_space<hbm>>, %arg4: memref<1000x128xf32, #tpu.memory_space<hbm>>, %arg5: memref<2x10000x128xf32, #tpu.memory_space<hbm>>, %arg6: memref<3x128xi32, #tpu.memory_space<vmem>>, %arg7: memref<3x128x128xf32, #tpu.memory_space<vmem>>, %arg8: memref<10000x128xf32, #tpu.memory_space<vmem_shared>>, %arg9: memref<!tpu.dma_semaphore, #tpu.memory_space<semaphore_mem>>, %arg10: memref<!tpu.dma_semaphore, #tpu.memory_space<semaphore_mem>>, %arg11: memref<!tpu.dma_semaphore, #tpu.memory_space<semaphore_mem>>) attributes {dimension_semantics = [#tpu.dimension_semantics<core_parallel>, #tpu.dimension_semantics<subcore_parallel>], iteration_bounds = array<i64: 2, 16>, scalar_prefetch = 0 : i64, scratch_operands = 6 : i64, tpu.core_type = #tpu.core_type<sc_vector_subcore>, window_params = [{transform_indices = #map}, {transform_indices = #map1}, {transform_indices = #map2}, {transform_indices = #map1}]} {
    %lt3A = arith.constant 10 : i32
    %lt3A_0 = arith.cmpi slt, %arg1, %lt3A : i32
    %convert_element_type3A = arith.extui %lt3A_0 : i1 to i32
    %cond3A = arith.constant 0 : i32
    %cond3A_1 = arith.cmpi ne, %convert_element_type3A, %cond3A : i32
    scf.if %cond3A_1 {
      %mul3A = arith.constant 1000 : i32
      %mul3A_19 = arith.muli %arg1, %mul3A : i32
      "tpu.region"() ({
        %run_scoped3A = tpu.sem_alloc : memref<!tpu.dma_semaphore, #tpu.memory_space<semaphore_mem>>
        %dma_start3A = arith.constant 0 : i32
        %dma_start3A_20 = tpu.memref_slice %arg8[%mul3A_19, %dma_start3A] : memref<10000x128xf32, #tpu.memory_space<vmem_shared>> -> memref<1000x128xf32, #tpu.memory_space<vmem_shared>>
        tpu.enqueue_dma source(%arg4 : memref<1000x128xf32, #tpu.memory_space<hbm>>) target(%dma_start3A_20 : memref<1000x128xf32, #tpu.memory_space<vmem_shared>>) target_semaphore(%run_scoped3A : memref<!tpu.dma_semaphore, #tpu.memory_space<semaphore_mem>>)
        %dma_wait3A = arith.constant 0 : i32
        %dma_wait3A_21 = tpu.memref_slice %arg8[%mul3A_19, %dma_wait3A] : memref<10000x128xf32, #tpu.memory_space<vmem_shared>> -> memref<1000x128xf32, #tpu.memory_space<vmem_shared>>
        tpu.wait_dma2 semaphore(%run_scoped3A : memref<!tpu.dma_semaphore, #tpu.memory_space<semaphore_mem>>) src(%arg4 : memref<1000x128xf32, #tpu.memory_space<hbm>>) dst(%dma_wait3A_21 : memref<1000x128xf32, #tpu.memory_space<vmem_shared>>)
        tpu.yield
      }) : () -> ()
    } else {
    }
    %barrier3A = arith.constant 0 : index
    tpu.barrier barrier_id(%barrier3A)
    %scan3A = arith.constant 0 : i32
    %scan3A_2 = arith.constant 0 : i32
    %scan3A_3 = arith.constant 26 : i32
    %scan3A_4 = arith.addi %scan3A_2, %scan3A_3 : i32
    %scan3A_5 = arith.constant 1 : i32
    %scan3A_6 = scf.for %scan3A_19 = %scan3A_2 to %scan3A_4 step %scan3A_5 iter_args(%scan3A_20 = %scan3A) -> (i32)  : i32 {
      %mul3A = arith.constant 3 : i32
      %mul3A_21 = arith.muli %mul3A, %scan3A_19 : i32
      %add3A = arith.constant 0 : i32
      %add3A_22 = arith.addi %mul3A_21, %add3A : i32
      %mul3A_23 = arith.constant 16 : i32
      %mul3A_24 = arith.muli %mul3A_23, %add3A_22 : i32
      %add3A_25 = arith.addi %arg1, %mul3A_24 : i32
      %mul3A_26 = arith.constant 128 : i32
      %mul3A_27 = arith.muli %add3A_25, %mul3A_26 : i32
      %run_scoped3A = arith.constant 0 : i32
      "tpu.region"() ({
        %run_scoped3A_143 = tpu.sem_alloc : memref<!tpu.dma_semaphore, #tpu.memory_space<semaphore_mem>>
        %dma_start3A_144 = arith.constant 0 : i32
        %dma_start3A_145 = tpu.memref_slice %arg6[%run_scoped3A, %dma_start3A_144] : memref<3x128xi32, #tpu.memory_space<vmem>> -> memref<1x128xi32, #tpu.memory_space<vmem>>
        %dma_start3A_146 = tpu.memref_squeeze %dma_start3A_145 : memref<1x128xi32, #tpu.memory_space<vmem>> -> memref<128xi32, #tpu.memory_space<vmem>>
        %dma_start3A_147 = tpu.memref_slice %arg2[%mul3A_27] : memref<160000xi32, #tpu.memory_space<hbm>> -> memref<128xi32, #tpu.memory_space<hbm>>
        %dma_start3A_148 = arith.constant 0 : i32
        %dma_start3A_149 = tpu.memref_slice %arg6[%run_scoped3A, %dma_start3A_148] : memref<3x128xi32, #tpu.memory_space<vmem>> -> memref<1x128xi32, #tpu.memory_space<vmem>>
        %dma_start3A_150 = tpu.memref_squeeze %dma_start3A_149 : memref<1x128xi32, #tpu.memory_space<vmem>> -> memref<128xi32, #tpu.memory_space<vmem>>
        %dma_start3A_151 = tpu.memref_slice %arg2[%mul3A_27] : memref<160000xi32, #tpu.memory_space<hbm>> -> memref<128xi32, #tpu.memory_space<hbm>>
        tpu.enqueue_dma source(%dma_start3A_151 : memref<128xi32, #tpu.memory_space<hbm>>) target(%dma_start3A_150 : memref<128xi32, #tpu.memory_space<vmem>>) target_semaphore(%run_scoped3A_143 : memref<!tpu.dma_semaphore, #tpu.memory_space<semaphore_mem>>)
        %dma_wait3A_152 = arith.constant 0 : i32
        %dma_wait3A_153 = tpu.memref_slice %arg6[%run_scoped3A, %dma_wait3A_152] : memref<3x128xi32, #tpu.memory_space<vmem>> -> memref<1x128xi32, #tpu.memory_space<vmem>>
        %dma_wait3A_154 = tpu.memref_squeeze %dma_wait3A_153 : memref<1x128xi32, #tpu.memory_space<vmem>> -> memref<128xi32, #tpu.memory_space<vmem>>
        %dma_wait3A_155 = tpu.memref_slice %arg2[%mul3A_27] : memref<160000xi32, #tpu.memory_space<hbm>> -> memref<128xi32, #tpu.memory_space<hbm>>
        %dma_wait3A_156 = arith.constant 0 : i32
        %dma_wait3A_157 = tpu.memref_slice %arg6[%run_scoped3A, %dma_wait3A_156] : memref<3x128xi32, #tpu.memory_space<vmem>> -> memref<1x128xi32, #tpu.memory_space<vmem>>
        %dma_wait3A_158 = tpu.memref_squeeze %dma_wait3A_157 : memref<1x128xi32, #tpu.memory_space<vmem>> -> memref<128xi32, #tpu.memory_space<vmem>>
        %dma_wait3A_159 = tpu.memref_slice %arg2[%mul3A_27] : memref<160000xi32, #tpu.memory_space<hbm>> -> memref<128xi32, #tpu.memory_space<hbm>>
        tpu.wait_dma2 semaphore(%run_scoped3A_143 : memref<!tpu.dma_semaphore, #tpu.memory_space<semaphore_mem>>) src(%dma_wait3A_159 : memref<128xi32, #tpu.memory_space<hbm>>) dst(%dma_wait3A_158 : memref<128xi32, #tpu.memory_space<vmem>>)
        tpu.yield
      }) : () -> ()
      %dma_start3A = arith.constant 0 : i32
      %dma_start3A_28 = arith.constant 0 : i32
      %dma_start3A_29 = arith.constant 0 : i32
      %dma_start3A_30 = tpu.memref_slice %arg7[%dma_start3A, %dma_start3A_28, %dma_start3A_29] : memref<3x128x128xf32, #tpu.memory_space<vmem>> -> memref<1x128x128xf32, #tpu.memory_space<vmem>>
      %dma_start3A_31 = tpu.memref_squeeze %dma_start3A_30 : memref<1x128x128xf32, #tpu.memory_space<vmem>> -> memref<128x128xf32, #tpu.memory_space<vmem>>
      %dma_start3A_32 = arith.constant 0 : i32
      %dma_start3A_33 = tpu.memref_slice %arg3[%arg0, %mul3A_27, %dma_start3A_32] : memref<2x160000x128xf32, #tpu.memory_space<hbm>> -> memref<1x128x128xf32, #tpu.memory_space<hbm>>
      %dma_start3A_34 = tpu.memref_squeeze %dma_start3A_33 : memref<1x128x128xf32, #tpu.memory_space<hbm>> -> memref<128x128xf32, #tpu.memory_space<hbm>>
      %dma_start3A_35 = arith.constant 0 : i32
      %dma_start3A_36 = arith.constant 0 : i32
      %dma_start3A_37 = tpu.memref_slice %arg7[%dma_start3A, %dma_start3A_35, %dma_start3A_36] : memref<3x128x128xf32, #tpu.memory_space<vmem>> -> memref<1x128x128xf32, #tpu.memory_space<vmem>>
      %dma_start3A_38 = tpu.memref_squeeze %dma_start3A_37 : memref<1x128x128xf32, #tpu.memory_space<vmem>> -> memref<128x128xf32, #tpu.memory_space<vmem>>
      %dma_start3A_39 = arith.constant 0 : i32
      %dma_start3A_40 = tpu.memref_slice %arg3[%arg0, %mul3A_27, %dma_start3A_39] : memref<2x160000x128xf32, #tpu.memory_space<hbm>> -> memref<1x128x128xf32, #tpu.memory_space<hbm>>
      %dma_start3A_41 = tpu.memref_squeeze %dma_start3A_40 : memref<1x128x128xf32, #tpu.memory_space<hbm>> -> memref<128x128xf32, #tpu.memory_space<hbm>>
      tpu.enqueue_dma source(%dma_start3A_41 : memref<128x128xf32, #tpu.memory_space<hbm>>) target(%dma_start3A_38 : memref<128x128xf32, #tpu.memory_space<vmem>>) target_semaphore(%arg9 : memref<!tpu.dma_semaphore, #tpu.memory_space<semaphore_mem>>)
      %mul3A_42 = arith.constant 3 : i32
      %mul3A_43 = arith.muli %mul3A_42, %scan3A_19 : i32
      %add3A_44 = arith.constant 1 : i32
      %add3A_45 = arith.addi %mul3A_43, %add3A_44 : i32
      %mul3A_46 = arith.constant 16 : i32
      %mul3A_47 = arith.muli %mul3A_46, %add3A_45 : i32
      %add3A_48 = arith.addi %arg1, %mul3A_47 : i32
      %mul3A_49 = arith.constant 128 : i32
      %mul3A_50 = arith.muli %add3A_48, %mul3A_49 : i32
      %run_scoped3A_51 = arith.constant 1 : i32
      "tpu.region"() ({
        %run_scoped3A_143 = tpu.sem_alloc : memref<!tpu.dma_semaphore, #tpu.memory_space<semaphore_mem>>
        %dma_start3A_144 = arith.constant 0 : i32
        %dma_start3A_145 = tpu.memref_slice %arg6[%run_scoped3A_51, %dma_start3A_144] : memref<3x128xi32, #tpu.memory_space<vmem>> -> memref<1x128xi32, #tpu.memory_space<vmem>>
        %dma_start3A_146 = tpu.memref_squeeze %dma_start3A_145 : memref<1x128xi32, #tpu.memory_space<vmem>> -> memref<128xi32, #tpu.memory_space<vmem>>
        %dma_start3A_147 = tpu.memref_slice %arg2[%mul3A_50] : memref<160000xi32, #tpu.memory_space<hbm>> -> memref<128xi32, #tpu.memory_space<hbm>>
        %dma_start3A_148 = arith.constant 0 : i32
        %dma_start3A_149 = tpu.memref_slice %arg6[%run_scoped3A_51, %dma_start3A_148] : memref<3x128xi32, #tpu.memory_space<vmem>> -> memref<1x128xi32, #tpu.memory_space<vmem>>
        %dma_start3A_150 = tpu.memref_squeeze %dma_start3A_149 : memref<1x128xi32, #tpu.memory_space<vmem>> -> memref<128xi32, #tpu.memory_space<vmem>>
        %dma_start3A_151 = tpu.memref_slice %arg2[%mul3A_50] : memref<160000xi32, #tpu.memory_space<hbm>> -> memref<128xi32, #tpu.memory_space<hbm>>
        tpu.enqueue_dma source(%dma_start3A_151 : memref<128xi32, #tpu.memory_space<hbm>>) target(%dma_start3A_150 : memref<128xi32, #tpu.memory_space<vmem>>) target_semaphore(%run_scoped3A_143 : memref<!tpu.dma_semaphore, #tpu.memory_space<semaphore_mem>>)
        %dma_wait3A_152 = arith.constant 0 : i32
        %dma_wait3A_153 = tpu.memref_slice %arg6[%run_scoped3A_51, %dma_wait3A_152] : memref<3x128xi32, #tpu.memory_space<vmem>> -> memref<1x128xi32, #tpu.memory_space<vmem>>
        %dma_wait3A_154 = tpu.memref_squeeze %dma_wait3A_153 : memref<1x128xi32, #tpu.memory_space<vmem>> -> memref<128xi32, #tpu.memory_space<vmem>>
        %dma_wait3A_155 = tpu.memref_slice %arg2[%mul3A_50] : memref<160000xi32, #tpu.memory_space<hbm>> -> memref<128xi32, #tpu.memory_space<hbm>>
        %dma_wait3A_156 = arith.constant 0 : i32
        %dma_wait3A_157 = tpu.memref_slice %arg6[%run_scoped3A_51, %dma_wait3A_156] : memref<3x128xi32, #tpu.memory_space<vmem>> -> memref<1x128xi32, #tpu.memory_space<vmem>>
        %dma_wait3A_158 = tpu.memref_squeeze %dma_wait3A_157 : memref<1x128xi32, #tpu.memory_space<vmem>> -> memref<128xi32, #tpu.memory_space<vmem>>
        %dma_wait3A_159 = tpu.memref_slice %arg2[%mul3A_50] : memref<160000xi32, #tpu.memory_space<hbm>> -> memref<128xi32, #tpu.memory_space<hbm>>
        tpu.wait_dma2 semaphore(%run_scoped3A_143 : memref<!tpu.dma_semaphore, #tpu.memory_space<semaphore_mem>>) src(%dma_wait3A_159 : memref<128xi32, #tpu.memory_space<hbm>>) dst(%dma_wait3A_158 : memref<128xi32, #tpu.memory_space<vmem>>)
        tpu.yield
      }) : () -> ()
      %dma_start3A_52 = arith.constant 1 : i32
      %dma_start3A_53 = arith.constant 0 : i32
      %dma_start3A_54 = arith.constant 0 : i32
      %dma_start3A_55 = tpu.memref_slice %arg7[%dma_start3A_52, %dma_start3A_53, %dma_start3A_54] : memref<3x128x128xf32, #tpu.memory_space<vmem>> -> memref<1x128x128xf32, #tpu.memory_space<vmem>>
      %dma_start3A_56 = tpu.memref_squeeze %dma_start3A_55 : memref<1x128x128xf32, #tpu.memory_space<vmem>> -> memref<128x128xf32, #tpu.memory_space<vmem>>
      %dma_start3A_57 = arith.constant 0 : i32
      %dma_start3A_58 = tpu.memref_slice %arg3[%arg0, %mul3A_50, %dma_start3A_57] : memref<2x160000x128xf32, #tpu.memory_space<hbm>> -> memref<1x128x128xf32, #tpu.memory_space<hbm>>
      %dma_start3A_59 = tpu.memref_squeeze %dma_start3A_58 : memref<1x128x128xf32, #tpu.memory_space<hbm>> -> memref<128x128xf32, #tpu.memory_space<hbm>>
      %dma_start3A_60 = arith.constant 0 : i32
      %dma_start3A_61 = arith.constant 0 : i32
      %dma_start3A_62 = tpu.memref_slice %arg7[%dma_start3A_52, %dma_start3A_60, %dma_start3A_61] : memref<3x128x128xf32, #tpu.memory_space<vmem>> -> memref<1x128x128xf32, #tpu.memory_space<vmem>>
      %dma_start3A_63 = tpu.memref_squeeze %dma_start3A_62 : memref<1x128x128xf32, #tpu.memory_space<vmem>> -> memref<128x128xf32, #tpu.memory_space<vmem>>
      %dma_start3A_64 = arith.constant 0 : i32
      %dma_start3A_65 = tpu.memref_slice %arg3[%arg0, %mul3A_50, %dma_start3A_64] : memref<2x160000x128xf32, #tpu.memory_space<hbm>> -> memref<1x128x128xf32, #tpu.memory_space<hbm>>
      %dma_start3A_66 = tpu.memref_squeeze %dma_start3A_65 : memref<1x128x128xf32, #tpu.memory_space<hbm>> -> memref<128x128xf32, #tpu.memory_space<hbm>>
      tpu.enqueue_dma source(%dma_start3A_66 : memref<128x128xf32, #tpu.memory_space<hbm>>) target(%dma_start3A_63 : memref<128x128xf32, #tpu.memory_space<vmem>>) target_semaphore(%arg10 : memref<!tpu.dma_semaphore, #tpu.memory_space<semaphore_mem>>)
      %mul3A_67 = arith.constant 3 : i32
      %mul3A_68 = arith.muli %mul3A_67, %scan3A_19 : i32
      %add3A_69 = arith.constant 2 : i32
      %add3A_70 = arith.addi %mul3A_68, %add3A_69 : i32
      %mul3A_71 = arith.constant 16 : i32
      %mul3A_72 = arith.muli %mul3A_71, %add3A_70 : i32
      %add3A_73 = arith.addi %arg1, %mul3A_72 : i32
      %mul3A_74 = arith.constant 128 : i32
      %mul3A_75 = arith.muli %add3A_73, %mul3A_74 : i32
      %run_scoped3A_76 = arith.constant 2 : i32
      "tpu.region"() ({
        %run_scoped3A_143 = tpu.sem_alloc : memref<!tpu.dma_semaphore, #tpu.memory_space<semaphore_mem>>
        %dma_start3A_144 = arith.constant 0 : i32
        %dma_start3A_145 = tpu.memref_slice %arg6[%run_scoped3A_76, %dma_start3A_144] : memref<3x128xi32, #tpu.memory_space<vmem>> -> memref<1x128xi32, #tpu.memory_space<vmem>>
        %dma_start3A_146 = tpu.memref_squeeze %dma_start3A_145 : memref<1x128xi32, #tpu.memory_space<vmem>> -> memref<128xi32, #tpu.memory_space<vmem>>
        %dma_start3A_147 = tpu.memref_slice %arg2[%mul3A_75] : memref<160000xi32, #tpu.memory_space<hbm>> -> memref<128xi32, #tpu.memory_space<hbm>>
        %dma_start3A_148 = arith.constant 0 : i32
        %dma_start3A_149 = tpu.memref_slice %arg6[%run_scoped3A_76, %dma_start3A_148] : memref<3x128xi32, #tpu.memory_space<vmem>> -> memref<1x128xi32, #tpu.memory_space<vmem>>
        %dma_start3A_150 = tpu.memref_squeeze %dma_start3A_149 : memref<1x128xi32, #tpu.memory_space<vmem>> -> memref<128xi32, #tpu.memory_space<vmem>>
        %dma_start3A_151 = tpu.memref_slice %arg2[%mul3A_75] : memref<160000xi32, #tpu.memory_space<hbm>> -> memref<128xi32, #tpu.memory_space<hbm>>
        tpu.enqueue_dma source(%dma_start3A_151 : memref<128xi32, #tpu.memory_space<hbm>>) target(%dma_start3A_150 : memref<128xi32, #tpu.memory_space<vmem>>) target_semaphore(%run_scoped3A_143 : memref<!tpu.dma_semaphore, #tpu.memory_space<semaphore_mem>>)
        %dma_wait3A_152 = arith.constant 0 : i32
        %dma_wait3A_153 = tpu.memref_slice %arg6[%run_scoped3A_76, %dma_wait3A_152] : memref<3x128xi32, #tpu.memory_space<vmem>> -> memref<1x128xi32, #tpu.memory_space<vmem>>
        %dma_wait3A_154 = tpu.memref_squeeze %dma_wait3A_153 : memref<1x128xi32, #tpu.memory_space<vmem>> -> memref<128xi32, #tpu.memory_space<vmem>>
        %dma_wait3A_155 = tpu.memref_slice %arg2[%mul3A_75] : memref<160000xi32, #tpu.memory_space<hbm>> -> memref<128xi32, #tpu.memory_space<hbm>>
        %dma_wait3A_156 = arith.constant 0 : i32
        %dma_wait3A_157 = tpu.memref_slice %arg6[%run_scoped3A_76, %dma_wait3A_156] : memref<3x128xi32, #tpu.memory_space<vmem>> -> memref<1x128xi32, #tpu.memory_space<vmem>>
        %dma_wait3A_158 = tpu.memref_squeeze %dma_wait3A_157 : memref<1x128xi32, #tpu.memory_space<vmem>> -> memref<128xi32, #tpu.memory_space<vmem>>
        %dma_wait3A_159 = tpu.memref_slice %arg2[%mul3A_75] : memref<160000xi32, #tpu.memory_space<hbm>> -> memref<128xi32, #tpu.memory_space<hbm>>
        tpu.wait_dma2 semaphore(%run_scoped3A_143 : memref<!tpu.dma_semaphore, #tpu.memory_space<semaphore_mem>>) src(%dma_wait3A_159 : memref<128xi32, #tpu.memory_space<hbm>>) dst(%dma_wait3A_158 : memref<128xi32, #tpu.memory_space<vmem>>)
        tpu.yield
      }) : () -> ()
      %dma_start3A_77 = arith.constant 2 : i32
      %dma_start3A_78 = arith.constant 0 : i32
      %dma_start3A_79 = arith.constant 0 : i32
      %dma_start3A_80 = tpu.memref_slice %arg7[%dma_start3A_77, %dma_start3A_78, %dma_start3A_79] : memref<3x128x128xf32, #tpu.memory_space<vmem>> -> memref<1x128x128xf32, #tpu.memory_space<vmem>>
      %dma_start3A_81 = tpu.memref_squeeze %dma_start3A_80 : memref<1x128x128xf32, #tpu.memory_space<vmem>> -> memref<128x128xf32, #tpu.memory_space<vmem>>
      %dma_start3A_82 = arith.constant 0 : i32
      %dma_start3A_83 = tpu.memref_slice %arg3[%arg0, %mul3A_75, %dma_start3A_82] : memref<2x160000x128xf32, #tpu.memory_space<hbm>> -> memref<1x128x128xf32, #tpu.memory_space<hbm>>
      %dma_start3A_84 = tpu.memref_squeeze %dma_start3A_83 : memref<1x128x128xf32, #tpu.memory_space<hbm>> -> memref<128x128xf32, #tpu.memory_space<hbm>>
      %dma_start3A_85 = arith.constant 0 : i32
      %dma_start3A_86 = arith.constant 0 : i32
      %dma_start3A_87 = tpu.memref_slice %arg7[%dma_start3A_77, %dma_start3A_85, %dma_start3A_86] : memref<3x128x128xf32, #tpu.memory_space<vmem>> -> memref<1x128x128xf32, #tpu.memory_space<vmem>>
      %dma_start3A_88 = tpu.memref_squeeze %dma_start3A_87 : memref<1x128x128xf32, #tpu.memory_space<vmem>> -> memref<128x128xf32, #tpu.memory_space<vmem>>
      %dma_start3A_89 = arith.constant 0 : i32
      %dma_start3A_90 = tpu.memref_slice %arg3[%arg0, %mul3A_75, %dma_start3A_89] : memref<2x160000x128xf32, #tpu.memory_space<hbm>> -> memref<1x128x128xf32, #tpu.memory_space<hbm>>
      %dma_start3A_91 = tpu.memref_squeeze %dma_start3A_90 : memref<1x128x128xf32, #tpu.memory_space<hbm>> -> memref<128x128xf32, #tpu.memory_space<hbm>>
      tpu.enqueue_dma source(%dma_start3A_91 : memref<128x128xf32, #tpu.memory_space<hbm>>) target(%dma_start3A_88 : memref<128x128xf32, #tpu.memory_space<vmem>>) target_semaphore(%arg11 : memref<!tpu.dma_semaphore, #tpu.memory_space<semaphore_mem>>)
      %dma_wait3A = arith.constant 0 : i32
      %dma_wait3A_92 = arith.constant 0 : i32
      %dma_wait3A_93 = arith.constant 0 : i32
      %dma_wait3A_94 = tpu.memref_slice %arg7[%dma_wait3A, %dma_wait3A_92, %dma_wait3A_93] : memref<3x128x128xf32, #tpu.memory_space<vmem>> -> memref<1x128x128xf32, #tpu.memory_space<vmem>>
      %dma_wait3A_95 = tpu.memref_squeeze %dma_wait3A_94 : memref<1x128x128xf32, #tpu.memory_space<vmem>> -> memref<128x128xf32, #tpu.memory_space<vmem>>
      %dma_wait3A_96 = arith.constant 0 : i32
      %dma_wait3A_97 = tpu.memref_slice %arg3[%arg0, %mul3A_27, %dma_wait3A_96] : memref<2x160000x128xf32, #tpu.memory_space<hbm>> -> memref<1x128x128xf32, #tpu.memory_space<hbm>>
      %dma_wait3A_98 = tpu.memref_squeeze %dma_wait3A_97 : memref<1x128x128xf32, #tpu.memory_space<hbm>> -> memref<128x128xf32, #tpu.memory_space<hbm>>
      %dma_wait3A_99 = arith.constant 0 : i32
      %dma_wait3A_100 = arith.constant 0 : i32
      %dma_wait3A_101 = tpu.memref_slice %arg7[%dma_wait3A, %dma_wait3A_99, %dma_wait3A_100] : memref<3x128x128xf32, #tpu.memory_space<vmem>> -> memref<1x128x128xf32, #tpu.memory_space<vmem>>
      %dma_wait3A_102 = tpu.memref_squeeze %dma_wait3A_101 : memref<1x128x128xf32, #tpu.memory_space<vmem>> -> memref<128x128xf32, #tpu.memory_space<vmem>>
      %dma_wait3A_103 = arith.constant 0 : i32
      %dma_wait3A_104 = tpu.memref_slice %arg3[%arg0, %mul3A_27, %dma_wait3A_103] : memref<2x160000x128xf32, #tpu.memory_space<hbm>> -> memref<1x128x128xf32, #tpu.memory_space<hbm>>
      %dma_wait3A_105 = tpu.memref_squeeze %dma_wait3A_104 : memref<1x128x128xf32, #tpu.memory_space<hbm>> -> memref<128x128xf32, #tpu.memory_space<hbm>>
      tpu.wait_dma2 semaphore(%arg9 : memref<!tpu.dma_semaphore, #tpu.memory_space<semaphore_mem>>) src(%dma_wait3A_105 : memref<128x128xf32, #tpu.memory_space<hbm>>) dst(%dma_wait3A_102 : memref<128x128xf32, #tpu.memory_space<vmem>>)
      %run_scoped3A_106 = arith.constant 0 : i32
      %run_scoped3A_107 = arith.constant 0 : i32
      "tpu.region"() ({
        %run_scoped3A_143 = tpu.sem_alloc : memref<!tpu.dma_semaphore, #tpu.memory_space<semaphore_mem>>
        %dma_start3A_144 = arith.constant 0 : i32
        %dma_start3A_145 = arith.constant 0 : i32
        %dma_start3A_146 = tpu.memref_slice %arg7[%run_scoped3A_106, %dma_start3A_144, %dma_start3A_145] : memref<3x128x128xf32, #tpu.memory_space<vmem>> -> memref<1x128x128xf32, #tpu.memory_space<vmem>>
        %dma_start3A_147 = tpu.memref_squeeze %dma_start3A_146 : memref<1x128x128xf32, #tpu.memory_space<vmem>> -> memref<128x128xf32, #tpu.memory_space<vmem>>
        %dma_start3A_148 = arith.constant 0 : i32
        %dma_start3A_149 = tpu.memref_slice %arg6[%run_scoped3A_107, %dma_start3A_148] : memref<3x128xi32, #tpu.memory_space<vmem>> -> memref<1x128xi32, #tpu.memory_space<vmem>>
        %dma_start3A_150 = tpu.memref_squeeze %dma_start3A_149 : memref<1x128xi32, #tpu.memory_space<vmem>> -> memref<128xi32, #tpu.memory_space<vmem>>
        %dma_start3A_151 = arith.constant 0 : i32
        %dma_start3A_152 = arith.constant 0 : i32
        %dma_start3A_153 = tpu.memref_slice %arg8[%dma_start3A_151, %dma_start3A_152] : memref<10000x128xf32, #tpu.memory_space<vmem_shared>> -> memref<10000x128xf32, #tpu.memory_space<vmem_shared>>
        tpu.enqueue_indirect_dma source(%dma_start3A_147 : memref<128x128xf32, #tpu.memory_space<vmem>>) target(%dma_start3A_153 : memref<10000x128xf32, #tpu.memory_space<vmem_shared>>) offsets(%dma_start3A_150 : memref<128xi32, #tpu.memory_space<vmem>>) semaphore(%run_scoped3A_143 : memref<!tpu.dma_semaphore, #tpu.memory_space<semaphore_mem>>) {add = true}
        %dma_wait3A_154 = arith.constant 0 : i32
        %dma_wait3A_155 = arith.constant 0 : i32
        %dma_wait3A_156 = tpu.memref_slice %arg7[%run_scoped3A_106, %dma_wait3A_154, %dma_wait3A_155] : memref<3x128x128xf32, #tpu.memory_space<vmem>> -> memref<1x128x128xf32, #tpu.memory_space<vmem>>
        %dma_wait3A_157 = tpu.memref_squeeze %dma_wait3A_156 : memref<1x128x128xf32, #tpu.memory_space<vmem>> -> memref<128x128xf32, #tpu.memory_space<vmem>>
        %dma_wait3A_158 = arith.constant 0 : i32
        %dma_wait3A_159 = tpu.memref_slice %arg6[%run_scoped3A_107, %dma_wait3A_158] : memref<3x128xi32, #tpu.memory_space<vmem>> -> memref<1x128xi32, #tpu.memory_space<vmem>>
        %dma_wait3A_160 = tpu.memref_squeeze %dma_wait3A_159 : memref<1x128xi32, #tpu.memory_space<vmem>> -> memref<128xi32, #tpu.memory_space<vmem>>
        %dma_wait3A_161 = arith.constant 0 : i32
        %dma_wait3A_162 = arith.constant 0 : i32
        %dma_wait3A_163 = tpu.memref_slice %arg8[%dma_wait3A_161, %dma_wait3A_162] : memref<10000x128xf32, #tpu.memory_space<vmem_shared>> -> memref<10000x128xf32, #tpu.memory_space<vmem_shared>>
        tpu.wait_indirect_dma semaphore(%run_scoped3A_143 : memref<!tpu.dma_semaphore, #tpu.memory_space<semaphore_mem>>) src(%dma_wait3A_157 : memref<128x128xf32, #tpu.memory_space<vmem>>) dst(%dma_wait3A_163 : memref<10000x128xf32, #tpu.memory_space<vmem_shared>>)
        tpu.yield
      }) : () -> ()
      %dma_wait3A_108 = arith.constant 1 : i32
      %dma_wait3A_109 = arith.constant 0 : i32
      %dma_wait3A_110 = arith.constant 0 : i32
      %dma_wait3A_111 = tpu.memref_slice %arg7[%dma_wait3A_108, %dma_wait3A_109, %dma_wait3A_110] : memref<3x128x128xf32, #tpu.memory_space<vmem>> -> memref<1x128x128xf32, #tpu.memory_space<vmem>>
      %dma_wait3A_112 = tpu.memref_squeeze %dma_wait3A_111 : memref<1x128x128xf32, #tpu.memory_space<vmem>> -> memref<128x128xf32, #tpu.memory_space<vmem>>
      %dma_wait3A_113 = arith.constant 0 : i32
      %dma_wait3A_114 = tpu.memref_slice %arg3[%arg0, %mul3A_50, %dma_wait3A_113] : memref<2x160000x128xf32, #tpu.memory_space<hbm>> -> memref<1x128x128xf32, #tpu.memory_space<hbm>>
      %dma_wait3A_115 = tpu.memref_squeeze %dma_wait3A_114 : memref<1x128x128xf32, #tpu.memory_space<hbm>> -> memref<128x128xf32, #tpu.memory_space<hbm>>
      %dma_wait3A_116 = arith.constant 0 : i32
      %dma_wait3A_117 = arith.constant 0 : i32
      %dma_wait3A_118 = tpu.memref_slice %arg7[%dma_wait3A_108, %dma_wait3A_116, %dma_wait3A_117] : memref<3x128x128xf32, #tpu.memory_space<vmem>> -> memref<1x128x128xf32, #tpu.memory_space<vmem>>
      %dma_wait3A_119 = tpu.memref_squeeze %dma_wait3A_118 : memref<1x128x128xf32, #tpu.memory_space<vmem>> -> memref<128x128xf32, #tpu.memory_space<vmem>>
      %dma_wait3A_120 = arith.constant 0 : i32
      %dma_wait3A_121 = tpu.memref_slice %arg3[%arg0, %mul3A_50, %dma_wait3A_120] : memref<2x160000x128xf32, #tpu.memory_space<hbm>> -> memref<1x128x128xf32, #tpu.memory_space<hbm>>
      %dma_wait3A_122 = tpu.memref_squeeze %dma_wait3A_121 : memref<1x128x128xf32, #tpu.memory_space<hbm>> -> memref<128x128xf32, #tpu.memory_space<hbm>>
      tpu.wait_dma2 semaphore(%arg10 : memref<!tpu.dma_semaphore, #tpu.memory_space<semaphore_mem>>) src(%dma_wait3A_122 : memref<128x128xf32, #tpu.memory_space<hbm>>) dst(%dma_wait3A_119 : memref<128x128xf32, #tpu.memory_space<vmem>>)
      %run_scoped3A_123 = arith.constant 1 : i32
      %run_scoped3A_124 = arith.constant 1 : i32
      "tpu.region"() ({
        %run_scoped3A_143 = tpu.sem_alloc : memref<!tpu.dma_semaphore, #tpu.memory_space<semaphore_mem>>
        %dma_start3A_144 = arith.constant 0 : i32
        %dma_start3A_145 = arith.constant 0 : i32
        %dma_start3A_146 = tpu.memref_slice %arg7[%run_scoped3A_123, %dma_start3A_144, %dma_start3A_145] : memref<3x128x128xf32, #tpu.memory_space<vmem>> -> memref<1x128x128xf32, #tpu.memory_space<vmem>>
        %dma_start3A_147 = tpu.memref_squeeze %dma_start3A_146 : memref<1x128x128xf32, #tpu.memory_space<vmem>> -> memref<128x128xf32, #tpu.memory_space<vmem>>
        %dma_start3A_148 = arith.constant 0 : i32
        %dma_start3A_149 = tpu.memref_slice %arg6[%run_scoped3A_124, %dma_start3A_148] : memref<3x128xi32, #tpu.memory_space<vmem>> -> memref<1x128xi32, #tpu.memory_space<vmem>>
        %dma_start3A_150 = tpu.memref_squeeze %dma_start3A_149 : memref<1x128xi32, #tpu.memory_space<vmem>> -> memref<128xi32, #tpu.memory_space<vmem>>
        %dma_start3A_151 = arith.constant 0 : i32
        %dma_start3A_152 = arith.constant 0 : i32
        %dma_start3A_153 = tpu.memref_slice %arg8[%dma_start3A_151, %dma_start3A_152] : memref<10000x128xf32, #tpu.memory_space<vmem_shared>> -> memref<10000x128xf32, #tpu.memory_space<vmem_shared>>
        tpu.enqueue_indirect_dma source(%dma_start3A_147 : memref<128x128xf32, #tpu.memory_space<vmem>>) target(%dma_start3A_153 : memref<10000x128xf32, #tpu.memory_space<vmem_shared>>) offsets(%dma_start3A_150 : memref<128xi32, #tpu.memory_space<vmem>>) semaphore(%run_scoped3A_143 : memref<!tpu.dma_semaphore, #tpu.memory_space<semaphore_mem>>) {add = true}
        %dma_wait3A_154 = arith.constant 0 : i32
        %dma_wait3A_155 = arith.constant 0 : i32
        %dma_wait3A_156 = tpu.memref_slice %arg7[%run_scoped3A_123, %dma_wait3A_154, %dma_wait3A_155] : memref<3x128x128xf32, #tpu.memory_space<vmem>> -> memref<1x128x128xf32, #tpu.memory_space<vmem>>
        %dma_wait3A_157 = tpu.memref_squeeze %dma_wait3A_156 : memref<1x128x128xf32, #tpu.memory_space<vmem>> -> memref<128x128xf32, #tpu.memory_space<vmem>>
        %dma_wait3A_158 = arith.constant 0 : i32
        %dma_wait3A_159 = tpu.memref_slice %arg6[%run_scoped3A_124, %dma_wait3A_158] : memref<3x128xi32, #tpu.memory_space<vmem>> -> memref<1x128xi32, #tpu.memory_space<vmem>>
        %dma_wait3A_160 = tpu.memref_squeeze %dma_wait3A_159 : memref<1x128xi32, #tpu.memory_space<vmem>> -> memref<128xi32, #tpu.memory_space<vmem>>
        %dma_wait3A_161 = arith.constant 0 : i32
        %dma_wait3A_162 = arith.constant 0 : i32
        %dma_wait3A_163 = tpu.memref_slice %arg8[%dma_wait3A_161, %dma_wait3A_162] : memref<10000x128xf32, #tpu.memory_space<vmem_shared>> -> memref<10000x128xf32, #tpu.memory_space<vmem_shared>>
        tpu.wait_indirect_dma semaphore(%run_scoped3A_143 : memref<!tpu.dma_semaphore, #tpu.memory_space<semaphore_mem>>) src(%dma_wait3A_157 : memref<128x128xf32, #tpu.memory_space<vmem>>) dst(%dma_wait3A_163 : memref<10000x128xf32, #tpu.memory_space<vmem_shared>>)
        tpu.yield
      }) : () -> ()
      %dma_wait3A_125 = arith.constant 2 : i32
      %dma_wait3A_126 = arith.constant 0 : i32
      %dma_wait3A_127 = arith.constant 0 : i32
      %dma_wait3A_128 = tpu.memref_slice %arg7[%dma_wait3A_125, %dma_wait3A_126, %dma_wait3A_127] : memref<3x128x128xf32, #tpu.memory_space<vmem>> -> memref<1x128x128xf32, #tpu.memory_space<vmem>>
      %dma_wait3A_129 = tpu.memref_squeeze %dma_wait3A_128 : memref<1x128x128xf32, #tpu.memory_space<vmem>> -> memref<128x128xf32, #tpu.memory_space<vmem>>
      %dma_wait3A_130 = arith.constant 0 : i32
      %dma_wait3A_131 = tpu.memref_slice %arg3[%arg0, %mul3A_75, %dma_wait3A_130] : memref<2x160000x128xf32, #tpu.memory_space<hbm>> -> memref<1x128x128xf32, #tpu.memory_space<hbm>>
      %dma_wait3A_132 = tpu.memref_squeeze %dma_wait3A_131 : memref<1x128x128xf32, #tpu.memory_space<hbm>> -> memref<128x128xf32, #tpu.memory_space<hbm>>
      %dma_wait3A_133 = arith.constant 0 : i32
      %dma_wait3A_134 = arith.constant 0 : i32
      %dma_wait3A_135 = tpu.memref_slice %arg7[%dma_wait3A_125, %dma_wait3A_133, %dma_wait3A_134] : memref<3x128x128xf32, #tpu.memory_space<vmem>> -> memref<1x128x128xf32, #tpu.memory_space<vmem>>
      %dma_wait3A_136 = tpu.memref_squeeze %dma_wait3A_135 : memref<1x128x128xf32, #tpu.memory_space<vmem>> -> memref<128x128xf32, #tpu.memory_space<vmem>>
      %dma_wait3A_137 = arith.constant 0 : i32
      %dma_wait3A_138 = tpu.memref_slice %arg3[%arg0, %mul3A_75, %dma_wait3A_137] : memref<2x160000x128xf32, #tpu.memory_space<hbm>> -> memref<1x128x128xf32, #tpu.memory_space<hbm>>
      %dma_wait3A_139 = tpu.memref_squeeze %dma_wait3A_138 : memref<1x128x128xf32, #tpu.memory_space<hbm>> -> memref<128x128xf32, #tpu.memory_space<hbm>>
      tpu.wait_dma2 semaphore(%arg11 : memref<!tpu.dma_semaphore, #tpu.memory_space<semaphore_mem>>) src(%dma_wait3A_139 : memref<128x128xf32, #tpu.memory_space<hbm>>) dst(%dma_wait3A_136 : memref<128x128xf32, #tpu.memory_space<vmem>>)
      %run_scoped3A_140 = arith.constant 2 : i32
      %run_scoped3A_141 = arith.constant 2 : i32
      "tpu.region"() ({
        %run_scoped3A_143 = tpu.sem_alloc : memref<!tpu.dma_semaphore, #tpu.memory_space<semaphore_mem>>
        %dma_start3A_144 = arith.constant 0 : i32
        %dma_start3A_145 = arith.constant 0 : i32
        %dma_start3A_146 = tpu.memref_slice %arg7[%run_scoped3A_140, %dma_start3A_144, %dma_start3A_145] : memref<3x128x128xf32, #tpu.memory_space<vmem>> -> memref<1x128x128xf32, #tpu.memory_space<vmem>>
        %dma_start3A_147 = tpu.memref_squeeze %dma_start3A_146 : memref<1x128x128xf32, #tpu.memory_space<vmem>> -> memref<128x128xf32, #tpu.memory_space<vmem>>
        %dma_start3A_148 = arith.constant 0 : i32
        %dma_start3A_149 = tpu.memref_slice %arg6[%run_scoped3A_141, %dma_start3A_148] : memref<3x128xi32, #tpu.memory_space<vmem>> -> memref<1x128xi32, #tpu.memory_space<vmem>>
        %dma_start3A_150 = tpu.memref_squeeze %dma_start3A_149 : memref<1x128xi32, #tpu.memory_space<vmem>> -> memref<128xi32, #tpu.memory_space<vmem>>
        %dma_start3A_151 = arith.constant 0 : i32
        %dma_start3A_152 = arith.constant 0 : i32
        %dma_start3A_153 = tpu.memref_slice %arg8[%dma_start3A_151, %dma_start3A_152] : memref<10000x128xf32, #tpu.memory_space<vmem_shared>> -> memref<10000x128xf32, #tpu.memory_space<vmem_shared>>
        tpu.enqueue_indirect_dma source(%dma_start3A_147 : memref<128x128xf32, #tpu.memory_space<vmem>>) target(%dma_start3A_153 : memref<10000x128xf32, #tpu.memory_space<vmem_shared>>) offsets(%dma_start3A_150 : memref<128xi32, #tpu.memory_space<vmem>>) semaphore(%run_scoped3A_143 : memref<!tpu.dma_semaphore, #tpu.memory_space<semaphore_mem>>) {add = true}
        %dma_wait3A_154 = arith.constant 0 : i32
        %dma_wait3A_155 = arith.constant 0 : i32
        %dma_wait3A_156 = tpu.memref_slice %arg7[%run_scoped3A_140, %dma_wait3A_154, %dma_wait3A_155] : memref<3x128x128xf32, #tpu.memory_space<vmem>> -> memref<1x128x128xf32, #tpu.memory_space<vmem>>
        %dma_wait3A_157 = tpu.memref_squeeze %dma_wait3A_156 : memref<1x128x128xf32, #tpu.memory_space<vmem>> -> memref<128x128xf32, #tpu.memory_space<vmem>>
        %dma_wait3A_158 = arith.constant 0 : i32
        %dma_wait3A_159 = tpu.memref_slice %arg6[%run_scoped3A_141, %dma_wait3A_158] : memref<3x128xi32, #tpu.memory_space<vmem>> -> memref<1x128xi32, #tpu.memory_space<vmem>>
        %dma_wait3A_160 = tpu.memref_squeeze %dma_wait3A_159 : memref<1x128xi32, #tpu.memory_space<vmem>> -> memref<128xi32, #tpu.memory_space<vmem>>
        %dma_wait3A_161 = arith.constant 0 : i32
        %dma_wait3A_162 = arith.constant 0 : i32
        %dma_wait3A_163 = tpu.memref_slice %arg8[%dma_wait3A_161, %dma_wait3A_162] : memref<10000x128xf32, #tpu.memory_space<vmem_shared>> -> memref<10000x128xf32, #tpu.memory_space<vmem_shared>>
        tpu.wait_indirect_dma semaphore(%run_scoped3A_143 : memref<!tpu.dma_semaphore, #tpu.memory_space<semaphore_mem>>) src(%dma_wait3A_157 : memref<128x128xf32, #tpu.memory_space<vmem>>) dst(%dma_wait3A_163 : memref<10000x128xf32, #tpu.memory_space<vmem_shared>>)
        tpu.yield
      }) : () -> ()
      %scan3A_142 = arith.constant 0 : i32
      scf.yield %scan3A_142 : i32
    }
    %scan3A_7 = arith.constant 26 : i32
    %lt3A_8 = arith.constant 2 : i32
    %lt3A_9 = arith.cmpi slt, %arg1, %lt3A_8 : i32
    %convert_element_type3A_10 = arith.extui %lt3A_9 : i1 to i32
    %cond3A_11 = arith.constant 0 : i32
    %cond3A_12 = arith.cmpi ne, %convert_element_type3A_10, %cond3A_11 : i32
    scf.if %cond3A_12 {
      %add3A = arith.constant 1248 : i32
      %add3A_19 = arith.addi %arg1, %add3A : i32
      %mul3A = arith.constant 128 : i32
      %mul3A_20 = arith.muli %add3A_19, %mul3A : i32
      %run_scoped3A = arith.constant 0 : i32
      "tpu.region"() ({
        %run_scoped3A_51 = tpu.sem_alloc : memref<!tpu.dma_semaphore, #tpu.memory_space<semaphore_mem>>
        %dma_start3A_52 = arith.constant 0 : i32
        %dma_start3A_53 = tpu.memref_slice %arg6[%run_scoped3A, %dma_start3A_52] : memref<3x128xi32, #tpu.memory_space<vmem>> -> memref<1x128xi32, #tpu.memory_space<vmem>>
        %dma_start3A_54 = tpu.memref_squeeze %dma_start3A_53 : memref<1x128xi32, #tpu.memory_space<vmem>> -> memref<128xi32, #tpu.memory_space<vmem>>
        %dma_start3A_55 = tpu.memref_slice %arg2[%mul3A_20] : memref<160000xi32, #tpu.memory_space<hbm>> -> memref<128xi32, #tpu.memory_space<hbm>>
        %dma_start3A_56 = arith.constant 0 : i32
        %dma_start3A_57 = tpu.memref_slice %arg6[%run_scoped3A, %dma_start3A_56] : memref<3x128xi32, #tpu.memory_space<vmem>> -> memref<1x128xi32, #tpu.memory_space<vmem>>
        %dma_start3A_58 = tpu.memref_squeeze %dma_start3A_57 : memref<1x128xi32, #tpu.memory_space<vmem>> -> memref<128xi32, #tpu.memory_space<vmem>>
        %dma_start3A_59 = tpu.memref_slice %arg2[%mul3A_20] : memref<160000xi32, #tpu.memory_space<hbm>> -> memref<128xi32, #tpu.memory_space<hbm>>
        tpu.enqueue_dma source(%dma_start3A_59 : memref<128xi32, #tpu.memory_space<hbm>>) target(%dma_start3A_58 : memref<128xi32, #tpu.memory_space<vmem>>) target_semaphore(%run_scoped3A_51 : memref<!tpu.dma_semaphore, #tpu.memory_space<semaphore_mem>>)
        %dma_wait3A_60 = arith.constant 0 : i32
        %dma_wait3A_61 = tpu.memref_slice %arg6[%run_scoped3A, %dma_wait3A_60] : memref<3x128xi32, #tpu.memory_space<vmem>> -> memref<1x128xi32, #tpu.memory_space<vmem>>
        %dma_wait3A_62 = tpu.memref_squeeze %dma_wait3A_61 : memref<1x128xi32, #tpu.memory_space<vmem>> -> memref<128xi32, #tpu.memory_space<vmem>>
        %dma_wait3A_63 = tpu.memref_slice %arg2[%mul3A_20] : memref<160000xi32, #tpu.memory_space<hbm>> -> memref<128xi32, #tpu.memory_space<hbm>>
        %dma_wait3A_64 = arith.constant 0 : i32
        %dma_wait3A_65 = tpu.memref_slice %arg6[%run_scoped3A, %dma_wait3A_64] : memref<3x128xi32, #tpu.memory_space<vmem>> -> memref<1x128xi32, #tpu.memory_space<vmem>>
        %dma_wait3A_66 = tpu.memref_squeeze %dma_wait3A_65 : memref<1x128xi32, #tpu.memory_space<vmem>> -> memref<128xi32, #tpu.memory_space<vmem>>
        %dma_wait3A_67 = tpu.memref_slice %arg2[%mul3A_20] : memref<160000xi32, #tpu.memory_space<hbm>> -> memref<128xi32, #tpu.memory_space<hbm>>
        tpu.wait_dma2 semaphore(%run_scoped3A_51 : memref<!tpu.dma_semaphore, #tpu.memory_space<semaphore_mem>>) src(%dma_wait3A_67 : memref<128xi32, #tpu.memory_space<hbm>>) dst(%dma_wait3A_66 : memref<128xi32, #tpu.memory_space<vmem>>)
        tpu.yield
      }) : () -> ()
      %dma_start3A = arith.constant 0 : i32
      %dma_start3A_21 = arith.constant 0 : i32
      %dma_start3A_22 = arith.constant 0 : i32
      %dma_start3A_23 = tpu.memref_slice %arg7[%dma_start3A, %dma_start3A_21, %dma_start3A_22] : memref<3x128x128xf32, #tpu.memory_space<vmem>> -> memref<1x128x128xf32, #tpu.memory_space<vmem>>
      %dma_start3A_24 = tpu.memref_squeeze %dma_start3A_23 : memref<1x128x128xf32, #tpu.memory_space<vmem>> -> memref<128x128xf32, #tpu.memory_space<vmem>>
      %dma_start3A_25 = arith.constant 0 : i32
      %dma_start3A_26 = tpu.memref_slice %arg3[%arg0, %mul3A_20, %dma_start3A_25] : memref<2x160000x128xf32, #tpu.memory_space<hbm>> -> memref<1x128x128xf32, #tpu.memory_space<hbm>>
      %dma_start3A_27 = tpu.memref_squeeze %dma_start3A_26 : memref<1x128x128xf32, #tpu.memory_space<hbm>> -> memref<128x128xf32, #tpu.memory_space<hbm>>
      %dma_start3A_28 = arith.constant 0 : i32
      %dma_start3A_29 = arith.constant 0 : i32
      %dma_start3A_30 = tpu.memref_slice %arg7[%dma_start3A, %dma_start3A_28, %dma_start3A_29] : memref<3x128x128xf32, #tpu.memory_space<vmem>> -> memref<1x128x128xf32, #tpu.memory_space<vmem>>
      %dma_start3A_31 = tpu.memref_squeeze %dma_start3A_30 : memref<1x128x128xf32, #tpu.memory_space<vmem>> -> memref<128x128xf32, #tpu.memory_space<vmem>>
      %dma_start3A_32 = arith.constant 0 : i32
      %dma_start3A_33 = tpu.memref_slice %arg3[%arg0, %mul3A_20, %dma_start3A_32] : memref<2x160000x128xf32, #tpu.memory_space<hbm>> -> memref<1x128x128xf32, #tpu.memory_space<hbm>>
      %dma_start3A_34 = tpu.memref_squeeze %dma_start3A_33 : memref<1x128x128xf32, #tpu.memory_space<hbm>> -> memref<128x128xf32, #tpu.memory_space<hbm>>
      tpu.enqueue_dma source(%dma_start3A_34 : memref<128x128xf32, #tpu.memory_space<hbm>>) target(%dma_start3A_31 : memref<128x128xf32, #tpu.memory_space<vmem>>) target_semaphore(%arg9 : memref<!tpu.dma_semaphore, #tpu.memory_space<semaphore_mem>>)
      %dma_wait3A = arith.constant 0 : i32
      %dma_wait3A_35 = arith.constant 0 : i32
      %dma_wait3A_36 = arith.constant 0 : i32
      %dma_wait3A_37 = tpu.memref_slice %arg7[%dma_wait3A, %dma_wait3A_35, %dma_wait3A_36] : memref<3x128x128xf32, #tpu.memory_space<vmem>> -> memref<1x128x128xf32, #tpu.memory_space<vmem>>
      %dma_wait3A_38 = tpu.memref_squeeze %dma_wait3A_37 : memref<1x128x128xf32, #tpu.memory_space<vmem>> -> memref<128x128xf32, #tpu.memory_space<vmem>>
      %dma_wait3A_39 = arith.constant 0 : i32
      %dma_wait3A_40 = tpu.memref_slice %arg3[%arg0, %mul3A_20, %dma_wait3A_39] : memref<2x160000x128xf32, #tpu.memory_space<hbm>> -> memref<1x128x128xf32, #tpu.memory_space<hbm>>
      %dma_wait3A_41 = tpu.memref_squeeze %dma_wait3A_40 : memref<1x128x128xf32, #tpu.memory_space<hbm>> -> memref<128x128xf32, #tpu.memory_space<hbm>>
      %dma_wait3A_42 = arith.constant 0 : i32
      %dma_wait3A_43 = arith.constant 0 : i32
      %dma_wait3A_44 = tpu.memref_slice %arg7[%dma_wait3A, %dma_wait3A_42, %dma_wait3A_43] : memref<3x128x128xf32, #tpu.memory_space<vmem>> -> memref<1x128x128xf32, #tpu.memory_space<vmem>>
      %dma_wait3A_45 = tpu.memref_squeeze %dma_wait3A_44 : memref<1x128x128xf32, #tpu.memory_space<vmem>> -> memref<128x128xf32, #tpu.memory_space<vmem>>
      %dma_wait3A_46 = arith.constant 0 : i32
      %dma_wait3A_47 = tpu.memref_slice %arg3[%arg0, %mul3A_20, %dma_wait3A_46] : memref<2x160000x128xf32, #tpu.memory_space<hbm>> -> memref<1x128x128xf32, #tpu.memory_space<hbm>>
      %dma_wait3A_48 = tpu.memref_squeeze %dma_wait3A_47 : memref<1x128x128xf32, #tpu.memory_space<hbm>> -> memref<128x128xf32, #tpu.memory_space<hbm>>
      tpu.wait_dma2 semaphore(%arg9 : memref<!tpu.dma_semaphore, #tpu.memory_space<semaphore_mem>>) src(%dma_wait3A_48 : memref<128x128xf32, #tpu.memory_space<hbm>>) dst(%dma_wait3A_45 : memref<128x128xf32, #tpu.memory_space<vmem>>)
      %run_scoped3A_49 = arith.constant 0 : i32
      %run_scoped3A_50 = arith.constant 0 : i32
      "tpu.region"() ({
        %run_scoped3A_51 = tpu.sem_alloc : memref<!tpu.dma_semaphore, #tpu.memory_space<semaphore_mem>>
        %dma_start3A_52 = arith.constant 0 : i32
        %dma_start3A_53 = arith.constant 0 : i32
        %dma_start3A_54 = tpu.memref_slice %arg7[%run_scoped3A_49, %dma_start3A_52, %dma_start3A_53] : memref<3x128x128xf32, #tpu.memory_space<vmem>> -> memref<1x128x128xf32, #tpu.memory_space<vmem>>
        %dma_start3A_55 = tpu.memref_squeeze %dma_start3A_54 : memref<1x128x128xf32, #tpu.memory_space<vmem>> -> memref<128x128xf32, #tpu.memory_space<vmem>>
        %dma_start3A_56 = arith.constant 0 : i32
        %dma_start3A_57 = tpu.memref_slice %arg6[%run_scoped3A_50, %dma_start3A_56] : memref<3x128xi32, #tpu.memory_space<vmem>> -> memref<1x128xi32, #tpu.memory_space<vmem>>
        %dma_start3A_58 = tpu.memref_squeeze %dma_start3A_57 : memref<1x128xi32, #tpu.memory_space<vmem>> -> memref<128xi32, #tpu.memory_space<vmem>>
        %dma_start3A_59 = arith.constant 0 : i32
        %dma_start3A_60 = arith.constant 0 : i32
        %dma_start3A_61 = tpu.memref_slice %arg8[%dma_start3A_59, %dma_start3A_60] : memref<10000x128xf32, #tpu.memory_space<vmem_shared>> -> memref<10000x128xf32, #tpu.memory_space<vmem_shared>>
        tpu.enqueue_indirect_dma source(%dma_start3A_55 : memref<128x128xf32, #tpu.memory_space<vmem>>) target(%dma_start3A_61 : memref<10000x128xf32, #tpu.memory_space<vmem_shared>>) offsets(%dma_start3A_58 : memref<128xi32, #tpu.memory_space<vmem>>) semaphore(%run_scoped3A_51 : memref<!tpu.dma_semaphore, #tpu.memory_space<semaphore_mem>>) {add = true}
        %dma_wait3A_62 = arith.constant 0 : i32
        %dma_wait3A_63 = arith.constant 0 : i32
        %dma_wait3A_64 = tpu.memref_slice %arg7[%run_scoped3A_49, %dma_wait3A_62, %dma_wait3A_63] : memref<3x128x128xf32, #tpu.memory_space<vmem>> -> memref<1x128x128xf32, #tpu.memory_space<vmem>>
        %dma_wait3A_65 = tpu.memref_squeeze %dma_wait3A_64 : memref<1x128x128xf32, #tpu.memory_space<vmem>> -> memref<128x128xf32, #tpu.memory_space<vmem>>
        %dma_wait3A_66 = arith.constant 0 : i32
        %dma_wait3A_67 = tpu.memref_slice %arg6[%run_scoped3A_50, %dma_wait3A_66] : memref<3x128xi32, #tpu.memory_space<vmem>> -> memref<1x128xi32, #tpu.memory_space<vmem>>
        %dma_wait3A_68 = tpu.memref_squeeze %dma_wait3A_67 : memref<1x128xi32, #tpu.memory_space<vmem>> -> memref<128xi32, #tpu.memory_space<vmem>>
        %dma_wait3A_69 = arith.constant 0 : i32
        %dma_wait3A_70 = arith.constant 0 : i32
        %dma_wait3A_71 = tpu.memref_slice %arg8[%dma_wait3A_69, %dma_wait3A_70] : memref<10000x128xf32, #tpu.memory_space<vmem_shared>> -> memref<10000x128xf32, #tpu.memory_space<vmem_shared>>
        tpu.wait_indirect_dma semaphore(%run_scoped3A_51 : memref<!tpu.dma_semaphore, #tpu.memory_space<semaphore_mem>>) src(%dma_wait3A_65 : memref<128x128xf32, #tpu.memory_space<vmem>>) dst(%dma_wait3A_71 : memref<10000x128xf32, #tpu.memory_space<vmem_shared>>)
        tpu.yield
      }) : () -> ()
    } else {
    }
    %barrier3A_13 = arith.constant 0 : index
    tpu.barrier barrier_id(%barrier3A_13)
    %lt3A_14 = arith.constant 10 : i32
    %lt3A_15 = arith.cmpi slt, %arg1, %lt3A_14 : i32
    %convert_element_type3A_16 = arith.extui %lt3A_15 : i1 to i32
    %cond3A_17 = arith.constant 0 : i32
    %cond3A_18 = arith.cmpi ne, %convert_element_type3A_16, %cond3A_17 : i32
    scf.if %cond3A_18 {
      %mul3A = arith.constant 1000 : i32
      %mul3A_19 = arith.muli %arg1, %mul3A : i32
      %mul3A_20 = arith.constant 1000 : i32
      %mul3A_21 = arith.muli %arg1, %mul3A_20 : i32
      "tpu.region"() ({
        %run_scoped3A = tpu.sem_alloc : memref<!tpu.dma_semaphore, #tpu.memory_space<semaphore_mem>>
        %dma_start3A = arith.constant 0 : i32
        %dma_start3A_22 = tpu.memref_slice %arg5[%arg0, %mul3A_21, %dma_start3A] : memref<2x10000x128xf32, #tpu.memory_space<hbm>> -> memref<1x1000x128xf32, #tpu.memory_space<hbm>>
        %dma_start3A_23 = tpu.memref_squeeze %dma_start3A_22 : memref<1x1000x128xf32, #tpu.memory_space<hbm>> -> memref<1000x128xf32, #tpu.memory_space<hbm>>
        %dma_start3A_24 = arith.constant 0 : i32
        %dma_start3A_25 = tpu.memref_slice %arg8[%mul3A_19, %dma_start3A_24] : memref<10000x128xf32, #tpu.memory_space<vmem_shared>> -> memref<1000x128xf32, #tpu.memory_space<vmem_shared>>
        tpu.enqueue_dma source(%dma_start3A_25 : memref<1000x128xf32, #tpu.memory_space<vmem_shared>>) target(%dma_start3A_23 : memref<1000x128xf32, #tpu.memory_space<hbm>>) target_semaphore(%run_scoped3A : memref<!tpu.dma_semaphore, #tpu.memory_space<semaphore_mem>>)
        %dma_wait3A = arith.constant 0 : i32
        %dma_wait3A_26 = tpu.memref_slice %arg5[%arg0, %mul3A_21, %dma_wait3A] : memref<2x10000x128xf32, #tpu.memory_space<hbm>> -> memref<1x1000x128xf32, #tpu.memory_space<hbm>>
        %dma_wait3A_27 = tpu.memref_squeeze %dma_wait3A_26 : memref<1x1000x128xf32, #tpu.memory_space<hbm>> -> memref<1000x128xf32, #tpu.memory_space<hbm>>
        %dma_wait3A_28 = arith.constant 0 : i32
        %dma_wait3A_29 = tpu.memref_slice %arg8[%mul3A_19, %dma_wait3A_28] : memref<10000x128xf32, #tpu.memory_space<vmem_shared>> -> memref<1000x128xf32, #tpu.memory_space<vmem_shared>>
        tpu.wait_dma2 semaphore(%run_scoped3A : memref<!tpu.dma_semaphore, #tpu.memory_space<semaphore_mem>>) src(%dma_wait3A_29 : memref<1000x128xf32, #tpu.memory_space<vmem_shared>>) dst(%dma_wait3A_27 : memref<1000x128xf32, #tpu.memory_space<hbm>>)
        tpu.yield
      }) : () -> ()
    } else {
    }
    return
  }
}

#map = affine_map<(d0, d1) -> (0)>
#map1 = affine_map<(d0, d1) -> (0, 0)>
module attributes {stable_mosaic.version = 14 : i64} {
  func.func @_k2_body(%arg0: i32, %arg1: i32, %arg2: memref<160000xi32, #tpu.memory_space<hbm>>, %arg3: memref<160000xi32, #tpu.memory_space<hbm>>, %arg4: memref<10000x128xf32, #tpu.memory_space<hbm>>, %arg5: memref<10000x128xf32, #tpu.memory_space<hbm>>, %arg6: memref<160000x128xf32, #tpu.memory_space<hbm>>, %arg7: memref<2x128xi32, #tpu.memory_space<vmem>>, %arg8: memref<2x128xi32, #tpu.memory_space<vmem>>, %arg9: memref<2x128x128xf32, #tpu.memory_space<vmem>>, %arg10: memref<2x128x128xf32, #tpu.memory_space<vmem>>, %arg11: memref<!tpu.dma_semaphore, #tpu.memory_space<semaphore_mem>>, %arg12: memref<!tpu.dma_semaphore, #tpu.memory_space<semaphore_mem>>, %arg13: memref<!tpu.dma_semaphore, #tpu.memory_space<semaphore_mem>>, %arg14: memref<!tpu.dma_semaphore, #tpu.memory_space<semaphore_mem>>) attributes {dimension_semantics = [#tpu.dimension_semantics<core_parallel>, #tpu.dimension_semantics<subcore_parallel>], iteration_bounds = array<i64: 2, 16>, scalar_prefetch = 0 : i64, scratch_operands = 8 : i64, tpu.core_type = #tpu.core_type<sc_vector_subcore>, window_params = [{transform_indices = #map}, {transform_indices = #map}, {transform_indices = #map1}, {transform_indices = #map1}, {transform_indices = #map1}]} {
    %mul3A = arith.constant 2 : i32
    %mul3A_0 = arith.muli %arg1, %mul3A : i32
    %add3A = arith.addi %mul3A_0, %arg0 : i32
    %scan3A = arith.constant 0 : i32
    %scan3A_1 = arith.constant 0 : i32
    %scan3A_2 = arith.constant 19 : i32
    %scan3A_3 = arith.addi %scan3A_1, %scan3A_2 : i32
    %scan3A_4 = arith.constant 1 : i32
    %scan3A_5 = scf.for %scan3A_72 = %scan3A_1 to %scan3A_3 step %scan3A_4 iter_args(%scan3A_73 = %scan3A) -> (i32)  : i32 {
      %mul3A_74 = arith.constant 2 : i32
      %mul3A_75 = arith.muli %mul3A_74, %scan3A_72 : i32
      %mul3A_76 = arith.constant 32 : i32
      %mul3A_77 = arith.muli %mul3A_76, %mul3A_75 : i32
      %add3A_78 = arith.addi %add3A, %mul3A_77 : i32
      %mul3A_79 = arith.constant 128 : i32
      %mul3A_80 = arith.muli %add3A_78, %mul3A_79 : i32
      %run_scoped3A_81 = arith.constant 0 : i32
      "tpu.region"() ({
        %run_scoped3A_217 = tpu.sem_alloc : memref<!tpu.dma_semaphore, #tpu.memory_space<semaphore_mem>>
        %dma_start3A_218 = arith.constant 0 : i32
        %dma_start3A_219 = tpu.memref_slice %arg7[%run_scoped3A_81, %dma_start3A_218] : memref<2x128xi32, #tpu.memory_space<vmem>> -> memref<1x128xi32, #tpu.memory_space<vmem>>
        %dma_start3A_220 = tpu.memref_squeeze %dma_start3A_219 : memref<1x128xi32, #tpu.memory_space<vmem>> -> memref<128xi32, #tpu.memory_space<vmem>>
        %dma_start3A_221 = tpu.memref_slice %arg2[%mul3A_80] : memref<160000xi32, #tpu.memory_space<hbm>> -> memref<128xi32, #tpu.memory_space<hbm>>
        %dma_start3A_222 = arith.constant 0 : i32
        %dma_start3A_223 = tpu.memref_slice %arg7[%run_scoped3A_81, %dma_start3A_222] : memref<2x128xi32, #tpu.memory_space<vmem>> -> memref<1x128xi32, #tpu.memory_space<vmem>>
        %dma_start3A_224 = tpu.memref_squeeze %dma_start3A_223 : memref<1x128xi32, #tpu.memory_space<vmem>> -> memref<128xi32, #tpu.memory_space<vmem>>
        %dma_start3A_225 = tpu.memref_slice %arg2[%mul3A_80] : memref<160000xi32, #tpu.memory_space<hbm>> -> memref<128xi32, #tpu.memory_space<hbm>>
        tpu.enqueue_dma source(%dma_start3A_225 : memref<128xi32, #tpu.memory_space<hbm>>) target(%dma_start3A_224 : memref<128xi32, #tpu.memory_space<vmem>>) target_semaphore(%run_scoped3A_217 : memref<!tpu.dma_semaphore, #tpu.memory_space<semaphore_mem>>)
        %dma_wait3A_226 = arith.constant 0 : i32
        %dma_wait3A_227 = tpu.memref_slice %arg7[%run_scoped3A_81, %dma_wait3A_226] : memref<2x128xi32, #tpu.memory_space<vmem>> -> memref<1x128xi32, #tpu.memory_space<vmem>>
        %dma_wait3A_228 = tpu.memref_squeeze %dma_wait3A_227 : memref<1x128xi32, #tpu.memory_space<vmem>> -> memref<128xi32, #tpu.memory_space<vmem>>
        %dma_wait3A_229 = tpu.memref_slice %arg2[%mul3A_80] : memref<160000xi32, #tpu.memory_space<hbm>> -> memref<128xi32, #tpu.memory_space<hbm>>
        %dma_wait3A_230 = arith.constant 0 : i32
        %dma_wait3A_231 = tpu.memref_slice %arg7[%run_scoped3A_81, %dma_wait3A_230] : memref<2x128xi32, #tpu.memory_space<vmem>> -> memref<1x128xi32, #tpu.memory_space<vmem>>
        %dma_wait3A_232 = tpu.memref_squeeze %dma_wait3A_231 : memref<1x128xi32, #tpu.memory_space<vmem>> -> memref<128xi32, #tpu.memory_space<vmem>>
        %dma_wait3A_233 = tpu.memref_slice %arg2[%mul3A_80] : memref<160000xi32, #tpu.memory_space<hbm>> -> memref<128xi32, #tpu.memory_space<hbm>>
        tpu.wait_dma2 semaphore(%run_scoped3A_217 : memref<!tpu.dma_semaphore, #tpu.memory_space<semaphore_mem>>) src(%dma_wait3A_233 : memref<128xi32, #tpu.memory_space<hbm>>) dst(%dma_wait3A_232 : memref<128xi32, #tpu.memory_space<vmem>>)
        tpu.yield
      }) : () -> ()
      %run_scoped3A_82 = arith.constant 0 : i32
      "tpu.region"() ({
        %run_scoped3A_217 = tpu.sem_alloc : memref<!tpu.dma_semaphore, #tpu.memory_space<semaphore_mem>>
        %dma_start3A_218 = arith.constant 0 : i32
        %dma_start3A_219 = tpu.memref_slice %arg8[%run_scoped3A_82, %dma_start3A_218] : memref<2x128xi32, #tpu.memory_space<vmem>> -> memref<1x128xi32, #tpu.memory_space<vmem>>
        %dma_start3A_220 = tpu.memref_squeeze %dma_start3A_219 : memref<1x128xi32, #tpu.memory_space<vmem>> -> memref<128xi32, #tpu.memory_space<vmem>>
        %dma_start3A_221 = tpu.memref_slice %arg3[%mul3A_80] : memref<160000xi32, #tpu.memory_space<hbm>> -> memref<128xi32, #tpu.memory_space<hbm>>
        %dma_start3A_222 = arith.constant 0 : i32
        %dma_start3A_223 = tpu.memref_slice %arg8[%run_scoped3A_82, %dma_start3A_222] : memref<2x128xi32, #tpu.memory_space<vmem>> -> memref<1x128xi32, #tpu.memory_space<vmem>>
        %dma_start3A_224 = tpu.memref_squeeze %dma_start3A_223 : memref<1x128xi32, #tpu.memory_space<vmem>> -> memref<128xi32, #tpu.memory_space<vmem>>
        %dma_start3A_225 = tpu.memref_slice %arg3[%mul3A_80] : memref<160000xi32, #tpu.memory_space<hbm>> -> memref<128xi32, #tpu.memory_space<hbm>>
        tpu.enqueue_dma source(%dma_start3A_225 : memref<128xi32, #tpu.memory_space<hbm>>) target(%dma_start3A_224 : memref<128xi32, #tpu.memory_space<vmem>>) target_semaphore(%run_scoped3A_217 : memref<!tpu.dma_semaphore, #tpu.memory_space<semaphore_mem>>)
        %dma_wait3A_226 = arith.constant 0 : i32
        %dma_wait3A_227 = tpu.memref_slice %arg8[%run_scoped3A_82, %dma_wait3A_226] : memref<2x128xi32, #tpu.memory_space<vmem>> -> memref<1x128xi32, #tpu.memory_space<vmem>>
        %dma_wait3A_228 = tpu.memref_squeeze %dma_wait3A_227 : memref<1x128xi32, #tpu.memory_space<vmem>> -> memref<128xi32, #tpu.memory_space<vmem>>
        %dma_wait3A_229 = tpu.memref_slice %arg3[%mul3A_80] : memref<160000xi32, #tpu.memory_space<hbm>> -> memref<128xi32, #tpu.memory_space<hbm>>
        %dma_wait3A_230 = arith.constant 0 : i32
        %dma_wait3A_231 = tpu.memref_slice %arg8[%run_scoped3A_82, %dma_wait3A_230] : memref<2x128xi32, #tpu.memory_space<vmem>> -> memref<1x128xi32, #tpu.memory_space<vmem>>
        %dma_wait3A_232 = tpu.memref_squeeze %dma_wait3A_231 : memref<1x128xi32, #tpu.memory_space<vmem>> -> memref<128xi32, #tpu.memory_space<vmem>>
        %dma_wait3A_233 = tpu.memref_slice %arg3[%mul3A_80] : memref<160000xi32, #tpu.memory_space<hbm>> -> memref<128xi32, #tpu.memory_space<hbm>>
        tpu.wait_dma2 semaphore(%run_scoped3A_217 : memref<!tpu.dma_semaphore, #tpu.memory_space<semaphore_mem>>) src(%dma_wait3A_233 : memref<128xi32, #tpu.memory_space<hbm>>) dst(%dma_wait3A_232 : memref<128xi32, #tpu.memory_space<vmem>>)
        tpu.yield
      }) : () -> ()
      %dma_start3A_83 = arith.constant 0 : i32
      %dma_start3A_84 = arith.constant 0 : i32
      %dma_start3A_85 = arith.constant 0 : i32
      %dma_start3A_86 = arith.constant 0 : i32
      %dma_start3A_87 = tpu.memref_slice %arg9[%dma_start3A_84, %dma_start3A_85, %dma_start3A_86] : memref<2x128x128xf32, #tpu.memory_space<vmem>> -> memref<1x128x128xf32, #tpu.memory_space<vmem>>
      %dma_start3A_88 = tpu.memref_squeeze %dma_start3A_87 : memref<1x128x128xf32, #tpu.memory_space<vmem>> -> memref<128x128xf32, #tpu.memory_space<vmem>>
      %dma_start3A_89 = arith.constant 0 : i32
      %dma_start3A_90 = tpu.memref_slice %arg7[%dma_start3A_83, %dma_start3A_89] : memref<2x128xi32, #tpu.memory_space<vmem>> -> memref<1x128xi32, #tpu.memory_space<vmem>>
      %dma_start3A_91 = tpu.memref_squeeze %dma_start3A_90 : memref<1x128xi32, #tpu.memory_space<vmem>> -> memref<128xi32, #tpu.memory_space<vmem>>
      %dma_start3A_92 = arith.constant 0 : i32
      %dma_start3A_93 = arith.constant 0 : i32
      %dma_start3A_94 = tpu.memref_slice %arg4[%dma_start3A_92, %dma_start3A_93] : memref<10000x128xf32, #tpu.memory_space<hbm>> -> memref<10000x128xf32, #tpu.memory_space<hbm>>
      tpu.enqueue_indirect_dma source(%dma_start3A_94 : memref<10000x128xf32, #tpu.memory_space<hbm>>) target(%dma_start3A_88 : memref<128x128xf32, #tpu.memory_space<vmem>>) offsets(%dma_start3A_91 : memref<128xi32, #tpu.memory_space<vmem>>) semaphore(%arg11 : memref<!tpu.dma_semaphore, #tpu.memory_space<semaphore_mem>>)
      %dma_start3A_95 = arith.constant 0 : i32
      %dma_start3A_96 = arith.constant 0 : i32
      %dma_start3A_97 = arith.constant 0 : i32
      %dma_start3A_98 = arith.constant 0 : i32
      %dma_start3A_99 = tpu.memref_slice %arg10[%dma_start3A_96, %dma_start3A_97, %dma_start3A_98] : memref<2x128x128xf32, #tpu.memory_space<vmem>> -> memref<1x128x128xf32, #tpu.memory_space<vmem>>
      %dma_start3A_100 = tpu.memref_squeeze %dma_start3A_99 : memref<1x128x128xf32, #tpu.memory_space<vmem>> -> memref<128x128xf32, #tpu.memory_space<vmem>>
      %dma_start3A_101 = arith.constant 0 : i32
      %dma_start3A_102 = tpu.memref_slice %arg8[%dma_start3A_95, %dma_start3A_101] : memref<2x128xi32, #tpu.memory_space<vmem>> -> memref<1x128xi32, #tpu.memory_space<vmem>>
      %dma_start3A_103 = tpu.memref_squeeze %dma_start3A_102 : memref<1x128xi32, #tpu.memory_space<vmem>> -> memref<128xi32, #tpu.memory_space<vmem>>
      %dma_start3A_104 = arith.constant 0 : i32
      %dma_start3A_105 = arith.constant 0 : i32
      %dma_start3A_106 = tpu.memref_slice %arg5[%dma_start3A_104, %dma_start3A_105] : memref<10000x128xf32, #tpu.memory_space<hbm>> -> memref<10000x128xf32, #tpu.memory_space<hbm>>
      tpu.enqueue_indirect_dma source(%dma_start3A_106 : memref<10000x128xf32, #tpu.memory_space<hbm>>) target(%dma_start3A_100 : memref<128x128xf32, #tpu.memory_space<vmem>>) offsets(%dma_start3A_103 : memref<128xi32, #tpu.memory_space<vmem>>) semaphore(%arg12 : memref<!tpu.dma_semaphore, #tpu.memory_space<semaphore_mem>>)
      %add3A_107 = arith.constant 1 : i32
      %add3A_108 = arith.addi %mul3A_75, %add3A_107 : i32
      %mul3A_109 = arith.constant 32 : i32
      %mul3A_110 = arith.muli %mul3A_109, %add3A_108 : i32
      %add3A_111 = arith.addi %add3A, %mul3A_110 : i32
      %mul3A_112 = arith.constant 128 : i32
      %mul3A_113 = arith.muli %add3A_111, %mul3A_112 : i32
      %run_scoped3A_114 = arith.constant 1 : i32
      "tpu.region"() ({
        %run_scoped3A_217 = tpu.sem_alloc : memref<!tpu.dma_semaphore, #tpu.memory_space<semaphore_mem>>
        %dma_start3A_218 = arith.constant 0 : i32
        %dma_start3A_219 = tpu.memref_slice %arg7[%run_scoped3A_114, %dma_start3A_218] : memref<2x128xi32, #tpu.memory_space<vmem>> -> memref<1x128xi32, #tpu.memory_space<vmem>>
        %dma_start3A_220 = tpu.memref_squeeze %dma_start3A_219 : memref<1x128xi32, #tpu.memory_space<vmem>> -> memref<128xi32, #tpu.memory_space<vmem>>
        %dma_start3A_221 = tpu.memref_slice %arg2[%mul3A_113] : memref<160000xi32, #tpu.memory_space<hbm>> -> memref<128xi32, #tpu.memory_space<hbm>>
        %dma_start3A_222 = arith.constant 0 : i32
        %dma_start3A_223 = tpu.memref_slice %arg7[%run_scoped3A_114, %dma_start3A_222] : memref<2x128xi32, #tpu.memory_space<vmem>> -> memref<1x128xi32, #tpu.memory_space<vmem>>
        %dma_start3A_224 = tpu.memref_squeeze %dma_start3A_223 : memref<1x128xi32, #tpu.memory_space<vmem>> -> memref<128xi32, #tpu.memory_space<vmem>>
        %dma_start3A_225 = tpu.memref_slice %arg2[%mul3A_113] : memref<160000xi32, #tpu.memory_space<hbm>> -> memref<128xi32, #tpu.memory_space<hbm>>
        tpu.enqueue_dma source(%dma_start3A_225 : memref<128xi32, #tpu.memory_space<hbm>>) target(%dma_start3A_224 : memref<128xi32, #tpu.memory_space<vmem>>) target_semaphore(%run_scoped3A_217 : memref<!tpu.dma_semaphore, #tpu.memory_space<semaphore_mem>>)
        %dma_wait3A_226 = arith.constant 0 : i32
        %dma_wait3A_227 = tpu.memref_slice %arg7[%run_scoped3A_114, %dma_wait3A_226] : memref<2x128xi32, #tpu.memory_space<vmem>> -> memref<1x128xi32, #tpu.memory_space<vmem>>
        %dma_wait3A_228 = tpu.memref_squeeze %dma_wait3A_227 : memref<1x128xi32, #tpu.memory_space<vmem>> -> memref<128xi32, #tpu.memory_space<vmem>>
        %dma_wait3A_229 = tpu.memref_slice %arg2[%mul3A_113] : memref<160000xi32, #tpu.memory_space<hbm>> -> memref<128xi32, #tpu.memory_space<hbm>>
        %dma_wait3A_230 = arith.constant 0 : i32
        %dma_wait3A_231 = tpu.memref_slice %arg7[%run_scoped3A_114, %dma_wait3A_230] : memref<2x128xi32, #tpu.memory_space<vmem>> -> memref<1x128xi32, #tpu.memory_space<vmem>>
        %dma_wait3A_232 = tpu.memref_squeeze %dma_wait3A_231 : memref<1x128xi32, #tpu.memory_space<vmem>> -> memref<128xi32, #tpu.memory_space<vmem>>
        %dma_wait3A_233 = tpu.memref_slice %arg2[%mul3A_113] : memref<160000xi32, #tpu.memory_space<hbm>> -> memref<128xi32, #tpu.memory_space<hbm>>
        tpu.wait_dma2 semaphore(%run_scoped3A_217 : memref<!tpu.dma_semaphore, #tpu.memory_space<semaphore_mem>>) src(%dma_wait3A_233 : memref<128xi32, #tpu.memory_space<hbm>>) dst(%dma_wait3A_232 : memref<128xi32, #tpu.memory_space<vmem>>)
        tpu.yield
      }) : () -> ()
      %run_scoped3A_115 = arith.constant 1 : i32
      "tpu.region"() ({
        %run_scoped3A_217 = tpu.sem_alloc : memref<!tpu.dma_semaphore, #tpu.memory_space<semaphore_mem>>
        %dma_start3A_218 = arith.constant 0 : i32
        %dma_start3A_219 = tpu.memref_slice %arg8[%run_scoped3A_115, %dma_start3A_218] : memref<2x128xi32, #tpu.memory_space<vmem>> -> memref<1x128xi32, #tpu.memory_space<vmem>>
        %dma_start3A_220 = tpu.memref_squeeze %dma_start3A_219 : memref<1x128xi32, #tpu.memory_space<vmem>> -> memref<128xi32, #tpu.memory_space<vmem>>
        %dma_start3A_221 = tpu.memref_slice %arg3[%mul3A_113] : memref<160000xi32, #tpu.memory_space<hbm>> -> memref<128xi32, #tpu.memory_space<hbm>>
        %dma_start3A_222 = arith.constant 0 : i32
        %dma_start3A_223 = tpu.memref_slice %arg8[%run_scoped3A_115, %dma_start3A_222] : memref<2x128xi32, #tpu.memory_space<vmem>> -> memref<1x128xi32, #tpu.memory_space<vmem>>
        %dma_start3A_224 = tpu.memref_squeeze %dma_start3A_223 : memref<1x128xi32, #tpu.memory_space<vmem>> -> memref<128xi32, #tpu.memory_space<vmem>>
        %dma_start3A_225 = tpu.memref_slice %arg3[%mul3A_113] : memref<160000xi32, #tpu.memory_space<hbm>> -> memref<128xi32, #tpu.memory_space<hbm>>
        tpu.enqueue_dma source(%dma_start3A_225 : memref<128xi32, #tpu.memory_space<hbm>>) target(%dma_start3A_224 : memref<128xi32, #tpu.memory_space<vmem>>) target_semaphore(%run_scoped3A_217 : memref<!tpu.dma_semaphore, #tpu.memory_space<semaphore_mem>>)
        %dma_wait3A_226 = arith.constant 0 : i32
        %dma_wait3A_227 = tpu.memref_slice %arg8[%run_scoped3A_115, %dma_wait3A_226] : memref<2x128xi32, #tpu.memory_space<vmem>> -> memref<1x128xi32, #tpu.memory_space<vmem>>
        %dma_wait3A_228 = tpu.memref_squeeze %dma_wait3A_227 : memref<1x128xi32, #tpu.memory_space<vmem>> -> memref<128xi32, #tpu.memory_space<vmem>>
        %dma_wait3A_229 = tpu.memref_slice %arg3[%mul3A_113] : memref<160000xi32, #tpu.memory_space<hbm>> -> memref<128xi32, #tpu.memory_space<hbm>>
        %dma_wait3A_230 = arith.constant 0 : i32
        %dma_wait3A_231 = tpu.memref_slice %arg8[%run_scoped3A_115, %dma_wait3A_230] : memref<2x128xi32, #tpu.memory_space<vmem>> -> memref<1x128xi32, #tpu.memory_space<vmem>>
        %dma_wait3A_232 = tpu.memref_squeeze %dma_wait3A_231 : memref<1x128xi32, #tpu.memory_space<vmem>> -> memref<128xi32, #tpu.memory_space<vmem>>
        %dma_wait3A_233 = tpu.memref_slice %arg3[%mul3A_113] : memref<160000xi32, #tpu.memory_space<hbm>> -> memref<128xi32, #tpu.memory_space<hbm>>
        tpu.wait_dma2 semaphore(%run_scoped3A_217 : memref<!tpu.dma_semaphore, #tpu.memory_space<semaphore_mem>>) src(%dma_wait3A_233 : memref<128xi32, #tpu.memory_space<hbm>>) dst(%dma_wait3A_232 : memref<128xi32, #tpu.memory_space<vmem>>)
        tpu.yield
      }) : () -> ()
      %dma_wait3A_116 = arith.constant 0 : i32
      %dma_wait3A_117 = arith.constant 0 : i32
      %dma_wait3A_118 = arith.constant 0 : i32
      %dma_wait3A_119 = arith.constant 0 : i32
      %dma_wait3A_120 = tpu.memref_slice %arg9[%dma_wait3A_117, %dma_wait3A_118, %dma_wait3A_119] : memref<2x128x128xf32, #tpu.memory_space<vmem>> -> memref<1x128x128xf32, #tpu.memory_space<vmem>>
      %dma_wait3A_121 = tpu.memref_squeeze %dma_wait3A_120 : memref<1x128x128xf32, #tpu.memory_space<vmem>> -> memref<128x128xf32, #tpu.memory_space<vmem>>
      %dma_wait3A_122 = arith.constant 0 : i32
      %dma_wait3A_123 = tpu.memref_slice %arg7[%dma_wait3A_116, %dma_wait3A_122] : memref<2x128xi32, #tpu.memory_space<vmem>> -> memref<1x128xi32, #tpu.memory_space<vmem>>
      %dma_wait3A_124 = tpu.memref_squeeze %dma_wait3A_123 : memref<1x128xi32, #tpu.memory_space<vmem>> -> memref<128xi32, #tpu.memory_space<vmem>>
      %dma_wait3A_125 = arith.constant 0 : i32
      %dma_wait3A_126 = arith.constant 0 : i32
      %dma_wait3A_127 = tpu.memref_slice %arg4[%dma_wait3A_125, %dma_wait3A_126] : memref<10000x128xf32, #tpu.memory_space<hbm>> -> memref<10000x128xf32, #tpu.memory_space<hbm>>
      tpu.wait_indirect_dma semaphore(%arg11 : memref<!tpu.dma_semaphore, #tpu.memory_space<semaphore_mem>>) src(%dma_wait3A_127 : memref<10000x128xf32, #tpu.memory_space<hbm>>) dst(%dma_wait3A_121 : memref<128x128xf32, #tpu.memory_space<vmem>>)
      %dma_wait3A_128 = arith.constant 0 : i32
      %dma_wait3A_129 = arith.constant 0 : i32
      %dma_wait3A_130 = arith.constant 0 : i32
      %dma_wait3A_131 = arith.constant 0 : i32
      %dma_wait3A_132 = tpu.memref_slice %arg10[%dma_wait3A_129, %dma_wait3A_130, %dma_wait3A_131] : memref<2x128x128xf32, #tpu.memory_space<vmem>> -> memref<1x128x128xf32, #tpu.memory_space<vmem>>
      %dma_wait3A_133 = tpu.memref_squeeze %dma_wait3A_132 : memref<1x128x128xf32, #tpu.memory_space<vmem>> -> memref<128x128xf32, #tpu.memory_space<vmem>>
      %dma_wait3A_134 = arith.constant 0 : i32
      %dma_wait3A_135 = tpu.memref_slice %arg8[%dma_wait3A_128, %dma_wait3A_134] : memref<2x128xi32, #tpu.memory_space<vmem>> -> memref<1x128xi32, #tpu.memory_space<vmem>>
      %dma_wait3A_136 = tpu.memref_squeeze %dma_wait3A_135 : memref<1x128xi32, #tpu.memory_space<vmem>> -> memref<128xi32, #tpu.memory_space<vmem>>
      %dma_wait3A_137 = arith.constant 0 : i32
      %dma_wait3A_138 = arith.constant 0 : i32
      %dma_wait3A_139 = tpu.memref_slice %arg5[%dma_wait3A_137, %dma_wait3A_138] : memref<10000x128xf32, #tpu.memory_space<hbm>> -> memref<10000x128xf32, #tpu.memory_space<hbm>>
      tpu.wait_indirect_dma semaphore(%arg12 : memref<!tpu.dma_semaphore, #tpu.memory_space<semaphore_mem>>) src(%dma_wait3A_139 : memref<10000x128xf32, #tpu.memory_space<hbm>>) dst(%dma_wait3A_133 : memref<128x128xf32, #tpu.memory_space<vmem>>)
      %dma_start3A_140 = arith.constant 1 : i32
      %dma_start3A_141 = arith.constant 1 : i32
      %dma_start3A_142 = arith.constant 0 : i32
      %dma_start3A_143 = arith.constant 0 : i32
      %dma_start3A_144 = tpu.memref_slice %arg9[%dma_start3A_141, %dma_start3A_142, %dma_start3A_143] : memref<2x128x128xf32, #tpu.memory_space<vmem>> -> memref<1x128x128xf32, #tpu.memory_space<vmem>>
      %dma_start3A_145 = tpu.memref_squeeze %dma_start3A_144 : memref<1x128x128xf32, #tpu.memory_space<vmem>> -> memref<128x128xf32, #tpu.memory_space<vmem>>
      %dma_start3A_146 = arith.constant 0 : i32
      %dma_start3A_147 = tpu.memref_slice %arg7[%dma_start3A_140, %dma_start3A_146] : memref<2x128xi32, #tpu.memory_space<vmem>> -> memref<1x128xi32, #tpu.memory_space<vmem>>
      %dma_start3A_148 = tpu.memref_squeeze %dma_start3A_147 : memref<1x128xi32, #tpu.memory_space<vmem>> -> memref<128xi32, #tpu.memory_space<vmem>>
      %dma_start3A_149 = arith.constant 0 : i32
      %dma_start3A_150 = arith.constant 0 : i32
      %dma_start3A_151 = tpu.memref_slice %arg4[%dma_start3A_149, %dma_start3A_150] : memref<10000x128xf32, #tpu.memory_space<hbm>> -> memref<10000x128xf32, #tpu.memory_space<hbm>>
      tpu.enqueue_indirect_dma source(%dma_start3A_151 : memref<10000x128xf32, #tpu.memory_space<hbm>>) target(%dma_start3A_145 : memref<128x128xf32, #tpu.memory_space<vmem>>) offsets(%dma_start3A_148 : memref<128xi32, #tpu.memory_space<vmem>>) semaphore(%arg13 : memref<!tpu.dma_semaphore, #tpu.memory_space<semaphore_mem>>)
      %dma_start3A_152 = arith.constant 1 : i32
      %dma_start3A_153 = arith.constant 1 : i32
      %dma_start3A_154 = arith.constant 0 : i32
      %dma_start3A_155 = arith.constant 0 : i32
      %dma_start3A_156 = tpu.memref_slice %arg10[%dma_start3A_153, %dma_start3A_154, %dma_start3A_155] : memref<2x128x128xf32, #tpu.memory_space<vmem>> -> memref<1x128x128xf32, #tpu.memory_space<vmem>>
      %dma_start3A_157 = tpu.memref_squeeze %dma_start3A_156 : memref<1x128x128xf32, #tpu.memory_space<vmem>> -> memref<128x128xf32, #tpu.memory_space<vmem>>
      %dma_start3A_158 = arith.constant 0 : i32
      %dma_start3A_159 = tpu.memref_slice %arg8[%dma_start3A_152, %dma_start3A_158] : memref<2x128xi32, #tpu.memory_space<vmem>> -> memref<1x128xi32, #tpu.memory_space<vmem>>
      %dma_start3A_160 = tpu.memref_squeeze %dma_start3A_159 : memref<1x128xi32, #tpu.memory_space<vmem>> -> memref<128xi32, #tpu.memory_space<vmem>>
      %dma_start3A_161 = arith.constant 0 : i32
      %dma_start3A_162 = arith.constant 0 : i32
      %dma_start3A_163 = tpu.memref_slice %arg5[%dma_start3A_161, %dma_start3A_162] : memref<10000x128xf32, #tpu.memory_space<hbm>> -> memref<10000x128xf32, #tpu.memory_space<hbm>>
      tpu.enqueue_indirect_dma source(%dma_start3A_163 : memref<10000x128xf32, #tpu.memory_space<hbm>>) target(%dma_start3A_157 : memref<128x128xf32, #tpu.memory_space<vmem>>) offsets(%dma_start3A_160 : memref<128xi32, #tpu.memory_space<vmem>>) semaphore(%arg14 : memref<!tpu.dma_semaphore, #tpu.memory_space<semaphore_mem>>)
      %scan3A_164 = arith.constant 0 : i32
      %scan3A_165 = arith.constant 0 : i32
      %scan3A_166 = arith.constant 128 : i32
      %scan3A_167 = arith.addi %scan3A_165, %scan3A_166 : i32
      %scan3A_168 = arith.constant 1 : i32
      %scan3A_169 = scf.for %scan3A_217 = %scan3A_165 to %scan3A_167 step %scan3A_168 iter_args(%scan3A_218 = %scan3A_164) -> (i32)  : i32 {
        %get3A = arith.constant 0 : i32
        %get3A_219 = arith.index_cast %get3A : i32 to index
        %get3A_220 = arith.index_cast %scan3A_217 : i32 to index
        %get3A_221 = arith.constant 0 : index
        %get3A_222 = tpu.vector_load %arg9[%get3A_219, %get3A_220, %get3A_221] {strides = array<i32>} : memref<2x128x128xf32, #tpu.memory_space<vmem>>, vector<1x1x16xf32>,
        %get3A_223 = vector.shape_cast %get3A_222 : vector<1x1x16xf32> to vector<16xf32>
        %get3A_224 = arith.constant 0 : i32
        %get3A_225 = arith.index_cast %get3A_224 : i32 to index
        %get3A_226 = arith.index_cast %scan3A_217 : i32 to index
        %get3A_227 = arith.constant 0 : index
        %get3A_228 = tpu.vector_load %arg10[%get3A_225, %get3A_226, %get3A_227] {strides = array<i32>} : memref<2x128x128xf32, #tpu.memory_space<vmem>>, vector<1x1x16xf32>,
        %get3A_229 = vector.shape_cast %get3A_228 : vector<1x1x16xf32> to vector<16xf32>
        %add3A_230 = arith.addf %get3A_223, %get3A_229 : vector<16xf32>
        %swap3A = arith.constant 0 : i32
        %swap3A_231 = arith.index_cast %swap3A : i32 to index
        %swap3A_232 = arith.index_cast %scan3A_217 : i32 to index
        %swap3A_233 = arith.constant 0 : index
        %swap3A_234 = tpu.vector_load %arg9[%swap3A_231, %swap3A_232, %swap3A_233] {strides = array<i32>} : memref<2x128x128xf32, #tpu.memory_space<vmem>>, vector<1x1x16xf32>,
        %swap3A_235 = vector.shape_cast %swap3A_234 : vector<1x1x16xf32> to vector<16xf32>
        %swap3A_236 = vector.shape_cast %add3A_230 : vector<16xf32> to vector<1x1x16xf32>
        tpu.vector_store %arg9[%swap3A_231, %swap3A_232, %swap3A_233], %swap3A_236 {strides = array<i32>} : memref<2x128x128xf32, #tpu.memory_space<vmem>>, vector<1x1x16xf32>,
        %get3A_237 = arith.constant 0 : i32
        %get3A_238 = arith.index_cast %get3A_237 : i32 to index
        %get3A_239 = arith.index_cast %scan3A_217 : i32 to index
        %get3A_240 = arith.constant 16 : index
        %get3A_241 = tpu.vector_load %arg9[%get3A_238, %get3A_239, %get3A_240] {strides = array<i32>} : memref<2x128x128xf32, #tpu.memory_space<vmem>>, vector<1x1x16xf32>,
        %get3A_242 = vector.shape_cast %get3A_241 : vector<1x1x16xf32> to vector<16xf32>
        %get3A_243 = arith.constant 0 : i32
        %get3A_244 = arith.index_cast %get3A_243 : i32 to index
        %get3A_245 = arith.index_cast %scan3A_217 : i32 to index
        %get3A_246 = arith.constant 16 : index
        %get3A_247 = tpu.vector_load %arg10[%get3A_244, %get3A_245, %get3A_246] {strides = array<i32>} : memref<2x128x128xf32, #tpu.memory_space<vmem>>, vector<1x1x16xf32>,
        %get3A_248 = vector.shape_cast %get3A_247 : vector<1x1x16xf32> to vector<16xf32>
        %add3A_249 = arith.addf %get3A_242, %get3A_248 : vector<16xf32>
        %swap3A_250 = arith.constant 0 : i32
        %swap3A_251 = arith.index_cast %swap3A_250 : i32 to index
        %swap3A_252 = arith.index_cast %scan3A_217 : i32 to index
        %swap3A_253 = arith.constant 16 : index
        %swap3A_254 = tpu.vector_load %arg9[%swap3A_251, %swap3A_252, %swap3A_253] {strides = array<i32>} : memref<2x128x128xf32, #tpu.memory_space<vmem>>, vector<1x1x16xf32>,
        %swap3A_255 = vector.shape_cast %swap3A_254 : vector<1x1x16xf32> to vector<16xf32>
        %swap3A_256 = vector.shape_cast %add3A_249 : vector<16xf32> to vector<1x1x16xf32>
        tpu.vector_store %arg9[%swap3A_251, %swap3A_252, %swap3A_253], %swap3A_256 {strides = array<i32>} : memref<2x128x128xf32, #tpu.memory_space<vmem>>, vector<1x1x16xf32>,
        %get3A_257 = arith.constant 0 : i32
        %get3A_258 = arith.index_cast %get3A_257 : i32 to index
        %get3A_259 = arith.index_cast %scan3A_217 : i32 to index
        %get3A_260 = arith.constant 32 : index
        %get3A_261 = tpu.vector_load %arg9[%get3A_258, %get3A_259, %get3A_260] {strides = array<i32>} : memref<2x128x128xf32, #tpu.memory_space<vmem>>, vector<1x1x16xf32>,
        %get3A_262 = vector.shape_cast %get3A_261 : vector<1x1x16xf32> to vector<16xf32>
        %get3A_263 = arith.constant 0 : i32
        %get3A_264 = arith.index_cast %get3A_263 : i32 to index
        %get3A_265 = arith.index_cast %scan3A_217 : i32 to index
        %get3A_266 = arith.constant 32 : index
        %get3A_267 = tpu.vector_load %arg10[%get3A_264, %get3A_265, %get3A_266] {strides = array<i32>} : memref<2x128x128xf32, #tpu.memory_space<vmem>>, vector<1x1x16xf32>,
        %get3A_268 = vector.shape_cast %get3A_267 : vector<1x1x16xf32> to vector<16xf32>
        %add3A_269 = arith.addf %get3A_262, %get3A_268 : vector<16xf32>
        %swap3A_270 = arith.constant 0 : i32
        %swap3A_271 = arith.index_cast %swap3A_270 : i32 to index
        %swap3A_272 = arith.index_cast %scan3A_217 : i32 to index
        %swap3A_273 = arith.constant 32 : index
        %swap3A_274 = tpu.vector_load %arg9[%swap3A_271, %swap3A_272, %swap3A_273] {strides = array<i32>} : memref<2x128x128xf32, #tpu.memory_space<vmem>>, vector<1x1x16xf32>,
        %swap3A_275 = vector.shape_cast %swap3A_274 : vector<1x1x16xf32> to vector<16xf32>
        %swap3A_276 = vector.shape_cast %add3A_269 : vector<16xf32> to vector<1x1x16xf32>
        tpu.vector_store %arg9[%swap3A_271, %swap3A_272, %swap3A_273], %swap3A_276 {strides = array<i32>} : memref<2x128x128xf32, #tpu.memory_space<vmem>>, vector<1x1x16xf32>,
        %get3A_277 = arith.constant 0 : i32
        %get3A_278 = arith.index_cast %get3A_277 : i32 to index
        %get3A_279 = arith.index_cast %scan3A_217 : i32 to index
        %get3A_280 = arith.constant 48 : index
        %get3A_281 = tpu.vector_load %arg9[%get3A_278, %get3A_279, %get3A_280] {strides = array<i32>} : memref<2x128x128xf32, #tpu.memory_space<vmem>>, vector<1x1x16xf32>,
        %get3A_282 = vector.shape_cast %get3A_281 : vector<1x1x16xf32> to vector<16xf32>
        %get3A_283 = arith.constant 0 : i32
        %get3A_284 = arith.index_cast %get3A_283 : i32 to index
        %get3A_285 = arith.index_cast %scan3A_217 : i32 to index
        %get3A_286 = arith.constant 48 : index
        %get3A_287 = tpu.vector_load %arg10[%get3A_284, %get3A_285, %get3A_286] {strides = array<i32>} : memref<2x128x128xf32, #tpu.memory_space<vmem>>, vector<1x1x16xf32>,
        %get3A_288 = vector.shape_cast %get3A_287 : vector<1x1x16xf32> to vector<16xf32>
        %add3A_289 = arith.addf %get3A_282, %get3A_288 : vector<16xf32>
        %swap3A_290 = arith.constant 0 : i32
        %swap3A_291 = arith.index_cast %swap3A_290 : i32 to index
        %swap3A_292 = arith.index_cast %scan3A_217 : i32 to index
        %swap3A_293 = arith.constant 48 : index
        %swap3A_294 = tpu.vector_load %arg9[%swap3A_291, %swap3A_292, %swap3A_293] {strides = array<i32>} : memref<2x128x128xf32, #tpu.memory_space<vmem>>, vector<1x1x16xf32>,
        %swap3A_295 = vector.shape_cast %swap3A_294 : vector<1x1x16xf32> to vector<16xf32>
        %swap3A_296 = vector.shape_cast %add3A_289 : vector<16xf32> to vector<1x1x16xf32>
        tpu.vector_store %arg9[%swap3A_291, %swap3A_292, %swap3A_293], %swap3A_296 {strides = array<i32>} : memref<2x128x128xf32, #tpu.memory_space<vmem>>, vector<1x1x16xf32>,
        %get3A_297 = arith.constant 0 : i32
        %get3A_298 = arith.index_cast %get3A_297 : i32 to index
        %get3A_299 = arith.index_cast %scan3A_217 : i32 to index
        %get3A_300 = arith.constant 64 : index
        %get3A_301 = tpu.vector_load %arg9[%get3A_298, %get3A_299, %get3A_300] {strides = array<i32>} : memref<2x128x128xf32, #tpu.memory_space<vmem>>, vector<1x1x16xf32>,
        %get3A_302 = vector.shape_cast %get3A_301 : vector<1x1x16xf32> to vector<16xf32>
        %get3A_303 = arith.constant 0 : i32
        %get3A_304 = arith.index_cast %get3A_303 : i32 to index
        %get3A_305 = arith.index_cast %scan3A_217 : i32 to index
        %get3A_306 = arith.constant 64 : index
        %get3A_307 = tpu.vector_load %arg10[%get3A_304, %get3A_305, %get3A_306] {strides = array<i32>} : memref<2x128x128xf32, #tpu.memory_space<vmem>>, vector<1x1x16xf32>,
        %get3A_308 = vector.shape_cast %get3A_307 : vector<1x1x16xf32> to vector<16xf32>
        %add3A_309 = arith.addf %get3A_302, %get3A_308 : vector<16xf32>
        %swap3A_310 = arith.constant 0 : i32
        %swap3A_311 = arith.index_cast %swap3A_310 : i32 to index
        %swap3A_312 = arith.index_cast %scan3A_217 : i32 to index
        %swap3A_313 = arith.constant 64 : index
        %swap3A_314 = tpu.vector_load %arg9[%swap3A_311, %swap3A_312, %swap3A_313] {strides = array<i32>} : memref<2x128x128xf32, #tpu.memory_space<vmem>>, vector<1x1x16xf32>,
        %swap3A_315 = vector.shape_cast %swap3A_314 : vector<1x1x16xf32> to vector<16xf32>
        %swap3A_316 = vector.shape_cast %add3A_309 : vector<16xf32> to vector<1x1x16xf32>
        tpu.vector_store %arg9[%swap3A_311, %swap3A_312, %swap3A_313], %swap3A_316 {strides = array<i32>} : memref<2x128x128xf32, #tpu.memory_space<vmem>>, vector<1x1x16xf32>,
        %get3A_317 = arith.constant 0 : i32
        %get3A_318 = arith.index_cast %get3A_317 : i32 to index
        %get3A_319 = arith.index_cast %scan3A_217 : i32 to index
        %get3A_320 = arith.constant 80 : index
        %get3A_321 = tpu.vector_load %arg9[%get3A_318, %get3A_319, %get3A_320] {strides = array<i32>} : memref<2x128x128xf32, #tpu.memory_space<vmem>>, vector<1x1x16xf32>,
        %get3A_322 = vector.shape_cast %get3A_321 : vector<1x1x16xf32> to vector<16xf32>
        %get3A_323 = arith.constant 0 : i32
        %get3A_324 = arith.index_cast %get3A_323 : i32 to index
        %get3A_325 = arith.index_cast %scan3A_217 : i32 to index
        %get3A_326 = arith.constant 80 : index
        %get3A_327 = tpu.vector_load %arg10[%get3A_324, %get3A_325, %get3A_326] {strides = array<i32>} : memref<2x128x128xf32, #tpu.memory_space<vmem>>, vector<1x1x16xf32>,
        %get3A_328 = vector.shape_cast %get3A_327 : vector<1x1x16xf32> to vector<16xf32>
        %add3A_329 = arith.addf %get3A_322, %get3A_328 : vector<16xf32>
        %swap3A_330 = arith.constant 0 : i32
        %swap3A_331 = arith.index_cast %swap3A_330 : i32 to index
        %swap3A_332 = arith.index_cast %scan3A_217 : i32 to index
        %swap3A_333 = arith.constant 80 : index
        %swap3A_334 = tpu.vector_load %arg9[%swap3A_331, %swap3A_332, %swap3A_333] {strides = array<i32>} : memref<2x128x128xf32, #tpu.memory_space<vmem>>, vector<1x1x16xf32>,
        %swap3A_335 = vector.shape_cast %swap3A_334 : vector<1x1x16xf32> to vector<16xf32>
        %swap3A_336 = vector.shape_cast %add3A_329 : vector<16xf32> to vector<1x1x16xf32>
        tpu.vector_store %arg9[%swap3A_331, %swap3A_332, %swap3A_333], %swap3A_336 {strides = array<i32>} : memref<2x128x128xf32, #tpu.memory_space<vmem>>, vector<1x1x16xf32>,
        %get3A_337 = arith.constant 0 : i32
        %get3A_338 = arith.index_cast %get3A_337 : i32 to index
        %get3A_339 = arith.index_cast %scan3A_217 : i32 to index
        %get3A_340 = arith.constant 96 : index
        %get3A_341 = tpu.vector_load %arg9[%get3A_338, %get3A_339, %get3A_340] {strides = array<i32>} : memref<2x128x128xf32, #tpu.memory_space<vmem>>, vector<1x1x16xf32>,
        %get3A_342 = vector.shape_cast %get3A_341 : vector<1x1x16xf32> to vector<16xf32>
        %get3A_343 = arith.constant 0 : i32
        %get3A_344 = arith.index_cast %get3A_343 : i32 to index
        %get3A_345 = arith.index_cast %scan3A_217 : i32 to index
        %get3A_346 = arith.constant 96 : index
        %get3A_347 = tpu.vector_load %arg10[%get3A_344, %get3A_345, %get3A_346] {strides = array<i32>} : memref<2x128x128xf32, #tpu.memory_space<vmem>>, vector<1x1x16xf32>,
        %get3A_348 = vector.shape_cast %get3A_347 : vector<1x1x16xf32> to vector<16xf32>
        %add3A_349 = arith.addf %get3A_342, %get3A_348 : vector<16xf32>
        %swap3A_350 = arith.constant 0 : i32
        %swap3A_351 = arith.index_cast %swap3A_350 : i32 to index
        %swap3A_352 = arith.index_cast %scan3A_217 : i32 to index
        %swap3A_353 = arith.constant 96 : index
        %swap3A_354 = tpu.vector_load %arg9[%swap3A_351, %swap3A_352, %swap3A_353] {strides = array<i32>} : memref<2x128x128xf32, #tpu.memory_space<vmem>>, vector<1x1x16xf32>,
        %swap3A_355 = vector.shape_cast %swap3A_354 : vector<1x1x16xf32> to vector<16xf32>
        %swap3A_356 = vector.shape_cast %add3A_349 : vector<16xf32> to vector<1x1x16xf32>
        tpu.vector_store %arg9[%swap3A_351, %swap3A_352, %swap3A_353], %swap3A_356 {strides = array<i32>} : memref<2x128x128xf32, #tpu.memory_space<vmem>>, vector<1x1x16xf32>,
        %get3A_357 = arith.constant 0 : i32
        %get3A_358 = arith.index_cast %get3A_357 : i32 to index
        %get3A_359 = arith.index_cast %scan3A_217 : i32 to index
        %get3A_360 = arith.constant 112 : index
        %get3A_361 = tpu.vector_load %arg9[%get3A_358, %get3A_359, %get3A_360] {strides = array<i32>} : memref<2x128x128xf32, #tpu.memory_space<vmem>>, vector<1x1x16xf32>,
        %get3A_362 = vector.shape_cast %get3A_361 : vector<1x1x16xf32> to vector<16xf32>
        %get3A_363 = arith.constant 0 : i32
        %get3A_364 = arith.index_cast %get3A_363 : i32 to index
        %get3A_365 = arith.index_cast %scan3A_217 : i32 to index
        %get3A_366 = arith.constant 112 : index
        %get3A_367 = tpu.vector_load %arg10[%get3A_364, %get3A_365, %get3A_366] {strides = array<i32>} : memref<2x128x128xf32, #tpu.memory_space<vmem>>, vector<1x1x16xf32>,
        %get3A_368 = vector.shape_cast %get3A_367 : vector<1x1x16xf32> to vector<16xf32>
        %add3A_369 = arith.addf %get3A_362, %get3A_368 : vector<16xf32>
        %swap3A_370 = arith.constant 0 : i32
        %swap3A_371 = arith.index_cast %swap3A_370 : i32 to index
        %swap3A_372 = arith.index_cast %scan3A_217 : i32 to index
        %swap3A_373 = arith.constant 112 : index
        %swap3A_374 = tpu.vector_load %arg9[%swap3A_371, %swap3A_372, %swap3A_373] {strides = array<i32>} : memref<2x128x128xf32, #tpu.memory_space<vmem>>, vector<1x1x16xf32>,
        %swap3A_375 = vector.shape_cast %swap3A_374 : vector<1x1x16xf32> to vector<16xf32>
        %swap3A_376 = vector.shape_cast %add3A_369 : vector<16xf32> to vector<1x1x16xf32>
        tpu.vector_store %arg9[%swap3A_371, %swap3A_372, %swap3A_373], %swap3A_376 {strides = array<i32>} : memref<2x128x128xf32, #tpu.memory_space<vmem>>, vector<1x1x16xf32>,
        %scan3A_377 = arith.constant 0 : i32
        scf.yield %scan3A_377 : i32
      }
      %scan3A_170 = arith.constant 128 : i32
      %mul3A_171 = arith.constant 32 : i32
      %mul3A_172 = arith.muli %mul3A_171, %mul3A_75 : i32
      %add3A_173 = arith.addi %add3A, %mul3A_172 : i32
      %mul3A_174 = arith.constant 128 : i32
      %mul3A_175 = arith.muli %add3A_173, %mul3A_174 : i32
      %run_scoped3A_176 = arith.constant 0 : i32
      "tpu.region"() ({
        %run_scoped3A_217 = tpu.sem_alloc : memref<!tpu.dma_semaphore, #tpu.memory_space<semaphore_mem>>
        %dma_start3A_218 = arith.constant 0 : i32
        %dma_start3A_219 = arith.constant 0 : i32
        %dma_start3A_220 = tpu.memref_slice %arg9[%run_scoped3A_176, %dma_start3A_218, %dma_start3A_219] : memref<2x128x128xf32, #tpu.memory_space<vmem>> -> memref<1x128x128xf32, #tpu.memory_space<vmem>>
        %dma_start3A_221 = tpu.memref_squeeze %dma_start3A_220 : memref<1x128x128xf32, #tpu.memory_space<vmem>> -> memref<128x128xf32, #tpu.memory_space<vmem>>
        %dma_start3A_222 = arith.constant 0 : i32
        %dma_start3A_223 = tpu.memref_slice %arg6[%mul3A_175, %dma_start3A_222] : memref<160000x128xf32, #tpu.memory_space<hbm>> -> memref<128x128xf32, #tpu.memory_space<hbm>>
        %dma_start3A_224 = arith.constant 0 : i32
        %dma_start3A_225 = tpu.memref_slice %arg6[%mul3A_175, %dma_start3A_224] : memref<160000x128xf32, #tpu.memory_space<hbm>> -> memref<128x128xf32, #tpu.memory_space<hbm>>
        %dma_start3A_226 = arith.constant 0 : i32
        %dma_start3A_227 = arith.constant 0 : i32
        %dma_start3A_228 = tpu.memref_slice %arg9[%run_scoped3A_176, %dma_start3A_226, %dma_start3A_227] : memref<2x128x128xf32, #tpu.memory_space<vmem>> -> memref<1x128x128xf32, #tpu.memory_space<vmem>>
        %dma_start3A_229 = tpu.memref_squeeze %dma_start3A_228 : memref<1x128x128xf32, #tpu.memory_space<vmem>> -> memref<128x128xf32, #tpu.memory_space<vmem>>
        tpu.enqueue_dma source(%dma_start3A_229 : memref<128x128xf32, #tpu.memory_space<vmem>>) target(%dma_start3A_225 : memref<128x128xf32, #tpu.memory_space<hbm>>) target_semaphore(%run_scoped3A_217 : memref<!tpu.dma_semaphore, #tpu.memory_space<semaphore_mem>>)
        %dma_wait3A_230 = arith.constant 0 : i32
        %dma_wait3A_231 = arith.constant 0 : i32
        %dma_wait3A_232 = tpu.memref_slice %arg9[%run_scoped3A_176, %dma_wait3A_230, %dma_wait3A_231] : memref<2x128x128xf32, #tpu.memory_space<vmem>> -> memref<1x128x128xf32, #tpu.memory_space<vmem>>
        %dma_wait3A_233 = tpu.memref_squeeze %dma_wait3A_232 : memref<1x128x128xf32, #tpu.memory_space<vmem>> -> memref<128x128xf32, #tpu.memory_space<vmem>>
        %dma_wait3A_234 = arith.constant 0 : i32
        %dma_wait3A_235 = tpu.memref_slice %arg6[%mul3A_175, %dma_wait3A_234] : memref<160000x128xf32, #tpu.memory_space<hbm>> -> memref<128x128xf32, #tpu.memory_space<hbm>>
        %dma_wait3A_236 = arith.constant 0 : i32
        %dma_wait3A_237 = tpu.memref_slice %arg6[%mul3A_175, %dma_wait3A_236] : memref<160000x128xf32, #tpu.memory_space<hbm>> -> memref<128x128xf32, #tpu.memory_space<hbm>>
        %dma_wait3A_238 = arith.constant 0 : i32
        %dma_wait3A_239 = arith.constant 0 : i32
        %dma_wait3A_240 = tpu.memref_slice %arg9[%run_scoped3A_176, %dma_wait3A_238, %dma_wait3A_239] : memref<2x128x128xf32, #tpu.memory_space<vmem>> -> memref<1x128x128xf32, #tpu.memory_space<vmem>>
        %dma_wait3A_241 = tpu.memref_squeeze %dma_wait3A_240 : memref<1x128x128xf32, #tpu.memory_space<vmem>> -> memref<128x128xf32, #tpu.memory_space<vmem>>
        tpu.wait_dma2 semaphore(%run_scoped3A_217 : memref<!tpu.dma_semaphore, #tpu.memory_space<semaphore_mem>>) src(%dma_wait3A_241 : memref<128x128xf32, #tpu.memory_space<vmem>>) dst(%dma_wait3A_237 : memref<128x128xf32, #tpu.memory_space<hbm>>)
        tpu.yield
      }) : () -> ()
      %dma_wait3A_177 = arith.constant 1 : i32
      %dma_wait3A_178 = arith.constant 1 : i32
      %dma_wait3A_179 = arith.constant 0 : i32
      %dma_wait3A_180 = arith.constant 0 : i32
      %dma_wait3A_181 = tpu.memref_slice %arg9[%dma_wait3A_178, %dma_wait3A_179, %dma_wait3A_180] : memref<2x128x128xf32, #tpu.memory_space<vmem>> -> memref<1x128x128xf32, #tpu.memory_space<vmem>>
      %dma_wait3A_182 = tpu.memref_squeeze %dma_wait3A_181 : memref<1x128x128xf32, #tpu.memory_space<vmem>> -> memref<128x128xf32, #tpu.memory_space<vmem>>
      %dma_wait3A_183 = arith.constant 0 : i32
      %dma_wait3A_184 = tpu.memref_slice %arg7[%dma_wait3A_177, %dma_wait3A_183] : memref<2x128xi32, #tpu.memory_space<vmem>> -> memref<1x128xi32, #tpu.memory_space<vmem>>
      %dma_wait3A_185 = tpu.memref_squeeze %dma_wait3A_184 : memref<1x128xi32, #tpu.memory_space<vmem>> -> memref<128xi32, #tpu.memory_space<vmem>>
      %dma_wait3A_186 = arith.constant 0 : i32
      %dma_wait3A_187 = arith.constant 0 : i32
      %dma_wait3A_188 = tpu.memref_slice %arg4[%dma_wait3A_186, %dma_wait3A_187] : memref<10000x128xf32, #tpu.memory_space<hbm>> -> memref<10000x128xf32, #tpu.memory_space<hbm>>
      tpu.wait_indirect_dma semaphore(%arg13 : memref<!tpu.dma_semaphore, #tpu.memory_space<semaphore_mem>>) src(%dma_wait3A_188 : memref<10000x128xf32, #tpu.memory_space<hbm>>) dst(%dma_wait3A_182 : memref<128x128xf32, #tpu.memory_space<vmem>>)
      %dma_wait3A_189 = arith.constant 1 : i32
      %dma_wait3A_190 = arith.constant 1 : i32
      %dma_wait3A_191 = arith.constant 0 : i32
      %dma_wait3A_192 = arith.constant 0 : i32
      %dma_wait3A_193 = tpu.memref_slice %arg10[%dma_wait3A_190, %dma_wait3A_191, %dma_wait3A_192] : memref<2x128x128xf32, #tpu.memory_space<vmem>> -> memref<1x128x128xf32, #tpu.memory_space<vmem>>
      %dma_wait3A_194 = tpu.memref_squeeze %dma_wait3A_193 : memref<1x128x128xf32, #tpu.memory_space<vmem>> -> memref<128x128xf32, #tpu.memory_space<vmem>>
      %dma_wait3A_195 = arith.constant 0 : i32
      %dma_wait3A_196 = tpu.memref_slice %arg8[%dma_wait3A_189, %dma_wait3A_195] : memref<2x128xi32, #tpu.memory_space<vmem>> -> memref<1x128xi32, #tpu.memory_space<vmem>>
      %dma_wait3A_197 = tpu.memref_squeeze %dma_wait3A_196 : memref<1x128xi32, #tpu.memory_space<vmem>> -> memref<128xi32, #tpu.memory_space<vmem>>
      %dma_wait3A_198 = arith.constant 0 : i32
      %dma_wait3A_199 = arith.constant 0 : i32
      %dma_wait3A_200 = tpu.memref_slice %arg5[%dma_wait3A_198, %dma_wait3A_199] : memref<10000x128xf32, #tpu.memory_space<hbm>> -> memref<10000x128xf32, #tpu.memory_space<hbm>>
      tpu.wait_indirect_dma semaphore(%arg14 : memref<!tpu.dma_semaphore, #tpu.memory_space<semaphore_mem>>) src(%dma_wait3A_200 : memref<10000x128xf32, #tpu.memory_space<hbm>>) dst(%dma_wait3A_194 : memref<128x128xf32, #tpu.memory_space<vmem>>)
      %add3A_201 = arith.constant 1 : i32
      %add3A_202 = arith.addi %mul3A_75, %add3A_201 : i32
      %scan3A_203 = arith.constant 0 : i32
      %scan3A_204 = arith.constant 0 : i32
      %scan3A_205 = arith.constant 128 : i32
      %scan3A_206 = arith.addi %scan3A_204, %scan3A_205 : i32
      %scan3A_207 = arith.constant 1 : i32
      %scan3A_208 = scf.for %scan3A_217 = %scan3A_204 to %scan3A_206 step %scan3A_207 iter_args(%scan3A_218 = %scan3A_203) -> (i32)  : i32 {
        %get3A = arith.constant 1 : i32
        %get3A_219 = arith.index_cast %get3A : i32 to index
        %get3A_220 = arith.index_cast %scan3A_217 : i32 to index
        %get3A_221 = arith.constant 0 : index
        %get3A_222 = tpu.vector_load %arg9[%get3A_219, %get3A_220, %get3A_221] {strides = array<i32>} : memref<2x128x128xf32, #tpu.memory_space<vmem>>, vector<1x1x16xf32>,
        %get3A_223 = vector.shape_cast %get3A_222 : vector<1x1x16xf32> to vector<16xf32>
        %get3A_224 = arith.constant 1 : i32
        %get3A_225 = arith.index_cast %get3A_224 : i32 to index
        %get3A_226 = arith.index_cast %scan3A_217 : i32 to index
        %get3A_227 = arith.constant 0 : index
        %get3A_228 = tpu.vector_load %arg10[%get3A_225, %get3A_226, %get3A_227] {strides = array<i32>} : memref<2x128x128xf32, #tpu.memory_space<vmem>>, vector<1x1x16xf32>,
        %get3A_229 = vector.shape_cast %get3A_228 : vector<1x1x16xf32> to vector<16xf32>
        %add3A_230 = arith.addf %get3A_223, %get3A_229 : vector<16xf32>
        %swap3A = arith.constant 1 : i32
        %swap3A_231 = arith.index_cast %swap3A : i32 to index
        %swap3A_232 = arith.index_cast %scan3A_217 : i32 to index
        %swap3A_233 = arith.constant 0 : index
        %swap3A_234 = tpu.vector_load %arg9[%swap3A_231, %swap3A_232, %swap3A_233] {strides = array<i32>} : memref<2x128x128xf32, #tpu.memory_space<vmem>>, vector<1x1x16xf32>,
        %swap3A_235 = vector.shape_cast %swap3A_234 : vector<1x1x16xf32> to vector<16xf32>
        %swap3A_236 = vector.shape_cast %add3A_230 : vector<16xf32> to vector<1x1x16xf32>
        tpu.vector_store %arg9[%swap3A_231, %swap3A_232, %swap3A_233], %swap3A_236 {strides = array<i32>} : memref<2x128x128xf32, #tpu.memory_space<vmem>>, vector<1x1x16xf32>,
        %get3A_237 = arith.constant 1 : i32
        %get3A_238 = arith.index_cast %get3A_237 : i32 to index
        %get3A_239 = arith.index_cast %scan3A_217 : i32 to index
        %get3A_240 = arith.constant 16 : index
        %get3A_241 = tpu.vector_load %arg9[%get3A_238, %get3A_239, %get3A_240] {strides = array<i32>} : memref<2x128x128xf32, #tpu.memory_space<vmem>>, vector<1x1x16xf32>,
        %get3A_242 = vector.shape_cast %get3A_241 : vector<1x1x16xf32> to vector<16xf32>
        %get3A_243 = arith.constant 1 : i32
        %get3A_244 = arith.index_cast %get3A_243 : i32 to index
        %get3A_245 = arith.index_cast %scan3A_217 : i32 to index
        %get3A_246 = arith.constant 16 : index
        %get3A_247 = tpu.vector_load %arg10[%get3A_244, %get3A_245, %get3A_246] {strides = array<i32>} : memref<2x128x128xf32, #tpu.memory_space<vmem>>, vector<1x1x16xf32>,
        %get3A_248 = vector.shape_cast %get3A_247 : vector<1x1x16xf32> to vector<16xf32>
        %add3A_249 = arith.addf %get3A_242, %get3A_248 : vector<16xf32>
        %swap3A_250 = arith.constant 1 : i32
        %swap3A_251 = arith.index_cast %swap3A_250 : i32 to index
        %swap3A_252 = arith.index_cast %scan3A_217 : i32 to index
        %swap3A_253 = arith.constant 16 : index
        %swap3A_254 = tpu.vector_load %arg9[%swap3A_251, %swap3A_252, %swap3A_253] {strides = array<i32>} : memref<2x128x128xf32, #tpu.memory_space<vmem>>, vector<1x1x16xf32>,
        %swap3A_255 = vector.shape_cast %swap3A_254 : vector<1x1x16xf32> to vector<16xf32>
        %swap3A_256 = vector.shape_cast %add3A_249 : vector<16xf32> to vector<1x1x16xf32>
        tpu.vector_store %arg9[%swap3A_251, %swap3A_252, %swap3A_253], %swap3A_256 {strides = array<i32>} : memref<2x128x128xf32, #tpu.memory_space<vmem>>, vector<1x1x16xf32>,
        %get3A_257 = arith.constant 1 : i32
        %get3A_258 = arith.index_cast %get3A_257 : i32 to index
        %get3A_259 = arith.index_cast %scan3A_217 : i32 to index
        %get3A_260 = arith.constant 32 : index
        %get3A_261 = tpu.vector_load %arg9[%get3A_258, %get3A_259, %get3A_260] {strides = array<i32>} : memref<2x128x128xf32, #tpu.memory_space<vmem>>, vector<1x1x16xf32>,
        %get3A_262 = vector.shape_cast %get3A_261 : vector<1x1x16xf32> to vector<16xf32>
        %get3A_263 = arith.constant 1 : i32
        %get3A_264 = arith.index_cast %get3A_263 : i32 to index
        %get3A_265 = arith.index_cast %scan3A_217 : i32 to index
        %get3A_266 = arith.constant 32 : index
        %get3A_267 = tpu.vector_load %arg10[%get3A_264, %get3A_265, %get3A_266] {strides = array<i32>} : memref<2x128x128xf32, #tpu.memory_space<vmem>>, vector<1x1x16xf32>,
        %get3A_268 = vector.shape_cast %get3A_267 : vector<1x1x16xf32> to vector<16xf32>
        %add3A_269 = arith.addf %get3A_262, %get3A_268 : vector<16xf32>
        %swap3A_270 = arith.constant 1 : i32
        %swap3A_271 = arith.index_cast %swap3A_270 : i32 to index
        %swap3A_272 = arith.index_cast %scan3A_217 : i32 to index
        %swap3A_273 = arith.constant 32 : index
        %swap3A_274 = tpu.vector_load %arg9[%swap3A_271, %swap3A_272, %swap3A_273] {strides = array<i32>} : memref<2x128x128xf32, #tpu.memory_space<vmem>>, vector<1x1x16xf32>,
        %swap3A_275 = vector.shape_cast %swap3A_274 : vector<1x1x16xf32> to vector<16xf32>
        %swap3A_276 = vector.shape_cast %add3A_269 : vector<16xf32> to vector<1x1x16xf32>
        tpu.vector_store %arg9[%swap3A_271, %swap3A_272, %swap3A_273], %swap3A_276 {strides = array<i32>} : memref<2x128x128xf32, #tpu.memory_space<vmem>>, vector<1x1x16xf32>,
        %get3A_277 = arith.constant 1 : i32
        %get3A_278 = arith.index_cast %get3A_277 : i32 to index
        %get3A_279 = arith.index_cast %scan3A_217 : i32 to index
        %get3A_280 = arith.constant 48 : index
        %get3A_281 = tpu.vector_load %arg9[%get3A_278, %get3A_279, %get3A_280] {strides = array<i32>} : memref<2x128x128xf32, #tpu.memory_space<vmem>>, vector<1x1x16xf32>,
        %get3A_282 = vector.shape_cast %get3A_281 : vector<1x1x16xf32> to vector<16xf32>
        %get3A_283 = arith.constant 1 : i32
        %get3A_284 = arith.index_cast %get3A_283 : i32 to index
        %get3A_285 = arith.index_cast %scan3A_217 : i32 to index
        %get3A_286 = arith.constant 48 : index
        %get3A_287 = tpu.vector_load %arg10[%get3A_284, %get3A_285, %get3A_286] {strides = array<i32>} : memref<2x128x128xf32, #tpu.memory_space<vmem>>, vector<1x1x16xf32>,
        %get3A_288 = vector.shape_cast %get3A_287 : vector<1x1x16xf32> to vector<16xf32>
        %add3A_289 = arith.addf %get3A_282, %get3A_288 : vector<16xf32>
        %swap3A_290 = arith.constant 1 : i32
        %swap3A_291 = arith.index_cast %swap3A_290 : i32 to index
        %swap3A_292 = arith.index_cast %scan3A_217 : i32 to index
        %swap3A_293 = arith.constant 48 : index
        %swap3A_294 = tpu.vector_load %arg9[%swap3A_291, %swap3A_292, %swap3A_293] {strides = array<i32>} : memref<2x128x128xf32, #tpu.memory_space<vmem>>, vector<1x1x16xf32>,
        %swap3A_295 = vector.shape_cast %swap3A_294 : vector<1x1x16xf32> to vector<16xf32>
        %swap3A_296 = vector.shape_cast %add3A_289 : vector<16xf32> to vector<1x1x16xf32>
        tpu.vector_store %arg9[%swap3A_291, %swap3A_292, %swap3A_293], %swap3A_296 {strides = array<i32>} : memref<2x128x128xf32, #tpu.memory_space<vmem>>, vector<1x1x16xf32>,
        %get3A_297 = arith.constant 1 : i32
        %get3A_298 = arith.index_cast %get3A_297 : i32 to index
        %get3A_299 = arith.index_cast %scan3A_217 : i32 to index
        %get3A_300 = arith.constant 64 : index
        %get3A_301 = tpu.vector_load %arg9[%get3A_298, %get3A_299, %get3A_300] {strides = array<i32>} : memref<2x128x128xf32, #tpu.memory_space<vmem>>, vector<1x1x16xf32>,
        %get3A_302 = vector.shape_cast %get3A_301 : vector<1x1x16xf32> to vector<16xf32>
        %get3A_303 = arith.constant 1 : i32
        %get3A_304 = arith.index_cast %get3A_303 : i32 to index
        %get3A_305 = arith.index_cast %scan3A_217 : i32 to index
        %get3A_306 = arith.constant 64 : index
        %get3A_307 = tpu.vector_load %arg10[%get3A_304, %get3A_305, %get3A_306] {strides = array<i32>} : memref<2x128x128xf32, #tpu.memory_space<vmem>>, vector<1x1x16xf32>,
        %get3A_308 = vector.shape_cast %get3A_307 : vector<1x1x16xf32> to vector<16xf32>
        %add3A_309 = arith.addf %get3A_302, %get3A_308 : vector<16xf32>
        %swap3A_310 = arith.constant 1 : i32
        %swap3A_311 = arith.index_cast %swap3A_310 : i32 to index
        %swap3A_312 = arith.index_cast %scan3A_217 : i32 to index
        %swap3A_313 = arith.constant 64 : index
        %swap3A_314 = tpu.vector_load %arg9[%swap3A_311, %swap3A_312, %swap3A_313] {strides = array<i32>} : memref<2x128x128xf32, #tpu.memory_space<vmem>>, vector<1x1x16xf32>,
        %swap3A_315 = vector.shape_cast %swap3A_314 : vector<1x1x16xf32> to vector<16xf32>
        %swap3A_316 = vector.shape_cast %add3A_309 : vector<16xf32> to vector<1x1x16xf32>
        tpu.vector_store %arg9[%swap3A_311, %swap3A_312, %swap3A_313], %swap3A_316 {strides = array<i32>} : memref<2x128x128xf32, #tpu.memory_space<vmem>>, vector<1x1x16xf32>,
        %get3A_317 = arith.constant 1 : i32
        %get3A_318 = arith.index_cast %get3A_317 : i32 to index
        %get3A_319 = arith.index_cast %scan3A_217 : i32 to index
        %get3A_320 = arith.constant 80 : index
        %get3A_321 = tpu.vector_load %arg9[%get3A_318, %get3A_319, %get3A_320] {strides = array<i32>} : memref<2x128x128xf32, #tpu.memory_space<vmem>>, vector<1x1x16xf32>,
        %get3A_322 = vector.shape_cast %get3A_321 : vector<1x1x16xf32> to vector<16xf32>
        %get3A_323 = arith.constant 1 : i32
        %get3A_324 = arith.index_cast %get3A_323 : i32 to index
        %get3A_325 = arith.index_cast %scan3A_217 : i32 to index
        %get3A_326 = arith.constant 80 : index
        %get3A_327 = tpu.vector_load %arg10[%get3A_324, %get3A_325, %get3A_326] {strides = array<i32>} : memref<2x128x128xf32, #tpu.memory_space<vmem>>, vector<1x1x16xf32>,
        %get3A_328 = vector.shape_cast %get3A_327 : vector<1x1x16xf32> to vector<16xf32>
        %add3A_329 = arith.addf %get3A_322, %get3A_328 : vector<16xf32>
        %swap3A_330 = arith.constant 1 : i32
        %swap3A_331 = arith.index_cast %swap3A_330 : i32 to index
        %swap3A_332 = arith.index_cast %scan3A_217 : i32 to index
        %swap3A_333 = arith.constant 80 : index
        %swap3A_334 = tpu.vector_load %arg9[%swap3A_331, %swap3A_332, %swap3A_333] {strides = array<i32>} : memref<2x128x128xf32, #tpu.memory_space<vmem>>, vector<1x1x16xf32>,
        %swap3A_335 = vector.shape_cast %swap3A_334 : vector<1x1x16xf32> to vector<16xf32>
        %swap3A_336 = vector.shape_cast %add3A_329 : vector<16xf32> to vector<1x1x16xf32>
        tpu.vector_store %arg9[%swap3A_331, %swap3A_332, %swap3A_333], %swap3A_336 {strides = array<i32>} : memref<2x128x128xf32, #tpu.memory_space<vmem>>, vector<1x1x16xf32>,
        %get3A_337 = arith.constant 1 : i32
        %get3A_338 = arith.index_cast %get3A_337 : i32 to index
        %get3A_339 = arith.index_cast %scan3A_217 : i32 to index
        %get3A_340 = arith.constant 96 : index
        %get3A_341 = tpu.vector_load %arg9[%get3A_338, %get3A_339, %get3A_340] {strides = array<i32>} : memref<2x128x128xf32, #tpu.memory_space<vmem>>, vector<1x1x16xf32>,
        %get3A_342 = vector.shape_cast %get3A_341 : vector<1x1x16xf32> to vector<16xf32>
        %get3A_343 = arith.constant 1 : i32
        %get3A_344 = arith.index_cast %get3A_343 : i32 to index
        %get3A_345 = arith.index_cast %scan3A_217 : i32 to index
        %get3A_346 = arith.constant 96 : index
        %get3A_347 = tpu.vector_load %arg10[%get3A_344, %get3A_345, %get3A_346] {strides = array<i32>} : memref<2x128x128xf32, #tpu.memory_space<vmem>>, vector<1x1x16xf32>,
        %get3A_348 = vector.shape_cast %get3A_347 : vector<1x1x16xf32> to vector<16xf32>
        %add3A_349 = arith.addf %get3A_342, %get3A_348 : vector<16xf32>
        %swap3A_350 = arith.constant 1 : i32
        %swap3A_351 = arith.index_cast %swap3A_350 : i32 to index
        %swap3A_352 = arith.index_cast %scan3A_217 : i32 to index
        %swap3A_353 = arith.constant 96 : index
        %swap3A_354 = tpu.vector_load %arg9[%swap3A_351, %swap3A_352, %swap3A_353] {strides = array<i32>} : memref<2x128x128xf32, #tpu.memory_space<vmem>>, vector<1x1x16xf32>,
        %swap3A_355 = vector.shape_cast %swap3A_354 : vector<1x1x16xf32> to vector<16xf32>
        %swap3A_356 = vector.shape_cast %add3A_349 : vector<16xf32> to vector<1x1x16xf32>
        tpu.vector_store %arg9[%swap3A_351, %swap3A_352, %swap3A_353], %swap3A_356 {strides = array<i32>} : memref<2x128x128xf32, #tpu.memory_space<vmem>>, vector<1x1x16xf32>,
        %get3A_357 = arith.constant 1 : i32
        %get3A_358 = arith.index_cast %get3A_357 : i32 to index
        %get3A_359 = arith.index_cast %scan3A_217 : i32 to index
        %get3A_360 = arith.constant 112 : index
        %get3A_361 = tpu.vector_load %arg9[%get3A_358, %get3A_359, %get3A_360] {strides = array<i32>} : memref<2x128x128xf32, #tpu.memory_space<vmem>>, vector<1x1x16xf32>,
        %get3A_362 = vector.shape_cast %get3A_361 : vector<1x1x16xf32> to vector<16xf32>
        %get3A_363 = arith.constant 1 : i32
        %get3A_364 = arith.index_cast %get3A_363 : i32 to index
        %get3A_365 = arith.index_cast %scan3A_217 : i32 to index
        %get3A_366 = arith.constant 112 : index
        %get3A_367 = tpu.vector_load %arg10[%get3A_364, %get3A_365, %get3A_366] {strides = array<i32>} : memref<2x128x128xf32, #tpu.memory_space<vmem>>, vector<1x1x16xf32>,
        %get3A_368 = vector.shape_cast %get3A_367 : vector<1x1x16xf32> to vector<16xf32>
        %add3A_369 = arith.addf %get3A_362, %get3A_368 : vector<16xf32>
        %swap3A_370 = arith.constant 1 : i32
        %swap3A_371 = arith.index_cast %swap3A_370 : i32 to index
        %swap3A_372 = arith.index_cast %scan3A_217 : i32 to index
        %swap3A_373 = arith.constant 112 : index
        %swap3A_374 = tpu.vector_load %arg9[%swap3A_371, %swap3A_372, %swap3A_373] {strides = array<i32>} : memref<2x128x128xf32, #tpu.memory_space<vmem>>, vector<1x1x16xf32>,
        %swap3A_375 = vector.shape_cast %swap3A_374 : vector<1x1x16xf32> to vector<16xf32>
        %swap3A_376 = vector.shape_cast %add3A_369 : vector<16xf32> to vector<1x1x16xf32>
        tpu.vector_store %arg9[%swap3A_371, %swap3A_372, %swap3A_373], %swap3A_376 {strides = array<i32>} : memref<2x128x128xf32, #tpu.memory_space<vmem>>, vector<1x1x16xf32>,
        %scan3A_377 = arith.constant 0 : i32
        scf.yield %scan3A_377 : i32
      }
      %scan3A_209 = arith.constant 128 : i32
      %mul3A_210 = arith.constant 32 : i32
      %mul3A_211 = arith.muli %mul3A_210, %add3A_202 : i32
      %add3A_212 = arith.addi %add3A, %mul3A_211 : i32
      %mul3A_213 = arith.constant 128 : i32
      %mul3A_214 = arith.muli %add3A_212, %mul3A_213 : i32
      %run_scoped3A_215 = arith.constant 1 : i32
      "tpu.region"() ({
        %run_scoped3A_217 = tpu.sem_alloc : memref<!tpu.dma_semaphore, #tpu.memory_space<semaphore_mem>>
        %dma_start3A_218 = arith.constant 0 : i32
        %dma_start3A_219 = arith.constant 0 : i32
        %dma_start3A_220 = tpu.memref_slice %arg9[%run_scoped3A_215, %dma_start3A_218, %dma_start3A_219] : memref<2x128x128xf32, #tpu.memory_space<vmem>> -> memref<1x128x128xf32, #tpu.memory_space<vmem>>
        %dma_start3A_221 = tpu.memref_squeeze %dma_start3A_220 : memref<1x128x128xf32, #tpu.memory_space<vmem>> -> memref<128x128xf32, #tpu.memory_space<vmem>>
        %dma_start3A_222 = arith.constant 0 : i32
        %dma_start3A_223 = tpu.memref_slice %arg6[%mul3A_214, %dma_start3A_222] : memref<160000x128xf32, #tpu.memory_space<hbm>> -> memref<128x128xf32, #tpu.memory_space<hbm>>
        %dma_start3A_224 = arith.constant 0 : i32
        %dma_start3A_225 = tpu.memref_slice %arg6[%mul3A_214, %dma_start3A_224] : memref<160000x128xf32, #tpu.memory_space<hbm>> -> memref<128x128xf32, #tpu.memory_space<hbm>>
        %dma_start3A_226 = arith.constant 0 : i32
        %dma_start3A_227 = arith.constant 0 : i32
        %dma_start3A_228 = tpu.memref_slice %arg9[%run_scoped3A_215, %dma_start3A_226, %dma_start3A_227] : memref<2x128x128xf32, #tpu.memory_space<vmem>> -> memref<1x128x128xf32, #tpu.memory_space<vmem>>
        %dma_start3A_229 = tpu.memref_squeeze %dma_start3A_228 : memref<1x128x128xf32, #tpu.memory_space<vmem>> -> memref<128x128xf32, #tpu.memory_space<vmem>>
        tpu.enqueue_dma source(%dma_start3A_229 : memref<128x128xf32, #tpu.memory_space<vmem>>) target(%dma_start3A_225 : memref<128x128xf32, #tpu.memory_space<hbm>>) target_semaphore(%run_scoped3A_217 : memref<!tpu.dma_semaphore, #tpu.memory_space<semaphore_mem>>)
        %dma_wait3A_230 = arith.constant 0 : i32
        %dma_wait3A_231 = arith.constant 0 : i32
        %dma_wait3A_232 = tpu.memref_slice %arg9[%run_scoped3A_215, %dma_wait3A_230, %dma_wait3A_231] : memref<2x128x128xf32, #tpu.memory_space<vmem>> -> memref<1x128x128xf32, #tpu.memory_space<vmem>>
        %dma_wait3A_233 = tpu.memref_squeeze %dma_wait3A_232 : memref<1x128x128xf32, #tpu.memory_space<vmem>> -> memref<128x128xf32, #tpu.memory_space<vmem>>
        %dma_wait3A_234 = arith.constant 0 : i32
        %dma_wait3A_235 = tpu.memref_slice %arg6[%mul3A_214, %dma_wait3A_234] : memref<160000x128xf32, #tpu.memory_space<hbm>> -> memref<128x128xf32, #tpu.memory_space<hbm>>
        %dma_wait3A_236 = arith.constant 0 : i32
        %dma_wait3A_237 = tpu.memref_slice %arg6[%mul3A_214, %dma_wait3A_236] : memref<160000x128xf32, #tpu.memory_space<hbm>> -> memref<128x128xf32, #tpu.memory_space<hbm>>
        %dma_wait3A_238 = arith.constant 0 : i32
        %dma_wait3A_239 = arith.constant 0 : i32
        %dma_wait3A_240 = tpu.memref_slice %arg9[%run_scoped3A_215, %dma_wait3A_238, %dma_wait3A_239] : memref<2x128x128xf32, #tpu.memory_space<vmem>> -> memref<1x128x128xf32, #tpu.memory_space<vmem>>
        %dma_wait3A_241 = tpu.memref_squeeze %dma_wait3A_240 : memref<1x128x128xf32, #tpu.memory_space<vmem>> -> memref<128x128xf32, #tpu.memory_space<vmem>>
        tpu.wait_dma2 semaphore(%run_scoped3A_217 : memref<!tpu.dma_semaphore, #tpu.memory_space<semaphore_mem>>) src(%dma_wait3A_241 : memref<128x128xf32, #tpu.memory_space<vmem>>) dst(%dma_wait3A_237 : memref<128x128xf32, #tpu.memory_space<hbm>>)
        tpu.yield
      }) : () -> ()
      %scan3A_216 = arith.constant 0 : i32
      scf.yield %scan3A_216 : i32
    }
    %scan3A_6 = arith.constant 19 : i32
    %add3A_7 = arith.constant 1216 : i32
    %add3A_8 = arith.addi %add3A, %add3A_7 : i32
    %mul3A_9 = arith.constant 128 : i32
    %mul3A_10 = arith.muli %add3A_8, %mul3A_9 : i32
    %run_scoped3A = arith.constant 0 : i32
    "tpu.region"() ({
      %run_scoped3A_72 = tpu.sem_alloc : memref<!tpu.dma_semaphore, #tpu.memory_space<semaphore_mem>>
      %dma_start3A_73 = arith.constant 0 : i32
      %dma_start3A_74 = tpu.memref_slice %arg7[%run_scoped3A, %dma_start3A_73] : memref<2x128xi32, #tpu.memory_space<vmem>> -> memref<1x128xi32, #tpu.memory_space<vmem>>
      %dma_start3A_75 = tpu.memref_squeeze %dma_start3A_74 : memref<1x128xi32, #tpu.memory_space<vmem>> -> memref<128xi32, #tpu.memory_space<vmem>>
      %dma_start3A_76 = tpu.memref_slice %arg2[%mul3A_10] : memref<160000xi32, #tpu.memory_space<hbm>> -> memref<128xi32, #tpu.memory_space<hbm>>
      %dma_start3A_77 = arith.constant 0 : i32
      %dma_start3A_78 = tpu.memref_slice %arg7[%run_scoped3A, %dma_start3A_77] : memref<2x128xi32, #tpu.memory_space<vmem>> -> memref<1x128xi32, #tpu.memory_space<vmem>>
      %dma_start3A_79 = tpu.memref_squeeze %dma_start3A_78 : memref<1x128xi32, #tpu.memory_space<vmem>> -> memref<128xi32, #tpu.memory_space<vmem>>
      %dma_start3A_80 = tpu.memref_slice %arg2[%mul3A_10] : memref<160000xi32, #tpu.memory_space<hbm>> -> memref<128xi32, #tpu.memory_space<hbm>>
      tpu.enqueue_dma source(%dma_start3A_80 : memref<128xi32, #tpu.memory_space<hbm>>) target(%dma_start3A_79 : memref<128xi32, #tpu.memory_space<vmem>>) target_semaphore(%run_scoped3A_72 : memref<!tpu.dma_semaphore, #tpu.memory_space<semaphore_mem>>)
      %dma_wait3A_81 = arith.constant 0 : i32
      %dma_wait3A_82 = tpu.memref_slice %arg7[%run_scoped3A, %dma_wait3A_81] : memref<2x128xi32, #tpu.memory_space<vmem>> -> memref<1x128xi32, #tpu.memory_space<vmem>>
      %dma_wait3A_83 = tpu.memref_squeeze %dma_wait3A_82 : memref<1x128xi32, #tpu.memory_space<vmem>> -> memref<128xi32, #tpu.memory_space<vmem>>
      %dma_wait3A_84 = tpu.memref_slice %arg2[%mul3A_10] : memref<160000xi32, #tpu.memory_space<hbm>> -> memref<128xi32, #tpu.memory_space<hbm>>
      %dma_wait3A_85 = arith.constant 0 : i32
      %dma_wait3A_86 = tpu.memref_slice %arg7[%run_scoped3A, %dma_wait3A_85] : memref<2x128xi32, #tpu.memory_space<vmem>> -> memref<1x128xi32, #tpu.memory_space<vmem>>
      %dma_wait3A_87 = tpu.memref_squeeze %dma_wait3A_86 : memref<1x128xi32, #tpu.memory_space<vmem>> -> memref<128xi32, #tpu.memory_space<vmem>>
      %dma_wait3A_88 = tpu.memref_slice %arg2[%mul3A_10] : memref<160000xi32, #tpu.memory_space<hbm>> -> memref<128xi32, #tpu.memory_space<hbm>>
      tpu.wait_dma2 semaphore(%run_scoped3A_72 : memref<!tpu.dma_semaphore, #tpu.memory_space<semaphore_mem>>) src(%dma_wait3A_88 : memref<128xi32, #tpu.memory_space<hbm>>) dst(%dma_wait3A_87 : memref<128xi32, #tpu.memory_space<vmem>>)
      tpu.yield
    }) : () -> ()
    %run_scoped3A_11 = arith.constant 0 : i32
    "tpu.region"() ({
      %run_scoped3A_72 = tpu.sem_alloc : memref<!tpu.dma_semaphore, #tpu.memory_space<semaphore_mem>>
      %dma_start3A_73 = arith.constant 0 : i32
      %dma_start3A_74 = tpu.memref_slice %arg8[%run_scoped3A_11, %dma_start3A_73] : memref<2x128xi32, #tpu.memory_space<vmem>> -> memref<1x128xi32, #tpu.memory_space<vmem>>
      %dma_start3A_75 = tpu.memref_squeeze %dma_start3A_74 : memref<1x128xi32, #tpu.memory_space<vmem>> -> memref<128xi32, #tpu.memory_space<vmem>>
      %dma_start3A_76 = tpu.memref_slice %arg3[%mul3A_10] : memref<160000xi32, #tpu.memory_space<hbm>> -> memref<128xi32, #tpu.memory_space<hbm>>
      %dma_start3A_77 = arith.constant 0 : i32
      %dma_start3A_78 = tpu.memref_slice %arg8[%run_scoped3A_11, %dma_start3A_77] : memref<2x128xi32, #tpu.memory_space<vmem>> -> memref<1x128xi32, #tpu.memory_space<vmem>>
      %dma_start3A_79 = tpu.memref_squeeze %dma_start3A_78 : memref<1x128xi32, #tpu.memory_space<vmem>> -> memref<128xi32, #tpu.memory_space<vmem>>
      %dma_start3A_80 = tpu.memref_slice %arg3[%mul3A_10] : memref<160000xi32, #tpu.memory_space<hbm>> -> memref<128xi32, #tpu.memory_space<hbm>>
      tpu.enqueue_dma source(%dma_start3A_80 : memref<128xi32, #tpu.memory_space<hbm>>) target(%dma_start3A_79 : memref<128xi32, #tpu.memory_space<vmem>>) target_semaphore(%run_scoped3A_72 : memref<!tpu.dma_semaphore, #tpu.memory_space<semaphore_mem>>)
      %dma_wait3A_81 = arith.constant 0 : i32
      %dma_wait3A_82 = tpu.memref_slice %arg8[%run_scoped3A_11, %dma_wait3A_81] : memref<2x128xi32, #tpu.memory_space<vmem>> -> memref<1x128xi32, #tpu.memory_space<vmem>>
      %dma_wait3A_83 = tpu.memref_squeeze %dma_wait3A_82 : memref<1x128xi32, #tpu.memory_space<vmem>> -> memref<128xi32, #tpu.memory_space<vmem>>
      %dma_wait3A_84 = tpu.memref_slice %arg3[%mul3A_10] : memref<160000xi32, #tpu.memory_space<hbm>> -> memref<128xi32, #tpu.memory_space<hbm>>
      %dma_wait3A_85 = arith.constant 0 : i32
      %dma_wait3A_86 = tpu.memref_slice %arg8[%run_scoped3A_11, %dma_wait3A_85] : memref<2x128xi32, #tpu.memory_space<vmem>> -> memref<1x128xi32, #tpu.memory_space<vmem>>
      %dma_wait3A_87 = tpu.memref_squeeze %dma_wait3A_86 : memref<1x128xi32, #tpu.memory_space<vmem>> -> memref<128xi32, #tpu.memory_space<vmem>>
      %dma_wait3A_88 = tpu.memref_slice %arg3[%mul3A_10] : memref<160000xi32, #tpu.memory_space<hbm>> -> memref<128xi32, #tpu.memory_space<hbm>>
      tpu.wait_dma2 semaphore(%run_scoped3A_72 : memref<!tpu.dma_semaphore, #tpu.memory_space<semaphore_mem>>) src(%dma_wait3A_88 : memref<128xi32, #tpu.memory_space<hbm>>) dst(%dma_wait3A_87 : memref<128xi32, #tpu.memory_space<vmem>>)
      tpu.yield
    }) : () -> ()
    %dma_start3A = arith.constant 0 : i32
    %dma_start3A_12 = arith.constant 0 : i32
    %dma_start3A_13 = arith.constant 0 : i32
    %dma_start3A_14 = arith.constant 0 : i32
    %dma_start3A_15 = tpu.memref_slice %arg9[%dma_start3A_12, %dma_start3A_13, %dma_start3A_14] : memref<2x128x128xf32, #tpu.memory_space<vmem>> -> memref<1x128x128xf32, #tpu.memory_space<vmem>>
    %dma_start3A_16 = tpu.memref_squeeze %dma_start3A_15 : memref<1x128x128xf32, #tpu.memory_space<vmem>> -> memref<128x128xf32, #tpu.memory_space<vmem>>
    %dma_start3A_17 = arith.constant 0 : i32
    %dma_start3A_18 = tpu.memref_slice %arg7[%dma_start3A, %dma_start3A_17] : memref<2x128xi32, #tpu.memory_space<vmem>> -> memref<1x128xi32, #tpu.memory_space<vmem>>
    %dma_start3A_19 = tpu.memref_squeeze %dma_start3A_18 : memref<1x128xi32, #tpu.memory_space<vmem>> -> memref<128xi32, #tpu.memory_space<vmem>>
    %dma_start3A_20 = arith.constant 0 : i32
    %dma_start3A_21 = arith.constant 0 : i32
    %dma_start3A_22 = tpu.memref_slice %arg4[%dma_start3A_20, %dma_start3A_21] : memref<10000x128xf32, #tpu.memory_space<hbm>> -> memref<10000x128xf32, #tpu.memory_space<hbm>>
    tpu.enqueue_indirect_dma source(%dma_start3A_22 : memref<10000x128xf32, #tpu.memory_space<hbm>>) target(%dma_start3A_16 : memref<128x128xf32, #tpu.memory_space<vmem>>) offsets(%dma_start3A_19 : memref<128xi32, #tpu.memory_space<vmem>>) semaphore(%arg11 : memref<!tpu.dma_semaphore, #tpu.memory_space<semaphore_mem>>)
    %dma_start3A_23 = arith.constant 0 : i32
    %dma_start3A_24 = arith.constant 0 : i32
    %dma_start3A_25 = arith.constant 0 : i32
    %dma_start3A_26 = arith.constant 0 : i32
    %dma_start3A_27 = tpu.memref_slice %arg10[%dma_start3A_24, %dma_start3A_25, %dma_start3A_26] : memref<2x128x128xf32, #tpu.memory_space<vmem>> -> memref<1x128x128xf32, #tpu.memory_space<vmem>>
    %dma_start3A_28 = tpu.memref_squeeze %dma_start3A_27 : memref<1x128x128xf32, #tpu.memory_space<vmem>> -> memref<128x128xf32, #tpu.memory_space<vmem>>
    %dma_start3A_29 = arith.constant 0 : i32
    %dma_start3A_30 = tpu.memref_slice %arg8[%dma_start3A_23, %dma_start3A_29] : memref<2x128xi32, #tpu.memory_space<vmem>> -> memref<1x128xi32, #tpu.memory_space<vmem>>
    %dma_start3A_31 = tpu.memref_squeeze %dma_start3A_30 : memref<1x128xi32, #tpu.memory_space<vmem>> -> memref<128xi32, #tpu.memory_space<vmem>>
    %dma_start3A_32 = arith.constant 0 : i32
    %dma_start3A_33 = arith.constant 0 : i32
    %dma_start3A_34 = tpu.memref_slice %arg5[%dma_start3A_32, %dma_start3A_33] : memref<10000x128xf32, #tpu.memory_space<hbm>> -> memref<10000x128xf32, #tpu.memory_space<hbm>>
    tpu.enqueue_indirect_dma source(%dma_start3A_34 : memref<10000x128xf32, #tpu.memory_space<hbm>>) target(%dma_start3A_28 : memref<128x128xf32, #tpu.memory_space<vmem>>) offsets(%dma_start3A_31 : memref<128xi32, #tpu.memory_space<vmem>>) semaphore(%arg12 : memref<!tpu.dma_semaphore, #tpu.memory_space<semaphore_mem>>)
    %dma_wait3A = arith.constant 0 : i32
    %dma_wait3A_35 = arith.constant 0 : i32
    %dma_wait3A_36 = arith.constant 0 : i32
    %dma_wait3A_37 = arith.constant 0 : i32
    %dma_wait3A_38 = tpu.memref_slice %arg9[%dma_wait3A_35, %dma_wait3A_36, %dma_wait3A_37] : memref<2x128x128xf32, #tpu.memory_space<vmem>> -> memref<1x128x128xf32, #tpu.memory_space<vmem>>
    %dma_wait3A_39 = tpu.memref_squeeze %dma_wait3A_38 : memref<1x128x128xf32, #tpu.memory_space<vmem>> -> memref<128x128xf32, #tpu.memory_space<vmem>>
    %dma_wait3A_40 = arith.constant 0 : i32
    %dma_wait3A_41 = tpu.memref_slice %arg7[%dma_wait3A, %dma_wait3A_40] : memref<2x128xi32, #tpu.memory_space<vmem>> -> memref<1x128xi32, #tpu.memory_space<vmem>>
    %dma_wait3A_42 = tpu.memref_squeeze %dma_wait3A_41 : memref<1x128xi32, #tpu.memory_space<vmem>> -> memref<128xi32, #tpu.memory_space<vmem>>
    %dma_wait3A_43 = arith.constant 0 : i32
    %dma_wait3A_44 = arith.constant 0 : i32
    %dma_wait3A_45 = tpu.memref_slice %arg4[%dma_wait3A_43, %dma_wait3A_44] : memref<10000x128xf32, #tpu.memory_space<hbm>> -> memref<10000x128xf32, #tpu.memory_space<hbm>>
    tpu.wait_indirect_dma semaphore(%arg11 : memref<!tpu.dma_semaphore, #tpu.memory_space<semaphore_mem>>) src(%dma_wait3A_45 : memref<10000x128xf32, #tpu.memory_space<hbm>>) dst(%dma_wait3A_39 : memref<128x128xf32, #tpu.memory_space<vmem>>)
    %dma_wait3A_46 = arith.constant 0 : i32
    %dma_wait3A_47 = arith.constant 0 : i32
    %dma_wait3A_48 = arith.constant 0 : i32
    %dma_wait3A_49 = arith.constant 0 : i32
    %dma_wait3A_50 = tpu.memref_slice %arg10[%dma_wait3A_47, %dma_wait3A_48, %dma_wait3A_49] : memref<2x128x128xf32, #tpu.memory_space<vmem>> -> memref<1x128x128xf32, #tpu.memory_space<vmem>>
    %dma_wait3A_51 = tpu.memref_squeeze %dma_wait3A_50 : memref<1x128x128xf32, #tpu.memory_space<vmem>> -> memref<128x128xf32, #tpu.memory_space<vmem>>
    %dma_wait3A_52 = arith.constant 0 : i32
    %dma_wait3A_53 = tpu.memref_slice %arg8[%dma_wait3A_46, %dma_wait3A_52] : memref<2x128xi32, #tpu.memory_space<vmem>> -> memref<1x128xi32, #tpu.memory_space<vmem>>
    %dma_wait3A_54 = tpu.memref_squeeze %dma_wait3A_53 : memref<1x128xi32, #tpu.memory_space<vmem>> -> memref<128xi32, #tpu.memory_space<vmem>>
    %dma_wait3A_55 = arith.constant 0 : i32
    %dma_wait3A_56 = arith.constant 0 : i32
    %dma_wait3A_57 = tpu.memref_slice %arg5[%dma_wait3A_55, %dma_wait3A_56] : memref<10000x128xf32, #tpu.memory_space<hbm>> -> memref<10000x128xf32, #tpu.memory_space<hbm>>
    tpu.wait_indirect_dma semaphore(%arg12 : memref<!tpu.dma_semaphore, #tpu.memory_space<semaphore_mem>>) src(%dma_wait3A_57 : memref<10000x128xf32, #tpu.memory_space<hbm>>) dst(%dma_wait3A_51 : memref<128x128xf32, #tpu.memory_space<vmem>>)
    %scan3A_58 = arith.constant 0 : i32
    %scan3A_59 = arith.constant 0 : i32
    %scan3A_60 = arith.constant 128 : i32
    %scan3A_61 = arith.addi %scan3A_59, %scan3A_60 : i32
    %scan3A_62 = arith.constant 1 : i32
    %scan3A_63 = scf.for %scan3A_72 = %scan3A_59 to %scan3A_61 step %scan3A_62 iter_args(%scan3A_73 = %scan3A_58) -> (i32)  : i32 {
      %get3A = arith.constant 0 : i32
      %get3A_74 = arith.index_cast %get3A : i32 to index
      %get3A_75 = arith.index_cast %scan3A_72 : i32 to index
      %get3A_76 = arith.constant 0 : index
      %get3A_77 = tpu.vector_load %arg9[%get3A_74, %get3A_75, %get3A_76] {strides = array<i32>} : memref<2x128x128xf32, #tpu.memory_space<vmem>>, vector<1x1x16xf32>,
      %get3A_78 = vector.shape_cast %get3A_77 : vector<1x1x16xf32> to vector<16xf32>
      %get3A_79 = arith.constant 0 : i32
      %get3A_80 = arith.index_cast %get3A_79 : i32 to index
      %get3A_81 = arith.index_cast %scan3A_72 : i32 to index
      %get3A_82 = arith.constant 0 : index
      %get3A_83 = tpu.vector_load %arg10[%get3A_80, %get3A_81, %get3A_82] {strides = array<i32>} : memref<2x128x128xf32, #tpu.memory_space<vmem>>, vector<1x1x16xf32>,
      %get3A_84 = vector.shape_cast %get3A_83 : vector<1x1x16xf32> to vector<16xf32>
      %add3A_85 = arith.addf %get3A_78, %get3A_84 : vector<16xf32>
      %swap3A = arith.constant 0 : i32
      %swap3A_86 = arith.index_cast %swap3A : i32 to index
      %swap3A_87 = arith.index_cast %scan3A_72 : i32 to index
      %swap3A_88 = arith.constant 0 : index
      %swap3A_89 = tpu.vector_load %arg9[%swap3A_86, %swap3A_87, %swap3A_88] {strides = array<i32>} : memref<2x128x128xf32, #tpu.memory_space<vmem>>, vector<1x1x16xf32>,
      %swap3A_90 = vector.shape_cast %swap3A_89 : vector<1x1x16xf32> to vector<16xf32>
      %swap3A_91 = vector.shape_cast %add3A_85 : vector<16xf32> to vector<1x1x16xf32>
      tpu.vector_store %arg9[%swap3A_86, %swap3A_87, %swap3A_88], %swap3A_91 {strides = array<i32>} : memref<2x128x128xf32, #tpu.memory_space<vmem>>, vector<1x1x16xf32>,
      %get3A_92 = arith.constant 0 : i32
      %get3A_93 = arith.index_cast %get3A_92 : i32 to index
      %get3A_94 = arith.index_cast %scan3A_72 : i32 to index
      %get3A_95 = arith.constant 16 : index
      %get3A_96 = tpu.vector_load %arg9[%get3A_93, %get3A_94, %get3A_95] {strides = array<i32>} : memref<2x128x128xf32, #tpu.memory_space<vmem>>, vector<1x1x16xf32>,
      %get3A_97 = vector.shape_cast %get3A_96 : vector<1x1x16xf32> to vector<16xf32>
      %get3A_98 = arith.constant 0 : i32
      %get3A_99 = arith.index_cast %get3A_98 : i32 to index
      %get3A_100 = arith.index_cast %scan3A_72 : i32 to index
      %get3A_101 = arith.constant 16 : index
      %get3A_102 = tpu.vector_load %arg10[%get3A_99, %get3A_100, %get3A_101] {strides = array<i32>} : memref<2x128x128xf32, #tpu.memory_space<vmem>>, vector<1x1x16xf32>,
      %get3A_103 = vector.shape_cast %get3A_102 : vector<1x1x16xf32> to vector<16xf32>
      %add3A_104 = arith.addf %get3A_97, %get3A_103 : vector<16xf32>
      %swap3A_105 = arith.constant 0 : i32
      %swap3A_106 = arith.index_cast %swap3A_105 : i32 to index
      %swap3A_107 = arith.index_cast %scan3A_72 : i32 to index
      %swap3A_108 = arith.constant 16 : index
      %swap3A_109 = tpu.vector_load %arg9[%swap3A_106, %swap3A_107, %swap3A_108] {strides = array<i32>} : memref<2x128x128xf32, #tpu.memory_space<vmem>>, vector<1x1x16xf32>,
      %swap3A_110 = vector.shape_cast %swap3A_109 : vector<1x1x16xf32> to vector<16xf32>
      %swap3A_111 = vector.shape_cast %add3A_104 : vector<16xf32> to vector<1x1x16xf32>
      tpu.vector_store %arg9[%swap3A_106, %swap3A_107, %swap3A_108], %swap3A_111 {strides = array<i32>} : memref<2x128x128xf32, #tpu.memory_space<vmem>>, vector<1x1x16xf32>,
      %get3A_112 = arith.constant 0 : i32
      %get3A_113 = arith.index_cast %get3A_112 : i32 to index
      %get3A_114 = arith.index_cast %scan3A_72 : i32 to index
      %get3A_115 = arith.constant 32 : index
      %get3A_116 = tpu.vector_load %arg9[%get3A_113, %get3A_114, %get3A_115] {strides = array<i32>} : memref<2x128x128xf32, #tpu.memory_space<vmem>>, vector<1x1x16xf32>,
      %get3A_117 = vector.shape_cast %get3A_116 : vector<1x1x16xf32> to vector<16xf32>
      %get3A_118 = arith.constant 0 : i32
      %get3A_119 = arith.index_cast %get3A_118 : i32 to index
      %get3A_120 = arith.index_cast %scan3A_72 : i32 to index
      %get3A_121 = arith.constant 32 : index
      %get3A_122 = tpu.vector_load %arg10[%get3A_119, %get3A_120, %get3A_121] {strides = array<i32>} : memref<2x128x128xf32, #tpu.memory_space<vmem>>, vector<1x1x16xf32>,
      %get3A_123 = vector.shape_cast %get3A_122 : vector<1x1x16xf32> to vector<16xf32>
      %add3A_124 = arith.addf %get3A_117, %get3A_123 : vector<16xf32>
      %swap3A_125 = arith.constant 0 : i32
      %swap3A_126 = arith.index_cast %swap3A_125 : i32 to index
      %swap3A_127 = arith.index_cast %scan3A_72 : i32 to index
      %swap3A_128 = arith.constant 32 : index
      %swap3A_129 = tpu.vector_load %arg9[%swap3A_126, %swap3A_127, %swap3A_128] {strides = array<i32>} : memref<2x128x128xf32, #tpu.memory_space<vmem>>, vector<1x1x16xf32>,
      %swap3A_130 = vector.shape_cast %swap3A_129 : vector<1x1x16xf32> to vector<16xf32>
      %swap3A_131 = vector.shape_cast %add3A_124 : vector<16xf32> to vector<1x1x16xf32>
      tpu.vector_store %arg9[%swap3A_126, %swap3A_127, %swap3A_128], %swap3A_131 {strides = array<i32>} : memref<2x128x128xf32, #tpu.memory_space<vmem>>, vector<1x1x16xf32>,
      %get3A_132 = arith.constant 0 : i32
      %get3A_133 = arith.index_cast %get3A_132 : i32 to index
      %get3A_134 = arith.index_cast %scan3A_72 : i32 to index
      %get3A_135 = arith.constant 48 : index
      %get3A_136 = tpu.vector_load %arg9[%get3A_133, %get3A_134, %get3A_135] {strides = array<i32>} : memref<2x128x128xf32, #tpu.memory_space<vmem>>, vector<1x1x16xf32>,
      %get3A_137 = vector.shape_cast %get3A_136 : vector<1x1x16xf32> to vector<16xf32>
      %get3A_138 = arith.constant 0 : i32
      %get3A_139 = arith.index_cast %get3A_138 : i32 to index
      %get3A_140 = arith.index_cast %scan3A_72 : i32 to index
      %get3A_141 = arith.constant 48 : index
      %get3A_142 = tpu.vector_load %arg10[%get3A_139, %get3A_140, %get3A_141] {strides = array<i32>} : memref<2x128x128xf32, #tpu.memory_space<vmem>>, vector<1x1x16xf32>,
      %get3A_143 = vector.shape_cast %get3A_142 : vector<1x1x16xf32> to vector<16xf32>
      %add3A_144 = arith.addf %get3A_137, %get3A_143 : vector<16xf32>
      %swap3A_145 = arith.constant 0 : i32
      %swap3A_146 = arith.index_cast %swap3A_145 : i32 to index
      %swap3A_147 = arith.index_cast %scan3A_72 : i32 to index
      %swap3A_148 = arith.constant 48 : index
      %swap3A_149 = tpu.vector_load %arg9[%swap3A_146, %swap3A_147, %swap3A_148] {strides = array<i32>} : memref<2x128x128xf32, #tpu.memory_space<vmem>>, vector<1x1x16xf32>,
      %swap3A_150 = vector.shape_cast %swap3A_149 : vector<1x1x16xf32> to vector<16xf32>
      %swap3A_151 = vector.shape_cast %add3A_144 : vector<16xf32> to vector<1x1x16xf32>
      tpu.vector_store %arg9[%swap3A_146, %swap3A_147, %swap3A_148], %swap3A_151 {strides = array<i32>} : memref<2x128x128xf32, #tpu.memory_space<vmem>>, vector<1x1x16xf32>,
      %get3A_152 = arith.constant 0 : i32
      %get3A_153 = arith.index_cast %get3A_152 : i32 to index
      %get3A_154 = arith.index_cast %scan3A_72 : i32 to index
      %get3A_155 = arith.constant 64 : index
      %get3A_156 = tpu.vector_load %arg9[%get3A_153, %get3A_154, %get3A_155] {strides = array<i32>} : memref<2x128x128xf32, #tpu.memory_space<vmem>>, vector<1x1x16xf32>,
      %get3A_157 = vector.shape_cast %get3A_156 : vector<1x1x16xf32> to vector<16xf32>
      %get3A_158 = arith.constant 0 : i32
      %get3A_159 = arith.index_cast %get3A_158 : i32 to index
      %get3A_160 = arith.index_cast %scan3A_72 : i32 to index
      %get3A_161 = arith.constant 64 : index
      %get3A_162 = tpu.vector_load %arg10[%get3A_159, %get3A_160, %get3A_161] {strides = array<i32>} : memref<2x128x128xf32, #tpu.memory_space<vmem>>, vector<1x1x16xf32>,
      %get3A_163 = vector.shape_cast %get3A_162 : vector<1x1x16xf32> to vector<16xf32>
      %add3A_164 = arith.addf %get3A_157, %get3A_163 : vector<16xf32>
      %swap3A_165 = arith.constant 0 : i32
      %swap3A_166 = arith.index_cast %swap3A_165 : i32 to index
      %swap3A_167 = arith.index_cast %scan3A_72 : i32 to index
      %swap3A_168 = arith.constant 64 : index
      %swap3A_169 = tpu.vector_load %arg9[%swap3A_166, %swap3A_167, %swap3A_168] {strides = array<i32>} : memref<2x128x128xf32, #tpu.memory_space<vmem>>, vector<1x1x16xf32>,
      %swap3A_170 = vector.shape_cast %swap3A_169 : vector<1x1x16xf32> to vector<16xf32>
      %swap3A_171 = vector.shape_cast %add3A_164 : vector<16xf32> to vector<1x1x16xf32>
      tpu.vector_store %arg9[%swap3A_166, %swap3A_167, %swap3A_168], %swap3A_171 {strides = array<i32>} : memref<2x128x128xf32, #tpu.memory_space<vmem>>, vector<1x1x16xf32>,
      %get3A_172 = arith.constant 0 : i32
      %get3A_173 = arith.index_cast %get3A_172 : i32 to index
      %get3A_174 = arith.index_cast %scan3A_72 : i32 to index
      %get3A_175 = arith.constant 80 : index
      %get3A_176 = tpu.vector_load %arg9[%get3A_173, %get3A_174, %get3A_175] {strides = array<i32>} : memref<2x128x128xf32, #tpu.memory_space<vmem>>, vector<1x1x16xf32>,
      %get3A_177 = vector.shape_cast %get3A_176 : vector<1x1x16xf32> to vector<16xf32>
      %get3A_178 = arith.constant 0 : i32
      %get3A_179 = arith.index_cast %get3A_178 : i32 to index
      %get3A_180 = arith.index_cast %scan3A_72 : i32 to index
      %get3A_181 = arith.constant 80 : index
      %get3A_182 = tpu.vector_load %arg10[%get3A_179, %get3A_180, %get3A_181] {strides = array<i32>} : memref<2x128x128xf32, #tpu.memory_space<vmem>>, vector<1x1x16xf32>,
      %get3A_183 = vector.shape_cast %get3A_182 : vector<1x1x16xf32> to vector<16xf32>
      %add3A_184 = arith.addf %get3A_177, %get3A_183 : vector<16xf32>
      %swap3A_185 = arith.constant 0 : i32
      %swap3A_186 = arith.index_cast %swap3A_185 : i32 to index
      %swap3A_187 = arith.index_cast %scan3A_72 : i32 to index
      %swap3A_188 = arith.constant 80 : index
      %swap3A_189 = tpu.vector_load %arg9[%swap3A_186, %swap3A_187, %swap3A_188] {strides = array<i32>} : memref<2x128x128xf32, #tpu.memory_space<vmem>>, vector<1x1x16xf32>,
      %swap3A_190 = vector.shape_cast %swap3A_189 : vector<1x1x16xf32> to vector<16xf32>
      %swap3A_191 = vector.shape_cast %add3A_184 : vector<16xf32> to vector<1x1x16xf32>
      tpu.vector_store %arg9[%swap3A_186, %swap3A_187, %swap3A_188], %swap3A_191 {strides = array<i32>} : memref<2x128x128xf32, #tpu.memory_space<vmem>>, vector<1x1x16xf32>,
      %get3A_192 = arith.constant 0 : i32
      %get3A_193 = arith.index_cast %get3A_192 : i32 to index
      %get3A_194 = arith.index_cast %scan3A_72 : i32 to index
      %get3A_195 = arith.constant 96 : index
      %get3A_196 = tpu.vector_load %arg9[%get3A_193, %get3A_194, %get3A_195] {strides = array<i32>} : memref<2x128x128xf32, #tpu.memory_space<vmem>>, vector<1x1x16xf32>,
      %get3A_197 = vector.shape_cast %get3A_196 : vector<1x1x16xf32> to vector<16xf32>
      %get3A_198 = arith.constant 0 : i32
      %get3A_199 = arith.index_cast %get3A_198 : i32 to index
      %get3A_200 = arith.index_cast %scan3A_72 : i32 to index
      %get3A_201 = arith.constant 96 : index
      %get3A_202 = tpu.vector_load %arg10[%get3A_199, %get3A_200, %get3A_201] {strides = array<i32>} : memref<2x128x128xf32, #tpu.memory_space<vmem>>, vector<1x1x16xf32>,
      %get3A_203 = vector.shape_cast %get3A_202 : vector<1x1x16xf32> to vector<16xf32>
      %add3A_204 = arith.addf %get3A_197, %get3A_203 : vector<16xf32>
      %swap3A_205 = arith.constant 0 : i32
      %swap3A_206 = arith.index_cast %swap3A_205 : i32 to index
      %swap3A_207 = arith.index_cast %scan3A_72 : i32 to index
      %swap3A_208 = arith.constant 96 : index
      %swap3A_209 = tpu.vector_load %arg9[%swap3A_206, %swap3A_207, %swap3A_208] {strides = array<i32>} : memref<2x128x128xf32, #tpu.memory_space<vmem>>, vector<1x1x16xf32>,
      %swap3A_210 = vector.shape_cast %swap3A_209 : vector<1x1x16xf32> to vector<16xf32>
      %swap3A_211 = vector.shape_cast %add3A_204 : vector<16xf32> to vector<1x1x16xf32>
      tpu.vector_store %arg9[%swap3A_206, %swap3A_207, %swap3A_208], %swap3A_211 {strides = array<i32>} : memref<2x128x128xf32, #tpu.memory_space<vmem>>, vector<1x1x16xf32>,
      %get3A_212 = arith.constant 0 : i32
      %get3A_213 = arith.index_cast %get3A_212 : i32 to index
      %get3A_214 = arith.index_cast %scan3A_72 : i32 to index
      %get3A_215 = arith.constant 112 : index
      %get3A_216 = tpu.vector_load %arg9[%get3A_213, %get3A_214, %get3A_215] {strides = array<i32>} : memref<2x128x128xf32, #tpu.memory_space<vmem>>, vector<1x1x16xf32>,
      %get3A_217 = vector.shape_cast %get3A_216 : vector<1x1x16xf32> to vector<16xf32>
      %get3A_218 = arith.constant 0 : i32
      %get3A_219 = arith.index_cast %get3A_218 : i32 to index
      %get3A_220 = arith.index_cast %scan3A_72 : i32 to index
      %get3A_221 = arith.constant 112 : index
      %get3A_222 = tpu.vector_load %arg10[%get3A_219, %get3A_220, %get3A_221] {strides = array<i32>} : memref<2x128x128xf32, #tpu.memory_space<vmem>>, vector<1x1x16xf32>,
      %get3A_223 = vector.shape_cast %get3A_222 : vector<1x1x16xf32> to vector<16xf32>
      %add3A_224 = arith.addf %get3A_217, %get3A_223 : vector<16xf32>
      %swap3A_225 = arith.constant 0 : i32
      %swap3A_226 = arith.index_cast %swap3A_225 : i32 to index
      %swap3A_227 = arith.index_cast %scan3A_72 : i32 to index
      %swap3A_228 = arith.constant 112 : index
      %swap3A_229 = tpu.vector_load %arg9[%swap3A_226, %swap3A_227, %swap3A_228] {strides = array<i32>} : memref<2x128x128xf32, #tpu.memory_space<vmem>>, vector<1x1x16xf32>,
      %swap3A_230 = vector.shape_cast %swap3A_229 : vector<1x1x16xf32> to vector<16xf32>
      %swap3A_231 = vector.shape_cast %add3A_224 : vector<16xf32> to vector<1x1x16xf32>
      tpu.vector_store %arg9[%swap3A_226, %swap3A_227, %swap3A_228], %swap3A_231 {strides = array<i32>} : memref<2x128x128xf32, #tpu.memory_space<vmem>>, vector<1x1x16xf32>,
      %scan3A_232 = arith.constant 0 : i32
      scf.yield %scan3A_232 : i32
    }
    %scan3A_64 = arith.constant 128 : i32
    %add3A_65 = arith.constant 1216 : i32
    %add3A_66 = arith.addi %add3A, %add3A_65 : i32
    %mul3A_67 = arith.constant 128 : i32
    %mul3A_68 = arith.muli %add3A_66, %mul3A_67 : i32
    %run_scoped3A_69 = arith.constant 0 : i32
    "tpu.region"() ({
      %run_scoped3A_72 = tpu.sem_alloc : memref<!tpu.dma_semaphore, #tpu.memory_space<semaphore_mem>>
      %dma_start3A_73 = arith.constant 0 : i32
      %dma_start3A_74 = arith.constant 0 : i32
      %dma_start3A_75 = tpu.memref_slice %arg9[%run_scoped3A_69, %dma_start3A_73, %dma_start3A_74] : memref<2x128x128xf32, #tpu.memory_space<vmem>> -> memref<1x128x128xf32, #tpu.memory_space<vmem>>
      %dma_start3A_76 = tpu.memref_squeeze %dma_start3A_75 : memref<1x128x128xf32, #tpu.memory_space<vmem>> -> memref<128x128xf32, #tpu.memory_space<vmem>>
      %dma_start3A_77 = arith.constant 0 : i32
      %dma_start3A_78 = tpu.memref_slice %arg6[%mul3A_68, %dma_start3A_77] : memref<160000x128xf32, #tpu.memory_space<hbm>> -> memref<128x128xf32, #tpu.memory_space<hbm>>
      %dma_start3A_79 = arith.constant 0 : i32
      %dma_start3A_80 = tpu.memref_slice %arg6[%mul3A_68, %dma_start3A_79] : memref<160000x128xf32, #tpu.memory_space<hbm>> -> memref<128x128xf32, #tpu.memory_space<hbm>>
      %dma_start3A_81 = arith.constant 0 : i32
      %dma_start3A_82 = arith.constant 0 : i32
      %dma_start3A_83 = tpu.memref_slice %arg9[%run_scoped3A_69, %dma_start3A_81, %dma_start3A_82] : memref<2x128x128xf32, #tpu.memory_space<vmem>> -> memref<1x128x128xf32, #tpu.memory_space<vmem>>
      %dma_start3A_84 = tpu.memref_squeeze %dma_start3A_83 : memref<1x128x128xf32, #tpu.memory_space<vmem>> -> memref<128x128xf32, #tpu.memory_space<vmem>>
      tpu.enqueue_dma source(%dma_start3A_84 : memref<128x128xf32, #tpu.memory_space<vmem>>) target(%dma_start3A_80 : memref<128x128xf32, #tpu.memory_space<hbm>>) target_semaphore(%run_scoped3A_72 : memref<!tpu.dma_semaphore, #tpu.memory_space<semaphore_mem>>)
      %dma_wait3A_85 = arith.constant 0 : i32
      %dma_wait3A_86 = arith.constant 0 : i32
      %dma_wait3A_87 = tpu.memref_slice %arg9[%run_scoped3A_69, %dma_wait3A_85, %dma_wait3A_86] : memref<2x128x128xf32, #tpu.memory_space<vmem>> -> memref<1x128x128xf32, #tpu.memory_space<vmem>>
      %dma_wait3A_88 = tpu.memref_squeeze %dma_wait3A_87 : memref<1x128x128xf32, #tpu.memory_space<vmem>> -> memref<128x128xf32, #tpu.memory_space<vmem>>
      %dma_wait3A_89 = arith.constant 0 : i32
      %dma_wait3A_90 = tpu.memref_slice %arg6[%mul3A_68, %dma_wait3A_89] : memref<160000x128xf32, #tpu.memory_space<hbm>> -> memref<128x128xf32, #tpu.memory_space<hbm>>
      %dma_wait3A_91 = arith.constant 0 : i32
      %dma_wait3A_92 = tpu.memref_slice %arg6[%mul3A_68, %dma_wait3A_91] : memref<160000x128xf32, #tpu.memory_space<hbm>> -> memref<128x128xf32, #tpu.memory_space<hbm>>
      %dma_wait3A_93 = arith.constant 0 : i32
      %dma_wait3A_94 = arith.constant 0 : i32
      %dma_wait3A_95 = tpu.memref_slice %arg9[%run_scoped3A_69, %dma_wait3A_93, %dma_wait3A_94] : memref<2x128x128xf32, #tpu.memory_space<vmem>> -> memref<1x128x128xf32, #tpu.memory_space<vmem>>
      %dma_wait3A_96 = tpu.memref_squeeze %dma_wait3A_95 : memref<1x128x128xf32, #tpu.memory_space<vmem>> -> memref<128x128xf32, #tpu.memory_space<vmem>>
      tpu.wait_dma2 semaphore(%run_scoped3A_72 : memref<!tpu.dma_semaphore, #tpu.memory_space<semaphore_mem>>) src(%dma_wait3A_96 : memref<128x128xf32, #tpu.memory_space<vmem>>) dst(%dma_wait3A_92 : memref<128x128xf32, #tpu.memory_space<hbm>>)
      tpu.yield
    }) : () -> ()
    %lt3A = arith.constant 2 : i32
    %lt3A_70 = arith.cmpi slt, %add3A, %lt3A : i32
    %convert_element_type3A = arith.extui %lt3A_70 : i1 to i32
    %cond3A = arith.constant 0 : i32
    %cond3A_71 = arith.cmpi ne, %convert_element_type3A, %cond3A : i32
    scf.if %cond3A_71 {
      %add3A_72 = arith.constant 1248 : i32
      %add3A_73 = arith.addi %add3A, %add3A_72 : i32
      %mul3A_74 = arith.constant 128 : i32
      %mul3A_75 = arith.muli %add3A_73, %mul3A_74 : i32
      %run_scoped3A_76 = arith.constant 0 : i32
      "tpu.region"() ({
        %run_scoped3A_138 = tpu.sem_alloc : memref<!tpu.dma_semaphore, #tpu.memory_space<semaphore_mem>>
        %dma_start3A_139 = arith.constant 0 : i32
        %dma_start3A_140 = tpu.memref_slice %arg7[%run_scoped3A_76, %dma_start3A_139] : memref<2x128xi32, #tpu.memory_space<vmem>> -> memref<1x128xi32, #tpu.memory_space<vmem>>
        %dma_start3A_141 = tpu.memref_squeeze %dma_start3A_140 : memref<1x128xi32, #tpu.memory_space<vmem>> -> memref<128xi32, #tpu.memory_space<vmem>>
        %dma_start3A_142 = tpu.memref_slice %arg2[%mul3A_75] : memref<160000xi32, #tpu.memory_space<hbm>> -> memref<128xi32, #tpu.memory_space<hbm>>
        %dma_start3A_143 = arith.constant 0 : i32
        %dma_start3A_144 = tpu.memref_slice %arg7[%run_scoped3A_76, %dma_start3A_143] : memref<2x128xi32, #tpu.memory_space<vmem>> -> memref<1x128xi32, #tpu.memory_space<vmem>>
        %dma_start3A_145 = tpu.memref_squeeze %dma_start3A_144 : memref<1x128xi32, #tpu.memory_space<vmem>> -> memref<128xi32, #tpu.memory_space<vmem>>
        %dma_start3A_146 = tpu.memref_slice %arg2[%mul3A_75] : memref<160000xi32, #tpu.memory_space<hbm>> -> memref<128xi32, #tpu.memory_space<hbm>>
        tpu.enqueue_dma source(%dma_start3A_146 : memref<128xi32, #tpu.memory_space<hbm>>) target(%dma_start3A_145 : memref<128xi32, #tpu.memory_space<vmem>>) target_semaphore(%run_scoped3A_138 : memref<!tpu.dma_semaphore, #tpu.memory_space<semaphore_mem>>)
        %dma_wait3A_147 = arith.constant 0 : i32
        %dma_wait3A_148 = tpu.memref_slice %arg7[%run_scoped3A_76, %dma_wait3A_147] : memref<2x128xi32, #tpu.memory_space<vmem>> -> memref<1x128xi32, #tpu.memory_space<vmem>>
        %dma_wait3A_149 = tpu.memref_squeeze %dma_wait3A_148 : memref<1x128xi32, #tpu.memory_space<vmem>> -> memref<128xi32, #tpu.memory_space<vmem>>
        %dma_wait3A_150 = tpu.memref_slice %arg2[%mul3A_75] : memref<160000xi32, #tpu.memory_space<hbm>> -> memref<128xi32, #tpu.memory_space<hbm>>
        %dma_wait3A_151 = arith.constant 0 : i32
        %dma_wait3A_152 = tpu.memref_slice %arg7[%run_scoped3A_76, %dma_wait3A_151] : memref<2x128xi32, #tpu.memory_space<vmem>> -> memref<1x128xi32, #tpu.memory_space<vmem>>
        %dma_wait3A_153 = tpu.memref_squeeze %dma_wait3A_152 : memref<1x128xi32, #tpu.memory_space<vmem>> -> memref<128xi32, #tpu.memory_space<vmem>>
        %dma_wait3A_154 = tpu.memref_slice %arg2[%mul3A_75] : memref<160000xi32, #tpu.memory_space<hbm>> -> memref<128xi32, #tpu.memory_space<hbm>>
        tpu.wait_dma2 semaphore(%run_scoped3A_138 : memref<!tpu.dma_semaphore, #tpu.memory_space<semaphore_mem>>) src(%dma_wait3A_154 : memref<128xi32, #tpu.memory_space<hbm>>) dst(%dma_wait3A_153 : memref<128xi32, #tpu.memory_space<vmem>>)
        tpu.yield
      }) : () -> ()
      %run_scoped3A_77 = arith.constant 0 : i32
      "tpu.region"() ({
        %run_scoped3A_138 = tpu.sem_alloc : memref<!tpu.dma_semaphore, #tpu.memory_space<semaphore_mem>>
        %dma_start3A_139 = arith.constant 0 : i32
        %dma_start3A_140 = tpu.memref_slice %arg8[%run_scoped3A_77, %dma_start3A_139] : memref<2x128xi32, #tpu.memory_space<vmem>> -> memref<1x128xi32, #tpu.memory_space<vmem>>
        %dma_start3A_141 = tpu.memref_squeeze %dma_start3A_140 : memref<1x128xi32, #tpu.memory_space<vmem>> -> memref<128xi32, #tpu.memory_space<vmem>>
        %dma_start3A_142 = tpu.memref_slice %arg3[%mul3A_75] : memref<160000xi32, #tpu.memory_space<hbm>> -> memref<128xi32, #tpu.memory_space<hbm>>
        %dma_start3A_143 = arith.constant 0 : i32
        %dma_start3A_144 = tpu.memref_slice %arg8[%run_scoped3A_77, %dma_start3A_143] : memref<2x128xi32, #tpu.memory_space<vmem>> -> memref<1x128xi32, #tpu.memory_space<vmem>>
        %dma_start3A_145 = tpu.memref_squeeze %dma_start3A_144 : memref<1x128xi32, #tpu.memory_space<vmem>> -> memref<128xi32, #tpu.memory_space<vmem>>
        %dma_start3A_146 = tpu.memref_slice %arg3[%mul3A_75] : memref<160000xi32, #tpu.memory_space<hbm>> -> memref<128xi32, #tpu.memory_space<hbm>>
        tpu.enqueue_dma source(%dma_start3A_146 : memref<128xi32, #tpu.memory_space<hbm>>) target(%dma_start3A_145 : memref<128xi32, #tpu.memory_space<vmem>>) target_semaphore(%run_scoped3A_138 : memref<!tpu.dma_semaphore, #tpu.memory_space<semaphore_mem>>)
        %dma_wait3A_147 = arith.constant 0 : i32
        %dma_wait3A_148 = tpu.memref_slice %arg8[%run_scoped3A_77, %dma_wait3A_147] : memref<2x128xi32, #tpu.memory_space<vmem>> -> memref<1x128xi32, #tpu.memory_space<vmem>>
        %dma_wait3A_149 = tpu.memref_squeeze %dma_wait3A_148 : memref<1x128xi32, #tpu.memory_space<vmem>> -> memref<128xi32, #tpu.memory_space<vmem>>
        %dma_wait3A_150 = tpu.memref_slice %arg3[%mul3A_75] : memref<160000xi32, #tpu.memory_space<hbm>> -> memref<128xi32, #tpu.memory_space<hbm>>
        %dma_wait3A_151 = arith.constant 0 : i32
        %dma_wait3A_152 = tpu.memref_slice %arg8[%run_scoped3A_77, %dma_wait3A_151] : memref<2x128xi32, #tpu.memory_space<vmem>> -> memref<1x128xi32, #tpu.memory_space<vmem>>
        %dma_wait3A_153 = tpu.memref_squeeze %dma_wait3A_152 : memref<1x128xi32, #tpu.memory_space<vmem>> -> memref<128xi32, #tpu.memory_space<vmem>>
        %dma_wait3A_154 = tpu.memref_slice %arg3[%mul3A_75] : memref<160000xi32, #tpu.memory_space<hbm>> -> memref<128xi32, #tpu.memory_space<hbm>>
        tpu.wait_dma2 semaphore(%run_scoped3A_138 : memref<!tpu.dma_semaphore, #tpu.memory_space<semaphore_mem>>) src(%dma_wait3A_154 : memref<128xi32, #tpu.memory_space<hbm>>) dst(%dma_wait3A_153 : memref<128xi32, #tpu.memory_space<vmem>>)
        tpu.yield
      }) : () -> ()
      %dma_start3A_78 = arith.constant 0 : i32
      %dma_start3A_79 = arith.constant 0 : i32
      %dma_start3A_80 = arith.constant 0 : i32
      %dma_start3A_81 = arith.constant 0 : i32
      %dma_start3A_82 = tpu.memref_slice %arg9[%dma_start3A_79, %dma_start3A_80, %dma_start3A_81] : memref<2x128x128xf32, #tpu.memory_space<vmem>> -> memref<1x128x128xf32, #tpu.memory_space<vmem>>
      %dma_start3A_83 = tpu.memref_squeeze %dma_start3A_82 : memref<1x128x128xf32, #tpu.memory_space<vmem>> -> memref<128x128xf32, #tpu.memory_space<vmem>>
      %dma_start3A_84 = arith.constant 0 : i32
      %dma_start3A_85 = tpu.memref_slice %arg7[%dma_start3A_78, %dma_start3A_84] : memref<2x128xi32, #tpu.memory_space<vmem>> -> memref<1x128xi32, #tpu.memory_space<vmem>>
      %dma_start3A_86 = tpu.memref_squeeze %dma_start3A_85 : memref<1x128xi32, #tpu.memory_space<vmem>> -> memref<128xi32, #tpu.memory_space<vmem>>
      %dma_start3A_87 = arith.constant 0 : i32
      %dma_start3A_88 = arith.constant 0 : i32
      %dma_start3A_89 = tpu.memref_slice %arg4[%dma_start3A_87, %dma_start3A_88] : memref<10000x128xf32, #tpu.memory_space<hbm>> -> memref<10000x128xf32, #tpu.memory_space<hbm>>
      tpu.enqueue_indirect_dma source(%dma_start3A_89 : memref<10000x128xf32, #tpu.memory_space<hbm>>) target(%dma_start3A_83 : memref<128x128xf32, #tpu.memory_space<vmem>>) offsets(%dma_start3A_86 : memref<128xi32, #tpu.memory_space<vmem>>) semaphore(%arg11 : memref<!tpu.dma_semaphore, #tpu.memory_space<semaphore_mem>>)
      %dma_start3A_90 = arith.constant 0 : i32
      %dma_start3A_91 = arith.constant 0 : i32
      %dma_start3A_92 = arith.constant 0 : i32
      %dma_start3A_93 = arith.constant 0 : i32
      %dma_start3A_94 = tpu.memref_slice %arg10[%dma_start3A_91, %dma_start3A_92, %dma_start3A_93] : memref<2x128x128xf32, #tpu.memory_space<vmem>> -> memref<1x128x128xf32, #tpu.memory_space<vmem>>
      %dma_start3A_95 = tpu.memref_squeeze %dma_start3A_94 : memref<1x128x128xf32, #tpu.memory_space<vmem>> -> memref<128x128xf32, #tpu.memory_space<vmem>>
      %dma_start3A_96 = arith.constant 0 : i32
      %dma_start3A_97 = tpu.memref_slice %arg8[%dma_start3A_90, %dma_start3A_96] : memref<2x128xi32, #tpu.memory_space<vmem>> -> memref<1x128xi32, #tpu.memory_space<vmem>>
      %dma_start3A_98 = tpu.memref_squeeze %dma_start3A_97 : memref<1x128xi32, #tpu.memory_space<vmem>> -> memref<128xi32, #tpu.memory_space<vmem>>
      %dma_start3A_99 = arith.constant 0 : i32
      %dma_start3A_100 = arith.constant 0 : i32
      %dma_start3A_101 = tpu.memref_slice %arg5[%dma_start3A_99, %dma_start3A_100] : memref<10000x128xf32, #tpu.memory_space<hbm>> -> memref<10000x128xf32, #tpu.memory_space<hbm>>
      tpu.enqueue_indirect_dma source(%dma_start3A_101 : memref<10000x128xf32, #tpu.memory_space<hbm>>) target(%dma_start3A_95 : memref<128x128xf32, #tpu.memory_space<vmem>>) offsets(%dma_start3A_98 : memref<128xi32, #tpu.memory_space<vmem>>) semaphore(%arg12 : memref<!tpu.dma_semaphore, #tpu.memory_space<semaphore_mem>>)
      %dma_wait3A_102 = arith.constant 0 : i32
      %dma_wait3A_103 = arith.constant 0 : i32
      %dma_wait3A_104 = arith.constant 0 : i32
      %dma_wait3A_105 = arith.constant 0 : i32
      %dma_wait3A_106 = tpu.memref_slice %arg9[%dma_wait3A_103, %dma_wait3A_104, %dma_wait3A_105] : memref<2x128x128xf32, #tpu.memory_space<vmem>> -> memref<1x128x128xf32, #tpu.memory_space<vmem>>
      %dma_wait3A_107 = tpu.memref_squeeze %dma_wait3A_106 : memref<1x128x128xf32, #tpu.memory_space<vmem>> -> memref<128x128xf32, #tpu.memory_space<vmem>>
      %dma_wait3A_108 = arith.constant 0 : i32
      %dma_wait3A_109 = tpu.memref_slice %arg7[%dma_wait3A_102, %dma_wait3A_108] : memref<2x128xi32, #tpu.memory_space<vmem>> -> memref<1x128xi32, #tpu.memory_space<vmem>>
      %dma_wait3A_110 = tpu.memref_squeeze %dma_wait3A_109 : memref<1x128xi32, #tpu.memory_space<vmem>> -> memref<128xi32, #tpu.memory_space<vmem>>
      %dma_wait3A_111 = arith.constant 0 : i32
      %dma_wait3A_112 = arith.constant 0 : i32
      %dma_wait3A_113 = tpu.memref_slice %arg4[%dma_wait3A_111, %dma_wait3A_112] : memref<10000x128xf32, #tpu.memory_space<hbm>> -> memref<10000x128xf32, #tpu.memory_space<hbm>>
      tpu.wait_indirect_dma semaphore(%arg11 : memref<!tpu.dma_semaphore, #tpu.memory_space<semaphore_mem>>) src(%dma_wait3A_113 : memref<10000x128xf32, #tpu.memory_space<hbm>>) dst(%dma_wait3A_107 : memref<128x128xf32, #tpu.memory_space<vmem>>)
      %dma_wait3A_114 = arith.constant 0 : i32
      %dma_wait3A_115 = arith.constant 0 : i32
      %dma_wait3A_116 = arith.constant 0 : i32
      %dma_wait3A_117 = arith.constant 0 : i32
      %dma_wait3A_118 = tpu.memref_slice %arg10[%dma_wait3A_115, %dma_wait3A_116, %dma_wait3A_117] : memref<2x128x128xf32, #tpu.memory_space<vmem>> -> memref<1x128x128xf32, #tpu.memory_space<vmem>>
      %dma_wait3A_119 = tpu.memref_squeeze %dma_wait3A_118 : memref<1x128x128xf32, #tpu.memory_space<vmem>> -> memref<128x128xf32, #tpu.memory_space<vmem>>
      %dma_wait3A_120 = arith.constant 0 : i32
      %dma_wait3A_121 = tpu.memref_slice %arg8[%dma_wait3A_114, %dma_wait3A_120] : memref<2x128xi32, #tpu.memory_space<vmem>> -> memref<1x128xi32, #tpu.memory_space<vmem>>
      %dma_wait3A_122 = tpu.memref_squeeze %dma_wait3A_121 : memref<1x128xi32, #tpu.memory_space<vmem>> -> memref<128xi32, #tpu.memory_space<vmem>>
      %dma_wait3A_123 = arith.constant 0 : i32
      %dma_wait3A_124 = arith.constant 0 : i32
      %dma_wait3A_125 = tpu.memref_slice %arg5[%dma_wait3A_123, %dma_wait3A_124] : memref<10000x128xf32, #tpu.memory_space<hbm>> -> memref<10000x128xf32, #tpu.memory_space<hbm>>
      tpu.wait_indirect_dma semaphore(%arg12 : memref<!tpu.dma_semaphore, #tpu.memory_space<semaphore_mem>>) src(%dma_wait3A_125 : memref<10000x128xf32, #tpu.memory_space<hbm>>) dst(%dma_wait3A_119 : memref<128x128xf32, #tpu.memory_space<vmem>>)
      %scan3A_126 = arith.constant 0 : i32
      %scan3A_127 = arith.constant 0 : i32
      %scan3A_128 = arith.constant 128 : i32
      %scan3A_129 = arith.addi %scan3A_127, %scan3A_128 : i32
      %scan3A_130 = arith.constant 1 : i32
      %scan3A_131 = scf.for %scan3A_138 = %scan3A_127 to %scan3A_129 step %scan3A_130 iter_args(%scan3A_139 = %scan3A_126) -> (i32)  : i32 {
        %get3A = arith.constant 0 : i32
        %get3A_140 = arith.index_cast %get3A : i32 to index
        %get3A_141 = arith.index_cast %scan3A_138 : i32 to index
        %get3A_142 = arith.constant 0 : index
        %get3A_143 = tpu.vector_load %arg9[%get3A_140, %get3A_141, %get3A_142] {strides = array<i32>} : memref<2x128x128xf32, #tpu.memory_space<vmem>>, vector<1x1x16xf32>,
        %get3A_144 = vector.shape_cast %get3A_143 : vector<1x1x16xf32> to vector<16xf32>
        %get3A_145 = arith.constant 0 : i32
        %get3A_146 = arith.index_cast %get3A_145 : i32 to index
        %get3A_147 = arith.index_cast %scan3A_138 : i32 to index
        %get3A_148 = arith.constant 0 : index
        %get3A_149 = tpu.vector_load %arg10[%get3A_146, %get3A_147, %get3A_148] {strides = array<i32>} : memref<2x128x128xf32, #tpu.memory_space<vmem>>, vector<1x1x16xf32>,
        %get3A_150 = vector.shape_cast %get3A_149 : vector<1x1x16xf32> to vector<16xf32>
        %add3A_151 = arith.addf %get3A_144, %get3A_150 : vector<16xf32>
        %swap3A = arith.constant 0 : i32
        %swap3A_152 = arith.index_cast %swap3A : i32 to index
        %swap3A_153 = arith.index_cast %scan3A_138 : i32 to index
        %swap3A_154 = arith.constant 0 : index
        %swap3A_155 = tpu.vector_load %arg9[%swap3A_152, %swap3A_153, %swap3A_154] {strides = array<i32>} : memref<2x128x128xf32, #tpu.memory_space<vmem>>, vector<1x1x16xf32>,
        %swap3A_156 = vector.shape_cast %swap3A_155 : vector<1x1x16xf32> to vector<16xf32>
        %swap3A_157 = vector.shape_cast %add3A_151 : vector<16xf32> to vector<1x1x16xf32>
        tpu.vector_store %arg9[%swap3A_152, %swap3A_153, %swap3A_154], %swap3A_157 {strides = array<i32>} : memref<2x128x128xf32, #tpu.memory_space<vmem>>, vector<1x1x16xf32>,
        %get3A_158 = arith.constant 0 : i32
        %get3A_159 = arith.index_cast %get3A_158 : i32 to index
        %get3A_160 = arith.index_cast %scan3A_138 : i32 to index
        %get3A_161 = arith.constant 16 : index
        %get3A_162 = tpu.vector_load %arg9[%get3A_159, %get3A_160, %get3A_161] {strides = array<i32>} : memref<2x128x128xf32, #tpu.memory_space<vmem>>, vector<1x1x16xf32>,
        %get3A_163 = vector.shape_cast %get3A_162 : vector<1x1x16xf32> to vector<16xf32>
        %get3A_164 = arith.constant 0 : i32
        %get3A_165 = arith.index_cast %get3A_164 : i32 to index
        %get3A_166 = arith.index_cast %scan3A_138 : i32 to index
        %get3A_167 = arith.constant 16 : index
        %get3A_168 = tpu.vector_load %arg10[%get3A_165, %get3A_166, %get3A_167] {strides = array<i32>} : memref<2x128x128xf32, #tpu.memory_space<vmem>>, vector<1x1x16xf32>,
        %get3A_169 = vector.shape_cast %get3A_168 : vector<1x1x16xf32> to vector<16xf32>
        %add3A_170 = arith.addf %get3A_163, %get3A_169 : vector<16xf32>
        %swap3A_171 = arith.constant 0 : i32
        %swap3A_172 = arith.index_cast %swap3A_171 : i32 to index
        %swap3A_173 = arith.index_cast %scan3A_138 : i32 to index
        %swap3A_174 = arith.constant 16 : index
        %swap3A_175 = tpu.vector_load %arg9[%swap3A_172, %swap3A_173, %swap3A_174] {strides = array<i32>} : memref<2x128x128xf32, #tpu.memory_space<vmem>>, vector<1x1x16xf32>,
        %swap3A_176 = vector.shape_cast %swap3A_175 : vector<1x1x16xf32> to vector<16xf32>
        %swap3A_177 = vector.shape_cast %add3A_170 : vector<16xf32> to vector<1x1x16xf32>
        tpu.vector_store %arg9[%swap3A_172, %swap3A_173, %swap3A_174], %swap3A_177 {strides = array<i32>} : memref<2x128x128xf32, #tpu.memory_space<vmem>>, vector<1x1x16xf32>,
        %get3A_178 = arith.constant 0 : i32
        %get3A_179 = arith.index_cast %get3A_178 : i32 to index
        %get3A_180 = arith.index_cast %scan3A_138 : i32 to index
        %get3A_181 = arith.constant 32 : index
        %get3A_182 = tpu.vector_load %arg9[%get3A_179, %get3A_180, %get3A_181] {strides = array<i32>} : memref<2x128x128xf32, #tpu.memory_space<vmem>>, vector<1x1x16xf32>,
        %get3A_183 = vector.shape_cast %get3A_182 : vector<1x1x16xf32> to vector<16xf32>
        %get3A_184 = arith.constant 0 : i32
        %get3A_185 = arith.index_cast %get3A_184 : i32 to index
        %get3A_186 = arith.index_cast %scan3A_138 : i32 to index
        %get3A_187 = arith.constant 32 : index
        %get3A_188 = tpu.vector_load %arg10[%get3A_185, %get3A_186, %get3A_187] {strides = array<i32>} : memref<2x128x128xf32, #tpu.memory_space<vmem>>, vector<1x1x16xf32>,
        %get3A_189 = vector.shape_cast %get3A_188 : vector<1x1x16xf32> to vector<16xf32>
        %add3A_190 = arith.addf %get3A_183, %get3A_189 : vector<16xf32>
        %swap3A_191 = arith.constant 0 : i32
        %swap3A_192 = arith.index_cast %swap3A_191 : i32 to index
        %swap3A_193 = arith.index_cast %scan3A_138 : i32 to index
        %swap3A_194 = arith.constant 32 : index
        %swap3A_195 = tpu.vector_load %arg9[%swap3A_192, %swap3A_193, %swap3A_194] {strides = array<i32>} : memref<2x128x128xf32, #tpu.memory_space<vmem>>, vector<1x1x16xf32>,
        %swap3A_196 = vector.shape_cast %swap3A_195 : vector<1x1x16xf32> to vector<16xf32>
        %swap3A_197 = vector.shape_cast %add3A_190 : vector<16xf32> to vector<1x1x16xf32>
        tpu.vector_store %arg9[%swap3A_192, %swap3A_193, %swap3A_194], %swap3A_197 {strides = array<i32>} : memref<2x128x128xf32, #tpu.memory_space<vmem>>, vector<1x1x16xf32>,
        %get3A_198 = arith.constant 0 : i32
        %get3A_199 = arith.index_cast %get3A_198 : i32 to index
        %get3A_200 = arith.index_cast %scan3A_138 : i32 to index
        %get3A_201 = arith.constant 48 : index
        %get3A_202 = tpu.vector_load %arg9[%get3A_199, %get3A_200, %get3A_201] {strides = array<i32>} : memref<2x128x128xf32, #tpu.memory_space<vmem>>, vector<1x1x16xf32>,
        %get3A_203 = vector.shape_cast %get3A_202 : vector<1x1x16xf32> to vector<16xf32>
        %get3A_204 = arith.constant 0 : i32
        %get3A_205 = arith.index_cast %get3A_204 : i32 to index
        %get3A_206 = arith.index_cast %scan3A_138 : i32 to index
        %get3A_207 = arith.constant 48 : index
        %get3A_208 = tpu.vector_load %arg10[%get3A_205, %get3A_206, %get3A_207] {strides = array<i32>} : memref<2x128x128xf32, #tpu.memory_space<vmem>>, vector<1x1x16xf32>,
        %get3A_209 = vector.shape_cast %get3A_208 : vector<1x1x16xf32> to vector<16xf32>
        %add3A_210 = arith.addf %get3A_203, %get3A_209 : vector<16xf32>
        %swap3A_211 = arith.constant 0 : i32
        %swap3A_212 = arith.index_cast %swap3A_211 : i32 to index
        %swap3A_213 = arith.index_cast %scan3A_138 : i32 to index
        %swap3A_214 = arith.constant 48 : index
        %swap3A_215 = tpu.vector_load %arg9[%swap3A_212, %swap3A_213, %swap3A_214] {strides = array<i32>} : memref<2x128x128xf32, #tpu.memory_space<vmem>>, vector<1x1x16xf32>,
        %swap3A_216 = vector.shape_cast %swap3A_215 : vector<1x1x16xf32> to vector<16xf32>
        %swap3A_217 = vector.shape_cast %add3A_210 : vector<16xf32> to vector<1x1x16xf32>
        tpu.vector_store %arg9[%swap3A_212, %swap3A_213, %swap3A_214], %swap3A_217 {strides = array<i32>} : memref<2x128x128xf32, #tpu.memory_space<vmem>>, vector<1x1x16xf32>,
        %get3A_218 = arith.constant 0 : i32
        %get3A_219 = arith.index_cast %get3A_218 : i32 to index
        %get3A_220 = arith.index_cast %scan3A_138 : i32 to index
        %get3A_221 = arith.constant 64 : index
        %get3A_222 = tpu.vector_load %arg9[%get3A_219, %get3A_220, %get3A_221] {strides = array<i32>} : memref<2x128x128xf32, #tpu.memory_space<vmem>>, vector<1x1x16xf32>,
        %get3A_223 = vector.shape_cast %get3A_222 : vector<1x1x16xf32> to vector<16xf32>
        %get3A_224 = arith.constant 0 : i32
        %get3A_225 = arith.index_cast %get3A_224 : i32 to index
        %get3A_226 = arith.index_cast %scan3A_138 : i32 to index
        %get3A_227 = arith.constant 64 : index
        %get3A_228 = tpu.vector_load %arg10[%get3A_225, %get3A_226, %get3A_227] {strides = array<i32>} : memref<2x128x128xf32, #tpu.memory_space<vmem>>, vector<1x1x16xf32>,
        %get3A_229 = vector.shape_cast %get3A_228 : vector<1x1x16xf32> to vector<16xf32>
        %add3A_230 = arith.addf %get3A_223, %get3A_229 : vector<16xf32>
        %swap3A_231 = arith.constant 0 : i32
        %swap3A_232 = arith.index_cast %swap3A_231 : i32 to index
        %swap3A_233 = arith.index_cast %scan3A_138 : i32 to index
        %swap3A_234 = arith.constant 64 : index
        %swap3A_235 = tpu.vector_load %arg9[%swap3A_232, %swap3A_233, %swap3A_234] {strides = array<i32>} : memref<2x128x128xf32, #tpu.memory_space<vmem>>, vector<1x1x16xf32>,
        %swap3A_236 = vector.shape_cast %swap3A_235 : vector<1x1x16xf32> to vector<16xf32>
        %swap3A_237 = vector.shape_cast %add3A_230 : vector<16xf32> to vector<1x1x16xf32>
        tpu.vector_store %arg9[%swap3A_232, %swap3A_233, %swap3A_234], %swap3A_237 {strides = array<i32>} : memref<2x128x128xf32, #tpu.memory_space<vmem>>, vector<1x1x16xf32>,
        %get3A_238 = arith.constant 0 : i32
        %get3A_239 = arith.index_cast %get3A_238 : i32 to index
        %get3A_240 = arith.index_cast %scan3A_138 : i32 to index
        %get3A_241 = arith.constant 80 : index
        %get3A_242 = tpu.vector_load %arg9[%get3A_239, %get3A_240, %get3A_241] {strides = array<i32>} : memref<2x128x128xf32, #tpu.memory_space<vmem>>, vector<1x1x16xf32>,
        %get3A_243 = vector.shape_cast %get3A_242 : vector<1x1x16xf32> to vector<16xf32>
        %get3A_244 = arith.constant 0 : i32
        %get3A_245 = arith.index_cast %get3A_244 : i32 to index
        %get3A_246 = arith.index_cast %scan3A_138 : i32 to index
        %get3A_247 = arith.constant 80 : index
        %get3A_248 = tpu.vector_load %arg10[%get3A_245, %get3A_246, %get3A_247] {strides = array<i32>} : memref<2x128x128xf32, #tpu.memory_space<vmem>>, vector<1x1x16xf32>,
        %get3A_249 = vector.shape_cast %get3A_248 : vector<1x1x16xf32> to vector<16xf32>
        %add3A_250 = arith.addf %get3A_243, %get3A_249 : vector<16xf32>
        %swap3A_251 = arith.constant 0 : i32
        %swap3A_252 = arith.index_cast %swap3A_251 : i32 to index
        %swap3A_253 = arith.index_cast %scan3A_138 : i32 to index
        %swap3A_254 = arith.constant 80 : index
        %swap3A_255 = tpu.vector_load %arg9[%swap3A_252, %swap3A_253, %swap3A_254] {strides = array<i32>} : memref<2x128x128xf32, #tpu.memory_space<vmem>>, vector<1x1x16xf32>,
        %swap3A_256 = vector.shape_cast %swap3A_255 : vector<1x1x16xf32> to vector<16xf32>
        %swap3A_257 = vector.shape_cast %add3A_250 : vector<16xf32> to vector<1x1x16xf32>
        tpu.vector_store %arg9[%swap3A_252, %swap3A_253, %swap3A_254], %swap3A_257 {strides = array<i32>} : memref<2x128x128xf32, #tpu.memory_space<vmem>>, vector<1x1x16xf32>,
        %get3A_258 = arith.constant 0 : i32
        %get3A_259 = arith.index_cast %get3A_258 : i32 to index
        %get3A_260 = arith.index_cast %scan3A_138 : i32 to index
        %get3A_261 = arith.constant 96 : index
        %get3A_262 = tpu.vector_load %arg9[%get3A_259, %get3A_260, %get3A_261] {strides = array<i32>} : memref<2x128x128xf32, #tpu.memory_space<vmem>>, vector<1x1x16xf32>,
        %get3A_263 = vector.shape_cast %get3A_262 : vector<1x1x16xf32> to vector<16xf32>
        %get3A_264 = arith.constant 0 : i32
        %get3A_265 = arith.index_cast %get3A_264 : i32 to index
        %get3A_266 = arith.index_cast %scan3A_138 : i32 to index
        %get3A_267 = arith.constant 96 : index
        %get3A_268 = tpu.vector_load %arg10[%get3A_265, %get3A_266, %get3A_267] {strides = array<i32>} : memref<2x128x128xf32, #tpu.memory_space<vmem>>, vector<1x1x16xf32>,
        %get3A_269 = vector.shape_cast %get3A_268 : vector<1x1x16xf32> to vector<16xf32>
        %add3A_270 = arith.addf %get3A_263, %get3A_269 : vector<16xf32>
        %swap3A_271 = arith.constant 0 : i32
        %swap3A_272 = arith.index_cast %swap3A_271 : i32 to index
        %swap3A_273 = arith.index_cast %scan3A_138 : i32 to index
        %swap3A_274 = arith.constant 96 : index
        %swap3A_275 = tpu.vector_load %arg9[%swap3A_272, %swap3A_273, %swap3A_274] {strides = array<i32>} : memref<2x128x128xf32, #tpu.memory_space<vmem>>, vector<1x1x16xf32>,
        %swap3A_276 = vector.shape_cast %swap3A_275 : vector<1x1x16xf32> to vector<16xf32>
        %swap3A_277 = vector.shape_cast %add3A_270 : vector<16xf32> to vector<1x1x16xf32>
        tpu.vector_store %arg9[%swap3A_272, %swap3A_273, %swap3A_274], %swap3A_277 {strides = array<i32>} : memref<2x128x128xf32, #tpu.memory_space<vmem>>, vector<1x1x16xf32>,
        %get3A_278 = arith.constant 0 : i32
        %get3A_279 = arith.index_cast %get3A_278 : i32 to index
        %get3A_280 = arith.index_cast %scan3A_138 : i32 to index
        %get3A_281 = arith.constant 112 : index
        %get3A_282 = tpu.vector_load %arg9[%get3A_279, %get3A_280, %get3A_281] {strides = array<i32>} : memref<2x128x128xf32, #tpu.memory_space<vmem>>, vector<1x1x16xf32>,
        %get3A_283 = vector.shape_cast %get3A_282 : vector<1x1x16xf32> to vector<16xf32>
        %get3A_284 = arith.constant 0 : i32
        %get3A_285 = arith.index_cast %get3A_284 : i32 to index
        %get3A_286 = arith.index_cast %scan3A_138 : i32 to index
        %get3A_287 = arith.constant 112 : index
        %get3A_288 = tpu.vector_load %arg10[%get3A_285, %get3A_286, %get3A_287] {strides = array<i32>} : memref<2x128x128xf32, #tpu.memory_space<vmem>>, vector<1x1x16xf32>,
        %get3A_289 = vector.shape_cast %get3A_288 : vector<1x1x16xf32> to vector<16xf32>
        %add3A_290 = arith.addf %get3A_283, %get3A_289 : vector<16xf32>
        %swap3A_291 = arith.constant 0 : i32
        %swap3A_292 = arith.index_cast %swap3A_291 : i32 to index
        %swap3A_293 = arith.index_cast %scan3A_138 : i32 to index
        %swap3A_294 = arith.constant 112 : index
        %swap3A_295 = tpu.vector_load %arg9[%swap3A_292, %swap3A_293, %swap3A_294] {strides = array<i32>} : memref<2x128x128xf32, #tpu.memory_space<vmem>>, vector<1x1x16xf32>,
        %swap3A_296 = vector.shape_cast %swap3A_295 : vector<1x1x16xf32> to vector<16xf32>
        %swap3A_297 = vector.shape_cast %add3A_290 : vector<16xf32> to vector<1x1x16xf32>
        tpu.vector_store %arg9[%swap3A_292, %swap3A_293, %swap3A_294], %swap3A_297 {strides = array<i32>} : memref<2x128x128xf32, #tpu.memory_space<vmem>>, vector<1x1x16xf32>,
        %scan3A_298 = arith.constant 0 : i32
        scf.yield %scan3A_298 : i32
      }
      %scan3A_132 = arith.constant 128 : i32
      %add3A_133 = arith.constant 1248 : i32
      %add3A_134 = arith.addi %add3A, %add3A_133 : i32
      %mul3A_135 = arith.constant 128 : i32
      %mul3A_136 = arith.muli %add3A_134, %mul3A_135 : i32
      %run_scoped3A_137 = arith.constant 0 : i32
      "tpu.region"() ({
        %run_scoped3A_138 = tpu.sem_alloc : memref<!tpu.dma_semaphore, #tpu.memory_space<semaphore_mem>>
        %dma_start3A_139 = arith.constant 0 : i32
        %dma_start3A_140 = arith.constant 0 : i32
        %dma_start3A_141 = tpu.memref_slice %arg9[%run_scoped3A_137, %dma_start3A_139, %dma_start3A_140] : memref<2x128x128xf32, #tpu.memory_space<vmem>> -> memref<1x128x128xf32, #tpu.memory_space<vmem>>
        %dma_start3A_142 = tpu.memref_squeeze %dma_start3A_141 : memref<1x128x128xf32, #tpu.memory_space<vmem>> -> memref<128x128xf32, #tpu.memory_space<vmem>>
        %dma_start3A_143 = arith.constant 0 : i32
        %dma_start3A_144 = tpu.memref_slice %arg6[%mul3A_136, %dma_start3A_143] : memref<160000x128xf32, #tpu.memory_space<hbm>> -> memref<128x128xf32, #tpu.memory_space<hbm>>
        %dma_start3A_145 = arith.constant 0 : i32
        %dma_start3A_146 = tpu.memref_slice %arg6[%mul3A_136, %dma_start3A_145] : memref<160000x128xf32, #tpu.memory_space<hbm>> -> memref<128x128xf32, #tpu.memory_space<hbm>>
        %dma_start3A_147 = arith.constant 0 : i32
        %dma_start3A_148 = arith.constant 0 : i32
        %dma_start3A_149 = tpu.memref_slice %arg9[%run_scoped3A_137, %dma_start3A_147, %dma_start3A_148] : memref<2x128x128xf32, #tpu.memory_space<vmem>> -> memref<1x128x128xf32, #tpu.memory_space<vmem>>
        %dma_start3A_150 = tpu.memref_squeeze %dma_start3A_149 : memref<1x128x128xf32, #tpu.memory_space<vmem>> -> memref<128x128xf32, #tpu.memory_space<vmem>>
        tpu.enqueue_dma source(%dma_start3A_150 : memref<128x128xf32, #tpu.memory_space<vmem>>) target(%dma_start3A_146 : memref<128x128xf32, #tpu.memory_space<hbm>>) target_semaphore(%run_scoped3A_138 : memref<!tpu.dma_semaphore, #tpu.memory_space<semaphore_mem>>)
        %dma_wait3A_151 = arith.constant 0 : i32
        %dma_wait3A_152 = arith.constant 0 : i32
        %dma_wait3A_153 = tpu.memref_slice %arg9[%run_scoped3A_137, %dma_wait3A_151, %dma_wait3A_152] : memref<2x128x128xf32, #tpu.memory_space<vmem>> -> memref<1x128x128xf32, #tpu.memory_space<vmem>>
        %dma_wait3A_154 = tpu.memref_squeeze %dma_wait3A_153 : memref<1x128x128xf32, #tpu.memory_space<vmem>> -> memref<128x128xf32, #tpu.memory_space<vmem>>
        %dma_wait3A_155 = arith.constant 0 : i32
        %dma_wait3A_156 = tpu.memref_slice %arg6[%mul3A_136, %dma_wait3A_155] : memref<160000x128xf32, #tpu.memory_space<hbm>> -> memref<128x128xf32, #tpu.memory_space<hbm>>
        %dma_wait3A_157 = arith.constant 0 : i32
        %dma_wait3A_158 = tpu.memref_slice %arg6[%mul3A_136, %dma_wait3A_157] : memref<160000x128xf32, #tpu.memory_space<hbm>> -> memref<128x128xf32, #tpu.memory_space<hbm>>
        %dma_wait3A_159 = arith.constant 0 : i32
        %dma_wait3A_160 = arith.constant 0 : i32
        %dma_wait3A_161 = tpu.memref_slice %arg9[%run_scoped3A_137, %dma_wait3A_159, %dma_wait3A_160] : memref<2x128x128xf32, #tpu.memory_space<vmem>> -> memref<1x128x128xf32, #tpu.memory_space<vmem>>
        %dma_wait3A_162 = tpu.memref_squeeze %dma_wait3A_161 : memref<1x128x128xf32, #tpu.memory_space<vmem>> -> memref<128x128xf32, #tpu.memory_space<vmem>>
        tpu.wait_dma2 semaphore(%run_scoped3A_138 : memref<!tpu.dma_semaphore, #tpu.memory_space<semaphore_mem>>) src(%dma_wait3A_162 : memref<128x128xf32, #tpu.memory_space<vmem>>) dst(%dma_wait3A_158 : memref<128x128xf32, #tpu.memory_space<hbm>>)
        tpu.yield
      }) : () -> ()
    } else {
    }
    return
  }
}

module attributes {stable_mosaic.version = 14 : i64} {
  func.func @_k1_body(%arg0: i32, %arg1: memref<1000x256xf32, #tpu.memory_space<vmem>>, %arg2: memref<1000x256xf32, #tpu.memory_space<vmem>>, %arg3: memref<256x384xf32, #tpu.memory_space<vmem>>, %arg4: memref<1x384xf32, #tpu.memory_space<vmem>>, %arg5: memref<256x128xf32, #tpu.memory_space<vmem>>, %arg6: memref<1000x128xf32, #tpu.memory_space<vmem>>, %arg7: memref<1000x128xf32, #tpu.memory_space<vmem>>, %arg8: memref<1000x128xf32, #tpu.memory_space<vmem>>, %arg9: memref<1000x128xf32, #tpu.memory_space<vmem>>) attributes {dimension_semantics = [#tpu.dimension_semantics<arbitrary>], iteration_bounds = array<i64: 10>, scalar_prefetch = 0 : i64, scratch_operands = 0 : i64, tpu.core_type = #tpu.core_type<tc>, window_params = [{transform_indices = @transform_0, window_bounds = array<i64: 1000, 256>}, {transform_indices = @transform_1, window_bounds = array<i64: 1000, 256>}, {pipeline_mode = #tpu.pipeline_mode<synchronous>, transform_indices = @transform_2, window_bounds = array<i64: 256, 384>}, {pipeline_mode = #tpu.pipeline_mode<synchronous>, transform_indices = @transform_3, window_bounds = array<i64: 1, 384>}, {pipeline_mode = #tpu.pipeline_mode<synchronous>, transform_indices = @transform_4, window_bounds = array<i64: 256, 128>}, {transform_indices = @transform_5, window_bounds = array<i64: 1000, 128>}, {transform_indices = @transform_6, window_bounds = array<i64: 1000, 128>}, {transform_indices = @transform_7, window_bounds = array<i64: 1000, 128>}, {transform_indices = @transform_8, window_bounds = array<i64: 1000, 128>}]} {
    %get3A = arith.constant 0 : index
    %get3A_0 = arith.constant 0 : index
    %get3A_1 = vector.load %arg1[%get3A, %get3A_0] : memref<1000x256xf32, #tpu.memory_space<vmem>>, vector<1000x256xf32>
    %get3A_2 = arith.constant 0 : index
    %get3A_3 = arith.constant 0 : index
    %get3A_4 = vector.load %arg3[%get3A_2, %get3A_3] : memref<256x384xf32, #tpu.memory_space<vmem>>, vector<256x384xf32>
    %dot_general3A = arith.constant dense<0.000000e+00> : vector<1000x384xf32>
    %dot_general3A_5 = tpu.matmul %get3A_1, %get3A_4, %dot_general3A {dimension_numbers = #tpu.dot_dimension_numbers<[1], [0], [0], [1], [0, 0, 1, 1], [], []>, transpose_lhs_hint = false} : vector<1000x256xf32>, vector<256x384xf32>, vector<1000x384xf32> -> vector<1000x384xf32>
    %get3A_6 = arith.constant 0 : index
    %get3A_7 = arith.constant 0 : index
    %get3A_8 = vector.load %arg4[%get3A_6, %get3A_7] : memref<1x384xf32, #tpu.memory_space<vmem>>, vector<1x384xf32>
    %add3A = vector.broadcast %get3A_8 : vector<1x384xf32> to vector<1000x384xf32>
    %add3A_9 = arith.addf %dot_general3A_5, %add3A : vector<1000x384xf32>
    %slice3A = vector.extract_strided_slice %add3A_9 {offsets = [0, 0], sizes = [1000, 128], strides = [1, 1]} : vector<1000x384xf32> to vector<1000x128xf32>
    %swap3A = arith.constant 0 : index
    %swap3A_10 = arith.constant 0 : index
    %swap3A_11 = vector.load %arg6[%swap3A, %swap3A_10] : memref<1000x128xf32, #tpu.memory_space<vmem>>, vector<1000x128xf32>
    tpu.vector_store %arg6[%swap3A, %swap3A_10], %slice3A {strides = array<i32>} : memref<1000x128xf32, #tpu.memory_space<vmem>>, vector<1000x128xf32>,
    %slice3A_12 = vector.extract_strided_slice %add3A_9 {offsets = [0, 128], sizes = [1000, 128], strides = [1, 1]} : vector<1000x384xf32> to vector<1000x128xf32>
    %swap3A_13 = arith.constant 0 : index
    %swap3A_14 = arith.constant 0 : index
    %swap3A_15 = vector.load %arg7[%swap3A_13, %swap3A_14] : memref<1000x128xf32, #tpu.memory_space<vmem>>, vector<1000x128xf32>
    tpu.vector_store %arg7[%swap3A_13, %swap3A_14], %slice3A_12 {strides = array<i32>} : memref<1000x128xf32, #tpu.memory_space<vmem>>, vector<1000x128xf32>,
    %slice3A_16 = vector.extract_strided_slice %add3A_9 {offsets = [0, 256], sizes = [1000, 128], strides = [1, 1]} : vector<1000x384xf32> to vector<1000x128xf32>
    %swap3A_17 = arith.constant 0 : index
    %swap3A_18 = arith.constant 0 : index
    %swap3A_19 = vector.load %arg8[%swap3A_17, %swap3A_18] : memref<1000x128xf32, #tpu.memory_space<vmem>>, vector<1000x128xf32>
    tpu.vector_store %arg8[%swap3A_17, %swap3A_18], %slice3A_16 {strides = array<i32>} : memref<1000x128xf32, #tpu.memory_space<vmem>>, vector<1000x128xf32>,
    %get3A_20 = arith.constant 0 : index
    %get3A_21 = arith.constant 0 : index
    %get3A_22 = vector.load %arg2[%get3A_20, %get3A_21] : memref<1000x256xf32, #tpu.memory_space<vmem>>, vector<1000x256xf32>
    %get3A_23 = arith.constant 0 : index
    %get3A_24 = arith.constant 0 : index
    %get3A_25 = vector.load %arg5[%get3A_23, %get3A_24] : memref<256x128xf32, #tpu.memory_space<vmem>>, vector<256x128xf32>
    %dot_general3A_26 = arith.constant dense<0.000000e+00> : vector<1000x128xf32>
    %dot_general3A_27 = tpu.matmul %get3A_22, %get3A_25, %dot_general3A_26 {dimension_numbers = #tpu.dot_dimension_numbers<[1], [0], [0], [1], [0, 0, 1, 1], [], []>, transpose_lhs_hint = false} : vector<1000x256xf32>, vector<256x128xf32>, vector<1000x128xf32> -> vector<1000x128xf32>
    %swap3A_28 = arith.constant 0 : index
    %swap3A_29 = arith.constant 0 : index
    %swap3A_30 = vector.load %arg9[%swap3A_28, %swap3A_29] : memref<1000x128xf32, #tpu.memory_space<vmem>>, vector<1000x128xf32>
    tpu.vector_store %arg9[%swap3A_28, %swap3A_29], %dot_general3A_27 {strides = array<i32>} : memref<1000x128xf32, #tpu.memory_space<vmem>>, vector<1000x128xf32>,
    return
  }
  func.func @transform_0(%arg0: i32) -> (i32, i32) {
    %c0_i32 = arith.constant 0 : i32
    %c0_i32_0 = arith.constant 0 : i32
    return %arg0, %c0_i32 : i32, i32
  }
  func.func @transform_1(%arg0: i32) -> (i32, i32) {
    %c0_i32 = arith.constant 0 : i32
    %c0_i32_0 = arith.constant 0 : i32
    return %arg0, %c0_i32 : i32, i32
  }
  func.func @transform_2(%arg0: i32) -> (i32, i32) {
    %c0_i32 = arith.constant 0 : i32
    %c0_i32_0 = arith.constant 0 : i32
    %c0_i32_1 = arith.constant 0 : i32
    return %c0_i32, %c0_i32_0 : i32, i32
  }
  func.func @transform_3(%arg0: i32) -> (i32, i32) {
    %c0_i32 = arith.constant 0 : i32
    %c0_i32_0 = arith.constant 0 : i32
    %c0_i32_1 = arith.constant 0 : i32
    return %c0_i32, %c0_i32_0 : i32, i32
  }
  func.func @transform_4(%arg0: i32) -> (i32, i32) {
    %c0_i32 = arith.constant 0 : i32
    %c0_i32_0 = arith.constant 0 : i32
    %c0_i32_1 = arith.constant 0 : i32
    return %c0_i32, %c0_i32_0 : i32, i32
  }
  func.func @transform_5(%arg0: i32) -> (i32, i32) {
    %c0_i32 = arith.constant 0 : i32
    %c0_i32_0 = arith.constant 0 : i32
    return %arg0, %c0_i32 : i32, i32
  }
  func.func @transform_6(%arg0: i32) -> (i32, i32) {
    %c0_i32 = arith.constant 0 : i32
    %c0_i32_0 = arith.constant 0 : i32
    return %arg0, %c0_i32 : i32, i32
  }
  func.func @transform_7(%arg0: i32) -> (i32, i32) {
    %c0_i32 = arith.constant 0 : i32
    %c0_i32_0 = arith.constant 0 : i32
    return %arg0, %c0_i32 : i32, i32
  }
  func.func @transform_8(%arg0: i32) -> (i32, i32) {
    %c0_i32 = arith.constant 0 : i32
    %c0_i32_0 = arith.constant 0 : i32
    return %arg0, %c0_i32 : i32, i32
  }
}

module attributes {stable_mosaic.version = 14 : i64} {
  func.func @_k3_body(%arg0: i32, %arg1: memref<2000x128xf32, #tpu.memory_space<vmem>>, %arg2: memref<2000x1xf32, #tpu.memory_space<vmem>>, %arg3: memref<1x128xf32, #tpu.memory_space<vmem>>, %arg4: memref<128x128xf32, #tpu.memory_space<vmem>>, %arg5: memref<1x128xf32, #tpu.memory_space<vmem>>, %arg6: memref<128x256xf32, #tpu.memory_space<vmem>>, %arg7: memref<1x256xf32, #tpu.memory_space<vmem>>, %arg8: memref<2x2000x128xf32, #tpu.memory_space<vmem>>) attributes {dimension_semantics = [#tpu.dimension_semantics<arbitrary>], iteration_bounds = array<i64: 80>, scalar_prefetch = 0 : i64, scratch_operands = 0 : i64, tpu.core_type = #tpu.core_type<tc>, window_params = [{transform_indices = @transform_0, window_bounds = array<i64: 2000, 128>}, {transform_indices = @transform_1, window_bounds = array<i64: 2000, 1>}, {pipeline_mode = #tpu.pipeline_mode<synchronous>, transform_indices = @transform_2, window_bounds = array<i64: 1, 128>}, {pipeline_mode = #tpu.pipeline_mode<synchronous>, transform_indices = @transform_3, window_bounds = array<i64: 128, 128>}, {pipeline_mode = #tpu.pipeline_mode<synchronous>, transform_indices = @transform_4, window_bounds = array<i64: 1, 128>}, {pipeline_mode = #tpu.pipeline_mode<synchronous>, transform_indices = @transform_5, window_bounds = array<i64: 128, 256>}, {pipeline_mode = #tpu.pipeline_mode<synchronous>, transform_indices = @transform_6, window_bounds = array<i64: 1, 256>}, {transform_indices = @transform_7, window_bounds = array<i64: 2, 2000, 128>}]} {
    %get3A = arith.constant 0 : index
    %get3A_0 = arith.constant 0 : index
    %get3A_1 = vector.load %arg1[%get3A, %get3A_0] : memref<2000x128xf32, #tpu.memory_space<vmem>>, vector<2000x128xf32>
    %get3A_2 = arith.constant 0 : index
    %get3A_3 = arith.constant 0 : index
    %get3A_4 = vector.load %arg2[%get3A_2, %get3A_3] : memref<2000x1xf32, #tpu.memory_space<vmem>>, vector<2000x1xf32>
    %get3A_5 = arith.constant 0 : index
    %get3A_6 = arith.constant 0 : index
    %get3A_7 = vector.load %arg3[%get3A_5, %get3A_6] : memref<1x128xf32, #tpu.memory_space<vmem>>, vector<1x128xf32>
    %mul3A = vector.broadcast %get3A_4 : vector<2000x1xf32> to vector<2000x128xf32>
    %mul3A_8 = vector.broadcast %get3A_7 : vector<1x128xf32> to vector<2000x128xf32>
    %mul3A_9 = arith.mulf %mul3A, %mul3A_8 : vector<2000x128xf32>
    %add3A = arith.addf %get3A_1, %mul3A_9 : vector<2000x128xf32>
    %tanh3A = math.tanh %add3A : vector<2000x128xf32>
    %get3A_10 = arith.constant 0 : index
    %get3A_11 = arith.constant 0 : index
    %get3A_12 = vector.load %arg4[%get3A_10, %get3A_11] : memref<128x128xf32, #tpu.memory_space<vmem>>, vector<128x128xf32>
    %dot_general3A = arith.constant dense<0.000000e+00> : vector<2000x128xf32>
    %dot_general3A_13 = tpu.matmul %tanh3A, %get3A_12, %dot_general3A {dimension_numbers = #tpu.dot_dimension_numbers<[1], [0], [0], [1], [0, 0, 1, 1], [], []>, transpose_lhs_hint = false} : vector<2000x128xf32>, vector<128x128xf32>, vector<2000x128xf32> -> vector<2000x128xf32>
    %get3A_14 = arith.constant 0 : index
    %get3A_15 = arith.constant 0 : index
    %get3A_16 = vector.load %arg5[%get3A_14, %get3A_15] : memref<1x128xf32, #tpu.memory_space<vmem>>, vector<1x128xf32>
    %add3A_17 = vector.broadcast %get3A_16 : vector<1x128xf32> to vector<2000x128xf32>
    %add3A_18 = arith.addf %dot_general3A_13, %add3A_17 : vector<2000x128xf32>
    %tanh3A_19 = math.tanh %add3A_18 : vector<2000x128xf32>
    %get3A_20 = arith.constant 0 : index
    %get3A_21 = arith.constant 0 : index
    %get3A_22 = vector.load %arg6[%get3A_20, %get3A_21] : memref<128x256xf32, #tpu.memory_space<vmem>>, vector<128x256xf32>
    %dot_general3A_23 = arith.constant dense<0.000000e+00> : vector<2000x256xf32>
    %dot_general3A_24 = tpu.matmul %tanh3A_19, %get3A_22, %dot_general3A_23 {dimension_numbers = #tpu.dot_dimension_numbers<[1], [0], [0], [1], [0, 0, 1, 1], [], []>, transpose_lhs_hint = false} : vector<2000x128xf32>, vector<128x256xf32>, vector<2000x256xf32> -> vector<2000x256xf32>
    %get3A_25 = arith.constant 0 : index
    %get3A_26 = arith.constant 0 : index
    %get3A_27 = vector.load %arg7[%get3A_25, %get3A_26] : memref<1x256xf32, #tpu.memory_space<vmem>>, vector<1x256xf32>
    %add3A_28 = vector.broadcast %get3A_27 : vector<1x256xf32> to vector<2000x256xf32>
    %add3A_29 = arith.addf %dot_general3A_24, %add3A_28 : vector<2000x256xf32>
    %slice3A = vector.extract_strided_slice %add3A_29 {offsets = [0, 0], sizes = [2000, 128], strides = [1, 1]} : vector<2000x256xf32> to vector<2000x128xf32>
    %exp3A = math.exp %slice3A : vector<2000x128xf32>
    %swap3A = arith.constant 0 : index
    %swap3A_30 = arith.constant 0 : index
    %swap3A_31 = arith.constant 0 : index
    %swap3A_32 = vector.load %arg8[%swap3A, %swap3A_30, %swap3A_31] : memref<2x2000x128xf32, #tpu.memory_space<vmem>>, vector<1x2000x128xf32>
    %swap3A_33 = vector.shape_cast %swap3A_32 : vector<1x2000x128xf32> to vector<2000x128xf32>
    %swap3A_34 = vector.shape_cast %exp3A : vector<2000x128xf32> to vector<1x2000x128xf32>
    tpu.vector_store %arg8[%swap3A, %swap3A_30, %swap3A_31], %swap3A_34 {strides = array<i32>} : memref<2x2000x128xf32, #tpu.memory_space<vmem>>, vector<1x2000x128xf32>,
    %slice3A_35 = vector.extract_strided_slice %add3A_29 {offsets = [0, 128], sizes = [2000, 128], strides = [1, 1]} : vector<2000x256xf32> to vector<2000x128xf32>
    %mul3A_36 = arith.mulf %exp3A, %slice3A_35 : vector<2000x128xf32>
    %swap3A_37 = arith.constant 1 : index
    %swap3A_38 = arith.constant 0 : index
    %swap3A_39 = arith.constant 0 : index
    %swap3A_40 = vector.load %arg8[%swap3A_37, %swap3A_38, %swap3A_39] : memref<2x2000x128xf32, #tpu.memory_space<vmem>>, vector<1x2000x128xf32>
    %swap3A_41 = vector.shape_cast %swap3A_40 : vector<1x2000x128xf32> to vector<2000x128xf32>
    %swap3A_42 = vector.shape_cast %mul3A_36 : vector<2000x128xf32> to vector<1x2000x128xf32>
    tpu.vector_store %arg8[%swap3A_37, %swap3A_38, %swap3A_39], %swap3A_42 {strides = array<i32>} : memref<2x2000x128xf32, #tpu.memory_space<vmem>>, vector<1x2000x128xf32>,
    return
  }
  func.func @transform_0(%arg0: i32) -> (i32, i32) {
    %c0_i32 = arith.constant 0 : i32
    %c0_i32_0 = arith.constant 0 : i32
    return %arg0, %c0_i32 : i32, i32
  }
  func.func @transform_1(%arg0: i32) -> (i32, i32) {
    %c0_i32 = arith.constant 0 : i32
    %c0_i32_0 = arith.constant 0 : i32
    return %arg0, %c0_i32 : i32, i32
  }
  func.func @transform_2(%arg0: i32) -> (i32, i32) {
    %c0_i32 = arith.constant 0 : i32
    %c0_i32_0 = arith.constant 0 : i32
    %c0_i32_1 = arith.constant 0 : i32
    return %c0_i32, %c0_i32_0 : i32, i32
  }
  func.func @transform_3(%arg0: i32) -> (i32, i32) {
    %c0_i32 = arith.constant 0 : i32
    %c0_i32_0 = arith.constant 0 : i32
    %c0_i32_1 = arith.constant 0 : i32
    return %c0_i32, %c0_i32_0 : i32, i32
  }
  func.func @transform_4(%arg0: i32) -> (i32, i32) {
    %c0_i32 = arith.constant 0 : i32
    %c0_i32_0 = arith.constant 0 : i32
    %c0_i32_1 = arith.constant 0 : i32
    return %c0_i32, %c0_i32_0 : i32, i32
  }
  func.func @transform_5(%arg0: i32) -> (i32, i32) {
    %c0_i32 = arith.constant 0 : i32
    %c0_i32_0 = arith.constant 0 : i32
    %c0_i32_1 = arith.constant 0 : i32
    return %c0_i32, %c0_i32_0 : i32, i32
  }
  func.func @transform_6(%arg0: i32) -> (i32, i32) {
    %c0_i32 = arith.constant 0 : i32
    %c0_i32_0 = arith.constant 0 : i32
    %c0_i32_1 = arith.constant 0 : i32
    return %c0_i32, %c0_i32_0 : i32, i32
  }
  func.func @transform_7(%arg0: i32) -> (i32, i32, i32) {
    %c0_i32 = arith.constant 0 : i32
    %c0_i32_0 = arith.constant 0 : i32
    %c0_i32_1 = arith.constant 0 : i32
    return %c0_i32, %arg0, %c0_i32_0 : i32, i32, i32
  }
}

module attributes {stable_mosaic.version = 14 : i64} {
  func.func @_k5_body(%arg0: i32, %arg1: memref<1000x256xf32, #tpu.memory_space<vmem>>, %arg2: memref<2x1000x128xf32, #tpu.memory_space<vmem>>, %arg3: memref<2x1000x128xf32, #tpu.memory_space<vmem>>, %arg4: memref<256x64xf32, #tpu.memory_space<vmem>>, %arg5: memref<128x64xf32, #tpu.memory_space<vmem>>, %arg6: memref<128x64xf32, #tpu.memory_space<vmem>>, %arg7: memref<1x64xf32, #tpu.memory_space<vmem>>, %arg8: memref<64x64xf32, #tpu.memory_space<vmem>>, %arg9: memref<1x64xf32, #tpu.memory_space<vmem>>, %arg10: memref<64x128xf32, #tpu.memory_space<vmem>>, %arg11: memref<1x128xf32, #tpu.memory_space<vmem>>, %arg12: memref<1000x128xf32, #tpu.memory_space<vmem>>) attributes {dimension_semantics = [#tpu.dimension_semantics<arbitrary>], iteration_bounds = array<i64: 10>, scalar_prefetch = 0 : i64, scratch_operands = 0 : i64, tpu.core_type = #tpu.core_type<tc>, window_params = [{transform_indices = @transform_0, window_bounds = array<i64: 1000, 256>}, {transform_indices = @transform_1, window_bounds = array<i64: 2, 1000, 128>}, {transform_indices = @transform_2, window_bounds = array<i64: 2, 1000, 128>}, {pipeline_mode = #tpu.pipeline_mode<synchronous>, transform_indices = @transform_3, window_bounds = array<i64: 256, 64>}, {pipeline_mode = #tpu.pipeline_mode<synchronous>, transform_indices = @transform_4, window_bounds = array<i64: 128, 64>}, {pipeline_mode = #tpu.pipeline_mode<synchronous>, transform_indices = @transform_5, window_bounds = array<i64: 128, 64>}, {pipeline_mode = #tpu.pipeline_mode<synchronous>, transform_indices = @transform_6, window_bounds = array<i64: 1, 64>}, {pipeline_mode = #tpu.pipeline_mode<synchronous>, transform_indices = @transform_7, window_bounds = array<i64: 64, 64>}, {pipeline_mode = #tpu.pipeline_mode<synchronous>, transform_indices = @transform_8, window_bounds = array<i64: 1, 64>}, {pipeline_mode = #tpu.pipeline_mode<synchronous>, transform_indices = @transform_9, window_bounds = array<i64: 64, 128>}, {pipeline_mode = #tpu.pipeline_mode<synchronous>, transform_indices = @transform_10, window_bounds = array<i64: 1, 128>}, {transform_indices = @transform_11, window_bounds = array<i64: 1000, 128>}]} {
    %get3A = arith.constant 1 : index
    %get3A_0 = arith.constant 0 : index
    %get3A_1 = arith.constant 0 : index
    %get3A_2 = vector.load %arg2[%get3A, %get3A_0, %get3A_1] : memref<2x1000x128xf32, #tpu.memory_space<vmem>>, vector<1x1000x128xf32>
    %get3A_3 = vector.shape_cast %get3A_2 : vector<1x1000x128xf32> to vector<1000x128xf32>
    %get3A_4 = arith.constant 0 : index
    %get3A_5 = arith.constant 0 : index
    %get3A_6 = arith.constant 0 : index
    %get3A_7 = vector.load %arg2[%get3A_4, %get3A_5, %get3A_6] : memref<2x1000x128xf32, #tpu.memory_space<vmem>>, vector<1x1000x128xf32>
    %get3A_8 = vector.shape_cast %get3A_7 : vector<1x1000x128xf32> to vector<1000x128xf32>
    %add3A = arith.constant 1.000000e-16 : f32
    %add3A_9 = vector.broadcast %add3A : f32 to vector<1000x128xf32>
    %add3A_10 = arith.addf %get3A_8, %add3A_9 : vector<1000x128xf32>
    %div3A = arith.divf %get3A_3, %add3A_10 : vector<1000x128xf32>
    %get3A_11 = arith.constant 1 : index
    %get3A_12 = arith.constant 0 : index
    %get3A_13 = arith.constant 0 : index
    %get3A_14 = vector.load %arg3[%get3A_11, %get3A_12, %get3A_13] : memref<2x1000x128xf32, #tpu.memory_space<vmem>>, vector<1x1000x128xf32>
    %get3A_15 = vector.shape_cast %get3A_14 : vector<1x1000x128xf32> to vector<1000x128xf32>
    %get3A_16 = arith.constant 0 : index
    %get3A_17 = arith.constant 0 : index
    %get3A_18 = arith.constant 0 : index
    %get3A_19 = vector.load %arg3[%get3A_16, %get3A_17, %get3A_18] : memref<2x1000x128xf32, #tpu.memory_space<vmem>>, vector<1x1000x128xf32>
    %get3A_20 = vector.shape_cast %get3A_19 : vector<1x1000x128xf32> to vector<1000x128xf32>
    %add3A_21 = arith.constant 1.000000e-16 : f32
    %add3A_22 = vector.broadcast %add3A_21 : f32 to vector<1000x128xf32>
    %add3A_23 = arith.addf %get3A_20, %add3A_22 : vector<1000x128xf32>
    %div3A_24 = arith.divf %get3A_15, %add3A_23 : vector<1000x128xf32>
    %get3A_25 = arith.constant 0 : index
    %get3A_26 = arith.constant 0 : index
    %get3A_27 = vector.load %arg1[%get3A_25, %get3A_26] : memref<1000x256xf32, #tpu.memory_space<vmem>>, vector<1000x256xf32>
    %get3A_28 = arith.constant 0 : index
    %get3A_29 = arith.constant 0 : index
    %get3A_30 = vector.load %arg4[%get3A_28, %get3A_29] : memref<256x64xf32, #tpu.memory_space<vmem>>, vector<256x64xf32>
    %dot_general3A = arith.constant dense<0.000000e+00> : vector<1000x64xf32>
    %dot_general3A_31 = tpu.matmul %get3A_27, %get3A_30, %dot_general3A {dimension_numbers = #tpu.dot_dimension_numbers<[1], [0], [0], [1], [0, 0, 1, 1], [], []>, transpose_lhs_hint = false} : vector<1000x256xf32>, vector<256x64xf32>, vector<1000x64xf32> -> vector<1000x64xf32>
    %get3A_32 = arith.constant 0 : index
    %get3A_33 = arith.constant 0 : index
    %get3A_34 = vector.load %arg5[%get3A_32, %get3A_33] : memref<128x64xf32, #tpu.memory_space<vmem>>, vector<128x64xf32>
    %dot_general3A_35 = arith.constant dense<0.000000e+00> : vector<1000x64xf32>
    %dot_general3A_36 = tpu.matmul %div3A, %get3A_34, %dot_general3A_35 {dimension_numbers = #tpu.dot_dimension_numbers<[1], [0], [0], [1], [0, 0, 1, 1], [], []>, transpose_lhs_hint = false} : vector<1000x128xf32>, vector<128x64xf32>, vector<1000x64xf32> -> vector<1000x64xf32>
    %add3A_37 = arith.addf %dot_general3A_31, %dot_general3A_36 : vector<1000x64xf32>
    %get3A_38 = arith.constant 0 : index
    %get3A_39 = arith.constant 0 : index
    %get3A_40 = vector.load %arg6[%get3A_38, %get3A_39] : memref<128x64xf32, #tpu.memory_space<vmem>>, vector<128x64xf32>
    %dot_general3A_41 = arith.constant dense<0.000000e+00> : vector<1000x64xf32>
    %dot_general3A_42 = tpu.matmul %div3A_24, %get3A_40, %dot_general3A_41 {dimension_numbers = #tpu.dot_dimension_numbers<[1], [0], [0], [1], [0, 0, 1, 1], [], []>, transpose_lhs_hint = false} : vector<1000x128xf32>, vector<128x64xf32>, vector<1000x64xf32> -> vector<1000x64xf32>
    %add3A_43 = arith.addf %add3A_37, %dot_general3A_42 : vector<1000x64xf32>
    %get3A_44 = arith.constant 0 : index
    %get3A_45 = arith.constant 0 : index
    %get3A_46 = vector.load %arg7[%get3A_44, %get3A_45] : memref<1x64xf32, #tpu.memory_space<vmem>>, vector<1x64xf32>
    %add3A_47 = vector.broadcast %get3A_46 : vector<1x64xf32> to vector<1000x64xf32>
    %add3A_48 = arith.addf %add3A_43, %add3A_47 : vector<1000x64xf32>
    %tanh3A = math.tanh %add3A_48 : vector<1000x64xf32>
    %get3A_49 = arith.constant 0 : index
    %get3A_50 = arith.constant 0 : index
    %get3A_51 = vector.load %arg8[%get3A_49, %get3A_50] : memref<64x64xf32, #tpu.memory_space<vmem>>, vector<64x64xf32>
    %dot_general3A_52 = arith.constant dense<0.000000e+00> : vector<1000x64xf32>
    %dot_general3A_53 = tpu.matmul %tanh3A, %get3A_51, %dot_general3A_52 {dimension_numbers = #tpu.dot_dimension_numbers<[1], [0], [0], [1], [0, 0, 1, 1], [], []>, transpose_lhs_hint = false} : vector<1000x64xf32>, vector<64x64xf32>, vector<1000x64xf32> -> vector<1000x64xf32>
    %get3A_54 = arith.constant 0 : index
    %get3A_55 = arith.constant 0 : index
    %get3A_56 = vector.load %arg9[%get3A_54, %get3A_55] : memref<1x64xf32, #tpu.memory_space<vmem>>, vector<1x64xf32>
    %add3A_57 = vector.broadcast %get3A_56 : vector<1x64xf32> to vector<1000x64xf32>
    %add3A_58 = arith.addf %dot_general3A_53, %add3A_57 : vector<1000x64xf32>
    %tanh3A_59 = math.tanh %add3A_58 : vector<1000x64xf32>
    %get3A_60 = arith.constant 0 : index
    %get3A_61 = arith.constant 0 : index
    %get3A_62 = vector.load %arg10[%get3A_60, %get3A_61] : memref<64x128xf32, #tpu.memory_space<vmem>>, vector<64x128xf32>
    %dot_general3A_63 = arith.constant dense<0.000000e+00> : vector<1000x128xf32>
    %dot_general3A_64 = tpu.matmul %tanh3A_59, %get3A_62, %dot_general3A_63 {dimension_numbers = #tpu.dot_dimension_numbers<[1], [0], [0], [1], [0, 0, 1, 1], [], []>, transpose_lhs_hint = false} : vector<1000x64xf32>, vector<64x128xf32>, vector<1000x128xf32> -> vector<1000x128xf32>
    %get3A_65 = arith.constant 0 : index
    %get3A_66 = arith.constant 0 : index
    %get3A_67 = vector.load %arg11[%get3A_65, %get3A_66] : memref<1x128xf32, #tpu.memory_space<vmem>>, vector<1x128xf32>
    %add3A_68 = vector.broadcast %get3A_67 : vector<1x128xf32> to vector<1000x128xf32>
    %add3A_69 = arith.addf %dot_general3A_64, %add3A_68 : vector<1000x128xf32>
    %swap3A = arith.constant 0 : index
    %swap3A_70 = arith.constant 0 : index
    %swap3A_71 = vector.load %arg12[%swap3A, %swap3A_70] : memref<1000x128xf32, #tpu.memory_space<vmem>>, vector<1000x128xf32>
    tpu.vector_store %arg12[%swap3A, %swap3A_70], %add3A_69 {strides = array<i32>} : memref<1000x128xf32, #tpu.memory_space<vmem>>, vector<1000x128xf32>,
    return
  }
  func.func @transform_0(%arg0: i32) -> (i32, i32) {
    %c0_i32 = arith.constant 0 : i32
    %c0_i32_0 = arith.constant 0 : i32
    return %arg0, %c0_i32 : i32, i32
  }
  func.func @transform_1(%arg0: i32) -> (i32, i32, i32) {
    %c0_i32 = arith.constant 0 : i32
    %c0_i32_0 = arith.constant 0 : i32
    %c0_i32_1 = arith.constant 0 : i32
    return %c0_i32, %arg0, %c0_i32_0 : i32, i32, i32
  }
  func.func @transform_2(%arg0: i32) -> (i32, i32, i32) {
    %c0_i32 = arith.constant 0 : i32
    %c0_i32_0 = arith.constant 0 : i32
    %c0_i32_1 = arith.constant 0 : i32
    return %c0_i32, %arg0, %c0_i32_0 : i32, i32, i32
  }
  func.func @transform_3(%arg0: i32) -> (i32, i32) {
    %c0_i32 = arith.constant 0 : i32
    %c0_i32_0 = arith.constant 0 : i32
    %c0_i32_1 = arith.constant 0 : i32
    return %c0_i32, %c0_i32_0 : i32, i32
  }
  func.func @transform_4(%arg0: i32) -> (i32, i32) {
    %c0_i32 = arith.constant 0 : i32
    %c0_i32_0 = arith.constant 0 : i32
    %c0_i32_1 = arith.constant 0 : i32
    return %c0_i32, %c0_i32_0 : i32, i32
  }
  func.func @transform_5(%arg0: i32) -> (i32, i32) {
    %c0_i32 = arith.constant 0 : i32
    %c0_i32_0 = arith.constant 0 : i32
    %c0_i32_1 = arith.constant 0 : i32
    return %c0_i32, %c0_i32_0 : i32, i32
  }
  func.func @transform_6(%arg0: i32) -> (i32, i32) {
    %c0_i32 = arith.constant 0 : i32
    %c0_i32_0 = arith.constant 0 : i32
    %c0_i32_1 = arith.constant 0 : i32
    return %c0_i32, %c0_i32_0 : i32, i32
  }
  func.func @transform_7(%arg0: i32) -> (i32, i32) {
    %c0_i32 = arith.constant 0 : i32
    %c0_i32_0 = arith.constant 0 : i32
    %c0_i32_1 = arith.constant 0 : i32
    return %c0_i32, %c0_i32_0 : i32, i32
  }
  func.func @transform_8(%arg0: i32) -> (i32, i32) {
    %c0_i32 = arith.constant 0 : i32
    %c0_i32_0 = arith.constant 0 : i32
    %c0_i32_1 = arith.constant 0 : i32
    return %c0_i32, %c0_i32_0 : i32, i32
  }
  func.func @transform_9(%arg0: i32) -> (i32, i32) {
    %c0_i32 = arith.constant 0 : i32
    %c0_i32_0 = arith.constant 0 : i32
    %c0_i32_1 = arith.constant 0 : i32
    return %c0_i32, %c0_i32_0 : i32, i32
  }
  func.func @transform_10(%arg0: i32) -> (i32, i32) {
    %c0_i32 = arith.constant 0 : i32
    %c0_i32_0 = arith.constant 0 : i32
    %c0_i32_1 = arith.constant 0 : i32
    return %c0_i32, %c0_i32_0 : i32, i32
  }
  func.func @transform_11(%arg0: i32) -> (i32, i32) {
    %c0_i32 = arith.constant 0 : i32
    %c0_i32_0 = arith.constant 0 : i32
    return %arg0, %c0_i32 : i32, i32
  }
}

</mosaic_0001>

<sc_bundles>
// kernel: kernel.10.cloned.1.call-start
scs
__scs_entry_jumppad:
0x0: {  	(pc) =	sbr.rel $0x88, $3  }
0x1: {  	(tag) =	ssettag $0x0;
	lr =	simm.s32 $0x1  }
0x2: {  	[smem:$0x3F7B] =	sst lr;
	_ =	strace $0xD0000000  }
0x3: {  	_ = 	snop  }
0x4: {  	_ = 	snop  }
0x5: {  	_ = 	snop  }
0x6: {  	_ = 	snop  }
0x7: {  	_ = 	snop  }
__scs_overlays_trampoline_lowered:
0x8: {  	[smem:$0x3F8A] =	sst s0  }
0x9: {  	[smem:$0x3F8B] =	sst s1  }
0xa: {  	[smem:$0x3F8C] =	sst s2  }
0xb: {  	[smem:$0x3F8D] =	sst s3  }
0xc: {  	[smem:$0x3F8E] =	sst s4  }
0xd: {  	[smem:$0x3F8F] =	sst s5  }
0xe: {  	[smem:$0x3F90] =	sst s6  }
0xf: {  	[smem:$0x3F91] =	sst s7  }
0x10: {  	[smem:$0x3F92] =	sst s8  }
0x11: {  	[smem:$0x3F93] =	sst s9;
	s0 =	simm.s32 @!p0 $0x0  }
0x12: {  	s1 =	sld [smem:$0x3F79];
	s0 =	simm.s32 @p0 $0x1  }
0x13: {  	[smem:$0x3F94] =	sst s0;
	s0 =	simm.s32 @!p1 $0x0  }
0x14: {  	s2 =	sld [smem:$0x3F78];
	s0 =	simm.s32 @p1 $0x1  }
0x15: {  	[smem:$0x3F95] =	sst s0;
	s0 =	simm.s32 @!p2 $0x0  }
0x16: {  	s3 =	sld [smem:$0x3FDB];
	s0 =	simm.s32 @p2 $0x1  }
0x17: {  	s4 =	simm.s32 $0x1BF5;
	[smem:$0x3F97] =	sst s0  }
0x18: {  	s0 =	sld [smem:$0x3F7A];
	_ =	swait.ge [sflag:s4], $0x0  }
0x19: {  	s7 =	sld [smem:$0x3F7B]  }
0x1a: {  	s8 =	sadd.s32 $0xFFFFE003, lr  }
0x1b: {  	s9 =	sadd.s32 $0xFFFFFEF7, lr;
	s5 =	simm.s32 $0xFFFFFFFF;
	p2 =	slt.u32 s8, $0xFFFFF086  }
0x1c: {  	p1 =	slt.u32 s9, $0xF7A;
	s5 =	simm.s32 @!p2 $0x0  }
0x1d: {  	s5 =	simm.s32 @p1 $0x1;
	p0 =	seq.s32 s7, s2  }
0x1e: {  	s7 =	smul.u32 @!p0 $0xF7A, s2;
	p2 =	seq.s32 @!p0 s5, $0x0  }
0x1f: {  	s9 =	smul.u32 $0xF7A, s1;
	s8 =	simm.s32 @!p0 $0x1BF5;
	p2 =	por !p2, p0  }
0x20: {  	[sflag:s8] =	ssyncset.s32 @!p0 $0xFFFFF086;
	s6 =	sadd.s32 @!p0 s3, s7;
	s7 =	simm.s32 @!p0 $0x108  }
0x21: {  	s3 =	sadd.s32 s3, s9;
	s6 =	sadd.s32 @!p0 $0x88, s6;
	s7 =	simm.s32 @p2 $0x1082  }
0x22: {  	[simem:s7], [sflag:s8] =	dma.local @!p0 [hbm:s6], $0xF7A  }
0x23: {  	s9 =	sor.u32 $0xD0000000, s2;
	s6 =	simm.s32 $0x108;
	_ =	swait.ge @!p0 [sflag:s8], $0x0  }
0x24: {  	s3 =	sadd.s32 $0x88, s3;
	s6 =	simm.s32 @!p1 $0x1082;
	[sflag:s4] =	ssyncset.s32 $0xFFFFF086  }
0x25: {  	[simem:s6], [sflag:s4] =	dma.local [hbm:s3], $0xF7A  }
0x26: {  	[smem:$0x3F7B] =	sst s1;
	(tag) =	ssettag s2;
	_ =	strace s9  }
0x27: {  	s1 =	sld [smem:$0x3F8B]  }
0x28: {  	s2 =	sld [smem:$0x3F8C]  }
0x29: {  	s4 =	sld [smem:$0x3F8E]  }
0x2a: {  	p0 =	seq.s32 s5, $0x0;
	s5 =	sld [smem:$0x3F8F]  }
0x2b: {  	s6 =	sld [smem:$0x3F90]  }
0x2c: {  	s7 =	sld [smem:$0x3F91]  }
0x2d: {  	s3 =	simm.s32 $0x108;
	s8 =	sld [smem:$0x3F92]  }
0x2e: {  	s3 =	simm.s32 @!p0 $0x1082;
	s9 =	sld [smem:$0x3F93]  }
0x2f: {  	lr =	sadd.s32 s0, s3;
	s0 =	sld [smem:$0x3F8A]  }
0x30: {  	s3 =	sld [smem:$0x3F8D]  }
0x31: {  	[smem:$0x3F96] =	sst s10  }
0x32: {  	s10 =	sld [smem:$0x3F94];
	_ =	sdelay $0x3  }
0x33: {  	p0 =	seq.s32 s10, $0x1;
	s10 =	sld [smem:$0x3F96];
	_ =	sdelay $0x3  }
0x34: {  	[smem:$0x3F96] =	sst s10  }
0x35: {  	s10 =	sld [smem:$0x3F95];
	_ =	sdelay $0x3  }
0x36: {  	p1 =	seq.s32 s10, $0x1;
	s10 =	sld [smem:$0x3F96];
	_ =	sdelay $0x3  }
0x37: {  	[smem:$0x3F96] =	sst s10  }
0x38: {  	s10 =	sld [smem:$0x3F97]  }
0x39: {  	_ = 	snop;
	(pc) =	sbr.ind lr, $3  }
0x3a: {  	_ = 	snop  }
0x3b: {  	_ = 	snop  }
0x3c: {  	p2 =	seq.s32 s10, $0x1;
	s10 =	sld [smem:$0x3F96]  }
0x3d: {  	_ =	shalt  }
0x3e: {  	_ =	shalt  }
0x3f: {  	_ =	shalt  }
0x40: {  	_ =	shalt  }
0x41: {  	_ =	shalt  }
0x42: {  	_ =	shalt  }
0x43: {  	_ =	shalt  }
0x44: {  	_ =	shalt  }
0x45: {  	_ =	shalt  }
0x46: {  	_ =	shalt  }
0x47: {  	_ =	shalt  }
0x48: {  	_ =	shalt  }
0x49: {  	_ =	shalt  }
0x4a: {  	_ =	shalt  }
0x4b: {  	_ =	shalt  }
0x4c: {  	_ =	shalt  }
0x4d: {  	_ =	shalt  }
0x4e: {  	_ =	shalt  }
0x4f: {  	_ =	shalt  }
0x50: {  	_ =	shalt  }
0x51: {  	_ =	shalt  }
0x52: {  	_ =	shalt  }
0x53: {  	_ =	shalt  }
0x54: {  	_ =	shalt  }
0x55: {  	_ =	shalt  }
0x56: {  	_ =	shalt  }
0x57: {  	_ =	shalt  }
0x58: {  	_ =	shalt  }
0x59: {  	_ =	shalt  }
0x5a: {  	_ =	shalt  }
0x5b: {  	_ =	shalt  }
0x5c: {  	_ =	shalt  }
0x5d: {  	_ =	shalt  }
0x5e: {  	_ =	shalt  }
0x5f: {  	_ =	shalt  }
0x60: {  	_ =	shalt  }
0x61: {  	_ =	shalt  }
0x62: {  	_ =	shalt  }
0x63: {  	_ =	shalt  }
0x64: {  	_ =	shalt  }
0x65: {  	_ =	shalt  }
0x66: {  	_ =	shalt  }
0x67: {  	_ =	shalt  }
0x68: {  	_ =	shalt  }
0x69: {  	_ =	shalt  }
0x6a: {  	_ =	shalt  }
0x6b: {  	_ =	shalt  }
0x6c: {  	_ =	shalt  }
0x6d: {  	_ =	shalt  }
0x6e: {  	_ =	shalt  }
0x6f: {  	_ =	shalt  }
0x70: {  	_ =	shalt  }
0x71: {  	_ =	shalt  }
0x72: {  	_ =	shalt  }
0x73: {  	_ =	shalt  }
0x74: {  	_ =	shalt  }
0x75: {  	_ =	shalt  }
0x76: {  	_ =	shalt  }
0x77: {  	_ =	shalt  }
0x78: {  	_ =	shalt  }
0x79: {  	_ =	shalt  }
0x7a: {  	_ =	shalt  }
0x7b: {  	_ =	shalt  }
0x7c: {  	_ =	shalt  }
0x7d: {  	_ =	shalt  }
0x7e: {  	_ =	shalt  }
0x7f: {  	_ =	shalt  }
0x80: {  	_ =	shalt  }
0x81: {  	_ =	shalt  }
0x82: {  	_ =	shalt  }
0x83: {  	_ =	shalt  }
0x84: {  	_ =	shalt  }
0x85: {  	_ =	shalt  }
0x86: {  	_ =	shalt  }
0x87: {  	_ =	shalt  }
.Lfunc_end0:
.L_simem_size_0:
called_computation_lowered:
.L_overlay_start_0:
0x88: {  	s2 =	sld [smem:$0x3FD9]  }
0x89: {  	s3 =	sld [smem:$0x3FFE];
	_ =	sdelay $0x1  }
0x8a: {  	s1 =	srdreg.scid  }
0x8b: {  	s0 =	sand.u32 $0x1, s1  }
0x8c: {  	s17 =	sshll.u32 s0, $0xA;
	s2 =	sadd.s32 s3, s2  }
0x8d: {  	s2 =	sadd.s32 s2, s17  }
0x8e: {  	[smem:$0x3FA2] =	sst s2  }
0x8f: {  	_ = 	snop  }
0x90: {  	s18 =	sld [smem:$0x3FD0];
	(tm) =	ssettm $0x1  }
0x91: {  	s19 =	sld [smem:$0x3FFB];
	_ =	sdelay $0x3  }
0x92: {  	_ =	strace s19  }
0x93: {  	s2 =	sld [smem:$0x3FFC];
	_ =	sdelay $0x3  }
0x94: {  	_ =	strace s2  }
0x95: {  	s2 =	sld [smem:$0x3FFD];
	_ =	sdelay $0x3  }
0x96: {  	_ =	strace s2  }
0x97: {  	_ =	strace $0x8FFFFFFF  }
0x98: {  	s20 =	sld [smem:$0x3FDB];
	_ =	sdelay $0x1  }
0x99: {  	s4 =	simm.s32 $_scs_section_size  }
0x9a: {  	s5 =	simm.s32 $_size__tile_overlayer_lowered;
	s6 =	simm.s32 $_tile_overlayer_lowered  }
0x9b: {  	s7 =	simm.s32 $0x1BFF;
	s21 =	sshll.u32 s6, $0x1;
	s4 =	sadd.s32 s4, s20  }
0x9c: {  	s22 =	simm.s32 $0x0;
	s5 =	sshll.u32 s5, $0x1;
	s6 =	sadd.s32 s21, s4  }
0x9d: {  	[timem:s22], [sflag:s7] =	dma.local [hbm:s6], s5  }
0x9e: {  	_ =	swait.ge [sflag:s7], s5  }
0x9f: {  	s5 =	ssub.s32 $0x0, s5;
	[sflag:s7] =	ssyncset.done $0x0  }
0xa0: {  	[sflag:s7] =	ssyncadd.s32 s5;
	_ =	sdelay $0x1  }
0xa1: {  	s23 =	simm.s32 $0x1B8B  }
0xa2: {  	_ =	swait.ge [sflag:s23], $0x1  }
0xa3: {  	[sflag:s23] =	ssyncset.done $0x0  }
0xa4: {  	[sflag:s23] =	ssyncadd.s32 $0xFFFFFFFF  }
0xa5: {  	s5 =	sld [smem:$0x0]  }
0xa6: {  	s6 =	sand.u32 $0xFFFFFFFE, s1  }
0xa7: {  	p0 =	sne.s32 s1, s6  }
0xa8: {  	s6 =	sshll.u32 @p0 s6, $0xE  }
0xa9: {  	s6 =	sadd.s32 @p0 $0x11B8D, s6;
	s7 =	sshll.u32 @p0 s5, $0x11  }
0xaa: {  	s6 =	sor.u32 @p0 s7, s6  }
0xab: {  	[sflag:s6] =	ssyncadd.remote.s32 @p0 $0x1;
	_ =	sdelay $0x1  }
0xac: {  	s6 =	simm.s32 @p0 $0x1B8D  }
0xad: {  	_ =	swait.eq @p0 [sflag:s6], $0x1  }
0xae: {  	[sflag:s6] =	ssyncadd.s32 @p0 $0xFFFFFFFF  }
0xaf: {  	s7 =	sshll.u32 @!p0 s1, $0xE  }
0xb0: {  	s7 =	sor.u32 @!p0 $0x4000, s7;
	s6 =	simm.s32 @!p0 $0x1B8D  }
0xb1: {  	s5 =	sshll.u32 @!p0 s5, $0x11;
	s7 =	sadd.s32 @!p0 $0x11B8D, s7;
	_ =	swait.eq @!p0 [sflag:s6], $0x1  }
0xb2: {  	s5 =	sor.u32 @!p0 s5, s7;
	[sflag:s6] =	ssyncadd.s32 @!p0 $0xFFFFFFFF  }
0xb3: {  	s25 =	simm.s32 $0x1B8E;
	s24 =	sld [smem:$0x3FFE];
	[sflag:s5] =	ssyncadd.remote.s32 @!p0 $0x1  }
0xb4: {  	s26 =	simm.s32 $execute0_lowered;
	[smem:$0x3FD2] =	sst s25  }
0xb5: {  	s6 =	sshll.u32 s26, $0x1;
	_ =	strace $0x80000049;
	[dreg:$0x1] =	wrdreg $0xFFFFFFFF  }
0xb6: {  	s28 =	simm.s32 $_size_execute0_lowered;
	s4 =	sadd.s32 s4, s6;
	[dreg:$0x0] =	wrdreg $0x0  }
0xb7: {  	s6 =	sshll.u32 s28, $0x1;
	[dreg:$0x2] =	wrdreg s4  }
0xb8: {  	[dreg:$0x3] =	wrdreg s6  }
0xb9: {  	[dreg:$0x4] =	wrdreg $0xC0  }
0xba: {  	_ =	task [dreg:s22], $0x5FFFF  }
0xbb: {  	[dreg:$0x1] =	wrdreg $0xFFFFFFFF  }
0xbc: {  	[dreg:$0x0] =	wrdreg $0x60  }
0xbd: {  	[dreg:$0x2] =	wrdreg s24  }
0xbe: {  	[dreg:$0x3] =	wrdreg s18  }
0xbf: {  	[dreg:$0x4] =	wrdreg $0x9  }
0xc0: {  	_ =	task.clear_ibuf [dreg:s22], $0x5FFFF;
	_ =	strace $0x90000049  }
0xc1: {  	s29 =	simm.s32 $0x9;
	_ =	strace $0x8000004B  }
0xc2: {  	_ =	swait.ge [sflag:s29], $0x1  }
0xc3: {  	[sflag:s29] =	ssyncadd.s32 $0xFFFFFFFF  }
0xc4: {  	_ =	strace $0x9000004B  }
0xc5: {  	_ =	sfence  }
0xc6: {  	s30 =	sld [smem:$0x0];
	_ =	sdelay $0x2  }
0xc7: {  	s31 =	sshll.u32 s1, $0xD;
	s1 =	sshrl.u32 s1, $0x2  }
0xc8: {  	s4 =	sand.u32 $0x4000, s31;
	s1 =	sadd.s32 s1, s30  }
0xc9: {  	s0 =	sor.u32 s4, s0;
	s1 =	sshll.u32 s1, $0x11  }
0xca: {  	s0 =	sor.u32 s1, s0  }
0xcb: {  	s0 =	sadd.s32 $0x8F2B, s0  }
0xcc: {  	[sflag:s0] =	ssyncadd.remote.s32 $0x1  }
0xcd: {  	_ =	sfence.sel $0xFFFF  }
0xce: {  	[dreg:$0x0] =	wrdreg $0xFFFFFFFF;
	(pc) =	sbr.abs _section_cstart, $3  }
0xcf: {  	[dreg:$0x1] =	wrdreg $0xFFFFFFFF  }
0xd0: {  	_ =	task.clear_ibuf [dreg:s22], $0x2FFFF;
	_ =	strace $0x9FFFFFFF  }
0xd1: {  	(tm) =	ssettm $0x7FFFFFFF  }
tec
execute0_lowered:
.L_overlay_start_1:
0x0: {  	(tag) =	ssettag $0x1  }
0x1: {  	s0 =	rddreg [dreg:$0x0]  }
0x2: {  	s1 =	rddreg [dreg:$0x1]  }
0x3: {  	s2 =	simm.s32 $0x0;
	s3 =	srdreg.scid;
	s12 =	stileid.u32  }
0x4: {  	s16 =	simm.s32 $0x5;
	s17 =	simm.s32 $0x100;
	s18 =	simm.s32 $0x80  }
0x5: {  	s19 =	simm.s32 $0x200;
	s20 =	simm.s32 $0x8200;
	s21 =	simm.s32 $0x180  }
0x6: {  	s22 =	simm.s32 $0x1;
	s23 =	simm.s32 $0x2;
	s24 =	simm.s32 $0x4200  }
0x7: {  	s25 =	simm.s32 $0xC200;
	s26 =	simm.s32 $0x3;
	s28 =	simm.s32 $0x4  }
0x8: {  	s29 =	simm.s32 $0x0;
	[smem:$0x7FF] =	sst s2;
	s7 =	sand.u32 $0x1, s3  }
0x9: {  	s30 =	sshll.u32 s12, $0x1;
	s3 =	sadd.s32 $0x37200, s0;
	s4 =	sadd.s32 $0x3C200, s0  }
0xa: {  	s6 =	sadd.s32 $0xD3600, s0;
	p0 =	sne.s32 s12, $0x0;
	_ =	strace $0x8000004A  }
0xb: {  	s8 =	sor.u32 s7, s30;
	s9 =	ssub.s32 $0x2, s7;
	s7 =	sadd.s32 $0x36B800, s0  }
0xc: {  	s5 =	sshll.u32 s8, $0x7;
	s31 =	sshrl.u32 s9, $0x1;
	s8 =	sor.u32 $0x20, s8  }
0xd: {  	s11 =	sor.u32 $0x26000, s5;
	s0 =	ssub.s32 s9, s31;
	s13 =	sor.u32 $0x27000, s5  }
.Ltmp0:
0xe: {  	s10 =	sshrl.u32 s11, $0x3;
	s14 =	sshrl.u32 s13, $0x3;
	(pc) =	sbr.rel .LBB2_1-.Ltmp0, $4  }
0xf: {  	s11 =	sshll.u32 s11, $0x4;
	s13 =	sshll.u32 s13, $0x4;
	s15 =	sadd.s32 s3, s14  }
0x10: {  	s9 =	sadd.s32 s3, s10;
	s14 =	sadd.s32 s4, s14;
	[dreg:$0x3] =	wrdreg s15  }
0x11: {  	s10 =	sadd.s32 s4, s10;
	s13 =	sadd.s32 s7, s13;
	[dreg:$0x4] =	wrdreg s14  }
0x12: {  	s11 =	sadd.s32 s7, s11;
	[dreg:$0x5] =	wrdreg s13;
	s15 =	smax.u32 s0, $0x1  }
.LBB2_13:
0x13: {  	s29 =	sadd.s32 $0x1, s29  }
0x14: {  	p1 =	sne.s32 s29, s15  }
.Ltmp1:
0x15: {  	_ = 	snop;
	(pc) =	sbr.rel @!p1 .LBB2_14-.Ltmp1, $1  }
0x16: {  	_ =	sdelay $0x3  }
.LBB2_1:
0x17: {  	s30 =	simm.s32 $0x0  }
.LBB2_2:
0x18: {  	s0 =	sshll.u32 s30, $0xD  }
0x19: {  	s0 =	sor.u32 s5, s0  }
0x1a: {  	s12 =	sshrl.u32 s0, $0x3  }
0x1b: {  	s14 =	simm.s32 $0x0;
	s13 =	sadd.s32 s3, s12  }
0x1c: {  	[tilespmem:s14], [sflag:$0x5] =	stream.linear.gather [hbm4b:s13+s14], $0x80, $0x38;
	[tilespmem:$0x10200] =	vst v63  }
0x1d: {  	_ =	swait.ge [sflag:s16], $0x80  }
0x1e: {  	[sflag:s16] =	ssyncset.done $0x0  }
0x1f: {  	s12 =	sadd.s32 s4, s12;
	[sflag:s16] =	ssyncadd.s32 $0xFFFFFF80  }
0x20: {  	[tilespmem:s17], [sflag:$0x5] =	stream.linear.gather [hbm4b:s12+s14], $0x80, $0x38;
	[tilespmem:$0x10200] =	vst v63  }
0x21: {  	_ =	swait.ge [sflag:s16], $0x80  }
0x22: {  	s13 =	sshll.u32 s30, $0x6;
	[sflag:s16] =	ssyncset.done $0x0  }
0x23: {  	s31 =	sor.u32 s8, s13;
	[sflag:s16] =	ssyncadd.s32 $0xFFFFFF80  }
0x24: {  	[tilespmem:s19], [sflag:$0x1] =	stream.indirect.gather [hbm4b:s1+s18], $0x80, s14, s18, $0xb8;
	[tilespmem:$0x10200] =	vst v63  }
0x25: {  	s12 =	sshll.u32 s31, $0x4  }
0x26: {  	[tilespmem:s20], [sflag:$0x2] =	stream.indirect.gather [hbm4b:s6+s18], $0x80, s17, s18, $0xb8;
	[tilespmem:$0x10200] =	vst v63  }
0x27: {  	s13 =	sadd.s32 s3, s12  }
0x28: {  	[tilespmem:s18], [sflag:$0x5] =	stream.linear.gather [hbm4b:s13+s14], $0x80, $0x38;
	[tilespmem:$0x10200] =	vst v63  }
0x29: {  	_ =	swait.ge [sflag:s16], $0x80  }
0x2a: {  	[sflag:s16] =	ssyncset.done $0x0  }
0x2b: {  	s12 =	sadd.s32 s4, s12;
	[sflag:s16] =	ssyncadd.s32 $0xFFFFFF80  }
0x2c: {  	[tilespmem:s21], [sflag:$0x5] =	stream.linear.gather [hbm4b:s12+s14], $0x80, $0x38;
	[tilespmem:$0x10200] =	vst v63  }
0x2d: {  	_ =	swait.ge [sflag:s16], $0x80  }
0x2e: {  	[sflag:s16] =	ssyncset.done $0x0  }
0x2f: {  	[sflag:s16] =	ssyncadd.s32 $0xFFFFFF80  }
0x30: {  	_ =	swait.ge [sflag:s22], $0x4000  }
0x31: {  	[sflag:s22] =	ssyncset.done $0x0  }
0x32: {  	[sflag:s22] =	ssyncadd.s32 $0xFFFFC000  }
0x33: {  	_ =	swait.ge [sflag:s23], $0x4000  }
0x34: {  	[sflag:s23] =	ssyncset.done $0x0  }
0x35: {  	[sflag:s23] =	ssyncadd.s32 $0xFFFFC000  }
0x36: {  	[tilespmem:s24], [sflag:$0x3] =	stream.indirect.gather [hbm4b:s1+s18], $0x80, s18, s18, $0xb8;
	[tilespmem:$0x10200] =	vst v63  }
0x37: {  	s12 =	simm.s32 $0x0  }
0x38: {  	[tilespmem:s25], [sflag:$0x4] =	stream.indirect.gather [hbm4b:s6+s18], $0x80, s21, s18, $0xb8;
	[tilespmem:$0x10200] =	vst v63  }
0x39: {  	v7 =	vld [tilespmem:s12+$0x8200]  }
0x3a: {  	v11 =	vld [tilespmem:s12+$0x8210]  }
0x3b: {  	v5 =	vld [tilespmem:s12+$0x8220]  }
0x3c: {  	v4 =	vld [tilespmem:s12+$0x8230]  }
0x3d: {  	v3 =	vld [tilespmem:s12+$0x8240]  }
0x3e: {  	v2 =	vld [tilespmem:s12+$0x8250]  }
0x3f: {  	v1 =	vld [tilespmem:s12+$0x8260]  }
0x40: {  	v0 =	vld [tilespmem:s12+$0x8270]  }
0x41: {  	v12 =	vld [tilespmem:s12+$0x200]  }
0x42: {  	v13 =	vld [tilespmem:s12+$0x210]  }
0x43: {  	v10 =	vld [tilespmem:s12+$0x220]  }
0x44: {  	v9 =	vld [tilespmem:s12+$0x230]  }
0x45: {  	v8 =	vld [tilespmem:s12+$0x240]  }
0x46: {  	v6 =	vld [tilespmem:s12+$0x250];
	v12 =	vadd.f32 v7, v12  }
0x47: {  	s13 =	simm.s32 $0x200;
	v11 =	vadd.f32 v11, v13;
	v7 =	vld [tilespmem:s12+$0x260]  }
.LBB2_3:
0x48: {  	s14 =	sshra.s32 s13, $0x2;
	p1 =	sne.s32 s13, $0xFE00;
	[tilespmem:s12+$0x200] =	vst v12;
	v5 =	vadd.f32 v5, v10;
	v10 =	vld [tilespmem:s12+$0x270]  }
0x49: {  	v12 =	vld [tilespmem:s14+$0x8200];
	[tilespmem:s12+$0x210] =	vst v11;
	v4 =	vadd.f32 v4, v9  }
0x4a: {  	v11 =	vld [tilespmem:s14+$0x8210];
	[tilespmem:s12+$0x220] =	vst v5;
	v3 =	vadd.f32 v3, v8  }
0x4b: {  	v5 =	vld [tilespmem:s14+$0x8220];
	[tilespmem:s12+$0x230] =	vst v4;
	v2 =	vadd.f32 v2, v6  }
0x4c: {  	v4 =	vld [tilespmem:s14+$0x8230];
	[tilespmem:s12+$0x240] =	vst v3;
	v1 =	vadd.f32 v1, v7  }
0x4d: {  	v3 =	vld [tilespmem:s14+$0x8240];
	[tilespmem:s12+$0x250] =	vst v2;
	v0 =	vadd.f32 v0, v10  }
0x4e: {  	v2 =	vld [tilespmem:s14+$0x8250];
	[tilespmem:s12+$0x260] =	vst v1  }
0x4f: {  	v1 =	vld [tilespmem:s14+$0x8260];
	[tilespmem:s12+$0x270] =	vst v0;
	s12 =	smov.u32 s14  }
0x50: {  	v0 =	vld [tilespmem:s12+$0x8270]  }
0x51: {  	v6 =	vld [tilespmem:s12+$0x200]  }
0x52: {  	v7 =	vld [tilespmem:s12+$0x210]  }
.Ltmp2:
0x53: {  	v10 =	vld [tilespmem:s12+$0x220];
	(pc) =	sbr.rel @p1 .LBB2_3-.Ltmp2, $4  }
0x54: {  	v9 =	vld [tilespmem:s12+$0x230]  }
0x55: {  	v8 =	vld [tilespmem:s12+$0x240]  }
0x56: {  	v12 =	vadd.f32 v12, v6;
	v6 =	vld [tilespmem:s12+$0x250]  }
0x57: {  	s13 =	sadd.s32 $0x200, s13;
	v11 =	vadd.f32 v11, v7;
	v7 =	vld [tilespmem:s12+$0x260]  }
0x58: {  	[tilespmem:s12+$0x200] =	vst v12;
	v5 =	vadd.f32 v5, v10;
	v10 =	vld [tilespmem:s12+$0x270]  }
0x59: {  	[tilespmem:s12+$0x210] =	vst v11;
	v4 =	vadd.f32 v4, v9  }
0x5a: {  	[tilespmem:s12+$0x220] =	vst v5;
	v3 =	vadd.f32 v3, v8  }
0x5b: {  	[tilespmem:s12+$0x230] =	vst v4;
	v2 =	vadd.f32 v2, v6  }
0x5c: {  	[tilespmem:s12+$0x240] =	vst v3;
	v1 =	vadd.f32 v1, v7  }
0x5d: {  	[tilespmem:s12+$0x250] =	vst v2;
	v0 =	vadd.f32 v0, v10  }
0x5e: {  	s0 =	sshll.u32 s0, $0x4;
	[tilespmem:s12+$0x260] =	vst v1  }
0x5f: {  	s14 =	simm.s32 $0x0;
	s0 =	sadd.s32 s7, s0;
	[tilespmem:s12+$0x270] =	vst v0  }
0x60: {  	[hbm4b:s0+s14] =	stream.linear.scatter [tilespmem:s19], [sflag:$0x5], $0x4000, $0x38;
	[tilespmem:$0x10200] =	vst v63  }
0x61: {  	_ =	swait.ge [sflag:s16], $0x4000  }
0x62: {  	[sflag:s16] =	ssyncset.done $0x0  }
0x63: {  	[sflag:s16] =	ssyncadd.s32 $0xFFFFC000  }
0x64: {  	_ =	swait.ge [sflag:s26], $0x4000  }
0x65: {  	[sflag:s26] =	ssyncset.done $0x0  }
0x66: {  	[sflag:s26] =	ssyncadd.s32 $0xFFFFC000  }
0x67: {  	_ =	swait.ge [sflag:s28], $0x4000  }
0x68: {  	[sflag:s28] =	ssyncset.done $0x0  }
0x69: {  	s0 =	simm.s32 $0x0;
	[sflag:s28] =	ssyncadd.s32 $0xFFFFC000  }
0x6a: {  	v7 =	vld [tilespmem:s0+$0xC200]  }
0x6b: {  	v11 =	vld [tilespmem:s0+$0xC210]  }
0x6c: {  	v5 =	vld [tilespmem:s0+$0xC220]  }
0x6d: {  	v4 =	vld [tilespmem:s0+$0xC230]  }
0x6e: {  	v3 =	vld [tilespmem:s0+$0xC240]  }
0x6f: {  	v2 =	vld [tilespmem:s0+$0xC250]  }
0x70: {  	v1 =	vld [tilespmem:s0+$0xC260]  }
0x71: {  	v0 =	vld [tilespmem:s0+$0xC270]  }
0x72: {  	v12 =	vld [tilespmem:s0+$0x4200]  }
0x73: {  	v13 =	vld [tilespmem:s0+$0x4210]  }
0x74: {  	v10 =	vld [tilespmem:s0+$0x4220]  }
0x75: {  	v9 =	vld [tilespmem:s0+$0x4230]  }
0x76: {  	v8 =	vld [tilespmem:s0+$0x4240]  }
0x77: {  	v6 =	vld [tilespmem:s0+$0x4250];
	v12 =	vadd.f32 v7, v12  }
0x78: {  	s12 =	simm.s32 $0x200;
	v11 =	vadd.f32 v11, v13;
	v7 =	vld [tilespmem:s0+$0x4260]  }
.LBB2_5:
0x79: {  	s13 =	sshra.s32 s12, $0x2;
	p1 =	sne.s32 s12, $0xFE00;
	[tilespmem:s0+$0x4200] =	vst v12;
	v5 =	vadd.f32 v5, v10;
	v10 =	vld [tilespmem:s0+$0x4270]  }
0x7a: {  	v12 =	vld [tilespmem:s13+$0xC200];
	[tilespmem:s0+$0x4210] =	vst v11;
	v4 =	vadd.f32 v4, v9  }
0x7b: {  	v11 =	vld [tilespmem:s13+$0xC210];
	[tilespmem:s0+$0x4220] =	vst v5;
	v3 =	vadd.f32 v3, v8  }
0x7c: {  	v5 =	vld [tilespmem:s13+$0xC220];
	[tilespmem:s0+$0x4230] =	vst v4;
	v2 =	vadd.f32 v2, v6  }
0x7d: {  	v4 =	vld [tilespmem:s13+$0xC230];
	[tilespmem:s0+$0x4240] =	vst v3;
	v1 =	vadd.f32 v1, v7  }
0x7e: {  	v3 =	vld [tilespmem:s13+$0xC240];
	[tilespmem:s0+$0x4250] =	vst v2;
	v0 =	vadd.f32 v0, v10  }
0x7f: {  	v2 =	vld [tilespmem:s13+$0xC250];
	[tilespmem:s0+$0x4260] =	vst v1  }
0x80: {  	v1 =	vld [tilespmem:s13+$0xC260];
	[tilespmem:s0+$0x4270] =	vst v0;
	s0 =	smov.u32 s13  }
0x81: {  	v0 =	vld [tilespmem:s0+$0xC270]  }
0x82: {  	v6 =	vld [tilespmem:s0+$0x4200]  }
0x83: {  	v7 =	vld [tilespmem:s0+$0x4210]  }
.Ltmp3:
0x84: {  	v10 =	vld [tilespmem:s0+$0x4220];
	(pc) =	sbr.rel @p1 .LBB2_5-.Ltmp3, $4  }
0x85: {  	v9 =	vld [tilespmem:s0+$0x4230]  }
0x86: {  	v8 =	vld [tilespmem:s0+$0x4240]  }
0x87: {  	v12 =	vadd.f32 v12, v6;
	v6 =	vld [tilespmem:s0+$0x4250]  }
0x88: {  	s12 =	sadd.s32 $0x200, s12;
	v11 =	vadd.f32 v11, v7;
	v7 =	vld [tilespmem:s0+$0x4260]  }
0x89: {  	[tilespmem:s0+$0x4200] =	vst v12;
	v5 =	vadd.f32 v5, v10;
	v63 =	vld [tilespmem:s0+$0x4270]  }
0x8a: {  	[tilespmem:s0+$0x4210] =	vst v11;
	v4 =	vadd.f32 v4, v9  }
0x8b: {  	[tilespmem:s0+$0x4220] =	vst v5;
	v3 =	vadd.f32 v3, v8  }
0x8c: {  	[tilespmem:s0+$0x4230] =	vst v4;
	v2 =	vadd.f32 v2, v6  }
0x8d: {  	[tilespmem:s0+$0x4240] =	vst v3;
	v1 =	vadd.f32 v1, v7  }
0x8e: {  	s30 =	sadd.s32 $0x1, s30;
	[tilespmem:s0+$0x4250] =	vst v2;
	v0 =	vadd.f32 v0, v63  }
0x8f: {  	s12 =	sshll.u32 s31, $0xB;
	p1 =	sne.s32 s30, $0x13;
	[tilespmem:s0+$0x4260] =	vst v1  }
.Ltmp4:
0x90: {  	s31 =	sadd.s32 s7, s12;
	[tilespmem:s0+$0x4270] =	vst v0;
	(pc) =	sbr.rel @p1 .LBB2_2-.Ltmp4, $4  }
0x91: {  	[hbm4b:s31+s2] =	stream.linear.scatter [tilespmem:s24], [sflag:$0x5], $0x4000, $0x38;
	[tilespmem:$0x10200] =	vst v63  }
0x92: {  	_ =	swait.ge [sflag:s16], $0x4000  }
0x93: {  	[sflag:s16] =	ssyncset.done $0x0  }
0x94: {  	[sflag:s16] =	ssyncadd.s32 $0xFFFFC000  }
0x95: {  	s0 =	simm.s32 $0x0  }
0x96: {  	[tilespmem:s0], [sflag:$0x5] =	stream.linear.gather [hbm4b:s9+s0], $0x80, $0x38;
	[tilespmem:$0x10200] =	vst v63  }
0x97: {  	_ =	swait.ge [sflag:s16], $0x80  }
0x98: {  	[sflag:s16] =	ssyncset.done $0x0  }
0x99: {  	[sflag:s16] =	ssyncadd.s32 $0xFFFFFF80  }
0x9a: {  	[tilespmem:s17], [sflag:$0x5] =	stream.linear.gather [hbm4b:s10+s0], $0x80, $0x38;
	[tilespmem:$0x10200] =	vst v63  }
0x9b: {  	_ =	swait.ge [sflag:s16], $0x80  }
0x9c: {  	[sflag:s16] =	ssyncset.done $0x0  }
0x9d: {  	[sflag:s16] =	ssyncadd.s32 $0xFFFFFF80  }
0x9e: {  	[tilespmem:s19], [sflag:$0x1] =	stream.indirect.gather [hbm4b:s1+s18], $0x80, s0, s18, $0xb8;
	[tilespmem:$0x10200] =	vst v63  }
0x9f: {  	_ = 	snop  }
0xa0: {  	[tilespmem:s20], [sflag:$0x2] =	stream.indirect.gather [hbm4b:s6+s18], $0x80, s17, s18, $0xb8;
	[tilespmem:$0x10200] =	vst v63  }
0xa1: {  	_ =	swait.ge [sflag:s22], $0x4000  }
0xa2: {  	[sflag:s22] =	ssyncset.done $0x0  }
0xa3: {  	[sflag:s22] =	ssyncadd.s32 $0xFFFFC000  }
0xa4: {  	_ =	swait.ge [sflag:s23], $0x4000  }
0xa5: {  	[sflag:s23] =	ssyncset.done $0x0  }
0xa6: {  	s0 =	simm.s32 $0x0;
	[sflag:s23] =	ssyncadd.s32 $0xFFFFC000  }
0xa7: {  	v7 =	vld [tilespmem:s0+$0x8200]  }
0xa8: {  	v11 =	vld [tilespmem:s0+$0x8210]  }
0xa9: {  	v5 =	vld [tilespmem:s0+$0x8220]  }
0xaa: {  	v4 =	vld [tilespmem:s0+$0x8230]  }
0xab: {  	v3 =	vld [tilespmem:s0+$0x8240]  }
0xac: {  	v2 =	vld [tilespmem:s0+$0x8250]  }
0xad: {  	v1 =	vld [tilespmem:s0+$0x8260]  }
0xae: {  	v0 =	vld [tilespmem:s0+$0x8270]  }
0xaf: {  	v12 =	vld [tilespmem:s0+$0x200]  }
0xb0: {  	v13 =	vld [tilespmem:s0+$0x210]  }
0xb1: {  	v10 =	vld [tilespmem:s0+$0x220]  }
0xb2: {  	v9 =	vld [tilespmem:s0+$0x230]  }
0xb3: {  	v8 =	vld [tilespmem:s0+$0x240]  }
0xb4: {  	v6 =	vld [tilespmem:s0+$0x250];
	v12 =	vadd.f32 v7, v12  }
0xb5: {  	s12 =	simm.s32 $0x200;
	v11 =	vadd.f32 v11, v13;
	v7 =	vld [tilespmem:s0+$0x260]  }
.LBB2_8:
0xb6: {  	s13 =	sshra.s32 s12, $0x2;
	p1 =	sne.s32 s12, $0xFE00;
	[tilespmem:s0+$0x200] =	vst v12;
	v5 =	vadd.f32 v5, v10;
	v10 =	vld [tilespmem:s0+$0x270]  }
0xb7: {  	v12 =	vld [tilespmem:s13+$0x8200];
	[tilespmem:s0+$0x210] =	vst v11;
	v4 =	vadd.f32 v4, v9  }
0xb8: {  	v11 =	vld [tilespmem:s13+$0x8210];
	[tilespmem:s0+$0x220] =	vst v5;
	v3 =	vadd.f32 v3, v8  }
0xb9: {  	v5 =	vld [tilespmem:s13+$0x8220];
	[tilespmem:s0+$0x230] =	vst v4;
	v2 =	vadd.f32 v2, v6  }
0xba: {  	v4 =	vld [tilespmem:s13+$0x8230];
	[tilespmem:s0+$0x240] =	vst v3;
	v1 =	vadd.f32 v1, v7  }
0xbb: {  	v3 =	vld [tilespmem:s13+$0x8240];
	[tilespmem:s0+$0x250] =	vst v2;
	v0 =	vadd.f32 v0, v10  }
0xbc: {  	v2 =	vld [tilespmem:s13+$0x8250];
	[tilespmem:s0+$0x260] =	vst v1  }
0xbd: {  	v1 =	vld [tilespmem:s13+$0x8260];
	[tilespmem:s0+$0x270] =	vst v0;
	s0 =	smov.u32 s13  }
0xbe: {  	v0 =	vld [tilespmem:s0+$0x8270]  }
0xbf: {  	v6 =	vld [tilespmem:s0+$0x200]  }
0xc0: {  	v7 =	vld [tilespmem:s0+$0x210]  }
.Ltmp5:
0xc1: {  	v10 =	vld [tilespmem:s0+$0x220];
	(pc) =	sbr.rel @p1 .LBB2_8-.Ltmp5, $4  }
0xc2: {  	v9 =	vld [tilespmem:s0+$0x230]  }
0xc3: {  	v8 =	vld [tilespmem:s0+$0x240]  }
0xc4: {  	v12 =	vadd.f32 v12, v6;
	v6 =	vld [tilespmem:s0+$0x250]  }
0xc5: {  	s12 =	sadd.s32 $0x200, s12;
	v11 =	vadd.f32 v11, v7;
	v7 =	vld [tilespmem:s0+$0x260]  }
0xc6: {  	[tilespmem:s0+$0x200] =	vst v12;
	v5 =	vadd.f32 v5, v10;
	v63 =	vld [tilespmem:s0+$0x270]  }
0xc7: {  	[tilespmem:s0+$0x210] =	vst v11;
	v4 =	vadd.f32 v4, v9  }
0xc8: {  	[tilespmem:s0+$0x220] =	vst v5;
	v3 =	vadd.f32 v3, v8  }
0xc9: {  	[tilespmem:s0+$0x230] =	vst v4;
	v2 =	vadd.f32 v2, v6  }
0xca: {  	[tilespmem:s0+$0x240] =	vst v3;
	v1 =	vadd.f32 v1, v7  }
0xcb: {  	[tilespmem:s0+$0x250] =	vst v2;
	v0 =	vadd.f32 v0, v63  }
0xcc: {  	[tilespmem:s0+$0x260] =	vst v1  }
.Ltmp6:
0xcd: {  	[tilespmem:s0+$0x270] =	vst v0;
	(pc) =	sbr.rel @p0 .LBB2_13-.Ltmp6, $4  }
0xce: {  	[hbm4b:s11+s2] =	stream.linear.scatter [tilespmem:s19], [sflag:$0x5], $0x4000, $0x38;
	[tilespmem:$0x10200] =	vst v63  }
0xcf: {  	_ =	swait.ge [sflag:s16], $0x4000  }
0xd0: {  	[sflag:s16] =	ssyncset.done $0x0  }
0xd1: {  	[sflag:s16] =	ssyncadd.s32 $0xFFFFC000  }
0xd2: {  	s0 =	simm.s32 $0x0;
	s12 =	rddreg [dreg:$0x3]  }
0xd3: {  	[tilespmem:s0], [sflag:$0x5] =	stream.linear.gather [hbm4b:s12+s0], $0x80, $0x38;
	[tilespmem:$0x10200] =	vst v63  }
0xd4: {  	_ =	swait.ge [sflag:s16], $0x80  }
0xd5: {  	[sflag:s16] =	ssyncset.done $0x0  }
0xd6: {  	s31 =	rddreg [dreg:$0x4];
	[sflag:s16] =	ssyncadd.s32 $0xFFFFFF80  }
0xd7: {  	[tilespmem:s17], [sflag:$0x5] =	stream.linear.gather [hbm4b:s31+s0], $0x80, $0x38;
	[tilespmem:$0x10200] =	vst v63  }
0xd8: {  	_ =	swait.ge [sflag:s16], $0x80  }
0xd9: {  	[sflag:s16] =	ssyncset.done $0x0  }
0xda: {  	[sflag:s16] =	ssyncadd.s32 $0xFFFFFF80  }
0xdb: {  	[tilespmem:s19], [sflag:$0x1] =	stream.indirect.gather [hbm4b:s1+s18], $0x80, s0, s18, $0xb8;
	[tilespmem:$0x10200] =	vst v63  }
0xdc: {  	_ = 	snop  }
0xdd: {  	[tilespmem:s20], [sflag:$0x2] =	stream.indirect.gather [hbm4b:s6+s18], $0x80, s17, s18, $0xb8;
	[tilespmem:$0x10200] =	vst v63  }
0xde: {  	_ =	swait.ge [sflag:s22], $0x4000  }
0xdf: {  	[sflag:s22] =	ssyncset.done $0x0  }
0xe0: {  	[sflag:s22] =	ssyncadd.s32 $0xFFFFC000  }
0xe1: {  	_ =	swait.ge [sflag:s23], $0x4000  }
0xe2: {  	[sflag:s23] =	ssyncset.done $0x0  }
0xe3: {  	s0 =	simm.s32 $0x0;
	[sflag:s23] =	ssyncadd.s32 $0xFFFFC000  }
0xe4: {  	v7 =	vld [tilespmem:s0+$0x8200]  }
0xe5: {  	v11 =	vld [tilespmem:s0+$0x8210]  }
0xe6: {  	v5 =	vld [tilespmem:s0+$0x8220]  }
0xe7: {  	v4 =	vld [tilespmem:s0+$0x8230]  }
0xe8: {  	v3 =	vld [tilespmem:s0+$0x8240]  }
0xe9: {  	v2 =	vld [tilespmem:s0+$0x8250]  }
0xea: {  	v1 =	vld [tilespmem:s0+$0x8260]  }
0xeb: {  	v0 =	vld [tilespmem:s0+$0x8270]  }
0xec: {  	v12 =	vld [tilespmem:s0+$0x200]  }
0xed: {  	v13 =	vld [tilespmem:s0+$0x210]  }
0xee: {  	v10 =	vld [tilespmem:s0+$0x220]  }
0xef: {  	v9 =	vld [tilespmem:s0+$0x230]  }
0xf0: {  	v8 =	vld [tilespmem:s0+$0x240]  }
0xf1: {  	v6 =	vld [tilespmem:s0+$0x250];
	v12 =	vadd.f32 v7, v12  }
0xf2: {  	s12 =	simm.s32 $0x200;
	v11 =	vadd.f32 v11, v13;
	v7 =	vld [tilespmem:s0+$0x260]  }
.LBB2_11:
0xf3: {  	s13 =	sshra.s32 s12, $0x2;
	p1 =	sne.s32 s12, $0xFE00;
	[tilespmem:s0+$0x200] =	vst v12;
	v5 =	vadd.f32 v5, v10;
	v10 =	vld [tilespmem:s0+$0x270]  }
0xf4: {  	v12 =	vld [tilespmem:s13+$0x8200];
	[tilespmem:s0+$0x210] =	vst v11;
	v4 =	vadd.f32 v4, v9  }
0xf5: {  	v11 =	vld [tilespmem:s13+$0x8210];
	[tilespmem:s0+$0x220] =	vst v5;
	v3 =	vadd.f32 v3, v8  }
0xf6: {  	v5 =	vld [tilespmem:s13+$0x8220];
	[tilespmem:s0+$0x230] =	vst v4;
	v2 =	vadd.f32 v2, v6  }
0xf7: {  	v4 =	vld [tilespmem:s13+$0x8230];
	[tilespmem:s0+$0x240] =	vst v3;
	v1 =	vadd.f32 v1, v7  }
0xf8: {  	v3 =	vld [tilespmem:s13+$0x8240];
	[tilespmem:s0+$0x250] =	vst v2;
	v0 =	vadd.f32 v0, v10  }
0xf9: {  	v2 =	vld [tilespmem:s13+$0x8250];
	[tilespmem:s0+$0x260] =	vst v1  }
0xfa: {  	v1 =	vld [tilespmem:s13+$0x8260];
	[tilespmem:s0+$0x270] =	vst v0;
	s0 =	smov.u32 s13  }
0xfb: {  	v0 =	vld [tilespmem:s0+$0x8270]  }
0xfc: {  	v6 =	vld [tilespmem:s0+$0x200]  }
0xfd: {  	v7 =	vld [tilespmem:s0+$0x210]  }
.Ltmp7:
0xfe: {  	v10 =	vld [tilespmem:s0+$0x220];
	(pc) =	sbr.rel @p1 .LBB2_11-.Ltmp7, $4  }
0xff: {  	v9 =	vld [tilespmem:s0+$0x230]  }
0x100: {  	v8 =	vld [tilespmem:s0+$0x240]  }
0x101: {  	v12 =	vadd.f32 v12, v6;
	v6 =	vld [tilespmem:s0+$0x250]  }
0x102: {  	s12 =	sadd.s32 $0x200, s12;
	v11 =	vadd.f32 v11, v7;
	v7 =	vld [tilespmem:s0+$0x260]  }
0x103: {  	[tilespmem:s0+$0x200] =	vst v12;
	v5 =	vadd.f32 v5, v10;
	v63 =	vld [tilespmem:s0+$0x270]  }
0x104: {  	[tilespmem:s0+$0x210] =	vst v11;
	v4 =	vadd.f32 v4, v9  }
0x105: {  	[tilespmem:s0+$0x220] =	vst v5;
	v3 =	vadd.f32 v3, v8  }
0x106: {  	[tilespmem:s0+$0x230] =	vst v4;
	v2 =	vadd.f32 v2, v6  }
0x107: {  	[tilespmem:s0+$0x240] =	vst v3;
	v1 =	vadd.f32 v1, v7  }
0x108: {  	[tilespmem:s0+$0x250] =	vst v2;
	v0 =	vadd.f32 v0, v63  }
0x109: {  	[tilespmem:s0+$0x260] =	vst v1  }
.Ltmp8:
0x10a: {  	s31 =	rddreg [dreg:$0x5];
	[tilespmem:s0+$0x270] =	vst v0;
	(pc) =	sbr.rel .LBB2_13-.Ltmp8, $4  }
0x10b: {  	[hbm4b:s31+s2] =	stream.linear.scatter [tilespmem:s19], [sflag:$0x5], $0x4000, $0x38;
	[tilespmem:$0x10200] =	vst v63  }
0x10c: {  	_ =	swait.ge [sflag:s16], $0x4000  }
0x10d: {  	[sflag:s16] =	ssyncset.done $0x0  }
0x10e: {  	[sflag:s16] =	ssyncadd.s32 $0xFFFFC000  }
.LBB2_14:
0x10f: {  	_ =	sfence.sel $0x180000  }
0x110: {  	[bflag:$0x0] =	sbarrier.arrive $0xFFFF  }
0x111: {  	_ =	strace $0x9000004A  }
0x112: {  	[bflag:$0x2] =	sbarrier.arrive $0xFFFF  }
0x113: {  	s0 =	rddreg [dreg:$0x2]  }
0x114: {  	s0 =	sadd.s32 @!p0 $0x100000, s0  }
0x115: {  	[sflag:s0] =	ssyncadd.tile.s32 @!p0 $0x1;
	_ =	shalt  }
.Lfunc_end2:
_tile_overlayer_lowered:
.L_overlay_start_2:
0x116: {  	(tag) =	ssettag $0x2  }
0x117: {  	s0 =	rddreg [dreg:$0x0];
	s2 =	stileid.u32  }
0x118: {  	s1 =	rddreg [dreg:$0x1];
	p0 =	sne.s32 s2, $0x0  }
0x119: {  	s3 =	rddreg [dreg:$0x2];
	[bflag:$0x3] =	sbarrier.arrive $0xFFFF;
	s2 =	simm.s32 @!p0 $0x1C05  }
0x11a: {  	[timem:s3], [sflag:s2] =	dma.local @!p0 [hbm:s0], s1  }
0x11b: {  	s0 =	simm.s32 @!p0 $0x5  }
0x11c: {  	_ =	swait.ge @!p0 [sflag:s0], s1  }
0x11d: {  	s1 =	ssub.s32 @!p0 $0x0, s1;
	[sflag:s0] =	ssyncset.done @!p0 $0x0  }
0x11e: {  	[sflag:s0] =	ssyncadd.s32 @!p0 s1  }
0x11f: {  	[bflag:$0x3] =	sbarrier.arrive $0xFFFF  }
0x120: {  	_ =	shalt  }

// kernel: kernel.13.cloned.1.call-start
scs
__scs_entry_jumppad:
0x0: {  	(pc) =	sbr.rel $0x88, $3  }
0x1: {  	(tag) =	ssettag $0x0;
	lr =	simm.s32 $0x1  }
0x2: {  	[smem:$0x3F7B] =	sst lr;
	_ =	strace $0xD0000000  }
0x3: {  	_ = 	snop  }
0x4: {  	_ = 	snop  }
0x5: {  	_ = 	snop  }
0x6: {  	_ = 	snop  }
0x7: {  	_ = 	snop  }
__scs_overlays_trampoline_lowered:
0x8: {  	[smem:$0x3F8A] =	sst s0  }
0x9: {  	[smem:$0x3F8B] =	sst s1  }
0xa: {  	[smem:$0x3F8C] =	sst s2  }
0xb: {  	[smem:$0x3F8D] =	sst s3  }
0xc: {  	[smem:$0x3F8E] =	sst s4  }
0xd: {  	[smem:$0x3F8F] =	sst s5  }
0xe: {  	[smem:$0x3F90] =	sst s6  }
0xf: {  	[smem:$0x3F91] =	sst s7  }
0x10: {  	[smem:$0x3F92] =	sst s8  }
0x11: {  	[smem:$0x3F93] =	sst s9;
	s0 =	simm.s32 @!p0 $0x0  }
0x12: {  	s1 =	sld [smem:$0x3F79];
	s0 =	simm.s32 @p0 $0x1  }
0x13: {  	[smem:$0x3F94] =	sst s0;
	s0 =	simm.s32 @!p1 $0x0  }
0x14: {  	s2 =	sld [smem:$0x3F78];
	s0 =	simm.s32 @p1 $0x1  }
0x15: {  	[smem:$0x3F95] =	sst s0;
	s0 =	simm.s32 @!p2 $0x0  }
0x16: {  	s3 =	sld [smem:$0x3FDB];
	s0 =	simm.s32 @p2 $0x1  }
0x17: {  	s4 =	simm.s32 $0x1BF5;
	[smem:$0x3F97] =	sst s0  }
0x18: {  	s0 =	sld [smem:$0x3F7A];
	_ =	swait.ge [sflag:s4], $0x0  }
0x19: {  	s7 =	sld [smem:$0x3F7B]  }
0x1a: {  	s8 =	sadd.s32 $0xFFFFE003, lr  }
0x1b: {  	s9 =	sadd.s32 $0xFFFFFEF7, lr;
	s5 =	simm.s32 $0xFFFFFFFF;
	p2 =	slt.u32 s8, $0xFFFFF086  }
0x1c: {  	p1 =	slt.u32 s9, $0xF7A;
	s5 =	simm.s32 @!p2 $0x0  }
0x1d: {  	s5 =	simm.s32 @p1 $0x1;
	p0 =	seq.s32 s7, s2  }
0x1e: {  	s7 =	smul.u32 @!p0 $0xF7A, s2;
	p2 =	seq.s32 @!p0 s5, $0x0  }
0x1f: {  	s9 =	smul.u32 $0xF7A, s1;
	s8 =	simm.s32 @!p0 $0x1BF5;
	p2 =	por !p2, p0  }
0x20: {  	[sflag:s8] =	ssyncset.s32 @!p0 $0xFFFFF086;
	s6 =	sadd.s32 @!p0 s3, s7;
	s7 =	simm.s32 @!p0 $0x108  }
0x21: {  	s3 =	sadd.s32 s3, s9;
	s6 =	sadd.s32 @!p0 $0x88, s6;
	s7 =	simm.s32 @p2 $0x1082  }
0x22: {  	[simem:s7], [sflag:s8] =	dma.local @!p0 [hbm:s6], $0xF7A  }
0x23: {  	s9 =	sor.u32 $0xD0000000, s2;
	s6 =	simm.s32 $0x108;
	_ =	swait.ge @!p0 [sflag:s8], $0x0  }
0x24: {  	s3 =	sadd.s32 $0x88, s3;
	s6 =	simm.s32 @!p1 $0x1082;
	[sflag:s4] =	ssyncset.s32 $0xFFFFF086  }
0x25: {  	[simem:s6], [sflag:s4] =	dma.local [hbm:s3], $0xF7A  }
0x26: {  	[smem:$0x3F7B] =	sst s1;
	(tag) =	ssettag s2;
	_ =	strace s9  }
0x27: {  	s1 =	sld [smem:$0x3F8B]  }
0x28: {  	s2 =	sld [smem:$0x3F8C]  }
0x29: {  	s4 =	sld [smem:$0x3F8E]  }
0x2a: {  	p0 =	seq.s32 s5, $0x0;
	s5 =	sld [smem:$0x3F8F]  }
0x2b: {  	s6 =	sld [smem:$0x3F90]  }
0x2c: {  	s7 =	sld [smem:$0x3F91]  }
0x2d: {  	s3 =	simm.s32 $0x108;
	s8 =	sld [smem:$0x3F92]  }
0x2e: {  	s3 =	simm.s32 @!p0 $0x1082;
	s9 =	sld [smem:$0x3F93]  }
0x2f: {  	lr =	sadd.s32 s0, s3;
	s0 =	sld [smem:$0x3F8A]  }
0x30: {  	s3 =	sld [smem:$0x3F8D]  }
0x31: {  	[smem:$0x3F96] =	sst s10  }
0x32: {  	s10 =	sld [smem:$0x3F94];
	_ =	sdelay $0x3  }
0x33: {  	p0 =	seq.s32 s10, $0x1;
	s10 =	sld [smem:$0x3F96];
	_ =	sdelay $0x3  }
0x34: {  	[smem:$0x3F96] =	sst s10  }
0x35: {  	s10 =	sld [smem:$0x3F95];
	_ =	sdelay $0x3  }
0x36: {  	p1 =	seq.s32 s10, $0x1;
	s10 =	sld [smem:$0x3F96];
	_ =	sdelay $0x3  }
0x37: {  	[smem:$0x3F96] =	sst s10  }
0x38: {  	s10 =	sld [smem:$0x3F97]  }
0x39: {  	_ = 	snop;
	(pc) =	sbr.ind lr, $3  }
0x3a: {  	_ = 	snop  }
0x3b: {  	_ = 	snop  }
0x3c: {  	p2 =	seq.s32 s10, $0x1;
	s10 =	sld [smem:$0x3F96]  }
0x3d: {  	_ =	shalt  }
0x3e: {  	_ =	shalt  }
0x3f: {  	_ =	shalt  }
0x40: {  	_ =	shalt  }
0x41: {  	_ =	shalt  }
0x42: {  	_ =	shalt  }
0x43: {  	_ =	shalt  }
0x44: {  	_ =	shalt  }
0x45: {  	_ =	shalt  }
0x46: {  	_ =	shalt  }
0x47: {  	_ =	shalt  }
0x48: {  	_ =	shalt  }
0x49: {  	_ =	shalt  }
0x4a: {  	_ =	shalt  }
0x4b: {  	_ =	shalt  }
0x4c: {  	_ =	shalt  }
0x4d: {  	_ =	shalt  }
0x4e: {  	_ =	shalt  }
0x4f: {  	_ =	shalt  }
0x50: {  	_ =	shalt  }
0x51: {  	_ =	shalt  }
0x52: {  	_ =	shalt  }
0x53: {  	_ =	shalt  }
0x54: {  	_ =	shalt  }
0x55: {  	_ =	shalt  }
0x56: {  	_ =	shalt  }
0x57: {  	_ =	shalt  }
0x58: {  	_ =	shalt  }
0x59: {  	_ =	shalt  }
0x5a: {  	_ =	shalt  }
0x5b: {  	_ =	shalt  }
0x5c: {  	_ =	shalt  }
0x5d: {  	_ =	shalt  }
0x5e: {  	_ =	shalt  }
0x5f: {  	_ =	shalt  }
0x60: {  	_ =	shalt  }
0x61: {  	_ =	shalt  }
0x62: {  	_ =	shalt  }
0x63: {  	_ =	shalt  }
0x64: {  	_ =	shalt  }
0x65: {  	_ =	shalt  }
0x66: {  	_ =	shalt  }
0x67: {  	_ =	shalt  }
0x68: {  	_ =	shalt  }
0x69: {  	_ =	shalt  }
0x6a: {  	_ =	shalt  }
0x6b: {  	_ =	shalt  }
0x6c: {  	_ =	shalt  }
0x6d: {  	_ =	shalt  }
0x6e: {  	_ =	shalt  }
0x6f: {  	_ =	shalt  }
0x70: {  	_ =	shalt  }
0x71: {  	_ =	shalt  }
0x72: {  	_ =	shalt  }
0x73: {  	_ =	shalt  }
0x74: {  	_ =	shalt  }
0x75: {  	_ =	shalt  }
0x76: {  	_ =	shalt  }
0x77: {  	_ =	shalt  }
0x78: {  	_ =	shalt  }
0x79: {  	_ =	shalt  }
0x7a: {  	_ =	shalt  }
0x7b: {  	_ =	shalt  }
0x7c: {  	_ =	shalt  }
0x7d: {  	_ =	shalt  }
0x7e: {  	_ =	shalt  }
0x7f: {  	_ =	shalt  }
0x80: {  	_ =	shalt  }
0x81: {  	_ =	shalt  }
0x82: {  	_ =	shalt  }
0x83: {  	_ =	shalt  }
0x84: {  	_ =	shalt  }
0x85: {  	_ =	shalt  }
0x86: {  	_ =	shalt  }
0x87: {  	_ =	shalt  }
.Lfunc_end0:
.L_simem_size_0:
called_computation.1_lowered:
.L_overlay_start_0:
0x88: {  	s2 =	sld [smem:$0x3FD9]  }
0x89: {  	s3 =	sld [smem:$0x3FFE];
	_ =	sdelay $0x1  }
0x8a: {  	s1 =	srdreg.scid  }
0x8b: {  	s0 =	sand.u32 $0x1, s1  }
0x8c: {  	s16 =	sshll.u32 s0, $0xA;
	s2 =	sadd.s32 s3, s2  }
0x8d: {  	s2 =	sadd.s32 s2, s16  }
0x8e: {  	[smem:$0x3FA2] =	sst s2  }
0x8f: {  	_ = 	snop  }
0x90: {  	(tm) =	ssettm $0x1  }
0x91: {  	s17 =	sld [smem:$0x3FFB];
	_ =	sdelay $0x3  }
0x92: {  	_ =	strace s17  }
0x93: {  	s2 =	sld [smem:$0x3FFC];
	_ =	sdelay $0x3  }
0x94: {  	_ =	strace s2  }
0x95: {  	s2 =	sld [smem:$0x3FFD];
	_ =	sdelay $0x3  }
0x96: {  	_ =	strace s2  }
0x97: {  	_ =	strace $0x8FFFFFFF  }
0x98: {  	s18 =	sld [smem:$0x3FDB];
	_ =	sdelay $0x1  }
0x99: {  	s19 =	simm.s32 $_scs_section_size  }
0x9a: {  	s4 =	simm.s32 $_size__tile_overlayer_lowered;
	s5 =	simm.s32 $_tile_overlayer_lowered  }
0x9b: {  	s22 =	simm.s32 $0x1BFF;
	s21 =	sshll.u32 s5, $0x1;
	s2 =	sadd.s32 s19, s18  }
0x9c: {  	s6 =	simm.s32 $0x0;
	s20 =	sshll.u32 s4, $0x1;
	s4 =	sadd.s32 s21, s2  }
0x9d: {  	[timem:s6], [sflag:s22] =	dma.local [hbm:s4], s20  }
0x9e: {  	_ =	swait.ge [sflag:s22], s20  }
0x9f: {  	s3 =	ssub.s32 $0x0, s20;
	[sflag:s22] =	ssyncset.done $0x0  }
0xa0: {  	[sflag:s22] =	ssyncadd.s32 s3;
	_ =	sdelay $0x1  }
0xa1: {  	s23 =	simm.s32 $0x1B8B  }
0xa2: {  	_ =	swait.ge [sflag:s23], $0x1  }
0xa3: {  	[sflag:s23] =	ssyncset.done $0x0  }
0xa4: {  	s25 =	simm.s32 $0x1B8E;
	s24 =	sld [smem:$0x3FFE];
	[sflag:s23] =	ssyncadd.s32 $0xFFFFFFFF  }
0xa5: {  	s26 =	simm.s32 $execute0_lowered;
	[smem:$0x3FD2] =	sst s25  }
0xa6: {  	s4 =	sshll.u32 s26, $0x1;
	_ =	strace $0x80000046;
	[dreg:$0x1] =	wrdreg $0xFFFFFFFF  }
0xa7: {  	s28 =	simm.s32 $_size_execute0_lowered;
	s2 =	sadd.s32 s2, s4;
	[dreg:$0x0] =	wrdreg $0x0  }
0xa8: {  	s4 =	sshll.u32 s28, $0x1;
	[dreg:$0x2] =	wrdreg s2  }
0xa9: {  	[dreg:$0x3] =	wrdreg s4  }
0xaa: {  	[dreg:$0x4] =	wrdreg $0xC0  }
0xab: {  	_ =	task [dreg:s6], $0x5FFFF  }
0xac: {  	[dreg:$0x1] =	wrdreg $0xFFFFFFFF  }
0xad: {  	[dreg:$0x0] =	wrdreg $0x60  }
0xae: {  	[dreg:$0x2] =	wrdreg s24  }
0xaf: {  	[dreg:$0x3] =	wrdreg $0xA  }
0xb0: {  	_ =	task.clear_ibuf [dreg:s6], $0x4FFFF;
	_ =	strace $0x90000046  }
0xb1: {  	s29 =	simm.s32 $0xA;
	_ =	strace $0x80000048  }
0xb2: {  	_ =	swait.ge [sflag:s29], $0x1  }
0xb3: {  	[sflag:s29] =	ssyncadd.s32 $0xFFFFFFFF  }
0xb4: {  	_ =	strace $0x90000048  }
0xb5: {  	_ =	sfence  }
0xb6: {  	s30 =	sld [smem:$0x0];
	_ =	sdelay $0x2  }
0xb7: {  	s31 =	sshll.u32 s1, $0xD;
	s1 =	sshrl.u32 s1, $0x2  }
0xb8: {  	s3 =	sand.u32 $0x4000, s31;
	s1 =	sadd.s32 s1, s30  }
0xb9: {  	s0 =	sor.u32 s3, s0;
	s1 =	sshll.u32 s1, $0x11  }
0xba: {  	s0 =	sor.u32 s1, s0  }
0xbb: {  	s0 =	sadd.s32 $0x8F2B, s0  }
0xbc: {  	[sflag:s0] =	ssyncadd.remote.s32 $0x1  }
0xbd: {  	_ =	sfence.sel $0xFFFF  }
0xbe: {  	[dreg:$0x0] =	wrdreg $0xFFFFFFFF;
	(pc) =	sbr.abs _section_cstart, $3  }
0xbf: {  	[dreg:$0x1] =	wrdreg $0xFFFFFFFF  }
0xc0: {  	_ =	task.clear_ibuf [dreg:s6], $0x2FFFF;
	_ =	strace $0x9FFFFFFF  }
0xc1: {  	(tm) =	ssettm $0x7FFFFFFF  }
tec
execute0_lowered:
.L_overlay_start_1:
0x0: {  	(tag) =	ssettag $0x1  }
0x1: {  	s0 =	rddreg [dreg:$0x0];
	s1 =	simm.s32 $0x0  }
0x2: {  	s2 =	srdreg.scid;
	s12 =	stileid.u32;
	s16 =	simm.s32 $0x5  }
0x3: {  	s17 =	simm.s32 $0x100;
	s18 =	simm.s32 $0x80;
	s19 =	simm.s32 $0x200  }
0x4: {  	s20 =	simm.s32 $0x8200;
	s21 =	simm.s32 $0x180;
	s22 =	simm.s32 $0x1  }
0x5: {  	s23 =	simm.s32 $0x2;
	s24 =	simm.s32 $0x4200;
	s25 =	simm.s32 $0xC200  }
0x6: {  	s26 =	simm.s32 $0x3;
	s28 =	simm.s32 $0x4;
	s29 =	simm.s32 $0x0  }
0x7: {  	[smem:$0x7FF] =	sst s1;
	s7 =	sand.u32 $0x1, s2;
	s3 =	sshll.u32 s12, $0x1  }
0x8: {  	s2 =	sadd.s32 $0x6000, s0;
	s4 =	sadd.s32 $0x10000, s0;
	s6 =	sadd.s32 $0xAC400, s0  }
0x9: {  	p0 =	sne.s32 s12, $0x0;
	_ =	strace $0x80000047;
	s8 =	sor.u32 s7, s3  }
0xa: {  	s3 =	sadd.s32 $0xB000, s0;
	s9 =	ssub.s32 $0x2, s7;
	s7 =	sadd.s32 $0xFA800, s0  }
0xb: {  	s5 =	sshll.u32 s8, $0x7;
	s31 =	sshrl.u32 s9, $0x1;
	s8 =	sor.u32 $0x20, s8  }
0xc: {  	s11 =	sor.u32 $0x26000, s5;
	s0 =	ssub.s32 s9, s31;
	s13 =	sor.u32 $0x27000, s5  }
.Ltmp0:
0xd: {  	s10 =	sshrl.u32 s11, $0x3;
	s14 =	sshrl.u32 s13, $0x3;
	(pc) =	sbr.rel .LBB2_1-.Ltmp0, $4  }
0xe: {  	s11 =	sshll.u32 s11, $0x4;
	s13 =	sshll.u32 s13, $0x4;
	s15 =	sadd.s32 s2, s14  }
0xf: {  	s9 =	sadd.s32 s2, s10;
	s14 =	sadd.s32 s3, s14;
	[dreg:$0x2] =	wrdreg s15  }
0x10: {  	s10 =	sadd.s32 s3, s10;
	s13 =	sadd.s32 s7, s13;
	[dreg:$0x3] =	wrdreg s14  }
0x11: {  	s11 =	sadd.s32 s7, s11;
	[dreg:$0x4] =	wrdreg s13;
	s15 =	smax.u32 s0, $0x1  }
.LBB2_13:
0x12: {  	s29 =	sadd.s32 $0x1, s29  }
0x13: {  	p1 =	sne.s32 s29, s15  }
.Ltmp1:
0x14: {  	_ = 	snop;
	(pc) =	sbr.rel @!p1 .LBB2_14-.Ltmp1, $1  }
0x15: {  	_ =	sdelay $0x3  }
.LBB2_1:
0x16: {  	s30 =	simm.s32 $0x0  }
.LBB2_2:
0x17: {  	s0 =	sshll.u32 s30, $0xD  }
0x18: {  	s0 =	sor.u32 s5, s0  }
0x19: {  	s12 =	sshrl.u32 s0, $0x3  }
0x1a: {  	s14 =	simm.s32 $0x0;
	s13 =	sadd.s32 s2, s12  }
0x1b: {  	[tilespmem:s14], [sflag:$0x5] =	stream.linear.gather [hbm4b:s13+s14], $0x80, $0x38;
	[tilespmem:$0x10200] =	vst v63  }
0x1c: {  	_ =	swait.ge [sflag:s16], $0x80  }
0x1d: {  	[sflag:s16] =	ssyncset.done $0x0  }
0x1e: {  	s12 =	sadd.s32 s3, s12;
	[sflag:s16] =	ssyncadd.s32 $0xFFFFFF80  }
0x1f: {  	[tilespmem:s17], [sflag:$0x5] =	stream.linear.gather [hbm4b:s12+s14], $0x80, $0x38;
	[tilespmem:$0x10200] =	vst v63  }
0x20: {  	_ =	swait.ge [sflag:s16], $0x80  }
0x21: {  	s13 =	sshll.u32 s30, $0x6;
	[sflag:s16] =	ssyncset.done $0x0  }
0x22: {  	s31 =	sor.u32 s8, s13;
	[sflag:s16] =	ssyncadd.s32 $0xFFFFFF80  }
0x23: {  	[tilespmem:s19], [sflag:$0x1] =	stream.indirect.gather [hbm4b:s4+s18], $0x80, s14, s18, $0xb8;
	[tilespmem:$0x10200] =	vst v63  }
0x24: {  	s12 =	sshll.u32 s31, $0x4  }
0x25: {  	[tilespmem:s20], [sflag:$0x2] =	stream.indirect.gather [hbm4b:s6+s18], $0x80, s17, s18, $0xb8;
	[tilespmem:$0x10200] =	vst v63  }
0x26: {  	s13 =	sadd.s32 s2, s12  }
0x27: {  	[tilespmem:s18], [sflag:$0x5] =	stream.linear.gather [hbm4b:s13+s14], $0x80, $0x38;
	[tilespmem:$0x10200] =	vst v63  }
0x28: {  	_ =	swait.ge [sflag:s16], $0x80  }
0x29: {  	[sflag:s16] =	ssyncset.done $0x0  }
0x2a: {  	s12 =	sadd.s32 s3, s12;
	[sflag:s16] =	ssyncadd.s32 $0xFFFFFF80  }
0x2b: {  	[tilespmem:s21], [sflag:$0x5] =	stream.linear.gather [hbm4b:s12+s14], $0x80, $0x38;
	[tilespmem:$0x10200] =	vst v63  }
0x2c: {  	_ =	swait.ge [sflag:s16], $0x80  }
0x2d: {  	[sflag:s16] =	ssyncset.done $0x0  }
0x2e: {  	[sflag:s16] =	ssyncadd.s32 $0xFFFFFF80  }
0x2f: {  	_ =	swait.ge [sflag:s22], $0x4000  }
0x30: {  	[sflag:s22] =	ssyncset.done $0x0  }
0x31: {  	[sflag:s22] =	ssyncadd.s32 $0xFFFFC000  }
0x32: {  	_ =	swait.ge [sflag:s23], $0x4000  }
0x33: {  	[sflag:s23] =	ssyncset.done $0x0  }
0x34: {  	[sflag:s23] =	ssyncadd.s32 $0xFFFFC000  }
0x35: {  	[tilespmem:s24], [sflag:$0x3] =	stream.indirect.gather [hbm4b:s4+s18], $0x80, s18, s18, $0xb8;
	[tilespmem:$0x10200] =	vst v63  }
0x36: {  	s12 =	simm.s32 $0x0  }
0x37: {  	[tilespmem:s25], [sflag:$0x4] =	stream.indirect.gather [hbm4b:s6+s18], $0x80, s21, s18, $0xb8;
	[tilespmem:$0x10200] =	vst v63  }
0x38: {  	v7 =	vld [tilespmem:s12+$0x8200]  }
0x39: {  	v11 =	vld [tilespmem:s12+$0x8210]  }
0x3a: {  	v5 =	vld [tilespmem:s12+$0x8220]  }
0x3b: {  	v4 =	vld [tilespmem:s12+$0x8230]  }
0x3c: {  	v3 =	vld [tilespmem:s12+$0x8240]  }
0x3d: {  	v2 =	vld [tilespmem:s12+$0x8250]  }
0x3e: {  	v1 =	vld [tilespmem:s12+$0x8260]  }
0x3f: {  	v0 =	vld [tilespmem:s12+$0x8270]  }
0x40: {  	v12 =	vld [tilespmem:s12+$0x200]  }
0x41: {  	v13 =	vld [tilespmem:s12+$0x210]  }
0x42: {  	v10 =	vld [tilespmem:s12+$0x220]  }
0x43: {  	v9 =	vld [tilespmem:s12+$0x230]  }
0x44: {  	v8 =	vld [tilespmem:s12+$0x240]  }
0x45: {  	v6 =	vld [tilespmem:s12+$0x250];
	v12 =	vadd.f32 v7, v12  }
0x46: {  	s13 =	simm.s32 $0x200;
	v11 =	vadd.f32 v11, v13;
	v7 =	vld [tilespmem:s12+$0x260]  }
.LBB2_3:
0x47: {  	s14 =	sshra.s32 s13, $0x2;
	p1 =	sne.s32 s13, $0xFE00;
	[tilespmem:s12+$0x200] =	vst v12;
	v5 =	vadd.f32 v5, v10;
	v10 =	vld [tilespmem:s12+$0x270]  }
0x48: {  	v12 =	vld [tilespmem:s14+$0x8200];
	[tilespmem:s12+$0x210] =	vst v11;
	v4 =	vadd.f32 v4, v9  }
0x49: {  	v11 =	vld [tilespmem:s14+$0x8210];
	[tilespmem:s12+$0x220] =	vst v5;
	v3 =	vadd.f32 v3, v8  }
0x4a: {  	v5 =	vld [tilespmem:s14+$0x8220];
	[tilespmem:s12+$0x230] =	vst v4;
	v2 =	vadd.f32 v2, v6  }
0x4b: {  	v4 =	vld [tilespmem:s14+$0x8230];
	[tilespmem:s12+$0x240] =	vst v3;
	v1 =	vadd.f32 v1, v7  }
0x4c: {  	v3 =	vld [tilespmem:s14+$0x8240];
	[tilespmem:s12+$0x250] =	vst v2;
	v0 =	vadd.f32 v0, v10  }
0x4d: {  	v2 =	vld [tilespmem:s14+$0x8250];
	[tilespmem:s12+$0x260] =	vst v1  }
0x4e: {  	v1 =	vld [tilespmem:s14+$0x8260];
	[tilespmem:s12+$0x270] =	vst v0;
	s12 =	smov.u32 s14  }
0x4f: {  	v0 =	vld [tilespmem:s12+$0x8270]  }
0x50: {  	v6 =	vld [tilespmem:s12+$0x200]  }
0x51: {  	v7 =	vld [tilespmem:s12+$0x210]  }
.Ltmp2:
0x52: {  	v10 =	vld [tilespmem:s12+$0x220];
	(pc) =	sbr.rel @p1 .LBB2_3-.Ltmp2, $4  }
0x53: {  	v9 =	vld [tilespmem:s12+$0x230]  }
0x54: {  	v8 =	vld [tilespmem:s12+$0x240]  }
0x55: {  	v12 =	vadd.f32 v12, v6;
	v6 =	vld [tilespmem:s12+$0x250]  }
0x56: {  	s13 =	sadd.s32 $0x200, s13;
	v11 =	vadd.f32 v11, v7;
	v7 =	vld [tilespmem:s12+$0x260]  }
0x57: {  	[tilespmem:s12+$0x200] =	vst v12;
	v5 =	vadd.f32 v5, v10;
	v10 =	vld [tilespmem:s12+$0x270]  }
0x58: {  	[tilespmem:s12+$0x210] =	vst v11;
	v4 =	vadd.f32 v4, v9  }
0x59: {  	[tilespmem:s12+$0x220] =	vst v5;
	v3 =	vadd.f32 v3, v8  }
0x5a: {  	[tilespmem:s12+$0x230] =	vst v4;
	v2 =	vadd.f32 v2, v6  }
0x5b: {  	[tilespmem:s12+$0x240] =	vst v3;
	v1 =	vadd.f32 v1, v7  }
0x5c: {  	[tilespmem:s12+$0x250] =	vst v2;
	v0 =	vadd.f32 v0, v10  }
0x5d: {  	s0 =	sshll.u32 s0, $0x4;
	[tilespmem:s12+$0x260] =	vst v1  }
0x5e: {  	s14 =	simm.s32 $0x0;
	s0 =	sadd.s32 s7, s0;
	[tilespmem:s12+$0x270] =	vst v0  }
0x5f: {  	[hbm4b:s0+s14] =	stream.linear.scatter [tilespmem:s19], [sflag:$0x5], $0x4000, $0x38;
	[tilespmem:$0x10200] =	vst v63  }
0x60: {  	_ =	swait.ge [sflag:s16], $0x4000  }
0x61: {  	[sflag:s16] =	ssyncset.done $0x0  }
0x62: {  	[sflag:s16] =	ssyncadd.s32 $0xFFFFC000  }
0x63: {  	_ =	swait.ge [sflag:s26], $0x4000  }
0x64: {  	[sflag:s26] =	ssyncset.done $0x0  }
0x65: {  	[sflag:s26] =	ssyncadd.s32 $0xFFFFC000  }
0x66: {  	_ =	swait.ge [sflag:s28], $0x4000  }
0x67: {  	[sflag:s28] =	ssyncset.done $0x0  }
0x68: {  	s0 =	simm.s32 $0x0;
	[sflag:s28] =	ssyncadd.s32 $0xFFFFC000  }
0x69: {  	v7 =	vld [tilespmem:s0+$0xC200]  }
0x6a: {  	v11 =	vld [tilespmem:s0+$0xC210]  }
0x6b: {  	v5 =	vld [tilespmem:s0+$0xC220]  }
0x6c: {  	v4 =	vld [tilespmem:s0+$0xC230]  }
0x6d: {  	v3 =	vld [tilespmem:s0+$0xC240]  }
0x6e: {  	v2 =	vld [tilespmem:s0+$0xC250]  }
0x6f: {  	v1 =	vld [tilespmem:s0+$0xC260]  }
0x70: {  	v0 =	vld [tilespmem:s0+$0xC270]  }
0x71: {  	v12 =	vld [tilespmem:s0+$0x4200]  }
0x72: {  	v13 =	vld [tilespmem:s0+$0x4210]  }
0x73: {  	v10 =	vld [tilespmem:s0+$0x4220]  }
0x74: {  	v9 =	vld [tilespmem:s0+$0x4230]  }
0x75: {  	v8 =	vld [tilespmem:s0+$0x4240]  }
0x76: {  	v6 =	vld [tilespmem:s0+$0x4250];
	v12 =	vadd.f32 v7, v12  }
0x77: {  	s12 =	simm.s32 $0x200;
	v11 =	vadd.f32 v11, v13;
	v7 =	vld [tilespmem:s0+$0x4260]  }
.LBB2_5:
0x78: {  	s13 =	sshra.s32 s12, $0x2;
	p1 =	sne.s32 s12, $0xFE00;
	[tilespmem:s0+$0x4200] =	vst v12;
	v5 =	vadd.f32 v5, v10;
	v10 =	vld [tilespmem:s0+$0x4270]  }
0x79: {  	v12 =	vld [tilespmem:s13+$0xC200];
	[tilespmem:s0+$0x4210] =	vst v11;
	v4 =	vadd.f32 v4, v9  }
0x7a: {  	v11 =	vld [tilespmem:s13+$0xC210];
	[tilespmem:s0+$0x4220] =	vst v5;
	v3 =	vadd.f32 v3, v8  }
0x7b: {  	v5 =	vld [tilespmem:s13+$0xC220];
	[tilespmem:s0+$0x4230] =	vst v4;
	v2 =	vadd.f32 v2, v6  }
0x7c: {  	v4 =	vld [tilespmem:s13+$0xC230];
	[tilespmem:s0+$0x4240] =	vst v3;
	v1 =	vadd.f32 v1, v7  }
0x7d: {  	v3 =	vld [tilespmem:s13+$0xC240];
	[tilespmem:s0+$0x4250] =	vst v2;
	v0 =	vadd.f32 v0, v10  }
0x7e: {  	v2 =	vld [tilespmem:s13+$0xC250];
	[tilespmem:s0+$0x4260] =	vst v1  }
0x7f: {  	v1 =	vld [tilespmem:s13+$0xC260];
	[tilespmem:s0+$0x4270] =	vst v0;
	s0 =	smov.u32 s13  }
0x80: {  	v0 =	vld [tilespmem:s0+$0xC270]  }
0x81: {  	v6 =	vld [tilespmem:s0+$0x4200]  }
0x82: {  	v7 =	vld [tilespmem:s0+$0x4210]  }
.Ltmp3:
0x83: {  	v10 =	vld [tilespmem:s0+$0x4220];
	(pc) =	sbr.rel @p1 .LBB2_5-.Ltmp3, $4  }
0x84: {  	v9 =	vld [tilespmem:s0+$0x4230]  }
0x85: {  	v8 =	vld [tilespmem:s0+$0x4240]  }
0x86: {  	v12 =	vadd.f32 v12, v6;
	v6 =	vld [tilespmem:s0+$0x4250]  }
0x87: {  	s12 =	sadd.s32 $0x200, s12;
	v11 =	vadd.f32 v11, v7;
	v7 =	vld [tilespmem:s0+$0x4260]  }
0x88: {  	[tilespmem:s0+$0x4200] =	vst v12;
	v5 =	vadd.f32 v5, v10;
	v63 =	vld [tilespmem:s0+$0x4270]  }
0x89: {  	[tilespmem:s0+$0x4210] =	vst v11;
	v4 =	vadd.f32 v4, v9  }
0x8a: {  	[tilespmem:s0+$0x4220] =	vst v5;
	v3 =	vadd.f32 v3, v8  }
0x8b: {  	[tilespmem:s0+$0x4230] =	vst v4;
	v2 =	vadd.f32 v2, v6  }
0x8c: {  	[tilespmem:s0+$0x4240] =	vst v3;
	v1 =	vadd.f32 v1, v7  }
0x8d: {  	s30 =	sadd.s32 $0x1, s30;
	[tilespmem:s0+$0x4250] =	vst v2;
	v0 =	vadd.f32 v0, v63  }
0x8e: {  	s12 =	sshll.u32 s31, $0xB;
	p1 =	sne.s32 s30, $0x13;
	[tilespmem:s0+$0x4260] =	vst v1  }
.Ltmp4:
0x8f: {  	s31 =	sadd.s32 s7, s12;
	[tilespmem:s0+$0x4270] =	vst v0;
	(pc) =	sbr.rel @p1 .LBB2_2-.Ltmp4, $4  }
0x90: {  	[hbm4b:s31+s1] =	stream.linear.scatter [tilespmem:s24], [sflag:$0x5], $0x4000, $0x38;
	[tilespmem:$0x10200] =	vst v63  }
0x91: {  	_ =	swait.ge [sflag:s16], $0x4000  }
0x92: {  	[sflag:s16] =	ssyncset.done $0x0  }
0x93: {  	[sflag:s16] =	ssyncadd.s32 $0xFFFFC000  }
0x94: {  	s0 =	simm.s32 $0x0  }
0x95: {  	[tilespmem:s0], [sflag:$0x5] =	stream.linear.gather [hbm4b:s9+s0], $0x80, $0x38;
	[tilespmem:$0x10200] =	vst v63  }
0x96: {  	_ =	swait.ge [sflag:s16], $0x80  }
0x97: {  	[sflag:s16] =	ssyncset.done $0x0  }
0x98: {  	[sflag:s16] =	ssyncadd.s32 $0xFFFFFF80  }
0x99: {  	[tilespmem:s17], [sflag:$0x5] =	stream.linear.gather [hbm4b:s10+s0], $0x80, $0x38;
	[tilespmem:$0x10200] =	vst v63  }
0x9a: {  	_ =	swait.ge [sflag:s16], $0x80  }
0x9b: {  	[sflag:s16] =	ssyncset.done $0x0  }
0x9c: {  	[sflag:s16] =	ssyncadd.s32 $0xFFFFFF80  }
0x9d: {  	[tilespmem:s19], [sflag:$0x1] =	stream.indirect.gather [hbm4b:s4+s18], $0x80, s0, s18, $0xb8;
	[tilespmem:$0x10200] =	vst v63  }
0x9e: {  	_ = 	snop  }
0x9f: {  	[tilespmem:s20], [sflag:$0x2] =	stream.indirect.gather [hbm4b:s6+s18], $0x80, s17, s18, $0xb8;
	[tilespmem:$0x10200] =	vst v63  }
0xa0: {  	_ =	swait.ge [sflag:s22], $0x4000  }
0xa1: {  	[sflag:s22] =	ssyncset.done $0x0  }
0xa2: {  	[sflag:s22] =	ssyncadd.s32 $0xFFFFC000  }
0xa3: {  	_ =	swait.ge [sflag:s23], $0x4000  }
0xa4: {  	[sflag:s23] =	ssyncset.done $0x0  }
0xa5: {  	s0 =	simm.s32 $0x0;
	[sflag:s23] =	ssyncadd.s32 $0xFFFFC000  }
0xa6: {  	v7 =	vld [tilespmem:s0+$0x8200]  }
0xa7: {  	v11 =	vld [tilespmem:s0+$0x8210]  }
0xa8: {  	v5 =	vld [tilespmem:s0+$0x8220]  }
0xa9: {  	v4 =	vld [tilespmem:s0+$0x8230]  }
0xaa: {  	v3 =	vld [tilespmem:s0+$0x8240]  }
0xab: {  	v2 =	vld [tilespmem:s0+$0x8250]  }
0xac: {  	v1 =	vld [tilespmem:s0+$0x8260]  }
0xad: {  	v0 =	vld [tilespmem:s0+$0x8270]  }
0xae: {  	v12 =	vld [tilespmem:s0+$0x200]  }
0xaf: {  	v13 =	vld [tilespmem:s0+$0x210]  }
0xb0: {  	v10 =	vld [tilespmem:s0+$0x220]  }
0xb1: {  	v9 =	vld [tilespmem:s0+$0x230]  }
0xb2: {  	v8 =	vld [tilespmem:s0+$0x240]  }
0xb3: {  	v6 =	vld [tilespmem:s0+$0x250];
	v12 =	vadd.f32 v7, v12  }
0xb4: {  	s12 =	simm.s32 $0x200;
	v11 =	vadd.f32 v11, v13;
	v7 =	vld [tilespmem:s0+$0x260]  }
.LBB2_8:
0xb5: {  	s13 =	sshra.s32 s12, $0x2;
	p1 =	sne.s32 s12, $0xFE00;
	[tilespmem:s0+$0x200] =	vst v12;
	v5 =	vadd.f32 v5, v10;
	v10 =	vld [tilespmem:s0+$0x270]  }
0xb6: {  	v12 =	vld [tilespmem:s13+$0x8200];
	[tilespmem:s0+$0x210] =	vst v11;
	v4 =	vadd.f32 v4, v9  }
0xb7: {  	v11 =	vld [tilespmem:s13+$0x8210];
	[tilespmem:s0+$0x220] =	vst v5;
	v3 =	vadd.f32 v3, v8  }
0xb8: {  	v5 =	vld [tilespmem:s13+$0x8220];
	[tilespmem:s0+$0x230] =	vst v4;
	v2 =	vadd.f32 v2, v6  }
0xb9: {  	v4 =	vld [tilespmem:s13+$0x8230];
	[tilespmem:s0+$0x240] =	vst v3;
	v1 =	vadd.f32 v1, v7  }
0xba: {  	v3 =	vld [tilespmem:s13+$0x8240];
	[tilespmem:s0+$0x250] =	vst v2;
	v0 =	vadd.f32 v0, v10  }
0xbb: {  	v2 =	vld [tilespmem:s13+$0x8250];
	[tilespmem:s0+$0x260] =	vst v1  }
0xbc: {  	v1 =	vld [tilespmem:s13+$0x8260];
	[tilespmem:s0+$0x270] =	vst v0;
	s0 =	smov.u32 s13  }
0xbd: {  	v0 =	vld [tilespmem:s0+$0x8270]  }
0xbe: {  	v6 =	vld [tilespmem:s0+$0x200]  }
0xbf: {  	v7 =	vld [tilespmem:s0+$0x210]  }
.Ltmp5:
0xc0: {  	v10 =	vld [tilespmem:s0+$0x220];
	(pc) =	sbr.rel @p1 .LBB2_8-.Ltmp5, $4  }
0xc1: {  	v9 =	vld [tilespmem:s0+$0x230]  }
0xc2: {  	v8 =	vld [tilespmem:s0+$0x240]  }
0xc3: {  	v12 =	vadd.f32 v12, v6;
	v6 =	vld [tilespmem:s0+$0x250]  }
0xc4: {  	s12 =	sadd.s32 $0x200, s12;
	v11 =	vadd.f32 v11, v7;
	v7 =	vld [tilespmem:s0+$0x260]  }
0xc5: {  	[tilespmem:s0+$0x200] =	vst v12;
	v5 =	vadd.f32 v5, v10;
	v63 =	vld [tilespmem:s0+$0x270]  }
0xc6: {  	[tilespmem:s0+$0x210] =	vst v11;
	v4 =	vadd.f32 v4, v9  }
0xc7: {  	[tilespmem:s0+$0x220] =	vst v5;
	v3 =	vadd.f32 v3, v8  }
0xc8: {  	[tilespmem:s0+$0x230] =	vst v4;
	v2 =	vadd.f32 v2, v6  }
0xc9: {  	[tilespmem:s0+$0x240] =	vst v3;
	v1 =	vadd.f32 v1, v7  }
0xca: {  	[tilespmem:s0+$0x250] =	vst v2;
	v0 =	vadd.f32 v0, v63  }
0xcb: {  	[tilespmem:s0+$0x260] =	vst v1  }
.Ltmp6:
0xcc: {  	[tilespmem:s0+$0x270] =	vst v0;
	(pc) =	sbr.rel @p0 .LBB2_13-.Ltmp6, $4  }
0xcd: {  	[hbm4b:s11+s1] =	stream.linear.scatter [tilespmem:s19], [sflag:$0x5], $0x4000, $0x38;
	[tilespmem:$0x10200] =	vst v63  }
0xce: {  	_ =	swait.ge [sflag:s16], $0x4000  }
0xcf: {  	[sflag:s16] =	ssyncset.done $0x0  }
0xd0: {  	[sflag:s16] =	ssyncadd.s32 $0xFFFFC000  }
0xd1: {  	s0 =	simm.s32 $0x0;
	s12 =	rddreg [dreg:$0x2]  }
0xd2: {  	[tilespmem:s0], [sflag:$0x5] =	stream.linear.gather [hbm4b:s12+s0], $0x80, $0x38;
	[tilespmem:$0x10200] =	vst v63  }
0xd3: {  	_ =	swait.ge [sflag:s16], $0x80  }
0xd4: {  	[sflag:s16] =	ssyncset.done $0x0  }
0xd5: {  	s31 =	rddreg [dreg:$0x3];
	[sflag:s16] =	ssyncadd.s32 $0xFFFFFF80  }
0xd6: {  	[tilespmem:s17], [sflag:$0x5] =	stream.linear.gather [hbm4b:s31+s0], $0x80, $0x38;
	[tilespmem:$0x10200] =	vst v63  }
0xd7: {  	_ =	swait.ge [sflag:s16], $0x80  }
0xd8: {  	[sflag:s16] =	ssyncset.done $0x0  }
0xd9: {  	[sflag:s16] =	ssyncadd.s32 $0xFFFFFF80  }
0xda: {  	[tilespmem:s19], [sflag:$0x1] =	stream.indirect.gather [hbm4b:s4+s18], $0x80, s0, s18, $0xb8;
	[tilespmem:$0x10200] =	vst v63  }
0xdb: {  	_ = 	snop  }
0xdc: {  	[tilespmem:s20], [sflag:$0x2] =	stream.indirect.gather [hbm4b:s6+s18], $0x80, s17, s18, $0xb8;
	[tilespmem:$0x10200] =	vst v63  }
0xdd: {  	_ =	swait.ge [sflag:s22], $0x4000  }
0xde: {  	[sflag:s22] =	ssyncset.done $0x0  }
0xdf: {  	[sflag:s22] =	ssyncadd.s32 $0xFFFFC000  }
0xe0: {  	_ =	swait.ge [sflag:s23], $0x4000  }
0xe1: {  	[sflag:s23] =	ssyncset.done $0x0  }
0xe2: {  	s0 =	simm.s32 $0x0;
	[sflag:s23] =	ssyncadd.s32 $0xFFFFC000  }
0xe3: {  	v7 =	vld [tilespmem:s0+$0x8200]  }
0xe4: {  	v11 =	vld [tilespmem:s0+$0x8210]  }
0xe5: {  	v5 =	vld [tilespmem:s0+$0x8220]  }
0xe6: {  	v4 =	vld [tilespmem:s0+$0x8230]  }
0xe7: {  	v3 =	vld [tilespmem:s0+$0x8240]  }
0xe8: {  	v2 =	vld [tilespmem:s0+$0x8250]  }
0xe9: {  	v1 =	vld [tilespmem:s0+$0x8260]  }
0xea: {  	v0 =	vld [tilespmem:s0+$0x8270]  }
0xeb: {  	v12 =	vld [tilespmem:s0+$0x200]  }
0xec: {  	v13 =	vld [tilespmem:s0+$0x210]  }
0xed: {  	v10 =	vld [tilespmem:s0+$0x220]  }
0xee: {  	v9 =	vld [tilespmem:s0+$0x230]  }
0xef: {  	v8 =	vld [tilespmem:s0+$0x240]  }
0xf0: {  	v6 =	vld [tilespmem:s0+$0x250];
	v12 =	vadd.f32 v7, v12  }
0xf1: {  	s12 =	simm.s32 $0x200;
	v11 =	vadd.f32 v11, v13;
	v7 =	vld [tilespmem:s0+$0x260]  }
.LBB2_11:
0xf2: {  	s13 =	sshra.s32 s12, $0x2;
	p1 =	sne.s32 s12, $0xFE00;
	[tilespmem:s0+$0x200] =	vst v12;
	v5 =	vadd.f32 v5, v10;
	v10 =	vld [tilespmem:s0+$0x270]  }
0xf3: {  	v12 =	vld [tilespmem:s13+$0x8200];
	[tilespmem:s0+$0x210] =	vst v11;
	v4 =	vadd.f32 v4, v9  }
0xf4: {  	v11 =	vld [tilespmem:s13+$0x8210];
	[tilespmem:s0+$0x220] =	vst v5;
	v3 =	vadd.f32 v3, v8  }
0xf5: {  	v5 =	vld [tilespmem:s13+$0x8220];
	[tilespmem:s0+$0x230] =	vst v4;
	v2 =	vadd.f32 v2, v6  }
0xf6: {  	v4 =	vld [tilespmem:s13+$0x8230];
	[tilespmem:s0+$0x240] =	vst v3;
	v1 =	vadd.f32 v1, v7  }
0xf7: {  	v3 =	vld [tilespmem:s13+$0x8240];
	[tilespmem:s0+$0x250] =	vst v2;
	v0 =	vadd.f32 v0, v10  }
0xf8: {  	v2 =	vld [tilespmem:s13+$0x8250];
	[tilespmem:s0+$0x260] =	vst v1  }
0xf9: {  	v1 =	vld [tilespmem:s13+$0x8260];
	[tilespmem:s0+$0x270] =	vst v0;
	s0 =	smov.u32 s13  }
0xfa: {  	v0 =	vld [tilespmem:s0+$0x8270]  }
0xfb: {  	v6 =	vld [tilespmem:s0+$0x200]  }
0xfc: {  	v7 =	vld [tilespmem:s0+$0x210]  }
.Ltmp7:
0xfd: {  	v10 =	vld [tilespmem:s0+$0x220];
	(pc) =	sbr.rel @p1 .LBB2_11-.Ltmp7, $4  }
0xfe: {  	v9 =	vld [tilespmem:s0+$0x230]  }
0xff: {  	v8 =	vld [tilespmem:s0+$0x240]  }
0x100: {  	v12 =	vadd.f32 v12, v6;
	v6 =	vld [tilespmem:s0+$0x250]  }
0x101: {  	s12 =	sadd.s32 $0x200, s12;
	v11 =	vadd.f32 v11, v7;
	v7 =	vld [tilespmem:s0+$0x260]  }
0x102: {  	[tilespmem:s0+$0x200] =	vst v12;
	v5 =	vadd.f32 v5, v10;
	v63 =	vld [tilespmem:s0+$0x270]  }
0x103: {  	[tilespmem:s0+$0x210] =	vst v11;
	v4 =	vadd.f32 v4, v9  }
0x104: {  	[tilespmem:s0+$0x220] =	vst v5;
	v3 =	vadd.f32 v3, v8  }
0x105: {  	[tilespmem:s0+$0x230] =	vst v4;
	v2 =	vadd.f32 v2, v6  }
0x106: {  	[tilespmem:s0+$0x240] =	vst v3;
	v1 =	vadd.f32 v1, v7  }
0x107: {  	[tilespmem:s0+$0x250] =	vst v2;
	v0 =	vadd.f32 v0, v63  }
0x108: {  	[tilespmem:s0+$0x260] =	vst v1  }
.Ltmp8:
0x109: {  	s31 =	rddreg [dreg:$0x4];
	[tilespmem:s0+$0x270] =	vst v0;
	(pc) =	sbr.rel .LBB2_13-.Ltmp8, $4  }
0x10a: {  	[hbm4b:s31+s1] =	stream.linear.scatter [tilespmem:s19], [sflag:$0x5], $0x4000, $0x38;
	[tilespmem:$0x10200] =	vst v63  }
0x10b: {  	_ =	swait.ge [sflag:s16], $0x4000  }
0x10c: {  	[sflag:s16] =	ssyncset.done $0x0  }
0x10d: {  	[sflag:s16] =	ssyncadd.s32 $0xFFFFC000  }
.LBB2_14:
0x10e: {  	_ =	sfence.sel $0x180000  }
0x10f: {  	[bflag:$0x0] =	sbarrier.arrive $0xFFFF  }
0x110: {  	_ =	strace $0x90000047  }
0x111: {  	[bflag:$0x2] =	sbarrier.arrive $0xFFFF  }
0x112: {  	s0 =	rddreg [dreg:$0x1]  }
0x113: {  	s0 =	sadd.s32 @!p0 $0x100000, s0  }
0x114: {  	[sflag:s0] =	ssyncadd.tile.s32 @!p0 $0x1;
	_ =	shalt  }
.Lfunc_end2:
_tile_overlayer_lowered:
.L_overlay_start_2:
0x115: {  	(tag) =	ssettag $0x2  }
0x116: {  	s0 =	rddreg [dreg:$0x0];
	s2 =	stileid.u32  }
0x117: {  	s1 =	rddreg [dreg:$0x1];
	p0 =	sne.s32 s2, $0x0  }
0x118: {  	s3 =	rddreg [dreg:$0x2];
	[bflag:$0x3] =	sbarrier.arrive $0xFFFF;
	s2 =	simm.s32 @!p0 $0x1C05  }
0x119: {  	[timem:s3], [sflag:s2] =	dma.local @!p0 [hbm:s0], s1  }
0x11a: {  	s0 =	simm.s32 @!p0 $0x5  }
0x11b: {  	_ =	swait.ge @!p0 [sflag:s0], s1  }
0x11c: {  	s1 =	ssub.s32 @!p0 $0x0, s1;
	[sflag:s0] =	ssyncset.done @!p0 $0x0  }
0x11d: {  	[sflag:s0] =	ssyncadd.s32 @!p0 s1  }
0x11e: {  	[bflag:$0x3] =	sbarrier.arrive $0xFFFF  }
0x11f: {  	_ =	shalt  }

// kernel: kernel.16.cloned.1.call-start
scs
__scs_entry_jumppad:
0x0: {  	(pc) =	sbr.rel $0x88, $3  }
0x1: {  	(tag) =	ssettag $0x0;
	lr =	simm.s32 $0x1  }
0x2: {  	[smem:$0x3F7B] =	sst lr;
	_ =	strace $0xD0000000  }
0x3: {  	_ = 	snop  }
0x4: {  	_ = 	snop  }
0x5: {  	_ = 	snop  }
0x6: {  	_ = 	snop  }
0x7: {  	_ = 	snop  }
__scs_overlays_trampoline_lowered:
0x8: {  	[smem:$0x3F8A] =	sst s0  }
0x9: {  	[smem:$0x3F8B] =	sst s1  }
0xa: {  	[smem:$0x3F8C] =	sst s2  }
0xb: {  	[smem:$0x3F8D] =	sst s3  }
0xc: {  	[smem:$0x3F8E] =	sst s4  }
0xd: {  	[smem:$0x3F8F] =	sst s5  }
0xe: {  	[smem:$0x3F90] =	sst s6  }
0xf: {  	[smem:$0x3F91] =	sst s7  }
0x10: {  	[smem:$0x3F92] =	sst s8  }
0x11: {  	[smem:$0x3F93] =	sst s9;
	s0 =	simm.s32 @!p0 $0x0  }
0x12: {  	s1 =	sld [smem:$0x3F79];
	s0 =	simm.s32 @p0 $0x1  }
0x13: {  	[smem:$0x3F94] =	sst s0;
	s0 =	simm.s32 @!p1 $0x0  }
0x14: {  	s2 =	sld [smem:$0x3F78];
	s0 =	simm.s32 @p1 $0x1  }
0x15: {  	[smem:$0x3F95] =	sst s0;
	s0 =	simm.s32 @!p2 $0x0  }
0x16: {  	s3 =	sld [smem:$0x3FDB];
	s0 =	simm.s32 @p2 $0x1  }
0x17: {  	s4 =	simm.s32 $0x1BF5;
	[smem:$0x3F97] =	sst s0  }
0x18: {  	s0 =	sld [smem:$0x3F7A];
	_ =	swait.ge [sflag:s4], $0x0  }
0x19: {  	s7 =	sld [smem:$0x3F7B]  }
0x1a: {  	s8 =	sadd.s32 $0xFFFFE003, lr  }
0x1b: {  	s9 =	sadd.s32 $0xFFFFFEF7, lr;
	s5 =	simm.s32 $0xFFFFFFFF;
	p2 =	slt.u32 s8, $0xFFFFF086  }
0x1c: {  	p1 =	slt.u32 s9, $0xF7A;
	s5 =	simm.s32 @!p2 $0x0  }
0x1d: {  	s5 =	simm.s32 @p1 $0x1;
	p0 =	seq.s32 s7, s2  }
0x1e: {  	s7 =	smul.u32 @!p0 $0xF7A, s2;
	p2 =	seq.s32 @!p0 s5, $0x0  }
0x1f: {  	s9 =	smul.u32 $0xF7A, s1;
	s8 =	simm.s32 @!p0 $0x1BF5;
	p2 =	por !p2, p0  }
0x20: {  	[sflag:s8] =	ssyncset.s32 @!p0 $0xFFFFF086;
	s6 =	sadd.s32 @!p0 s3, s7;
	s7 =	simm.s32 @!p0 $0x108  }
0x21: {  	s3 =	sadd.s32 s3, s9;
	s6 =	sadd.s32 @!p0 $0x88, s6;
	s7 =	simm.s32 @p2 $0x1082  }
0x22: {  	[simem:s7], [sflag:s8] =	dma.local @!p0 [hbm:s6], $0xF7A  }
0x23: {  	s9 =	sor.u32 $0xD0000000, s2;
	s6 =	simm.s32 $0x108;
	_ =	swait.ge @!p0 [sflag:s8], $0x0  }
0x24: {  	s3 =	sadd.s32 $0x88, s3;
	s6 =	simm.s32 @!p1 $0x1082;
	[sflag:s4] =	ssyncset.s32 $0xFFFFF086  }
0x25: {  	[simem:s6], [sflag:s4] =	dma.local [hbm:s3], $0xF7A  }
0x26: {  	[smem:$0x3F7B] =	sst s1;
	(tag) =	ssettag s2;
	_ =	strace s9  }
0x27: {  	s1 =	sld [smem:$0x3F8B]  }
0x28: {  	s2 =	sld [smem:$0x3F8C]  }
0x29: {  	s4 =	sld [smem:$0x3F8E]  }
0x2a: {  	p0 =	seq.s32 s5, $0x0;
	s5 =	sld [smem:$0x3F8F]  }
0x2b: {  	s6 =	sld [smem:$0x3F90]  }
0x2c: {  	s7 =	sld [smem:$0x3F91]  }
0x2d: {  	s3 =	simm.s32 $0x108;
	s8 =	sld [smem:$0x3F92]  }
0x2e: {  	s3 =	simm.s32 @!p0 $0x1082;
	s9 =	sld [smem:$0x3F93]  }
0x2f: {  	lr =	sadd.s32 s0, s3;
	s0 =	sld [smem:$0x3F8A]  }
0x30: {  	s3 =	sld [smem:$0x3F8D]  }
0x31: {  	[smem:$0x3F96] =	sst s10  }
0x32: {  	s10 =	sld [smem:$0x3F94];
	_ =	sdelay $0x3  }
0x33: {  	p0 =	seq.s32 s10, $0x1;
	s10 =	sld [smem:$0x3F96];
	_ =	sdelay $0x3  }
0x34: {  	[smem:$0x3F96] =	sst s10  }
0x35: {  	s10 =	sld [smem:$0x3F95];
	_ =	sdelay $0x3  }
0x36: {  	p1 =	seq.s32 s10, $0x1;
	s10 =	sld [smem:$0x3F96];
	_ =	sdelay $0x3  }
0x37: {  	[smem:$0x3F96] =	sst s10  }
0x38: {  	s10 =	sld [smem:$0x3F97]  }
0x39: {  	_ = 	snop;
	(pc) =	sbr.ind lr, $3  }
0x3a: {  	_ = 	snop  }
0x3b: {  	_ = 	snop  }
0x3c: {  	p2 =	seq.s32 s10, $0x1;
	s10 =	sld [smem:$0x3F96]  }
0x3d: {  	_ =	shalt  }
0x3e: {  	_ =	shalt  }
0x3f: {  	_ =	shalt  }
0x40: {  	_ =	shalt  }
0x41: {  	_ =	shalt  }
0x42: {  	_ =	shalt  }
0x43: {  	_ =	shalt  }
0x44: {  	_ =	shalt  }
0x45: {  	_ =	shalt  }
0x46: {  	_ =	shalt  }
0x47: {  	_ =	shalt  }
0x48: {  	_ =	shalt  }
0x49: {  	_ =	shalt  }
0x4a: {  	_ =	shalt  }
0x4b: {  	_ =	shalt  }
0x4c: {  	_ =	shalt  }
0x4d: {  	_ =	shalt  }
0x4e: {  	_ =	shalt  }
0x4f: {  	_ =	shalt  }
0x50: {  	_ =	shalt  }
0x51: {  	_ =	shalt  }
0x52: {  	_ =	shalt  }
0x53: {  	_ =	shalt  }
0x54: {  	_ =	shalt  }
0x55: {  	_ =	shalt  }
0x56: {  	_ =	shalt  }
0x57: {  	_ =	shalt  }
0x58: {  	_ =	shalt  }
0x59: {  	_ =	shalt  }
0x5a: {  	_ =	shalt  }
0x5b: {  	_ =	shalt  }
0x5c: {  	_ =	shalt  }
0x5d: {  	_ =	shalt  }
0x5e: {  	_ =	shalt  }
0x5f: {  	_ =	shalt  }
0x60: {  	_ =	shalt  }
0x61: {  	_ =	shalt  }
0x62: {  	_ =	shalt  }
0x63: {  	_ =	shalt  }
0x64: {  	_ =	shalt  }
0x65: {  	_ =	shalt  }
0x66: {  	_ =	shalt  }
0x67: {  	_ =	shalt  }
0x68: {  	_ =	shalt  }
0x69: {  	_ =	shalt  }
0x6a: {  	_ =	shalt  }
0x6b: {  	_ =	shalt  }
0x6c: {  	_ =	shalt  }
0x6d: {  	_ =	shalt  }
0x6e: {  	_ =	shalt  }
0x6f: {  	_ =	shalt  }
0x70: {  	_ =	shalt  }
0x71: {  	_ =	shalt  }
0x72: {  	_ =	shalt  }
0x73: {  	_ =	shalt  }
0x74: {  	_ =	shalt  }
0x75: {  	_ =	shalt  }
0x76: {  	_ =	shalt  }
0x77: {  	_ =	shalt  }
0x78: {  	_ =	shalt  }
0x79: {  	_ =	shalt  }
0x7a: {  	_ =	shalt  }
0x7b: {  	_ =	shalt  }
0x7c: {  	_ =	shalt  }
0x7d: {  	_ =	shalt  }
0x7e: {  	_ =	shalt  }
0x7f: {  	_ =	shalt  }
0x80: {  	_ =	shalt  }
0x81: {  	_ =	shalt  }
0x82: {  	_ =	shalt  }
0x83: {  	_ =	shalt  }
0x84: {  	_ =	shalt  }
0x85: {  	_ =	shalt  }
0x86: {  	_ =	shalt  }
0x87: {  	_ =	shalt  }
.Lfunc_end0:
.L_simem_size_0:
called_computation.2_lowered:
.L_overlay_start_0:
0x88: {  	s2 =	sld [smem:$0x3FD9]  }
0x89: {  	s3 =	sld [smem:$0x3FFE];
	_ =	sdelay $0x1  }
0x8a: {  	s1 =	srdreg.scid  }
0x8b: {  	s0 =	sand.u32 $0x1, s1  }
0x8c: {  	s17 =	sshll.u32 s0, $0xA;
	s2 =	sadd.s32 s3, s2  }
0x8d: {  	s2 =	sadd.s32 s2, s17  }
0x8e: {  	[smem:$0x3FA2] =	sst s2  }
0x8f: {  	_ = 	snop  }
0x90: {  	(tm) =	ssettm $0x1  }
0x91: {  	s18 =	sld [smem:$0x3FFB];
	_ =	sdelay $0x3  }
0x92: {  	_ =	strace s18  }
0x93: {  	s2 =	sld [smem:$0x3FFC];
	_ =	sdelay $0x3  }
0x94: {  	_ =	strace s2  }
0x95: {  	s2 =	sld [smem:$0x3FFD];
	_ =	sdelay $0x3  }
0x96: {  	_ =	strace s2  }
0x97: {  	_ =	strace $0x8FFFFFFF  }
0x98: {  	s19 =	sld [smem:$0x3FDB];
	_ =	sdelay $0x1  }
0x99: {  	s20 =	simm.s32 $_scs_section_size  }
0x9a: {  	s4 =	simm.s32 $_size__tile_overlayer_lowered;
	s5 =	simm.s32 $_tile_overlayer_lowered  }
0x9b: {  	s6 =	simm.s32 $0x1BFF;
	s21 =	sshll.u32 s5, $0x1;
	s3 =	sadd.s32 s20, s19  }
0x9c: {  	s22 =	simm.s32 $0x0;
	s4 =	sshll.u32 s4, $0x1;
	s5 =	sadd.s32 s21, s3  }
0x9d: {  	[timem:s22], [sflag:s6] =	dma.local [hbm:s5], s4  }
0x9e: {  	_ =	swait.ge [sflag:s6], s4  }
0x9f: {  	s4 =	ssub.s32 $0x0, s4;
	[sflag:s6] =	ssyncset.done $0x0  }
0xa0: {  	[sflag:s6] =	ssyncadd.s32 s4;
	_ =	sdelay $0x1  }
0xa1: {  	s23 =	simm.s32 $0x1B8B  }
0xa2: {  	_ =	swait.ge [sflag:s23], $0x1  }
0xa3: {  	[sflag:s23] =	ssyncset.done $0x0  }
0xa4: {  	[sflag:s23] =	ssyncadd.s32 $0xFFFFFFFF  }
0xa5: {  	s4 =	sld [smem:$0x0]  }
0xa6: {  	s5 =	sand.u32 $0xFFFFFFFE, s1  }
0xa7: {  	p0 =	sne.s32 s1, s5  }
0xa8: {  	s5 =	sshll.u32 @p0 s5, $0xE  }
0xa9: {  	s5 =	sadd.s32 @p0 $0x11B8D, s5;
	s6 =	sshll.u32 @p0 s4, $0x11  }
0xaa: {  	s5 =	sor.u32 @p0 s6, s5  }
0xab: {  	[sflag:s5] =	ssyncadd.remote.s32 @p0 $0x1;
	_ =	sdelay $0x1  }
0xac: {  	s5 =	simm.s32 @p0 $0x1B8D  }
0xad: {  	_ =	swait.eq @p0 [sflag:s5], $0x1  }
0xae: {  	[sflag:s5] =	ssyncadd.s32 @p0 $0xFFFFFFFF  }
0xaf: {  	s6 =	sshll.u32 @!p0 s1, $0xE  }
0xb0: {  	s6 =	sor.u32 @!p0 $0x4000, s6;
	s5 =	simm.s32 @!p0 $0x1B8D  }
0xb1: {  	s4 =	sshll.u32 @!p0 s4, $0x11;
	s6 =	sadd.s32 @!p0 $0x11B8D, s6;
	_ =	swait.eq @!p0 [sflag:s5], $0x1  }
0xb2: {  	s4 =	sor.u32 @!p0 s4, s6;
	[sflag:s5] =	ssyncadd.s32 @!p0 $0xFFFFFFFF  }
0xb3: {  	s25 =	simm.s32 $0x1B8E;
	s24 =	sld [smem:$0x3FFE];
	[sflag:s4] =	ssyncadd.remote.s32 @!p0 $0x1  }
0xb4: {  	s26 =	simm.s32 $execute0_lowered;
	[smem:$0x3FD2] =	sst s25  }
0xb5: {  	s5 =	sshll.u32 s26, $0x1;
	_ =	strace $0x8000004F;
	[dreg:$0x1] =	wrdreg $0xFFFFFFFF  }
0xb6: {  	s28 =	simm.s32 $_size_execute0_lowered;
	s3 =	sadd.s32 s3, s5;
	[dreg:$0x0] =	wrdreg $0x0  }
0xb7: {  	s5 =	sshll.u32 s28, $0x1;
	[dreg:$0x2] =	wrdreg s3  }
0xb8: {  	[dreg:$0x3] =	wrdreg s5  }
0xb9: {  	[dreg:$0x4] =	wrdreg $0xC0  }
0xba: {  	_ =	task [dreg:s22], $0x5FFFF  }
0xbb: {  	[dreg:$0x1] =	wrdreg $0xFFFFFFFF  }
0xbc: {  	[dreg:$0x0] =	wrdreg $0x60  }
0xbd: {  	[dreg:$0x2] =	wrdreg s24  }
0xbe: {  	[dreg:$0x3] =	wrdreg $0xC2000  }
0xbf: {  	[dreg:$0x4] =	wrdreg $0x9  }
0xc0: {  	_ =	task.clear_ibuf [dreg:s22], $0x5FFFF;
	_ =	strace $0x9000004F  }
0xc1: {  	s29 =	simm.s32 $0x9;
	_ =	strace $0x80000051  }
0xc2: {  	_ =	swait.ge [sflag:s29], $0x1  }
0xc3: {  	[sflag:s29] =	ssyncadd.s32 $0xFFFFFFFF  }
0xc4: {  	_ =	strace $0x90000051  }
0xc5: {  	_ =	sfence  }
0xc6: {  	s30 =	sld [smem:$0x0];
	_ =	sdelay $0x2  }
0xc7: {  	s31 =	sshll.u32 s1, $0xD;
	s1 =	sshrl.u32 s1, $0x2  }
0xc8: {  	s4 =	sand.u32 $0x4000, s31;
	s1 =	sadd.s32 s1, s30  }
0xc9: {  	s0 =	sor.u32 s4, s0;
	s1 =	sshll.u32 s1, $0x11  }
0xca: {  	s0 =	sor.u32 s1, s0  }
0xcb: {  	s0 =	sadd.s32 $0x8F2B, s0  }
0xcc: {  	[sflag:s0] =	ssyncadd.remote.s32 $0x1  }
0xcd: {  	_ =	sfence.sel $0xFFFF  }
0xce: {  	[dreg:$0x0] =	wrdreg $0xFFFFFFFF;
	(pc) =	sbr.abs _section_cstart, $3  }
0xcf: {  	[dreg:$0x1] =	wrdreg $0xFFFFFFFF  }
0xd0: {  	_ =	task.clear_ibuf [dreg:s22], $0x2FFFF;
	_ =	strace $0x9FFFFFFF  }
0xd1: {  	(tm) =	ssettm $0x7FFFFFFF  }
tec
execute0_lowered:
.L_overlay_start_1:
0x0: {  	(tag) =	ssettag $0x1  }
0x1: {  	s5 =	rddreg [dreg:$0x0]  }
0x2: {  	s0 =	srdreg.scid;
	s2 =	rddreg [dreg:$0x1]  }
0x3: {  	s1 =	rddreg [dreg:$0x2];
	s3 =	simm.s32 $0x0;
	s17 =	simm.s32 $0x200  }
0x4: {  	s18 =	simm.s32 $0x80;
	s19 =	simm.s32 $0x4200;
	s20 =	simm.s32 $0x100  }
0x5: {  	s21 =	simm.s32 $0x8200;
	s22 =	simm.s32 $0x1;
	s6 =	sand.u32 $0x1, s0  }
0x6: {  	s23 =	simm.s32 $0x2;
	s0 =	stileid.u32;
	s4 =	smul.u32 $0x138800, s6  }
0x7: {  	[smem:$0x7FF] =	sst s3;
	s13 =	sadd.s32 $0xD2F800, s5;
	s7 =	smul.u32 $0x1F400, s0  }
0x8: {  	s11 =	sadd.s32 $0x3C200, s5;
	_ =	strace $0x80000050;
	s25 =	smul.u32 $0x7D000, s0  }
0x9: {  	s24 =	ssub.s32 $0x2, s6;
	s9 =	sshll.u32 s0, $0x7;
	s6 =	smul.u32 $0x1388000, s6  }
0xa: {  	s12 =	sshll.u32 s0, $0xE;
	s15 =	sshll.u32 s0, $0x4;
	p0 =	sgt.u32 s0, $0x9  }
0xb: {  	p1 =	sgt.u32 s0, $0x1;
	s10 =	sshrl.u32 s24, $0x1;
	s9 =	sor.u32 $0x27000, s9  }
0xc: {  	s16 =	sshll.u32 @!p0 s0, $0x6;
	s4 =	sadd.s32 s7, s4;
	s10 =	ssub.s32 s24, s10  }
0xd: {  	s26 =	sshrl.u32 s25, $0x2;
	s28 =	sshll.u32 s9, $0x7;
	s9 =	sshrl.u32 s9, $0x3  }
0xe: {  	s12 =	sadd.s32 s12, s6;
	s24 =	simm.s32 $0x3;
	s25 =	simm.s32 $0x0  }
0xf: {  	s7 =	sshrl.u32 s4, $0x3;
	s4 =	sadd.s32 $0x6000, s5;
	s29 =	sadd.s32 $0x80000, s12  }
0x10: {  	s30 =	sadd.s32 $0x40000, s12;
	s31 =	sshrl.u32 s12, $0x3;
	s8 =	sadd.s32 s7, s5  }
0x11: {  	s5 =	sadd.s32 s26, s2;
	s7 =	sadd.s32 s6, s28;
	s6 =	sadd.s32 s11, s9  }
.Ltmp0:
0x12: {  	s14 =	sshrl.u32 s29, $0x3;
	s9 =	smax.u32 s10, $0x1;
	(pc) =	sbr.rel .LBB2_1-.Ltmp0, $4  }
0x13: {  	s11 =	sadd.s32 s15, s11;
	s7 =	sshrl.u32 s7, $0x3;
	s8 =	sadd.s32 $0xAC400, s8  }
0x14: {  	s10 =	sadd.s32 s14, s13;
	s11 =	sadd.s32 $0x200, s11;
	s14 =	sshrl.u32 s30, $0x3  }
0x15: {  	s15 =	sshrl.u32 @!p0 s5, $0x3;
	s7 =	sadd.s32 s13, s7;
	s12 =	sadd.s32 s14, s13  }
0x16: {  	s13 =	sadd.s32 s31, s13;
	s14 =	sor.u32 @!p0 $0x1C04, s16;
	s16 =	simm.s32 $0x4  }
.LBB2_4:
0x17: {  	[tilespmem:s3], [sflag:$0x4] =	stream.linear.gather [hbm4b:s6+s3], $0x80, $0x38;
	[tilespmem:$0x1FA80] =	vst v63  }
0x18: {  	_ =	swait.ge [sflag:s16], $0x80  }
0x19: {  	[sflag:s16] =	ssyncset.done $0x0  }
0x1a: {  	[sflag:s16] =	ssyncadd.s32 $0xFFFFFF80  }
0x1b: {  	[tilespmem:s17], [sflag:$0x1] =	stream.linear.gather [hbm4b:s7+s3], $0x4000, $0x38;
	[tilespmem:$0x1FA80] =	vst v63  }
0x1c: {  	_ =	swait.ge [sflag:s22], $0x4000  }
0x1d: {  	[sflag:s22] =	ssyncset.done $0x0  }
0x1e: {  	[sflag:s22] =	ssyncadd.s32 $0xFFFFC000  }
0x1f: {  	[spmem:s2] =	stream.indirect.scatter.add.f32 [tilespmem:s17], [sflag:$0x4], $0x80, s3, s18, $0xb8;
	[tilespmem:$0x1FA80] =	vst v63  }
0x20: {  	_ =	swait.ge [sflag:s16], $0x4000  }
0x21: {  	[sflag:s16] =	ssyncset.done $0x0  }
0x22: {  	[sflag:s16] =	ssyncadd.s32 $0xFFFFC000  }
0x23: {  	[bflag:$0x0] =	sbarrier.arrive $0xFFFF  }
.LBB2_6:
0x24: {  	s26 =	sshll.u32 s0, $0x6  }
0x25: {  	s28 =	sshrl.u32 s5, $0x3;
	s26 =	sor.u32 $0x1C04, s26  }
0x26: {  	[hbm:s8], [sflag:s26] =	dma.local [spmem:s28], $0x3E80  }
0x27: {  	_ =	swait.ge [sflag:s16], $0x3E80  }
0x28: {  	[sflag:s16] =	ssyncset.done $0x0  }
0x29: {  	[sflag:s16] =	ssyncadd.s32 $0xFFFFC180  }
.LBB2_7:
0x2a: {  	s25 =	sadd.s32 $0x1, s25  }
0x2b: {  	p2 =	sne.s32 s25, s9  }
.Ltmp1:
0x2c: {  	_ = 	snop;
	(pc) =	sbr.rel @!p2 .LBB2_8-.Ltmp1, $1  }
0x2d: {  	_ =	sdelay $0x3  }
.LBB2_1:
0x2e: {  	[spmem:s15], [sflag:s14] =	dma.local @!p0 [hbm:s4], $0x3E80  }
0x2f: {  	s26 =	simm.s32 @!p0 $0x4  }
0x30: {  	_ =	swait.ge @!p0 [sflag:s26], $0x3E80  }
0x31: {  	[sflag:s26] =	ssyncset.done @!p0 $0x0  }
0x32: {  	[sflag:s26] =	ssyncadd.s32 @!p0 $0xFFFFC180  }
0x33: {  	s31 =	sadd.s32 $0xFFFFFE00, s11;
	[bflag:$0x0] =	sbarrier.arrive $0xFFFF  }
0x34: {  	[tilespmem:s3], [sflag:$0x4] =	stream.linear.gather [hbm4b:s31+s3], $0x80, $0x38;
	[tilespmem:$0x1FA80] =	vst v63  }
0x35: {  	_ =	swait.ge [sflag:s16], $0x80  }
0x36: {  	[sflag:s16] =	ssyncset.done $0x0  }
0x37: {  	s30 =	sadd.s32 $0x0, s13;
	[sflag:s16] =	ssyncadd.s32 $0xFFFFFF80  }
0x38: {  	[tilespmem:s17], [sflag:$0x1] =	stream.linear.gather [hbm4b:s30+s3], $0x4000, $0x38;
	[tilespmem:$0x1FA80] =	vst v63  }
0x39: {  	s31 =	sadd.s32 $0xFFFFFF00, s11  }
0x3a: {  	[tilespmem:s18], [sflag:$0x4] =	stream.linear.gather [hbm4b:s31+s3], $0x80, $0x38;
	[tilespmem:$0x1FA80] =	vst v63  }
0x3b: {  	_ =	swait.ge [sflag:s16], $0x80  }
0x3c: {  	[sflag:s16] =	ssyncset.done $0x0  }
0x3d: {  	s30 =	sadd.s32 $0x0, s12;
	[sflag:s16] =	ssyncadd.s32 $0xFFFFFF80  }
0x3e: {  	[tilespmem:s19], [sflag:$0x2] =	stream.linear.gather [hbm4b:s30+s3], $0x4000, $0x38;
	[tilespmem:$0x1FA80] =	vst v63  }
0x3f: {  	_ = 	snop  }
0x40: {  	[tilespmem:s20], [sflag:$0x4] =	stream.linear.gather [hbm4b:s11+s3], $0x80, $0x38;
	[tilespmem:$0x1FA80] =	vst v63  }
0x41: {  	_ =	swait.ge [sflag:s16], $0x80  }
0x42: {  	[sflag:s16] =	ssyncset.done $0x0  }
0x43: {  	s31 =	sadd.s32 $0x0, s10;
	[sflag:s16] =	ssyncadd.s32 $0xFFFFFF80  }
0x44: {  	[tilespmem:s21], [sflag:$0x3] =	stream.linear.gather [hbm4b:s31+s3], $0x4000, $0x38;
	[tilespmem:$0x1FA80] =	vst v63  }
0x45: {  	_ =	swait.ge [sflag:s22], $0x4000  }
0x46: {  	[sflag:s22] =	ssyncset.done $0x0  }
0x47: {  	[sflag:s22] =	ssyncadd.s32 $0xFFFFC000  }
0x48: {  	[spmem:s2] =	stream.indirect.scatter.add.f32 [tilespmem:s17], [sflag:$0x4], $0x80, s3, s18, $0xb8;
	[tilespmem:$0x1FA80] =	vst v63  }
0x49: {  	_ =	swait.ge [sflag:s16], $0x4000  }
0x4a: {  	[sflag:s16] =	ssyncset.done $0x0  }
0x4b: {  	[sflag:s16] =	ssyncadd.s32 $0xFFFFC000  }
0x4c: {  	_ =	swait.ge [sflag:s23], $0x4000  }
0x4d: {  	[sflag:s23] =	ssyncset.done $0x0  }
0x4e: {  	[sflag:s23] =	ssyncadd.s32 $0xFFFFC000  }
0x4f: {  	[spmem:s2] =	stream.indirect.scatter.add.f32 [tilespmem:s19], [sflag:$0x4], $0x80, s18, s18, $0xb8;
	[tilespmem:$0x1FA80] =	vst v63  }
0x50: {  	_ =	swait.ge [sflag:s16], $0x4000  }
0x51: {  	[sflag:s16] =	ssyncset.done $0x0  }
0x52: {  	[sflag:s16] =	ssyncadd.s32 $0xFFFFC000  }
0x53: {  	_ =	swait.ge [sflag:s24], $0x4000  }
0x54: {  	[sflag:s24] =	ssyncset.done $0x0  }
0x55: {  	[sflag:s24] =	ssyncadd.s32 $0xFFFFC000  }
0x56: {  	[spmem:s2] =	stream.indirect.scatter.add.f32 [tilespmem:s21], [sflag:$0x4], $0x80, s20, s18, $0xb8;
	[tilespmem:$0x1FA80] =	vst v63  }
0x57: {  	s29 =	simm.s32 $0x30000;
	_ =	swait.ge [sflag:s16], $0x4000  }
0x58: {  	s28 =	sadd.s32 $0x300, s11;
	s26 =	simm.s32 $0x18000;
	[sflag:s16] =	ssyncset.done $0x0  }
.LBB2_2:
0x59: {  	p2 =	sne.s32 s29, $0x258000;
	s30 =	sadd.s32 $0xFFFFFE00, s28;
	[sflag:s16] =	ssyncadd.s32 $0xFFFFC000  }
0x5a: {  	[tilespmem:s3], [sflag:$0x4] =	stream.linear.gather [hbm4b:s30+s3], $0x80, $0x38;
	[tilespmem:$0x1FA80] =	vst v63  }
0x5b: {  	s30 =	smov.u32 s29;
	s29 =	sadd.s32 $0x18000, s29;
	_ =	swait.ge [sflag:s16], $0x80  }
0x5c: {  	[sflag:s16] =	ssyncset.done $0x0  }
0x5d: {  	s31 =	sadd.s32 s26, s13;
	[sflag:s16] =	ssyncadd.s32 $0xFFFFFF80  }
0x5e: {  	[tilespmem:s17], [sflag:$0x1] =	stream.linear.gather [hbm4b:s31+s3], $0x4000, $0x38;
	[tilespmem:$0x1FA80] =	vst v63  }
0x5f: {  	s31 =	sadd.s32 $0xFFFFFF00, s28  }
0x60: {  	[tilespmem:s18], [sflag:$0x4] =	stream.linear.gather [hbm4b:s31+s3], $0x80, $0x38;
	[tilespmem:$0x1FA80] =	vst v63  }
0x61: {  	_ =	swait.ge [sflag:s16], $0x80  }
0x62: {  	[sflag:s16] =	ssyncset.done $0x0  }
0x63: {  	s31 =	sadd.s32 s26, s12;
	[sflag:s16] =	ssyncadd.s32 $0xFFFFFF80  }
0x64: {  	[tilespmem:s19], [sflag:$0x2] =	stream.linear.gather [hbm4b:s31+s3], $0x4000, $0x38;
	[tilespmem:$0x1FA80] =	vst v63  }
0x65: {  	_ = 	snop  }
0x66: {  	[tilespmem:s20], [sflag:$0x4] =	stream.linear.gather [hbm4b:s28+s3], $0x80, $0x38;
	[tilespmem:$0x1FA80] =	vst v63  }
0x67: {  	_ =	swait.ge [sflag:s16], $0x80  }
0x68: {  	[sflag:s16] =	ssyncset.done $0x0  }
0x69: {  	s31 =	sadd.s32 s26, s10;
	s26 =	smov.u32 s30;
	[sflag:s16] =	ssyncadd.s32 $0xFFFFFF80  }
0x6a: {  	[tilespmem:s21], [sflag:$0x3] =	stream.linear.gather [hbm4b:s31+s3], $0x4000, $0x38;
	[tilespmem:$0x1FA80] =	vst v63  }
0x6b: {  	_ =	swait.ge [sflag:s22], $0x4000  }
0x6c: {  	[sflag:s22] =	ssyncset.done $0x0  }
0x6d: {  	[sflag:s22] =	ssyncadd.s32 $0xFFFFC000  }
0x6e: {  	[spmem:s2] =	stream.indirect.scatter.add.f32 [tilespmem:s17], [sflag:$0x4], $0x80, s3, s18, $0xb8;
	[tilespmem:$0x1FA80] =	vst v63  }
0x6f: {  	_ =	swait.ge [sflag:s16], $0x4000  }
0x70: {  	[sflag:s16] =	ssyncset.done $0x0  }
0x71: {  	[sflag:s16] =	ssyncadd.s32 $0xFFFFC000  }
0x72: {  	_ =	swait.ge [sflag:s23], $0x4000  }
0x73: {  	[sflag:s23] =	ssyncset.done $0x0  }
0x74: {  	[sflag:s23] =	ssyncadd.s32 $0xFFFFC000  }
0x75: {  	[spmem:s2] =	stream.indirect.scatter.add.f32 [tilespmem:s19], [sflag:$0x4], $0x80, s18, s18, $0xb8;
	[tilespmem:$0x1FA80] =	vst v63  }
0x76: {  	_ =	swait.ge [sflag:s16], $0x4000  }
0x77: {  	[sflag:s16] =	ssyncset.done $0x0  }
0x78: {  	[sflag:s16] =	ssyncadd.s32 $0xFFFFC000  }
0x79: {  	_ =	swait.ge [sflag:s24], $0x4000  }
.Ltmp2:
0x7a: {  	[sflag:s24] =	ssyncset.done $0x0;
	(pc) =	sbr.rel @p2 .LBB2_2-.Ltmp2, $4  }
0x7b: {  	[sflag:s24] =	ssyncadd.s32 $0xFFFFC000  }
0x7c: {  	[spmem:s2] =	stream.indirect.scatter.add.f32 [tilespmem:s21], [sflag:$0x4], $0x80, s20, s18, $0xb8;
	[tilespmem:$0x1FA80] =	vst v63  }
0x7d: {  	_ =	swait.ge [sflag:s16], $0x4000  }
0x7e: {  	s28 =	sadd.s32 $0x300, s28;
	[sflag:s16] =	ssyncset.done $0x0  }
0x7f: {  	s29 =	sadd.s32 $0xFFFFFE00, s28;
	[sflag:s16] =	ssyncadd.s32 $0xFFFFC000  }
0x80: {  	[tilespmem:s3], [sflag:$0x4] =	stream.linear.gather [hbm4b:s29+s3], $0x80, $0x38;
	[tilespmem:$0x1FA80] =	vst v63  }
0x81: {  	_ =	swait.ge [sflag:s16], $0x80  }
0x82: {  	[sflag:s16] =	ssyncset.done $0x0  }
0x83: {  	s30 =	sadd.s32 s26, s13;
	[sflag:s16] =	ssyncadd.s32 $0xFFFFFF80  }
0x84: {  	[tilespmem:s17], [sflag:$0x1] =	stream.linear.gather [hbm4b:s30+s3], $0x4000, $0x38;
	[tilespmem:$0x1FA80] =	vst v63  }
0x85: {  	s31 =	sadd.s32 $0xFFFFFF00, s28  }
0x86: {  	[tilespmem:s18], [sflag:$0x4] =	stream.linear.gather [hbm4b:s31+s3], $0x80, $0x38;
	[tilespmem:$0x1FA80] =	vst v63  }
0x87: {  	_ =	swait.ge [sflag:s16], $0x80  }
0x88: {  	[sflag:s16] =	ssyncset.done $0x0  }
0x89: {  	s30 =	sadd.s32 s26, s12;
	[sflag:s16] =	ssyncadd.s32 $0xFFFFFF80  }
0x8a: {  	[tilespmem:s19], [sflag:$0x2] =	stream.linear.gather [hbm4b:s30+s3], $0x4000, $0x38;
	[tilespmem:$0x1FA80] =	vst v63  }
0x8b: {  	_ = 	snop  }
0x8c: {  	[tilespmem:s20], [sflag:$0x4] =	stream.linear.gather [hbm4b:s28+s3], $0x80, $0x38;
	[tilespmem:$0x1FA80] =	vst v63  }
0x8d: {  	_ =	swait.ge [sflag:s16], $0x80  }
0x8e: {  	[sflag:s16] =	ssyncset.done $0x0  }
0x8f: {  	s31 =	sadd.s32 s26, s10;
	[sflag:s16] =	ssyncadd.s32 $0xFFFFFF80  }
0x90: {  	[tilespmem:s21], [sflag:$0x3] =	stream.linear.gather [hbm4b:s31+s3], $0x4000, $0x38;
	[tilespmem:$0x1FA80] =	vst v63  }
0x91: {  	_ =	swait.ge [sflag:s22], $0x4000  }
0x92: {  	[sflag:s22] =	ssyncset.done $0x0  }
0x93: {  	[sflag:s22] =	ssyncadd.s32 $0xFFFFC000  }
0x94: {  	[spmem:s2] =	stream.indirect.scatter.add.f32 [tilespmem:s17], [sflag:$0x4], $0x80, s3, s18, $0xb8;
	[tilespmem:$0x1FA80] =	vst v63  }
0x95: {  	_ =	swait.ge [sflag:s16], $0x4000  }
0x96: {  	[sflag:s16] =	ssyncset.done $0x0  }
0x97: {  	[sflag:s16] =	ssyncadd.s32 $0xFFFFC000  }
0x98: {  	_ =	swait.ge [sflag:s23], $0x4000  }
0x99: {  	[sflag:s23] =	ssyncset.done $0x0  }
0x9a: {  	[sflag:s23] =	ssyncadd.s32 $0xFFFFC000  }
0x9b: {  	[spmem:s2] =	stream.indirect.scatter.add.f32 [tilespmem:s19], [sflag:$0x4], $0x80, s18, s18, $0xb8;
	[tilespmem:$0x1FA80] =	vst v63  }
0x9c: {  	_ =	swait.ge [sflag:s16], $0x4000  }
0x9d: {  	[sflag:s16] =	ssyncset.done $0x0  }
0x9e: {  	[sflag:s16] =	ssyncadd.s32 $0xFFFFC000  }
0x9f: {  	_ =	swait.ge [sflag:s24], $0x4000  }
0xa0: {  	[sflag:s24] =	ssyncset.done $0x0  }
.Ltmp3:
0xa1: {  	[sflag:s24] =	ssyncadd.s32 $0xFFFFC000;
	(pc) =	sbr.rel @!p1 .LBB2_4-.Ltmp3, $4  }
0xa2: {  	[spmem:s2] =	stream.indirect.scatter.add.f32 [tilespmem:s21], [sflag:$0x4], $0x80, s20, s18, $0xb8;
	[tilespmem:$0x1FA80] =	vst v63  }
0xa3: {  	_ =	swait.ge [sflag:s16], $0x4000  }
0xa4: {  	[sflag:s16] =	ssyncset.done $0x0  }
0xa5: {  	[sflag:s16] =	ssyncadd.s32 $0xFFFFC000  }
.Ltmp4:
0xa6: {  	(pc) =	sbr.rel @p0 .LBB2_7-.Ltmp4, $4  }
.Ltmp5:
0xa7: {  	(pc) =	sbr.rel @!p0 .LBB2_6-.Ltmp5, $4  }
0xa8: {  	_ = 	snop  }
0xa9: {  	[bflag:$0x0] =	sbarrier.arrive $0xFFFF  }
0xaa: {  	_ = 	snop  }
0xab: {  	_ = 	snop  }
.LBB2_8:
0xac: {  	_ =	sfence.sel $0x180000  }
0xad: {  	[bflag:$0x0] =	sbarrier.arrive $0xFFFF  }
0xae: {  	p0 =	sne.s32 s0, $0x0;
	_ =	strace $0x90000050  }
0xaf: {  	s0 =	sadd.s32 @!p0 $0x100000, s1;
	[bflag:$0x2] =	sbarrier.arrive $0xFFFF  }
0xb0: {  	[sflag:s0] =	ssyncadd.tile.s32 @!p0 $0x1;
	_ =	shalt  }
.Lfunc_end2:
_tile_overlayer_lowered:
.L_overlay_start_2:
0xb1: {  	(tag) =	ssettag $0x2  }
0xb2: {  	s0 =	rddreg [dreg:$0x0];
	s2 =	stileid.u32  }
0xb3: {  	s1 =	rddreg [dreg:$0x1];
	p0 =	sne.s32 s2, $0x0  }
0xb4: {  	s3 =	rddreg [dreg:$0x2];
	[bflag:$0x3] =	sbarrier.arrive $0xFFFF;
	s2 =	simm.s32 @!p0 $0x1C04  }
0xb5: {  	[timem:s3], [sflag:s2] =	dma.local @!p0 [hbm:s0], s1  }
0xb6: {  	s0 =	simm.s32 @!p0 $0x4  }
0xb7: {  	_ =	swait.ge @!p0 [sflag:s0], s1  }
0xb8: {  	s1 =	ssub.s32 @!p0 $0x0, s1;
	[sflag:s0] =	ssyncset.done @!p0 $0x0  }
0xb9: {  	[sflag:s0] =	ssyncadd.s32 @!p0 s1  }
0xba: {  	[bflag:$0x3] =	sbarrier.arrive $0xFFFF  }
0xbb: {  	_ =	shalt  }

// kernel: kernel.19.cloned.1.call-start
scs
__scs_entry_jumppad:
0x0: {  	(pc) =	sbr.rel $0x88, $3  }
0x1: {  	(tag) =	ssettag $0x0;
	lr =	simm.s32 $0x1  }
0x2: {  	[smem:$0x3F7B] =	sst lr;
	_ =	strace $0xD0000000  }
0x3: {  	_ = 	snop  }
0x4: {  	_ = 	snop  }
0x5: {  	_ = 	snop  }
0x6: {  	_ = 	snop  }
0x7: {  	_ = 	snop  }
__scs_overlays_trampoline_lowered:
0x8: {  	[smem:$0x3F8A] =	sst s0  }
0x9: {  	[smem:$0x3F8B] =	sst s1  }
0xa: {  	[smem:$0x3F8C] =	sst s2  }
0xb: {  	[smem:$0x3F8D] =	sst s3  }
0xc: {  	[smem:$0x3F8E] =	sst s4  }
0xd: {  	[smem:$0x3F8F] =	sst s5  }
0xe: {  	[smem:$0x3F90] =	sst s6  }
0xf: {  	[smem:$0x3F91] =	sst s7  }
0x10: {  	[smem:$0x3F92] =	sst s8  }
0x11: {  	[smem:$0x3F93] =	sst s9;
	s0 =	simm.s32 @!p0 $0x0  }
0x12: {  	s1 =	sld [smem:$0x3F79];
	s0 =	simm.s32 @p0 $0x1  }
0x13: {  	[smem:$0x3F94] =	sst s0;
	s0 =	simm.s32 @!p1 $0x0  }
0x14: {  	s2 =	sld [smem:$0x3F78];
	s0 =	simm.s32 @p1 $0x1  }
0x15: {  	[smem:$0x3F95] =	sst s0;
	s0 =	simm.s32 @!p2 $0x0  }
0x16: {  	s3 =	sld [smem:$0x3FDB];
	s0 =	simm.s32 @p2 $0x1  }
0x17: {  	s4 =	simm.s32 $0x1BF5;
	[smem:$0x3F97] =	sst s0  }
0x18: {  	s0 =	sld [smem:$0x3F7A];
	_ =	swait.ge [sflag:s4], $0x0  }
0x19: {  	s7 =	sld [smem:$0x3F7B]  }
0x1a: {  	s8 =	sadd.s32 $0xFFFFE003, lr  }
0x1b: {  	s9 =	sadd.s32 $0xFFFFFEF7, lr;
	s5 =	simm.s32 $0xFFFFFFFF;
	p2 =	slt.u32 s8, $0xFFFFF086  }
0x1c: {  	p1 =	slt.u32 s9, $0xF7A;
	s5 =	simm.s32 @!p2 $0x0  }
0x1d: {  	s5 =	simm.s32 @p1 $0x1;
	p0 =	seq.s32 s7, s2  }
0x1e: {  	s7 =	smul.u32 @!p0 $0xF7A, s2;
	p2 =	seq.s32 @!p0 s5, $0x0  }
0x1f: {  	s9 =	smul.u32 $0xF7A, s1;
	s8 =	simm.s32 @!p0 $0x1BF5;
	p2 =	por !p2, p0  }
0x20: {  	[sflag:s8] =	ssyncset.s32 @!p0 $0xFFFFF086;
	s6 =	sadd.s32 @!p0 s3, s7;
	s7 =	simm.s32 @!p0 $0x108  }
0x21: {  	s3 =	sadd.s32 s3, s9;
	s6 =	sadd.s32 @!p0 $0x88, s6;
	s7 =	simm.s32 @p2 $0x1082  }
0x22: {  	[simem:s7], [sflag:s8] =	dma.local @!p0 [hbm:s6], $0xF7A  }
0x23: {  	s9 =	sor.u32 $0xD0000000, s2;
	s6 =	simm.s32 $0x108;
	_ =	swait.ge @!p0 [sflag:s8], $0x0  }
0x24: {  	s3 =	sadd.s32 $0x88, s3;
	s6 =	simm.s32 @!p1 $0x1082;
	[sflag:s4] =	ssyncset.s32 $0xFFFFF086  }
0x25: {  	[simem:s6], [sflag:s4] =	dma.local [hbm:s3], $0xF7A  }
0x26: {  	[smem:$0x3F7B] =	sst s1;
	(tag) =	ssettag s2;
	_ =	strace s9  }
0x27: {  	s1 =	sld [smem:$0x3F8B]  }
0x28: {  	s2 =	sld [smem:$0x3F8C]  }
0x29: {  	s4 =	sld [smem:$0x3F8E]  }
0x2a: {  	p0 =	seq.s32 s5, $0x0;
	s5 =	sld [smem:$0x3F8F]  }
0x2b: {  	s6 =	sld [smem:$0x3F90]  }
0x2c: {  	s7 =	sld [smem:$0x3F91]  }
0x2d: {  	s3 =	simm.s32 $0x108;
	s8 =	sld [smem:$0x3F92]  }
0x2e: {  	s3 =	simm.s32 @!p0 $0x1082;
	s9 =	sld [smem:$0x3F93]  }
0x2f: {  	lr =	sadd.s32 s0, s3;
	s0 =	sld [smem:$0x3F8A]  }
0x30: {  	s3 =	sld [smem:$0x3F8D]  }
0x31: {  	[smem:$0x3F96] =	sst s10  }
0x32: {  	s10 =	sld [smem:$0x3F94];
	_ =	sdelay $0x3  }
0x33: {  	p0 =	seq.s32 s10, $0x1;
	s10 =	sld [smem:$0x3F96];
	_ =	sdelay $0x3  }
0x34: {  	[smem:$0x3F96] =	sst s10  }
0x35: {  	s10 =	sld [smem:$0x3F95];
	_ =	sdelay $0x3  }
0x36: {  	p1 =	seq.s32 s10, $0x1;
	s10 =	sld [smem:$0x3F96];
	_ =	sdelay $0x3  }
0x37: {  	[smem:$0x3F96] =	sst s10  }
0x38: {  	s10 =	sld [smem:$0x3F97]  }
0x39: {  	_ = 	snop;
	(pc) =	sbr.ind lr, $3  }
0x3a: {  	_ = 	snop  }
0x3b: {  	_ = 	snop  }
0x3c: {  	p2 =	seq.s32 s10, $0x1;
	s10 =	sld [smem:$0x3F96]  }
0x3d: {  	_ =	shalt  }
0x3e: {  	_ =	shalt  }
0x3f: {  	_ =	shalt  }
0x40: {  	_ =	shalt  }
0x41: {  	_ =	shalt  }
0x42: {  	_ =	shalt  }
0x43: {  	_ =	shalt  }
0x44: {  	_ =	shalt  }
0x45: {  	_ =	shalt  }
0x46: {  	_ =	shalt  }
0x47: {  	_ =	shalt  }
0x48: {  	_ =	shalt  }
0x49: {  	_ =	shalt  }
0x4a: {  	_ =	shalt  }
0x4b: {  	_ =	shalt  }
0x4c: {  	_ =	shalt  }
0x4d: {  	_ =	shalt  }
0x4e: {  	_ =	shalt  }
0x4f: {  	_ =	shalt  }
0x50: {  	_ =	shalt  }
0x51: {  	_ =	shalt  }
0x52: {  	_ =	shalt  }
0x53: {  	_ =	shalt  }
0x54: {  	_ =	shalt  }
0x55: {  	_ =	shalt  }
0x56: {  	_ =	shalt  }
0x57: {  	_ =	shalt  }
0x58: {  	_ =	shalt  }
0x59: {  	_ =	shalt  }
0x5a: {  	_ =	shalt  }
0x5b: {  	_ =	shalt  }
0x5c: {  	_ =	shalt  }
0x5d: {  	_ =	shalt  }
0x5e: {  	_ =	shalt  }
0x5f: {  	_ =	shalt  }
0x60: {  	_ =	shalt  }
0x61: {  	_ =	shalt  }
0x62: {  	_ =	shalt  }
0x63: {  	_ =	shalt  }
0x64: {  	_ =	shalt  }
0x65: {  	_ =	shalt  }
0x66: {  	_ =	shalt  }
0x67: {  	_ =	shalt  }
0x68: {  	_ =	shalt  }
0x69: {  	_ =	shalt  }
0x6a: {  	_ =	shalt  }
0x6b: {  	_ =	shalt  }
0x6c: {  	_ =	shalt  }
0x6d: {  	_ =	shalt  }
0x6e: {  	_ =	shalt  }
0x6f: {  	_ =	shalt  }
0x70: {  	_ =	shalt  }
0x71: {  	_ =	shalt  }
0x72: {  	_ =	shalt  }
0x73: {  	_ =	shalt  }
0x74: {  	_ =	shalt  }
0x75: {  	_ =	shalt  }
0x76: {  	_ =	shalt  }
0x77: {  	_ =	shalt  }
0x78: {  	_ =	shalt  }
0x79: {  	_ =	shalt  }
0x7a: {  	_ =	shalt  }
0x7b: {  	_ =	shalt  }
0x7c: {  	_ =	shalt  }
0x7d: {  	_ =	shalt  }
0x7e: {  	_ =	shalt  }
0x7f: {  	_ =	shalt  }
0x80: {  	_ =	shalt  }
0x81: {  	_ =	shalt  }
0x82: {  	_ =	shalt  }
0x83: {  	_ =	shalt  }
0x84: {  	_ =	shalt  }
0x85: {  	_ =	shalt  }
0x86: {  	_ =	shalt  }
0x87: {  	_ =	shalt  }
.Lfunc_end0:
.L_simem_size_0:
called_computation.3_lowered:
.L_overlay_start_0:
0x88: {  	s2 =	sld [smem:$0x3FD9]  }
0x89: {  	s3 =	sld [smem:$0x3FFE];
	_ =	sdelay $0x1  }
0x8a: {  	s1 =	srdreg.scid  }
0x8b: {  	s0 =	sand.u32 $0x1, s1  }
0x8c: {  	s17 =	sshll.u32 s0, $0xA;
	s2 =	sadd.s32 s3, s2  }
0x8d: {  	s2 =	sadd.s32 s2, s17  }
0x8e: {  	[smem:$0x3FA2] =	sst s2  }
0x8f: {  	_ = 	snop  }
0x90: {  	(tm) =	ssettm $0x1  }
0x91: {  	s18 =	sld [smem:$0x3FFB];
	_ =	sdelay $0x3  }
0x92: {  	_ =	strace s18  }
0x93: {  	s2 =	sld [smem:$0x3FFC];
	_ =	sdelay $0x3  }
0x94: {  	_ =	strace s2  }
0x95: {  	s2 =	sld [smem:$0x3FFD];
	_ =	sdelay $0x3  }
0x96: {  	_ =	strace s2  }
0x97: {  	_ =	strace $0x8FFFFFFF  }
0x98: {  	s19 =	sld [smem:$0x3FDB];
	_ =	sdelay $0x1  }
0x99: {  	s20 =	simm.s32 $_scs_section_size  }
0x9a: {  	s4 =	simm.s32 $_size__tile_overlayer_lowered;
	s5 =	simm.s32 $_tile_overlayer_lowered  }
0x9b: {  	s6 =	simm.s32 $0x1BFF;
	s21 =	sshll.u32 s5, $0x1;
	s3 =	sadd.s32 s20, s19  }
0x9c: {  	s22 =	simm.s32 $0x0;
	s4 =	sshll.u32 s4, $0x1;
	s5 =	sadd.s32 s21, s3  }
0x9d: {  	[timem:s22], [sflag:s6] =	dma.local [hbm:s5], s4  }
0x9e: {  	_ =	swait.ge [sflag:s6], s4  }
0x9f: {  	s4 =	ssub.s32 $0x0, s4;
	[sflag:s6] =	ssyncset.done $0x0  }
0xa0: {  	[sflag:s6] =	ssyncadd.s32 s4;
	_ =	sdelay $0x1  }
0xa1: {  	s23 =	simm.s32 $0x1B8B  }
0xa2: {  	_ =	swait.ge [sflag:s23], $0x1  }
0xa3: {  	[sflag:s23] =	ssyncset.done $0x0  }
0xa4: {  	[sflag:s23] =	ssyncadd.s32 $0xFFFFFFFF  }
0xa5: {  	s4 =	sld [smem:$0x0]  }
0xa6: {  	s5 =	sand.u32 $0xFFFFFFFE, s1  }
0xa7: {  	p0 =	sne.s32 s1, s5  }
0xa8: {  	s5 =	sshll.u32 @p0 s5, $0xE  }
0xa9: {  	s5 =	sadd.s32 @p0 $0x11B8D, s5;
	s6 =	sshll.u32 @p0 s4, $0x11  }
0xaa: {  	s5 =	sor.u32 @p0 s6, s5  }
0xab: {  	[sflag:s5] =	ssyncadd.remote.s32 @p0 $0x1;
	_ =	sdelay $0x1  }
0xac: {  	s5 =	simm.s32 @p0 $0x1B8D  }
0xad: {  	_ =	swait.eq @p0 [sflag:s5], $0x1  }
0xae: {  	[sflag:s5] =	ssyncadd.s32 @p0 $0xFFFFFFFF  }
0xaf: {  	s6 =	sshll.u32 @!p0 s1, $0xE  }
0xb0: {  	s6 =	sor.u32 @!p0 $0x4000, s6;
	s5 =	simm.s32 @!p0 $0x1B8D  }
0xb1: {  	s4 =	sshll.u32 @!p0 s4, $0x11;
	s6 =	sadd.s32 @!p0 $0x11B8D, s6;
	_ =	swait.eq @!p0 [sflag:s5], $0x1  }
0xb2: {  	s4 =	sor.u32 @!p0 s4, s6;
	[sflag:s5] =	ssyncadd.s32 @!p0 $0xFFFFFFFF  }
0xb3: {  	s25 =	simm.s32 $0x1B8E;
	s24 =	sld [smem:$0x3FFE];
	[sflag:s4] =	ssyncadd.remote.s32 @!p0 $0x1  }
0xb4: {  	s26 =	simm.s32 $execute0_lowered;
	[smem:$0x3FD2] =	sst s25  }
0xb5: {  	s5 =	sshll.u32 s26, $0x1;
	_ =	strace $0x8000004C;
	[dreg:$0x1] =	wrdreg $0xFFFFFFFF  }
0xb6: {  	s28 =	simm.s32 $_size_execute0_lowered;
	s3 =	sadd.s32 s3, s5;
	[dreg:$0x0] =	wrdreg $0x0  }
0xb7: {  	s5 =	sshll.u32 s28, $0x1;
	[dreg:$0x2] =	wrdreg s3  }
0xb8: {  	[dreg:$0x3] =	wrdreg s5  }
0xb9: {  	[dreg:$0x4] =	wrdreg $0xC0  }
0xba: {  	_ =	task [dreg:s22], $0x5FFFF  }
0xbb: {  	[dreg:$0x1] =	wrdreg $0xFFFFFFFF  }
0xbc: {  	[dreg:$0x0] =	wrdreg $0x60  }
0xbd: {  	[dreg:$0x2] =	wrdreg s24  }
0xbe: {  	[dreg:$0x3] =	wrdreg $0xC2000  }
0xbf: {  	[dreg:$0x4] =	wrdreg $0xA  }
0xc0: {  	_ =	task.clear_ibuf [dreg:s22], $0x5FFFF;
	_ =	strace $0x9000004C  }
0xc1: {  	s29 =	simm.s32 $0xA;
	_ =	strace $0x8000004E  }
0xc2: {  	_ =	swait.ge [sflag:s29], $0x1  }
0xc3: {  	[sflag:s29] =	ssyncadd.s32 $0xFFFFFFFF  }
0xc4: {  	_ =	strace $0x9000004E  }
0xc5: {  	_ =	sfence  }
0xc6: {  	s30 =	sld [smem:$0x0];
	_ =	sdelay $0x2  }
0xc7: {  	s31 =	sshll.u32 s1, $0xD;
	s1 =	sshrl.u32 s1, $0x2  }
0xc8: {  	s4 =	sand.u32 $0x4000, s31;
	s1 =	sadd.s32 s1, s30  }
0xc9: {  	s0 =	sor.u32 s4, s0;
	s1 =	sshll.u32 s1, $0x11  }
0xca: {  	s0 =	sor.u32 s1, s0  }
0xcb: {  	s0 =	sadd.s32 $0x8F2B, s0  }
0xcc: {  	[sflag:s0] =	ssyncadd.remote.s32 $0x1  }
0xcd: {  	_ =	sfence.sel $0xFFFF  }
0xce: {  	[dreg:$0x0] =	wrdreg $0xFFFFFFFF;
	(pc) =	sbr.abs _section_cstart, $3  }
0xcf: {  	[dreg:$0x1] =	wrdreg $0xFFFFFFFF  }
0xd0: {  	_ =	task.clear_ibuf [dreg:s22], $0x2FFFF;
	_ =	strace $0x9FFFFFFF  }
0xd1: {  	(tm) =	ssettm $0x7FFFFFFF  }
tec
execute0_lowered:
.L_overlay_start_1:
0x0: {  	(tag) =	ssettag $0x1  }
0x1: {  	s5 =	rddreg [dreg:$0x0]  }
0x2: {  	s0 =	srdreg.scid;
	s2 =	rddreg [dreg:$0x1]  }
0x3: {  	s1 =	rddreg [dreg:$0x2];
	s3 =	simm.s32 $0x0;
	s17 =	simm.s32 $0x200  }
0x4: {  	s18 =	simm.s32 $0x80;
	s19 =	simm.s32 $0x4200;
	s20 =	simm.s32 $0x100  }
0x5: {  	s21 =	simm.s32 $0x8200;
	s22 =	simm.s32 $0x1;
	s6 =	sand.u32 $0x1, s0  }
0x6: {  	s23 =	simm.s32 $0x2;
	s0 =	stileid.u32;
	s4 =	smul.u32 $0x138800, s6  }
0x7: {  	[smem:$0x7FF] =	sst s3;
	s13 =	sadd.s32 $0x84D800, s5;
	s7 =	smul.u32 $0x1F400, s0  }
0x8: {  	s11 =	sadd.s32 $0xB000, s5;
	_ =	strace $0x8000004D;
	s25 =	smul.u32 $0x7D000, s0  }
0x9: {  	s24 =	ssub.s32 $0x2, s6;
	s9 =	sshll.u32 s0, $0x7;
	s6 =	smul.u32 $0x1388000, s6  }
0xa: {  	s12 =	sshll.u32 s0, $0xE;
	s15 =	sshll.u32 s0, $0x4;
	p0 =	sgt.u32 s0, $0x9  }
0xb: {  	p1 =	sgt.u32 s0, $0x1;
	s10 =	sshrl.u32 s24, $0x1;
	s9 =	sor.u32 $0x27000, s9  }
0xc: {  	s16 =	sshll.u32 @!p0 s0, $0x6;
	s4 =	sadd.s32 s7, s4;
	s10 =	ssub.s32 s24, s10  }
0xd: {  	s26 =	sshrl.u32 s25, $0x2;
	s28 =	sshll.u32 s9, $0x7;
	s9 =	sshrl.u32 s9, $0x3  }
0xe: {  	s12 =	sadd.s32 s12, s6;
	s24 =	simm.s32 $0x3;
	s25 =	simm.s32 $0x0  }
0xf: {  	s7 =	sshrl.u32 s4, $0x3;
	s4 =	sadd.s32 $0x6000, s5;
	s29 =	sadd.s32 $0x80000, s12  }
0x10: {  	s30 =	sadd.s32 $0x40000, s12;
	s31 =	sshrl.u32 s12, $0x3;
	s8 =	sadd.s32 s7, s5  }
0x11: {  	s5 =	sadd.s32 s26, s2;
	s7 =	sadd.s32 s6, s28;
	s6 =	sadd.s32 s11, s9  }
.Ltmp0:
0x12: {  	s14 =	sshrl.u32 s29, $0x3;
	s9 =	smax.u32 s10, $0x1;
	(pc) =	sbr.rel .LBB2_1-.Ltmp0, $4  }
0x13: {  	s11 =	sadd.s32 s15, s11;
	s7 =	sshrl.u32 s7, $0x3;
	s8 =	sadd.s32 $0xFA800, s8  }
0x14: {  	s10 =	sadd.s32 s14, s13;
	s11 =	sadd.s32 $0x200, s11;
	s14 =	sshrl.u32 s30, $0x3  }
0x15: {  	s15 =	sshrl.u32 @!p0 s5, $0x3;
	s7 =	sadd.s32 s13, s7;
	s12 =	sadd.s32 s14, s13  }
0x16: {  	s13 =	sadd.s32 s31, s13;
	s14 =	sor.u32 @!p0 $0x1C04, s16;
	s16 =	simm.s32 $0x4  }
.LBB2_4:
0x17: {  	[tilespmem:s3], [sflag:$0x4] =	stream.linear.gather [hbm4b:s6+s3], $0x80, $0x38;
	[tilespmem:$0x1FA80] =	vst v63  }
0x18: {  	_ =	swait.ge [sflag:s16], $0x80  }
0x19: {  	[sflag:s16] =	ssyncset.done $0x0  }
0x1a: {  	[sflag:s16] =	ssyncadd.s32 $0xFFFFFF80  }
0x1b: {  	[tilespmem:s17], [sflag:$0x1] =	stream.linear.gather [hbm4b:s7+s3], $0x4000, $0x38;
	[tilespmem:$0x1FA80] =	vst v63  }
0x1c: {  	_ =	swait.ge [sflag:s22], $0x4000  }
0x1d: {  	[sflag:s22] =	ssyncset.done $0x0  }
0x1e: {  	[sflag:s22] =	ssyncadd.s32 $0xFFFFC000  }
0x1f: {  	[spmem:s2] =	stream.indirect.scatter.add.f32 [tilespmem:s17], [sflag:$0x4], $0x80, s3, s18, $0xb8;
	[tilespmem:$0x1FA80] =	vst v63  }
0x20: {  	_ =	swait.ge [sflag:s16], $0x4000  }
0x21: {  	[sflag:s16] =	ssyncset.done $0x0  }
0x22: {  	[sflag:s16] =	ssyncadd.s32 $0xFFFFC000  }
0x23: {  	[bflag:$0x0] =	sbarrier.arrive $0xFFFF  }
.LBB2_6:
0x24: {  	s26 =	sshll.u32 s0, $0x6  }
0x25: {  	s28 =	sshrl.u32 s5, $0x3;
	s26 =	sor.u32 $0x1C04, s26  }
0x26: {  	[hbm:s8], [sflag:s26] =	dma.local [spmem:s28], $0x3E80  }
0x27: {  	_ =	swait.ge [sflag:s16], $0x3E80  }
0x28: {  	[sflag:s16] =	ssyncset.done $0x0  }
0x29: {  	[sflag:s16] =	ssyncadd.s32 $0xFFFFC180  }
.LBB2_7:
0x2a: {  	s25 =	sadd.s32 $0x1, s25  }
0x2b: {  	p2 =	sne.s32 s25, s9  }
.Ltmp1:
0x2c: {  	_ = 	snop;
	(pc) =	sbr.rel @!p2 .LBB2_8-.Ltmp1, $1  }
0x2d: {  	_ =	sdelay $0x3  }
.LBB2_1:
0x2e: {  	[spmem:s15], [sflag:s14] =	dma.local @!p0 [hbm:s4], $0x3E80  }
0x2f: {  	s26 =	simm.s32 @!p0 $0x4  }
0x30: {  	_ =	swait.ge @!p0 [sflag:s26], $0x3E80  }
0x31: {  	[sflag:s26] =	ssyncset.done @!p0 $0x0  }
0x32: {  	[sflag:s26] =	ssyncadd.s32 @!p0 $0xFFFFC180  }
0x33: {  	s31 =	sadd.s32 $0xFFFFFE00, s11;
	[bflag:$0x0] =	sbarrier.arrive $0xFFFF  }
0x34: {  	[tilespmem:s3], [sflag:$0x4] =	stream.linear.gather [hbm4b:s31+s3], $0x80, $0x38;
	[tilespmem:$0x1FA80] =	vst v63  }
0x35: {  	_ =	swait.ge [sflag:s16], $0x80  }
0x36: {  	[sflag:s16] =	ssyncset.done $0x0  }
0x37: {  	s30 =	sadd.s32 $0x0, s13;
	[sflag:s16] =	ssyncadd.s32 $0xFFFFFF80  }
0x38: {  	[tilespmem:s17], [sflag:$0x1] =	stream.linear.gather [hbm4b:s30+s3], $0x4000, $0x38;
	[tilespmem:$0x1FA80] =	vst v63  }
0x39: {  	s31 =	sadd.s32 $0xFFFFFF00, s11  }
0x3a: {  	[tilespmem:s18], [sflag:$0x4] =	stream.linear.gather [hbm4b:s31+s3], $0x80, $0x38;
	[tilespmem:$0x1FA80] =	vst v63  }
0x3b: {  	_ =	swait.ge [sflag:s16], $0x80  }
0x3c: {  	[sflag:s16] =	ssyncset.done $0x0  }
0x3d: {  	s30 =	sadd.s32 $0x0, s12;
	[sflag:s16] =	ssyncadd.s32 $0xFFFFFF80  }
0x3e: {  	[tilespmem:s19], [sflag:$0x2] =	stream.linear.gather [hbm4b:s30+s3], $0x4000, $0x38;
	[tilespmem:$0x1FA80] =	vst v63  }
0x3f: {  	_ = 	snop  }
0x40: {  	[tilespmem:s20], [sflag:$0x4] =	stream.linear.gather [hbm4b:s11+s3], $0x80, $0x38;
	[tilespmem:$0x1FA80] =	vst v63  }
0x41: {  	_ =	swait.ge [sflag:s16], $0x80  }
0x42: {  	[sflag:s16] =	ssyncset.done $0x0  }
0x43: {  	s31 =	sadd.s32 $0x0, s10;
	[sflag:s16] =	ssyncadd.s32 $0xFFFFFF80  }
0x44: {  	[tilespmem:s21], [sflag:$0x3] =	stream.linear.gather [hbm4b:s31+s3], $0x4000, $0x38;
	[tilespmem:$0x1FA80] =	vst v63  }
0x45: {  	_ =	swait.ge [sflag:s22], $0x4000  }
0x46: {  	[sflag:s22] =	ssyncset.done $0x0  }
0x47: {  	[sflag:s22] =	ssyncadd.s32 $0xFFFFC000  }
0x48: {  	[spmem:s2] =	stream.indirect.scatter.add.f32 [tilespmem:s17], [sflag:$0x4], $0x80, s3, s18, $0xb8;
	[tilespmem:$0x1FA80] =	vst v63  }
0x49: {  	_ =	swait.ge [sflag:s16], $0x4000  }
0x4a: {  	[sflag:s16] =	ssyncset.done $0x0  }
0x4b: {  	[sflag:s16] =	ssyncadd.s32 $0xFFFFC000  }
0x4c: {  	_ =	swait.ge [sflag:s23], $0x4000  }
0x4d: {  	[sflag:s23] =	ssyncset.done $0x0  }
0x4e: {  	[sflag:s23] =	ssyncadd.s32 $0xFFFFC000  }
0x4f: {  	[spmem:s2] =	stream.indirect.scatter.add.f32 [tilespmem:s19], [sflag:$0x4], $0x80, s18, s18, $0xb8;
	[tilespmem:$0x1FA80] =	vst v63  }
0x50: {  	_ =	swait.ge [sflag:s16], $0x4000  }
0x51: {  	[sflag:s16] =	ssyncset.done $0x0  }
0x52: {  	[sflag:s16] =	ssyncadd.s32 $0xFFFFC000  }
0x53: {  	_ =	swait.ge [sflag:s24], $0x4000  }
0x54: {  	[sflag:s24] =	ssyncset.done $0x0  }
0x55: {  	[sflag:s24] =	ssyncadd.s32 $0xFFFFC000  }
0x56: {  	[spmem:s2] =	stream.indirect.scatter.add.f32 [tilespmem:s21], [sflag:$0x4], $0x80, s20, s18, $0xb8;
	[tilespmem:$0x1FA80] =	vst v63  }
0x57: {  	s29 =	simm.s32 $0x30000;
	_ =	swait.ge [sflag:s16], $0x4000  }
0x58: {  	s28 =	sadd.s32 $0x300, s11;
	s26 =	simm.s32 $0x18000;
	[sflag:s16] =	ssyncset.done $0x0  }
.LBB2_2:
0x59: {  	p2 =	sne.s32 s29, $0x258000;
	s30 =	sadd.s32 $0xFFFFFE00, s28;
	[sflag:s16] =	ssyncadd.s32 $0xFFFFC000  }
0x5a: {  	[tilespmem:s3], [sflag:$0x4] =	stream.linear.gather [hbm4b:s30+s3], $0x80, $0x38;
	[tilespmem:$0x1FA80] =	vst v63  }
0x5b: {  	s30 =	smov.u32 s29;
	s29 =	sadd.s32 $0x18000, s29;
	_ =	swait.ge [sflag:s16], $0x80  }
0x5c: {  	[sflag:s16] =	ssyncset.done $0x0  }
0x5d: {  	s31 =	sadd.s32 s26, s13;
	[sflag:s16] =	ssyncadd.s32 $0xFFFFFF80  }
0x5e: {  	[tilespmem:s17], [sflag:$0x1] =	stream.linear.gather [hbm4b:s31+s3], $0x4000, $0x38;
	[tilespmem:$0x1FA80] =	vst v63  }
0x5f: {  	s31 =	sadd.s32 $0xFFFFFF00, s28  }
0x60: {  	[tilespmem:s18], [sflag:$0x4] =	stream.linear.gather [hbm4b:s31+s3], $0x80, $0x38;
	[tilespmem:$0x1FA80] =	vst v63  }
0x61: {  	_ =	swait.ge [sflag:s16], $0x80  }
0x62: {  	[sflag:s16] =	ssyncset.done $0x0  }
0x63: {  	s31 =	sadd.s32 s26, s12;
	[sflag:s16] =	ssyncadd.s32 $0xFFFFFF80  }
0x64: {  	[tilespmem:s19], [sflag:$0x2] =	stream.linear.gather [hbm4b:s31+s3], $0x4000, $0x38;
	[tilespmem:$0x1FA80] =	vst v63  }
0x65: {  	_ = 	snop  }
0x66: {  	[tilespmem:s20], [sflag:$0x4] =	stream.linear.gather [hbm4b:s28+s3], $0x80, $0x38;
	[tilespmem:$0x1FA80] =	vst v63  }
0x67: {  	_ =	swait.ge [sflag:s16], $0x80  }
0x68: {  	[sflag:s16] =	ssyncset.done $0x0  }
0x69: {  	s31 =	sadd.s32 s26, s10;
	s26 =	smov.u32 s30;
	[sflag:s16] =	ssyncadd.s32 $0xFFFFFF80  }
0x6a: {  	[tilespmem:s21], [sflag:$0x3] =	stream.linear.gather [hbm4b:s31+s3], $0x4000, $0x38;
	[tilespmem:$0x1FA80] =	vst v63  }
0x6b: {  	_ =	swait.ge [sflag:s22], $0x4000  }
0x6c: {  	[sflag:s22] =	ssyncset.done $0x0  }
0x6d: {  	[sflag:s22] =	ssyncadd.s32 $0xFFFFC000  }
0x6e: {  	[spmem:s2] =	stream.indirect.scatter.add.f32 [tilespmem:s17], [sflag:$0x4], $0x80, s3, s18, $0xb8;
	[tilespmem:$0x1FA80] =	vst v63  }
0x6f: {  	_ =	swait.ge [sflag:s16], $0x4000  }
0x70: {  	[sflag:s16] =	ssyncset.done $0x0  }
0x71: {  	[sflag:s16] =	ssyncadd.s32 $0xFFFFC000  }
0x72: {  	_ =	swait.ge [sflag:s23], $0x4000  }
0x73: {  	[sflag:s23] =	ssyncset.done $0x0  }
0x74: {  	[sflag:s23] =	ssyncadd.s32 $0xFFFFC000  }
0x75: {  	[spmem:s2] =	stream.indirect.scatter.add.f32 [tilespmem:s19], [sflag:$0x4], $0x80, s18, s18, $0xb8;
	[tilespmem:$0x1FA80] =	vst v63  }
0x76: {  	_ =	swait.ge [sflag:s16], $0x4000  }
0x77: {  	[sflag:s16] =	ssyncset.done $0x0  }
0x78: {  	[sflag:s16] =	ssyncadd.s32 $0xFFFFC000  }
0x79: {  	_ =	swait.ge [sflag:s24], $0x4000  }
.Ltmp2:
0x7a: {  	[sflag:s24] =	ssyncset.done $0x0;
	(pc) =	sbr.rel @p2 .LBB2_2-.Ltmp2, $4  }
0x7b: {  	[sflag:s24] =	ssyncadd.s32 $0xFFFFC000  }
0x7c: {  	[spmem:s2] =	stream.indirect.scatter.add.f32 [tilespmem:s21], [sflag:$0x4], $0x80, s20, s18, $0xb8;
	[tilespmem:$0x1FA80] =	vst v63  }
0x7d: {  	_ =	swait.ge [sflag:s16], $0x4000  }
0x7e: {  	s28 =	sadd.s32 $0x300, s28;
	[sflag:s16] =	ssyncset.done $0x0  }
0x7f: {  	s29 =	sadd.s32 $0xFFFFFE00, s28;
	[sflag:s16] =	ssyncadd.s32 $0xFFFFC000  }
0x80: {  	[tilespmem:s3], [sflag:$0x4] =	stream.linear.gather [hbm4b:s29+s3], $0x80, $0x38;
	[tilespmem:$0x1FA80] =	vst v63  }
0x81: {  	_ =	swait.ge [sflag:s16], $0x80  }
0x82: {  	[sflag:s16] =	ssyncset.done $0x0  }
0x83: {  	s30 =	sadd.s32 s26, s13;
	[sflag:s16] =	ssyncadd.s32 $0xFFFFFF80  }
0x84: {  	[tilespmem:s17], [sflag:$0x1] =	stream.linear.gather [hbm4b:s30+s3], $0x4000, $0x38;
	[tilespmem:$0x1FA80] =	vst v63  }
0x85: {  	s31 =	sadd.s32 $0xFFFFFF00, s28  }
0x86: {  	[tilespmem:s18], [sflag:$0x4] =	stream.linear.gather [hbm4b:s31+s3], $0x80, $0x38;
	[tilespmem:$0x1FA80] =	vst v63  }
0x87: {  	_ =	swait.ge [sflag:s16], $0x80  }
0x88: {  	[sflag:s16] =	ssyncset.done $0x0  }
0x89: {  	s30 =	sadd.s32 s26, s12;
	[sflag:s16] =	ssyncadd.s32 $0xFFFFFF80  }
0x8a: {  	[tilespmem:s19], [sflag:$0x2] =	stream.linear.gather [hbm4b:s30+s3], $0x4000, $0x38;
	[tilespmem:$0x1FA80] =	vst v63  }
0x8b: {  	_ = 	snop  }
0x8c: {  	[tilespmem:s20], [sflag:$0x4] =	stream.linear.gather [hbm4b:s28+s3], $0x80, $0x38;
	[tilespmem:$0x1FA80] =	vst v63  }
0x8d: {  	_ =	swait.ge [sflag:s16], $0x80  }
0x8e: {  	[sflag:s16] =	ssyncset.done $0x0  }
0x8f: {  	s31 =	sadd.s32 s26, s10;
	[sflag:s16] =	ssyncadd.s32 $0xFFFFFF80  }
0x90: {  	[tilespmem:s21], [sflag:$0x3] =	stream.linear.gather [hbm4b:s31+s3], $0x4000, $0x38;
	[tilespmem:$0x1FA80] =	vst v63  }
0x91: {  	_ =	swait.ge [sflag:s22], $0x4000  }
0x92: {  	[sflag:s22] =	ssyncset.done $0x0  }
0x93: {  	[sflag:s22] =	ssyncadd.s32 $0xFFFFC000  }
0x94: {  	[spmem:s2] =	stream.indirect.scatter.add.f32 [tilespmem:s17], [sflag:$0x4], $0x80, s3, s18, $0xb8;
	[tilespmem:$0x1FA80] =	vst v63  }
0x95: {  	_ =	swait.ge [sflag:s16], $0x4000  }
0x96: {  	[sflag:s16] =	ssyncset.done $0x0  }
0x97: {  	[sflag:s16] =	ssyncadd.s32 $0xFFFFC000  }
0x98: {  	_ =	swait.ge [sflag:s23], $0x4000  }
0x99: {  	[sflag:s23] =	ssyncset.done $0x0  }
0x9a: {  	[sflag:s23] =	ssyncadd.s32 $0xFFFFC000  }
0x9b: {  	[spmem:s2] =	stream.indirect.scatter.add.f32 [tilespmem:s19], [sflag:$0x4], $0x80, s18, s18, $0xb8;
	[tilespmem:$0x1FA80] =	vst v63  }
0x9c: {  	_ =	swait.ge [sflag:s16], $0x4000  }
0x9d: {  	[sflag:s16] =	ssyncset.done $0x0  }
0x9e: {  	[sflag:s16] =	ssyncadd.s32 $0xFFFFC000  }
0x9f: {  	_ =	swait.ge [sflag:s24], $0x4000  }
0xa0: {  	[sflag:s24] =	ssyncset.done $0x0  }
.Ltmp3:
0xa1: {  	[sflag:s24] =	ssyncadd.s32 $0xFFFFC000;
	(pc) =	sbr.rel @!p1 .LBB2_4-.Ltmp3, $4  }
0xa2: {  	[spmem:s2] =	stream.indirect.scatter.add.f32 [tilespmem:s21], [sflag:$0x4], $0x80, s20, s18, $0xb8;
	[tilespmem:$0x1FA80] =	vst v63  }
0xa3: {  	_ =	swait.ge [sflag:s16], $0x4000  }
0xa4: {  	[sflag:s16] =	ssyncset.done $0x0  }
0xa5: {  	[sflag:s16] =	ssyncadd.s32 $0xFFFFC000  }
.Ltmp4:
0xa6: {  	(pc) =	sbr.rel @p0 .LBB2_7-.Ltmp4, $4  }
.Ltmp5:
0xa7: {  	(pc) =	sbr.rel @!p0 .LBB2_6-.Ltmp5, $4  }
0xa8: {  	_ = 	snop  }
0xa9: {  	[bflag:$0x0] =	sbarrier.arrive $0xFFFF  }
0xaa: {  	_ = 	snop  }
0xab: {  	_ = 	snop  }
.LBB2_8:
0xac: {  	_ =	sfence.sel $0x180000  }
0xad: {  	[bflag:$0x0] =	sbarrier.arrive $0xFFFF  }
0xae: {  	p0 =	sne.s32 s0, $0x0;
	_ =	strace $0x9000004D  }
0xaf: {  	s0 =	sadd.s32 @!p0 $0x100000, s1;
	[bflag:$0x2] =	sbarrier.arrive $0xFFFF  }
0xb0: {  	[sflag:s0] =	ssyncadd.tile.s32 @!p0 $0x1;
	_ =	shalt  }
.Lfunc_end2:
_tile_overlayer_lowered:
.L_overlay_start_2:
0xb1: {  	(tag) =	ssettag $0x2  }
0xb2: {  	s0 =	rddreg [dreg:$0x0];
	s2 =	stileid.u32  }
0xb3: {  	s1 =	rddreg [dreg:$0x1];
	p0 =	sne.s32 s2, $0x0  }
0xb4: {  	s3 =	rddreg [dreg:$0x2];
	[bflag:$0x3] =	sbarrier.arrive $0xFFFF;
	s2 =	simm.s32 @!p0 $0x1C04  }
0xb5: {  	[timem:s3], [sflag:s2] =	dma.local @!p0 [hbm:s0], s1  }
0xb6: {  	s0 =	simm.s32 @!p0 $0x4  }
0xb7: {  	_ =	swait.ge @!p0 [sflag:s0], s1  }
0xb8: {  	s1 =	ssub.s32 @!p0 $0x0, s1;
	[sflag:s0] =	ssyncset.done @!p0 $0x0  }
0xb9: {  	[sflag:s0] =	ssyncadd.s32 @!p0 s1  }
0xba: {  	[bflag:$0x3] =	sbarrier.arrive $0xFFFF  }
0xbb: {  	_ =	shalt  }

</sc_bundles>
